<compile_context>
chip_gen: v7x
topology: tpu7x:2x2x1
jax: 0.10.2.dev20260603
libtpu: 0.0.44.dev20260713+nightly
codegen_flags: <defaults>
</compile_context>

<pallas_src>
import functools

import jax
import jax.numpy as jnp
from jax import lax
from jax.experimental import pallas as pl
from jax.experimental.pallas import tpu as pltpu
from jax.experimental.pallas import tpu_sc as plsc

N_PAD = 64
PAIR = 2 * N_PAD
B_CHUNK = 32

_DN_T = (((1,), (1,)), ((), ()))


def _build_adj(ei, zeros, n_real):
    epad = ei.shape[1]
    nvec = ((n_real + 15) // 16)
    mesh = plsc.VectorSubcoreMesh(core_axis_name="c", subcore_axis_name="s")

    @functools.partial(
        pl.kernel,
        mesh=mesh,
        out_type=jax.ShapeDtypeStruct((N_PAD, N_PAD), jnp.float32),
        scratch_types=[
            pltpu.VMEM((N_PAD, N_PAD), jnp.float32),
            pltpu.VMEM((epad,), jnp.int32),
            pltpu.VMEM((epad,), jnp.int32),
        ],
        compiler_params=pltpu.CompilerParams(needs_layout_passes=False),
    )
    def k(ei_hbm, zeros_hbm, out_hbm, mbuf, srcv, dstv):
        cid = lax.axis_index("c")
        sid = lax.axis_index("s")

        @pl.when(jnp.logical_and(cid == 0, sid == 0))
        def _():
            pltpu.sync_copy(zeros_hbm, mbuf)
            pltpu.sync_copy(ei_hbm.at[0], srcv)
            pltpu.sync_copy(ei_hbm.at[1], dstv)
            lane = lax.iota(jnp.int32, 16)
            ones = jnp.ones((16,), jnp.float32)
            for c in range(nvec):
                s = srcv[pl.ds(c * 16, 16)]
                d = dstv[pl.ds(c * 16, 16)]
                for j in range(16):
                    plsc.addupdate_scatter(mbuf, [d, s], ones, mask=lane == j)
            pltpu.sync_copy(mbuf, out_hbm)

    return k(ei, zeros)


def _tc_body(data_ref, load_ref, m_ref, e1_ref, e2_ref, e3_ref,
             w1_ref, b1_ref, w2_ref, b2_ref, w3_ref, b3_ref,
             wl_ref, bl_ref, wo_ref, bo_ref, out_ref,
             a1s, a2s, a3s, s_scr, ys, ha, hb, feats):
    f32 = jnp.float32
    _DN_N = (((1,), (0,)), ((), ()))
    i = pl.program_id(0)
    rows = B_CHUNK * N_PAD

    @pl.when(i == 0)
    def _build_scratch():
        m = m_ref[...]
        r = lax.broadcasted_iota(jnp.int32, (N_PAD, N_PAD), 0)
        c = lax.broadcasted_iota(jnp.int32, (N_PAD, N_PAD), 1)
        dmask = jnp.logical_and(r == c, r < 53).astype(f32)
        for e_ref, a_scr in ((e1_ref, a1s), (e2_ref, a2s), (e3_ref, a3s)):
            a_scr[...] = m + (1.0 + e_ref[0, 0]) * dmask
        sr = lax.broadcasted_iota(jnp.int32, (B_CHUNK, rows), 0)
        sc = lax.broadcasted_iota(jnp.int32, (B_CHUNK, rows), 1)
        s_scr[...] = jnp.logical_and(sc // N_PAD == sr,
                                     sc % N_PAD < 53).astype(f32)

    for b in range(B_CHUNK):
        ys[pl.ds(b * N_PAD, 53)] = lax.dot_general(
            data_ref[b], w1_ref[...], _DN_T, preferred_element_type=f32)

    a1c = a1s[:, :53]
    b1 = b1_ref[...]
    for b in range(B_CHUNK):
        ha[pl.ds(b * N_PAD, N_PAD)] = jnp.maximum(
            lax.dot_general(a1c, ys[pl.ds(b * N_PAD, 53)], _DN_N,
                            preferred_element_type=f32) + b1, 0.0)
    feats[:, pl.ds(0, 256)] = lax.dot_general(
        s_scr[...], ha[...], _DN_N, preferred_element_type=f32)

    h_from, h_to = ha, hb
    for li, (w_ref, bref, a_scr) in enumerate(
            ((w2_ref, b2_ref, a2s), (w3_ref, b3_ref, a3s))):
        ys[...] = lax.dot_general(h_from[...], w_ref[...], _DN_T,
                                  preferred_element_type=f32)
        a = a_scr[...]
        bias = bref[...]
        for b in range(B_CHUNK):
            h_to[pl.ds(b * N_PAD, N_PAD)] = jnp.maximum(
                lax.dot_general(a, ys[pl.ds(b * N_PAD, N_PAD)], _DN_N,
                                preferred_element_type=f32) + bias, 0.0)
        feats[:, pl.ds(256 * (li + 1), 256)] = lax.dot_general(
            s_scr[...], h_to[...], _DN_N, preferred_element_type=f32)
        h_from, h_to = h_to, h_from

    lv = lax.dot_general(load_ref[...], wl_ref[...], _DN_T,
                         preferred_element_type=f32) + bl_ref[...]
    feats[:, pl.ds(768, 128)] = jnp.where(lv >= 0, lv, 0.01 * lv)

    out_ref[...] = (
        lax.dot_general(feats[...], wo_ref[...], _DN_T,
                        preferred_element_type=f32) + bo_ref[...])


def _tc_specs(bs):
    nsteps = bs // B_CHUNK
    fixed = lambda *_: tuple([0, 0])
    in_specs = [
        pl.BlockSpec((B_CHUNK, 53, 400), lambda i: (i, 0, 0)),
        pl.BlockSpec((B_CHUNK, 26), lambda i: (i, 0)),
        pl.BlockSpec((N_PAD, N_PAD), fixed),
        pl.BlockSpec((1, 1), fixed),
        pl.BlockSpec((1, 1), fixed),
        pl.BlockSpec((1, 1), fixed),
        pl.BlockSpec((256, 400), fixed),
        pl.BlockSpec((1, 256), fixed),
        pl.BlockSpec((256, 256), fixed),
        pl.BlockSpec((1, 256), fixed),
        pl.BlockSpec((256, 256), fixed),
        pl.BlockSpec((1, 256), fixed),
        pl.BlockSpec((128, 26), fixed),
        pl.BlockSpec((1, 128), fixed),
        pl.BlockSpec((2, 896), fixed),
        pl.BlockSpec((1, 2), fixed),
    ]
    out_spec = pl.BlockSpec((B_CHUNK, 2), lambda i: (i, 0))
    rows = B_CHUNK * N_PAD
    scratch = [pltpu.VMEM((N_PAD, N_PAD), jnp.float32) for _ in range(3)]
    scratch += [
        pltpu.VMEM((B_CHUNK, rows), jnp.float32),
        pltpu.VMEM((rows, 256), jnp.float32),
        pltpu.VMEM((rows, 256), jnp.float32),
        pltpu.VMEM((rows, 256), jnp.float32),
        pltpu.VMEM((B_CHUNK, 896), jnp.float32),
    ]
    return nsteps, in_specs, out_spec, scratch


def kernel(data, loading, edge_index, W1, b1, eps1, W2, b2, eps2,
           W3, b3, eps3, Wl, bl, Wo, bo):
    f32 = jnp.float32
    bs = data.shape[0]

    zeros = jnp.zeros((N_PAD, N_PAD), f32)
    n_real = edge_index.shape[1]
    epad = ((n_real + 127) // 128) * 128
    ei = jnp.pad(edge_index.astype(jnp.int32), ((0, 0), (0, epad - n_real)),
                 constant_values=N_PAD - 1)
    m = _build_adj(ei, zeros, n_real)

    nsteps, in_specs, out_spec, scratch = _tc_specs(bs)
    return pl.pallas_call(
        _tc_body,
        grid=(nsteps,),
        in_specs=in_specs,
        out_specs=out_spec,
        out_shape=jax.ShapeDtypeStruct((bs, 2), f32),
        scratch_shapes=scratch,
    )(data, loading, m, eps1.reshape(1, 1), eps2.reshape(1, 1),
      eps3.reshape(1, 1), W1, b1.reshape(1, -1), W2, b2.reshape(1, -1),
      W3, b3.reshape(1, -1), Wl, bl.reshape(1, -1), Wo, bo.reshape(1, 2))

# --- scband reference (transcript-rebuilt; emitter-appended) ---
"""Pipeline reference for scband-gin-86483461472378 (READ-ONLY COPY).

The authoritative reference and input builder live on the scoring server;
editing this copy changes nothing except your own understanding.
"""

import jax, jax.numpy as jnp
import numpy as np

N_NODES = 53
N_EDGES = 281  # ~top-10% of 53x53 adjacency entries

def _linear_params(key, fan_in, fan_out):
    k1, k2 = jax.random.split(key)
    bound = 1.0 / np.sqrt(fan_in)
    W = jax.random.uniform(k1, (fan_out, fan_in), minval=-bound, maxval=bound, dtype=jnp.float32)
    b = jax.random.uniform(k2, (fan_out,), minval=-bound, maxval=bound, dtype=jnp.float32)
    return W, b

def setup_inputs(seed: int = 0) -> dict:
    key = jax.random.key(seed)
    ks = jax.random.split(key, 12)
    data = jax.random.normal(ks[0], (128, N_NODES, 400), dtype=jnp.float32)
    loading = jax.random.normal(ks[1], (128, 26), dtype=jnp.float32)
    edge_index = jax.random.randint(ks[2], (2, N_EDGES), 0, N_NODES).astype(jnp.int64)
    W1, b1 = _linear_params(ks[3], 400, 256)
    W2, b2 = _linear_params(ks[4], 256, 256)
    W3, b3 = _linear_params(ks[5], 256, 256)
    Wl, bl = _linear_params(ks[6], 26, 128)
    Wo, bo = _linear_params(ks[7], 256 * 3 + 128, 2)
    eps1 = jnp.zeros((1,), dtype=jnp.float32)
    eps2 = jnp.zeros((1,), dtype=jnp.float32)
    eps3 = jnp.zeros((1,), dtype=jnp.float32)
    return {
        "data": data, "loading": loading, "edge_index": edge_index,
        "W1": W1, "b1": b1, "eps1": eps1,
        "W2": W2, "b2": b2, "eps2": eps2,
        "W3": W3, "b3": b3, "eps3": eps3,
        "Wl": Wl, "bl": bl, "Wo": Wo, "bo": bo,
    }

def _gin_conv(feat, edge_index, eps, W, b):
    # feat: [n_nodes, bs, d]; sum-aggregate neighbors: message from src (u) to dst (v)
    src, dst = edge_index[0], edge_index[1]
    msgs = feat[src]  # [E, bs, d] gather
    neigh = jax.ops.segment_sum(msgs, dst, num_segments=N_NODES)  # scatter-add
    rst = (1.0 + eps[0]) * feat + neigh
    rst2 = rst.reshape(-1, rst.shape[-1])
    rst2 = rst2 @ W.T + b
    return rst2.reshape(N_NODES, -1, rst2.shape[-1])

def reference(data, loading, edge_index, W1, b1, eps1, W2, b2, eps2, W3, b3, eps3, Wl, bl, Wo, bo):
    # loading MLP (dropout_rate=0 -> identity in eval)
    loading_feature = jax.nn.leaky_relu(loading @ Wl.T + bl, negative_slope=0.01)
    # permute [bs, n_nodes, d] -> [n_nodes, bs, d]
    x = jnp.transpose(data, (1, 0, 2))
    out = _gin_conv(x, edge_index, eps1, W1, b1)
    out = jax.nn.relu(out)
    feat1 = jnp.sum(out, axis=0)
    out = _gin_conv(out, edge_index, eps2, W2, b2)
    out = jax.nn.relu(out)
    feat2 = jnp.sum(out, axis=0)
    out = _gin_conv(out, edge_index, eps3, W3, b3)
    out = jax.nn.relu(out)
    feat3 = jnp.sum(out, axis=0)
    feature = jnp.concatenate([feat1, feat2, feat3, loading_feature], axis=-1)
    return feature @ Wo.T + bo

if __name__ == "__main__":
    import jax
    _d = setup_inputs()
    print(jax.jit(kernel)(*tuple(_d.values())))

</pallas_src>

<mosaic_0001>
#map = affine_map<(d0, d1) -> (0, 0)>
module attributes {stable_mosaic.version = 14 : i64} {
  func.func @k(%arg0: i32, %arg1: i32, %arg2: memref<2x384xi32, #tpu.memory_space<hbm>>, %arg3: memref<64x64xf32, #tpu.memory_space<hbm>>, %arg4: memref<64x64xf32, #tpu.memory_space<hbm>>, %arg5: memref<64x64xf32, #tpu.memory_space<vmem>>, %arg6: memref<384xi32, #tpu.memory_space<vmem>>, %arg7: memref<384xi32, #tpu.memory_space<vmem>>) attributes {dimension_semantics = [#tpu.dimension_semantics<core_parallel>, #tpu.dimension_semantics<subcore_parallel>], iteration_bounds = array<i64: 2, 16>, scalar_prefetch = 0 : i64, scratch_operands = 3 : i64, tpu.core_type = #tpu.core_type<sc_vector_subcore>, window_params = [{transform_indices = #map}, {transform_indices = #map}, {transform_indices = #map}]} {
    %eq3A = arith.constant 0 : i32
    %eq3A_0 = arith.cmpi eq, %arg0, %eq3A : i32
    %eq3A_1 = arith.constant 0 : i32
    %eq3A_2 = arith.cmpi eq, %arg1, %eq3A_1 : i32
    %and3A = arith.andi %eq3A_0, %eq3A_2 : i1
    %convert_element_type3A = arith.extui %and3A : i1 to i32
    %cond3A = arith.constant 0 : i32
    %cond3A_3 = arith.cmpi ne, %convert_element_type3A, %cond3A : i32
    scf.if %cond3A_3 {
      "tpu.region"() ({
        %run_scoped3A_941 = tpu.sem_alloc : memref<!tpu.dma_semaphore, #tpu.memory_space<semaphore_mem>>
        tpu.enqueue_dma source(%arg3 : memref<64x64xf32, #tpu.memory_space<hbm>>) target(%arg5 : memref<64x64xf32, #tpu.memory_space<vmem>>) target_semaphore(%run_scoped3A_941 : memref<!tpu.dma_semaphore, #tpu.memory_space<semaphore_mem>>)
        tpu.wait_dma2 semaphore(%run_scoped3A_941 : memref<!tpu.dma_semaphore, #tpu.memory_space<semaphore_mem>>) src(%arg3 : memref<64x64xf32, #tpu.memory_space<hbm>>) dst(%arg5 : memref<64x64xf32, #tpu.memory_space<vmem>>)
        tpu.yield
      }) : () -> ()
      %run_scoped3A = arith.constant 0 : i32
      "tpu.region"() ({
        %run_scoped3A_941 = tpu.sem_alloc : memref<!tpu.dma_semaphore, #tpu.memory_space<semaphore_mem>>
        %dma_start3A = arith.constant 0 : i32
        %dma_start3A_942 = tpu.memref_slice %arg2[%run_scoped3A, %dma_start3A] : memref<2x384xi32, #tpu.memory_space<hbm>> -> memref<1x384xi32, #tpu.memory_space<hbm>>
        %dma_start3A_943 = tpu.memref_squeeze %dma_start3A_942 : memref<1x384xi32, #tpu.memory_space<hbm>> -> memref<384xi32, #tpu.memory_space<hbm>>
        %dma_start3A_944 = arith.constant 0 : i32
        %dma_start3A_945 = tpu.memref_slice %arg2[%run_scoped3A, %dma_start3A_944] : memref<2x384xi32, #tpu.memory_space<hbm>> -> memref<1x384xi32, #tpu.memory_space<hbm>>
        %dma_start3A_946 = tpu.memref_squeeze %dma_start3A_945 : memref<1x384xi32, #tpu.memory_space<hbm>> -> memref<384xi32, #tpu.memory_space<hbm>>
        tpu.enqueue_dma source(%dma_start3A_946 : memref<384xi32, #tpu.memory_space<hbm>>) target(%arg6 : memref<384xi32, #tpu.memory_space<vmem>>) target_semaphore(%run_scoped3A_941 : memref<!tpu.dma_semaphore, #tpu.memory_space<semaphore_mem>>)
        %dma_wait3A = arith.constant 0 : i32
        %dma_wait3A_947 = tpu.memref_slice %arg2[%run_scoped3A, %dma_wait3A] : memref<2x384xi32, #tpu.memory_space<hbm>> -> memref<1x384xi32, #tpu.memory_space<hbm>>
        %dma_wait3A_948 = tpu.memref_squeeze %dma_wait3A_947 : memref<1x384xi32, #tpu.memory_space<hbm>> -> memref<384xi32, #tpu.memory_space<hbm>>
        %dma_wait3A_949 = arith.constant 0 : i32
        %dma_wait3A_950 = tpu.memref_slice %arg2[%run_scoped3A, %dma_wait3A_949] : memref<2x384xi32, #tpu.memory_space<hbm>> -> memref<1x384xi32, #tpu.memory_space<hbm>>
        %dma_wait3A_951 = tpu.memref_squeeze %dma_wait3A_950 : memref<1x384xi32, #tpu.memory_space<hbm>> -> memref<384xi32, #tpu.memory_space<hbm>>
        tpu.wait_dma2 semaphore(%run_scoped3A_941 : memref<!tpu.dma_semaphore, #tpu.memory_space<semaphore_mem>>) src(%dma_wait3A_951 : memref<384xi32, #tpu.memory_space<hbm>>) dst(%arg6 : memref<384xi32, #tpu.memory_space<vmem>>)
        tpu.yield
      }) : () -> ()
      %run_scoped3A_4 = arith.constant 1 : i32
      "tpu.region"() ({
        %run_scoped3A_941 = tpu.sem_alloc : memref<!tpu.dma_semaphore, #tpu.memory_space<semaphore_mem>>
        %dma_start3A = arith.constant 0 : i32
        %dma_start3A_942 = tpu.memref_slice %arg2[%run_scoped3A_4, %dma_start3A] : memref<2x384xi32, #tpu.memory_space<hbm>> -> memref<1x384xi32, #tpu.memory_space<hbm>>
        %dma_start3A_943 = tpu.memref_squeeze %dma_start3A_942 : memref<1x384xi32, #tpu.memory_space<hbm>> -> memref<384xi32, #tpu.memory_space<hbm>>
        %dma_start3A_944 = arith.constant 0 : i32
        %dma_start3A_945 = tpu.memref_slice %arg2[%run_scoped3A_4, %dma_start3A_944] : memref<2x384xi32, #tpu.memory_space<hbm>> -> memref<1x384xi32, #tpu.memory_space<hbm>>
        %dma_start3A_946 = tpu.memref_squeeze %dma_start3A_945 : memref<1x384xi32, #tpu.memory_space<hbm>> -> memref<384xi32, #tpu.memory_space<hbm>>
        tpu.enqueue_dma source(%dma_start3A_946 : memref<384xi32, #tpu.memory_space<hbm>>) target(%arg7 : memref<384xi32, #tpu.memory_space<vmem>>) target_semaphore(%run_scoped3A_941 : memref<!tpu.dma_semaphore, #tpu.memory_space<semaphore_mem>>)
        %dma_wait3A = arith.constant 0 : i32
        %dma_wait3A_947 = tpu.memref_slice %arg2[%run_scoped3A_4, %dma_wait3A] : memref<2x384xi32, #tpu.memory_space<hbm>> -> memref<1x384xi32, #tpu.memory_space<hbm>>
        %dma_wait3A_948 = tpu.memref_squeeze %dma_wait3A_947 : memref<1x384xi32, #tpu.memory_space<hbm>> -> memref<384xi32, #tpu.memory_space<hbm>>
        %dma_wait3A_949 = arith.constant 0 : i32
        %dma_wait3A_950 = tpu.memref_slice %arg2[%run_scoped3A_4, %dma_wait3A_949] : memref<2x384xi32, #tpu.memory_space<hbm>> -> memref<1x384xi32, #tpu.memory_space<hbm>>
        %dma_wait3A_951 = tpu.memref_squeeze %dma_wait3A_950 : memref<1x384xi32, #tpu.memory_space<hbm>> -> memref<384xi32, #tpu.memory_space<hbm>>
        tpu.wait_dma2 semaphore(%run_scoped3A_941 : memref<!tpu.dma_semaphore, #tpu.memory_space<semaphore_mem>>) src(%dma_wait3A_951 : memref<384xi32, #tpu.memory_space<hbm>>) dst(%arg7 : memref<384xi32, #tpu.memory_space<vmem>>)
        tpu.yield
      }) : () -> ()
      %iota3A = tpu.iota {dimensions = array<i32: 0>} : vector<16xi32>
      %broadcast_in_dim3A = arith.constant 1.000000e+00 : f32
      %broadcast_in_dim3A_5 = vector.broadcast %broadcast_in_dim3A : f32 to vector<16xf32>
      %get3A = arith.constant 0 : index
      %get3A_6 = tpu.vector_load %arg6[%get3A] {strides = array<i32>} : memref<384xi32, #tpu.memory_space<vmem>>, vector<16xi32>,
      %get3A_7 = arith.constant 0 : index
      %get3A_8 = tpu.vector_load %arg7[%get3A_7] {strides = array<i32>} : memref<384xi32, #tpu.memory_space<vmem>>, vector<16xi32>,
      %eq3A_9 = arith.constant 0 : i32
      %eq3A_10 = vector.broadcast %eq3A_9 : i32 to vector<16xi32>
      %eq3A_11 = arith.cmpi eq, %iota3A, %eq3A_10 : vector<16xi32>
      tpu.vector_store_idx %arg5[%get3A_8, %get3A_6], %broadcast_in_dim3A_5 masked %eq3A_11 {add = true} : memref<64x64xf32, #tpu.memory_space<vmem>>[vector<16xi32>, vector<16xi32>], vector<16xf32>, vector<16xi1>
      %eq3A_12 = arith.constant 1 : i32
      %eq3A_13 = vector.broadcast %eq3A_12 : i32 to vector<16xi32>
      %eq3A_14 = arith.cmpi eq, %iota3A, %eq3A_13 : vector<16xi32>
      tpu.vector_store_idx %arg5[%get3A_8, %get3A_6], %broadcast_in_dim3A_5 masked %eq3A_14 {add = true} : memref<64x64xf32, #tpu.memory_space<vmem>>[vector<16xi32>, vector<16xi32>], vector<16xf32>, vector<16xi1>
      %eq3A_15 = arith.constant 2 : i32
      %eq3A_16 = vector.broadcast %eq3A_15 : i32 to vector<16xi32>
      %eq3A_17 = arith.cmpi eq, %iota3A, %eq3A_16 : vector<16xi32>
      tpu.vector_store_idx %arg5[%get3A_8, %get3A_6], %broadcast_in_dim3A_5 masked %eq3A_17 {add = true} : memref<64x64xf32, #tpu.memory_space<vmem>>[vector<16xi32>, vector<16xi32>], vector<16xf32>, vector<16xi1>
      %eq3A_18 = arith.constant 3 : i32
      %eq3A_19 = vector.broadcast %eq3A_18 : i32 to vector<16xi32>
      %eq3A_20 = arith.cmpi eq, %iota3A, %eq3A_19 : vector<16xi32>
      tpu.vector_store_idx %arg5[%get3A_8, %get3A_6], %broadcast_in_dim3A_5 masked %eq3A_20 {add = true} : memref<64x64xf32, #tpu.memory_space<vmem>>[vector<16xi32>, vector<16xi32>], vector<16xf32>, vector<16xi1>
      %eq3A_21 = arith.constant 4 : i32
      %eq3A_22 = vector.broadcast %eq3A_21 : i32 to vector<16xi32>
      %eq3A_23 = arith.cmpi eq, %iota3A, %eq3A_22 : vector<16xi32>
      tpu.vector_store_idx %arg5[%get3A_8, %get3A_6], %broadcast_in_dim3A_5 masked %eq3A_23 {add = true} : memref<64x64xf32, #tpu.memory_space<vmem>>[vector<16xi32>, vector<16xi32>], vector<16xf32>, vector<16xi1>
      %eq3A_24 = arith.constant 5 : i32
      %eq3A_25 = vector.broadcast %eq3A_24 : i32 to vector<16xi32>
      %eq3A_26 = arith.cmpi eq, %iota3A, %eq3A_25 : vector<16xi32>
      tpu.vector_store_idx %arg5[%get3A_8, %get3A_6], %broadcast_in_dim3A_5 masked %eq3A_26 {add = true} : memref<64x64xf32, #tpu.memory_space<vmem>>[vector<16xi32>, vector<16xi32>], vector<16xf32>, vector<16xi1>
      %eq3A_27 = arith.constant 6 : i32
      %eq3A_28 = vector.broadcast %eq3A_27 : i32 to vector<16xi32>
      %eq3A_29 = arith.cmpi eq, %iota3A, %eq3A_28 : vector<16xi32>
      tpu.vector_store_idx %arg5[%get3A_8, %get3A_6], %broadcast_in_dim3A_5 masked %eq3A_29 {add = true} : memref<64x64xf32, #tpu.memory_space<vmem>>[vector<16xi32>, vector<16xi32>], vector<16xf32>, vector<16xi1>
      %eq3A_30 = arith.constant 7 : i32
      %eq3A_31 = vector.broadcast %eq3A_30 : i32 to vector<16xi32>
      %eq3A_32 = arith.cmpi eq, %iota3A, %eq3A_31 : vector<16xi32>
      tpu.vector_store_idx %arg5[%get3A_8, %get3A_6], %broadcast_in_dim3A_5 masked %eq3A_32 {add = true} : memref<64x64xf32, #tpu.memory_space<vmem>>[vector<16xi32>, vector<16xi32>], vector<16xf32>, vector<16xi1>
      %eq3A_33 = arith.constant 8 : i32
      %eq3A_34 = vector.broadcast %eq3A_33 : i32 to vector<16xi32>
      %eq3A_35 = arith.cmpi eq, %iota3A, %eq3A_34 : vector<16xi32>
      tpu.vector_store_idx %arg5[%get3A_8, %get3A_6], %broadcast_in_dim3A_5 masked %eq3A_35 {add = true} : memref<64x64xf32, #tpu.memory_space<vmem>>[vector<16xi32>, vector<16xi32>], vector<16xf32>, vector<16xi1>
      %eq3A_36 = arith.constant 9 : i32
      %eq3A_37 = vector.broadcast %eq3A_36 : i32 to vector<16xi32>
      %eq3A_38 = arith.cmpi eq, %iota3A, %eq3A_37 : vector<16xi32>
      tpu.vector_store_idx %arg5[%get3A_8, %get3A_6], %broadcast_in_dim3A_5 masked %eq3A_38 {add = true} : memref<64x64xf32, #tpu.memory_space<vmem>>[vector<16xi32>, vector<16xi32>], vector<16xf32>, vector<16xi1>
      %eq3A_39 = arith.constant 10 : i32
      %eq3A_40 = vector.broadcast %eq3A_39 : i32 to vector<16xi32>
      %eq3A_41 = arith.cmpi eq, %iota3A, %eq3A_40 : vector<16xi32>
      tpu.vector_store_idx %arg5[%get3A_8, %get3A_6], %broadcast_in_dim3A_5 masked %eq3A_41 {add = true} : memref<64x64xf32, #tpu.memory_space<vmem>>[vector<16xi32>, vector<16xi32>], vector<16xf32>, vector<16xi1>
      %eq3A_42 = arith.constant 11 : i32
      %eq3A_43 = vector.broadcast %eq3A_42 : i32 to vector<16xi32>
      %eq3A_44 = arith.cmpi eq, %iota3A, %eq3A_43 : vector<16xi32>
      tpu.vector_store_idx %arg5[%get3A_8, %get3A_6], %broadcast_in_dim3A_5 masked %eq3A_44 {add = true} : memref<64x64xf32, #tpu.memory_space<vmem>>[vector<16xi32>, vector<16xi32>], vector<16xf32>, vector<16xi1>
      %eq3A_45 = arith.constant 12 : i32
      %eq3A_46 = vector.broadcast %eq3A_45 : i32 to vector<16xi32>
      %eq3A_47 = arith.cmpi eq, %iota3A, %eq3A_46 : vector<16xi32>
      tpu.vector_store_idx %arg5[%get3A_8, %get3A_6], %broadcast_in_dim3A_5 masked %eq3A_47 {add = true} : memref<64x64xf32, #tpu.memory_space<vmem>>[vector<16xi32>, vector<16xi32>], vector<16xf32>, vector<16xi1>
      %eq3A_48 = arith.constant 13 : i32
      %eq3A_49 = vector.broadcast %eq3A_48 : i32 to vector<16xi32>
      %eq3A_50 = arith.cmpi eq, %iota3A, %eq3A_49 : vector<16xi32>
      tpu.vector_store_idx %arg5[%get3A_8, %get3A_6], %broadcast_in_dim3A_5 masked %eq3A_50 {add = true} : memref<64x64xf32, #tpu.memory_space<vmem>>[vector<16xi32>, vector<16xi32>], vector<16xf32>, vector<16xi1>
      %eq3A_51 = arith.constant 14 : i32
      %eq3A_52 = vector.broadcast %eq3A_51 : i32 to vector<16xi32>
      %eq3A_53 = arith.cmpi eq, %iota3A, %eq3A_52 : vector<16xi32>
      tpu.vector_store_idx %arg5[%get3A_8, %get3A_6], %broadcast_in_dim3A_5 masked %eq3A_53 {add = true} : memref<64x64xf32, #tpu.memory_space<vmem>>[vector<16xi32>, vector<16xi32>], vector<16xf32>, vector<16xi1>
      %eq3A_54 = arith.constant 15 : i32
      %eq3A_55 = vector.broadcast %eq3A_54 : i32 to vector<16xi32>
      %eq3A_56 = arith.cmpi eq, %iota3A, %eq3A_55 : vector<16xi32>
      tpu.vector_store_idx %arg5[%get3A_8, %get3A_6], %broadcast_in_dim3A_5 masked %eq3A_56 {add = true} : memref<64x64xf32, #tpu.memory_space<vmem>>[vector<16xi32>, vector<16xi32>], vector<16xf32>, vector<16xi1>
      %get3A_57 = arith.constant 16 : index
      %get3A_58 = tpu.vector_load %arg6[%get3A_57] {strides = array<i32>} : memref<384xi32, #tpu.memory_space<vmem>>, vector<16xi32>,
      %get3A_59 = arith.constant 16 : index
      %get3A_60 = tpu.vector_load %arg7[%get3A_59] {strides = array<i32>} : memref<384xi32, #tpu.memory_space<vmem>>, vector<16xi32>,
      %eq3A_61 = arith.constant 0 : i32
      %eq3A_62 = vector.broadcast %eq3A_61 : i32 to vector<16xi32>
      %eq3A_63 = arith.cmpi eq, %iota3A, %eq3A_62 : vector<16xi32>
      tpu.vector_store_idx %arg5[%get3A_60, %get3A_58], %broadcast_in_dim3A_5 masked %eq3A_63 {add = true} : memref<64x64xf32, #tpu.memory_space<vmem>>[vector<16xi32>, vector<16xi32>], vector<16xf32>, vector<16xi1>
      %eq3A_64 = arith.constant 1 : i32
      %eq3A_65 = vector.broadcast %eq3A_64 : i32 to vector<16xi32>
      %eq3A_66 = arith.cmpi eq, %iota3A, %eq3A_65 : vector<16xi32>
      tpu.vector_store_idx %arg5[%get3A_60, %get3A_58], %broadcast_in_dim3A_5 masked %eq3A_66 {add = true} : memref<64x64xf32, #tpu.memory_space<vmem>>[vector<16xi32>, vector<16xi32>], vector<16xf32>, vector<16xi1>
      %eq3A_67 = arith.constant 2 : i32
      %eq3A_68 = vector.broadcast %eq3A_67 : i32 to vector<16xi32>
      %eq3A_69 = arith.cmpi eq, %iota3A, %eq3A_68 : vector<16xi32>
      tpu.vector_store_idx %arg5[%get3A_60, %get3A_58], %broadcast_in_dim3A_5 masked %eq3A_69 {add = true} : memref<64x64xf32, #tpu.memory_space<vmem>>[vector<16xi32>, vector<16xi32>], vector<16xf32>, vector<16xi1>
      %eq3A_70 = arith.constant 3 : i32
      %eq3A_71 = vector.broadcast %eq3A_70 : i32 to vector<16xi32>
      %eq3A_72 = arith.cmpi eq, %iota3A, %eq3A_71 : vector<16xi32>
      tpu.vector_store_idx %arg5[%get3A_60, %get3A_58], %broadcast_in_dim3A_5 masked %eq3A_72 {add = true} : memref<64x64xf32, #tpu.memory_space<vmem>>[vector<16xi32>, vector<16xi32>], vector<16xf32>, vector<16xi1>
      %eq3A_73 = arith.constant 4 : i32
      %eq3A_74 = vector.broadcast %eq3A_73 : i32 to vector<16xi32>
      %eq3A_75 = arith.cmpi eq, %iota3A, %eq3A_74 : vector<16xi32>
      tpu.vector_store_idx %arg5[%get3A_60, %get3A_58], %broadcast_in_dim3A_5 masked %eq3A_75 {add = true} : memref<64x64xf32, #tpu.memory_space<vmem>>[vector<16xi32>, vector<16xi32>], vector<16xf32>, vector<16xi1>
      %eq3A_76 = arith.constant 5 : i32
      %eq3A_77 = vector.broadcast %eq3A_76 : i32 to vector<16xi32>
      %eq3A_78 = arith.cmpi eq, %iota3A, %eq3A_77 : vector<16xi32>
      tpu.vector_store_idx %arg5[%get3A_60, %get3A_58], %broadcast_in_dim3A_5 masked %eq3A_78 {add = true} : memref<64x64xf32, #tpu.memory_space<vmem>>[vector<16xi32>, vector<16xi32>], vector<16xf32>, vector<16xi1>
      %eq3A_79 = arith.constant 6 : i32
      %eq3A_80 = vector.broadcast %eq3A_79 : i32 to vector<16xi32>
      %eq3A_81 = arith.cmpi eq, %iota3A, %eq3A_80 : vector<16xi32>
      tpu.vector_store_idx %arg5[%get3A_60, %get3A_58], %broadcast_in_dim3A_5 masked %eq3A_81 {add = true} : memref<64x64xf32, #tpu.memory_space<vmem>>[vector<16xi32>, vector<16xi32>], vector<16xf32>, vector<16xi1>
      %eq3A_82 = arith.constant 7 : i32
      %eq3A_83 = vector.broadcast %eq3A_82 : i32 to vector<16xi32>
      %eq3A_84 = arith.cmpi eq, %iota3A, %eq3A_83 : vector<16xi32>
      tpu.vector_store_idx %arg5[%get3A_60, %get3A_58], %broadcast_in_dim3A_5 masked %eq3A_84 {add = true} : memref<64x64xf32, #tpu.memory_space<vmem>>[vector<16xi32>, vector<16xi32>], vector<16xf32>, vector<16xi1>
      %eq3A_85 = arith.constant 8 : i32
      %eq3A_86 = vector.broadcast %eq3A_85 : i32 to vector<16xi32>
      %eq3A_87 = arith.cmpi eq, %iota3A, %eq3A_86 : vector<16xi32>
      tpu.vector_store_idx %arg5[%get3A_60, %get3A_58], %broadcast_in_dim3A_5 masked %eq3A_87 {add = true} : memref<64x64xf32, #tpu.memory_space<vmem>>[vector<16xi32>, vector<16xi32>], vector<16xf32>, vector<16xi1>
      %eq3A_88 = arith.constant 9 : i32
      %eq3A_89 = vector.broadcast %eq3A_88 : i32 to vector<16xi32>
      %eq3A_90 = arith.cmpi eq, %iota3A, %eq3A_89 : vector<16xi32>
      tpu.vector_store_idx %arg5[%get3A_60, %get3A_58], %broadcast_in_dim3A_5 masked %eq3A_90 {add = true} : memref<64x64xf32, #tpu.memory_space<vmem>>[vector<16xi32>, vector<16xi32>], vector<16xf32>, vector<16xi1>
      %eq3A_91 = arith.constant 10 : i32
      %eq3A_92 = vector.broadcast %eq3A_91 : i32 to vector<16xi32>
      %eq3A_93 = arith.cmpi eq, %iota3A, %eq3A_92 : vector<16xi32>
      tpu.vector_store_idx %arg5[%get3A_60, %get3A_58], %broadcast_in_dim3A_5 masked %eq3A_93 {add = true} : memref<64x64xf32, #tpu.memory_space<vmem>>[vector<16xi32>, vector<16xi32>], vector<16xf32>, vector<16xi1>
      %eq3A_94 = arith.constant 11 : i32
      %eq3A_95 = vector.broadcast %eq3A_94 : i32 to vector<16xi32>
      %eq3A_96 = arith.cmpi eq, %iota3A, %eq3A_95 : vector<16xi32>
      tpu.vector_store_idx %arg5[%get3A_60, %get3A_58], %broadcast_in_dim3A_5 masked %eq3A_96 {add = true} : memref<64x64xf32, #tpu.memory_space<vmem>>[vector<16xi32>, vector<16xi32>], vector<16xf32>, vector<16xi1>
      %eq3A_97 = arith.constant 12 : i32
      %eq3A_98 = vector.broadcast %eq3A_97 : i32 to vector<16xi32>
      %eq3A_99 = arith.cmpi eq, %iota3A, %eq3A_98 : vector<16xi32>
      tpu.vector_store_idx %arg5[%get3A_60, %get3A_58], %broadcast_in_dim3A_5 masked %eq3A_99 {add = true} : memref<64x64xf32, #tpu.memory_space<vmem>>[vector<16xi32>, vector<16xi32>], vector<16xf32>, vector<16xi1>
      %eq3A_100 = arith.constant 13 : i32
      %eq3A_101 = vector.broadcast %eq3A_100 : i32 to vector<16xi32>
      %eq3A_102 = arith.cmpi eq, %iota3A, %eq3A_101 : vector<16xi32>
      tpu.vector_store_idx %arg5[%get3A_60, %get3A_58], %broadcast_in_dim3A_5 masked %eq3A_102 {add = true} : memref<64x64xf32, #tpu.memory_space<vmem>>[vector<16xi32>, vector<16xi32>], vector<16xf32>, vector<16xi1>
      %eq3A_103 = arith.constant 14 : i32
      %eq3A_104 = vector.broadcast %eq3A_103 : i32 to vector<16xi32>
      %eq3A_105 = arith.cmpi eq, %iota3A, %eq3A_104 : vector<16xi32>
      tpu.vector_store_idx %arg5[%get3A_60, %get3A_58], %broadcast_in_dim3A_5 masked %eq3A_105 {add = true} : memref<64x64xf32, #tpu.memory_space<vmem>>[vector<16xi32>, vector<16xi32>], vector<16xf32>, vector<16xi1>
      %eq3A_106 = arith.constant 15 : i32
      %eq3A_107 = vector.broadcast %eq3A_106 : i32 to vector<16xi32>
      %eq3A_108 = arith.cmpi eq, %iota3A, %eq3A_107 : vector<16xi32>
      tpu.vector_store_idx %arg5[%get3A_60, %get3A_58], %broadcast_in_dim3A_5 masked %eq3A_108 {add = true} : memref<64x64xf32, #tpu.memory_space<vmem>>[vector<16xi32>, vector<16xi32>], vector<16xf32>, vector<16xi1>
      %get3A_109 = arith.constant 32 : index
      %get3A_110 = tpu.vector_load %arg6[%get3A_109] {strides = array<i32>} : memref<384xi32, #tpu.memory_space<vmem>>, vector<16xi32>,
      %get3A_111 = arith.constant 32 : index
      %get3A_112 = tpu.vector_load %arg7[%get3A_111] {strides = array<i32>} : memref<384xi32, #tpu.memory_space<vmem>>, vector<16xi32>,
      %eq3A_113 = arith.constant 0 : i32
      %eq3A_114 = vector.broadcast %eq3A_113 : i32 to vector<16xi32>
      %eq3A_115 = arith.cmpi eq, %iota3A, %eq3A_114 : vector<16xi32>
      tpu.vector_store_idx %arg5[%get3A_112, %get3A_110], %broadcast_in_dim3A_5 masked %eq3A_115 {add = true} : memref<64x64xf32, #tpu.memory_space<vmem>>[vector<16xi32>, vector<16xi32>], vector<16xf32>, vector<16xi1>
      %eq3A_116 = arith.constant 1 : i32
      %eq3A_117 = vector.broadcast %eq3A_116 : i32 to vector<16xi32>
      %eq3A_118 = arith.cmpi eq, %iota3A, %eq3A_117 : vector<16xi32>
      tpu.vector_store_idx %arg5[%get3A_112, %get3A_110], %broadcast_in_dim3A_5 masked %eq3A_118 {add = true} : memref<64x64xf32, #tpu.memory_space<vmem>>[vector<16xi32>, vector<16xi32>], vector<16xf32>, vector<16xi1>
      %eq3A_119 = arith.constant 2 : i32
      %eq3A_120 = vector.broadcast %eq3A_119 : i32 to vector<16xi32>
      %eq3A_121 = arith.cmpi eq, %iota3A, %eq3A_120 : vector<16xi32>
      tpu.vector_store_idx %arg5[%get3A_112, %get3A_110], %broadcast_in_dim3A_5 masked %eq3A_121 {add = true} : memref<64x64xf32, #tpu.memory_space<vmem>>[vector<16xi32>, vector<16xi32>], vector<16xf32>, vector<16xi1>
      %eq3A_122 = arith.constant 3 : i32
      %eq3A_123 = vector.broadcast %eq3A_122 : i32 to vector<16xi32>
      %eq3A_124 = arith.cmpi eq, %iota3A, %eq3A_123 : vector<16xi32>
      tpu.vector_store_idx %arg5[%get3A_112, %get3A_110], %broadcast_in_dim3A_5 masked %eq3A_124 {add = true} : memref<64x64xf32, #tpu.memory_space<vmem>>[vector<16xi32>, vector<16xi32>], vector<16xf32>, vector<16xi1>
      %eq3A_125 = arith.constant 4 : i32
      %eq3A_126 = vector.broadcast %eq3A_125 : i32 to vector<16xi32>
      %eq3A_127 = arith.cmpi eq, %iota3A, %eq3A_126 : vector<16xi32>
      tpu.vector_store_idx %arg5[%get3A_112, %get3A_110], %broadcast_in_dim3A_5 masked %eq3A_127 {add = true} : memref<64x64xf32, #tpu.memory_space<vmem>>[vector<16xi32>, vector<16xi32>], vector<16xf32>, vector<16xi1>
      %eq3A_128 = arith.constant 5 : i32
      %eq3A_129 = vector.broadcast %eq3A_128 : i32 to vector<16xi32>
      %eq3A_130 = arith.cmpi eq, %iota3A, %eq3A_129 : vector<16xi32>
      tpu.vector_store_idx %arg5[%get3A_112, %get3A_110], %broadcast_in_dim3A_5 masked %eq3A_130 {add = true} : memref<64x64xf32, #tpu.memory_space<vmem>>[vector<16xi32>, vector<16xi32>], vector<16xf32>, vector<16xi1>
      %eq3A_131 = arith.constant 6 : i32
      %eq3A_132 = vector.broadcast %eq3A_131 : i32 to vector<16xi32>
      %eq3A_133 = arith.cmpi eq, %iota3A, %eq3A_132 : vector<16xi32>
      tpu.vector_store_idx %arg5[%get3A_112, %get3A_110], %broadcast_in_dim3A_5 masked %eq3A_133 {add = true} : memref<64x64xf32, #tpu.memory_space<vmem>>[vector<16xi32>, vector<16xi32>], vector<16xf32>, vector<16xi1>
      %eq3A_134 = arith.constant 7 : i32
      %eq3A_135 = vector.broadcast %eq3A_134 : i32 to vector<16xi32>
      %eq3A_136 = arith.cmpi eq, %iota3A, %eq3A_135 : vector<16xi32>
      tpu.vector_store_idx %arg5[%get3A_112, %get3A_110], %broadcast_in_dim3A_5 masked %eq3A_136 {add = true} : memref<64x64xf32, #tpu.memory_space<vmem>>[vector<16xi32>, vector<16xi32>], vector<16xf32>, vector<16xi1>
      %eq3A_137 = arith.constant 8 : i32
      %eq3A_138 = vector.broadcast %eq3A_137 : i32 to vector<16xi32>
      %eq3A_139 = arith.cmpi eq, %iota3A, %eq3A_138 : vector<16xi32>
      tpu.vector_store_idx %arg5[%get3A_112, %get3A_110], %broadcast_in_dim3A_5 masked %eq3A_139 {add = true} : memref<64x64xf32, #tpu.memory_space<vmem>>[vector<16xi32>, vector<16xi32>], vector<16xf32>, vector<16xi1>
      %eq3A_140 = arith.constant 9 : i32
      %eq3A_141 = vector.broadcast %eq3A_140 : i32 to vector<16xi32>
      %eq3A_142 = arith.cmpi eq, %iota3A, %eq3A_141 : vector<16xi32>
      tpu.vector_store_idx %arg5[%get3A_112, %get3A_110], %broadcast_in_dim3A_5 masked %eq3A_142 {add = true} : memref<64x64xf32, #tpu.memory_space<vmem>>[vector<16xi32>, vector<16xi32>], vector<16xf32>, vector<16xi1>
      %eq3A_143 = arith.constant 10 : i32
      %eq3A_144 = vector.broadcast %eq3A_143 : i32 to vector<16xi32>
      %eq3A_145 = arith.cmpi eq, %iota3A, %eq3A_144 : vector<16xi32>
      tpu.vector_store_idx %arg5[%get3A_112, %get3A_110], %broadcast_in_dim3A_5 masked %eq3A_145 {add = true} : memref<64x64xf32, #tpu.memory_space<vmem>>[vector<16xi32>, vector<16xi32>], vector<16xf32>, vector<16xi1>
      %eq3A_146 = arith.constant 11 : i32
      %eq3A_147 = vector.broadcast %eq3A_146 : i32 to vector<16xi32>
      %eq3A_148 = arith.cmpi eq, %iota3A, %eq3A_147 : vector<16xi32>
      tpu.vector_store_idx %arg5[%get3A_112, %get3A_110], %broadcast_in_dim3A_5 masked %eq3A_148 {add = true} : memref<64x64xf32, #tpu.memory_space<vmem>>[vector<16xi32>, vector<16xi32>], vector<16xf32>, vector<16xi1>
      %eq3A_149 = arith.constant 12 : i32
      %eq3A_150 = vector.broadcast %eq3A_149 : i32 to vector<16xi32>
      %eq3A_151 = arith.cmpi eq, %iota3A, %eq3A_150 : vector<16xi32>
      tpu.vector_store_idx %arg5[%get3A_112, %get3A_110], %broadcast_in_dim3A_5 masked %eq3A_151 {add = true} : memref<64x64xf32, #tpu.memory_space<vmem>>[vector<16xi32>, vector<16xi32>], vector<16xf32>, vector<16xi1>
      %eq3A_152 = arith.constant 13 : i32
      %eq3A_153 = vector.broadcast %eq3A_152 : i32 to vector<16xi32>
      %eq3A_154 = arith.cmpi eq, %iota3A, %eq3A_153 : vector<16xi32>
      tpu.vector_store_idx %arg5[%get3A_112, %get3A_110], %broadcast_in_dim3A_5 masked %eq3A_154 {add = true} : memref<64x64xf32, #tpu.memory_space<vmem>>[vector<16xi32>, vector<16xi32>], vector<16xf32>, vector<16xi1>
      %eq3A_155 = arith.constant 14 : i32
      %eq3A_156 = vector.broadcast %eq3A_155 : i32 to vector<16xi32>
      %eq3A_157 = arith.cmpi eq, %iota3A, %eq3A_156 : vector<16xi32>
      tpu.vector_store_idx %arg5[%get3A_112, %get3A_110], %broadcast_in_dim3A_5 masked %eq3A_157 {add = true} : memref<64x64xf32, #tpu.memory_space<vmem>>[vector<16xi32>, vector<16xi32>], vector<16xf32>, vector<16xi1>
      %eq3A_158 = arith.constant 15 : i32
      %eq3A_159 = vector.broadcast %eq3A_158 : i32 to vector<16xi32>
      %eq3A_160 = arith.cmpi eq, %iota3A, %eq3A_159 : vector<16xi32>
      tpu.vector_store_idx %arg5[%get3A_112, %get3A_110], %broadcast_in_dim3A_5 masked %eq3A_160 {add = true} : memref<64x64xf32, #tpu.memory_space<vmem>>[vector<16xi32>, vector<16xi32>], vector<16xf32>, vector<16xi1>
      %get3A_161 = arith.constant 48 : index
      %get3A_162 = tpu.vector_load %arg6[%get3A_161] {strides = array<i32>} : memref<384xi32, #tpu.memory_space<vmem>>, vector<16xi32>,
      %get3A_163 = arith.constant 48 : index
      %get3A_164 = tpu.vector_load %arg7[%get3A_163] {strides = array<i32>} : memref<384xi32, #tpu.memory_space<vmem>>, vector<16xi32>,
      %eq3A_165 = arith.constant 0 : i32
      %eq3A_166 = vector.broadcast %eq3A_165 : i32 to vector<16xi32>
      %eq3A_167 = arith.cmpi eq, %iota3A, %eq3A_166 : vector<16xi32>
      tpu.vector_store_idx %arg5[%get3A_164, %get3A_162], %broadcast_in_dim3A_5 masked %eq3A_167 {add = true} : memref<64x64xf32, #tpu.memory_space<vmem>>[vector<16xi32>, vector<16xi32>], vector<16xf32>, vector<16xi1>
      %eq3A_168 = arith.constant 1 : i32
      %eq3A_169 = vector.broadcast %eq3A_168 : i32 to vector<16xi32>
      %eq3A_170 = arith.cmpi eq, %iota3A, %eq3A_169 : vector<16xi32>
      tpu.vector_store_idx %arg5[%get3A_164, %get3A_162], %broadcast_in_dim3A_5 masked %eq3A_170 {add = true} : memref<64x64xf32, #tpu.memory_space<vmem>>[vector<16xi32>, vector<16xi32>], vector<16xf32>, vector<16xi1>
      %eq3A_171 = arith.constant 2 : i32
      %eq3A_172 = vector.broadcast %eq3A_171 : i32 to vector<16xi32>
      %eq3A_173 = arith.cmpi eq, %iota3A, %eq3A_172 : vector<16xi32>
      tpu.vector_store_idx %arg5[%get3A_164, %get3A_162], %broadcast_in_dim3A_5 masked %eq3A_173 {add = true} : memref<64x64xf32, #tpu.memory_space<vmem>>[vector<16xi32>, vector<16xi32>], vector<16xf32>, vector<16xi1>
      %eq3A_174 = arith.constant 3 : i32
      %eq3A_175 = vector.broadcast %eq3A_174 : i32 to vector<16xi32>
      %eq3A_176 = arith.cmpi eq, %iota3A, %eq3A_175 : vector<16xi32>
      tpu.vector_store_idx %arg5[%get3A_164, %get3A_162], %broadcast_in_dim3A_5 masked %eq3A_176 {add = true} : memref<64x64xf32, #tpu.memory_space<vmem>>[vector<16xi32>, vector<16xi32>], vector<16xf32>, vector<16xi1>
      %eq3A_177 = arith.constant 4 : i32
      %eq3A_178 = vector.broadcast %eq3A_177 : i32 to vector<16xi32>
      %eq3A_179 = arith.cmpi eq, %iota3A, %eq3A_178 : vector<16xi32>
      tpu.vector_store_idx %arg5[%get3A_164, %get3A_162], %broadcast_in_dim3A_5 masked %eq3A_179 {add = true} : memref<64x64xf32, #tpu.memory_space<vmem>>[vector<16xi32>, vector<16xi32>], vector<16xf32>, vector<16xi1>
      %eq3A_180 = arith.constant 5 : i32
      %eq3A_181 = vector.broadcast %eq3A_180 : i32 to vector<16xi32>
      %eq3A_182 = arith.cmpi eq, %iota3A, %eq3A_181 : vector<16xi32>
      tpu.vector_store_idx %arg5[%get3A_164, %get3A_162], %broadcast_in_dim3A_5 masked %eq3A_182 {add = true} : memref<64x64xf32, #tpu.memory_space<vmem>>[vector<16xi32>, vector<16xi32>], vector<16xf32>, vector<16xi1>
      %eq3A_183 = arith.constant 6 : i32
      %eq3A_184 = vector.broadcast %eq3A_183 : i32 to vector<16xi32>
      %eq3A_185 = arith.cmpi eq, %iota3A, %eq3A_184 : vector<16xi32>
      tpu.vector_store_idx %arg5[%get3A_164, %get3A_162], %broadcast_in_dim3A_5 masked %eq3A_185 {add = true} : memref<64x64xf32, #tpu.memory_space<vmem>>[vector<16xi32>, vector<16xi32>], vector<16xf32>, vector<16xi1>
      %eq3A_186 = arith.constant 7 : i32
      %eq3A_187 = vector.broadcast %eq3A_186 : i32 to vector<16xi32>
      %eq3A_188 = arith.cmpi eq, %iota3A, %eq3A_187 : vector<16xi32>
      tpu.vector_store_idx %arg5[%get3A_164, %get3A_162], %broadcast_in_dim3A_5 masked %eq3A_188 {add = true} : memref<64x64xf32, #tpu.memory_space<vmem>>[vector<16xi32>, vector<16xi32>], vector<16xf32>, vector<16xi1>
      %eq3A_189 = arith.constant 8 : i32
      %eq3A_190 = vector.broadcast %eq3A_189 : i32 to vector<16xi32>
      %eq3A_191 = arith.cmpi eq, %iota3A, %eq3A_190 : vector<16xi32>
      tpu.vector_store_idx %arg5[%get3A_164, %get3A_162], %broadcast_in_dim3A_5 masked %eq3A_191 {add = true} : memref<64x64xf32, #tpu.memory_space<vmem>>[vector<16xi32>, vector<16xi32>], vector<16xf32>, vector<16xi1>
      %eq3A_192 = arith.constant 9 : i32
      %eq3A_193 = vector.broadcast %eq3A_192 : i32 to vector<16xi32>
      %eq3A_194 = arith.cmpi eq, %iota3A, %eq3A_193 : vector<16xi32>
      tpu.vector_store_idx %arg5[%get3A_164, %get3A_162], %broadcast_in_dim3A_5 masked %eq3A_194 {add = true} : memref<64x64xf32, #tpu.memory_space<vmem>>[vector<16xi32>, vector<16xi32>], vector<16xf32>, vector<16xi1>
      %eq3A_195 = arith.constant 10 : i32
      %eq3A_196 = vector.broadcast %eq3A_195 : i32 to vector<16xi32>
      %eq3A_197 = arith.cmpi eq, %iota3A, %eq3A_196 : vector<16xi32>
      tpu.vector_store_idx %arg5[%get3A_164, %get3A_162], %broadcast_in_dim3A_5 masked %eq3A_197 {add = true} : memref<64x64xf32, #tpu.memory_space<vmem>>[vector<16xi32>, vector<16xi32>], vector<16xf32>, vector<16xi1>
      %eq3A_198 = arith.constant 11 : i32
      %eq3A_199 = vector.broadcast %eq3A_198 : i32 to vector<16xi32>
      %eq3A_200 = arith.cmpi eq, %iota3A, %eq3A_199 : vector<16xi32>
      tpu.vector_store_idx %arg5[%get3A_164, %get3A_162], %broadcast_in_dim3A_5 masked %eq3A_200 {add = true} : memref<64x64xf32, #tpu.memory_space<vmem>>[vector<16xi32>, vector<16xi32>], vector<16xf32>, vector<16xi1>
      %eq3A_201 = arith.constant 12 : i32
      %eq3A_202 = vector.broadcast %eq3A_201 : i32 to vector<16xi32>
      %eq3A_203 = arith.cmpi eq, %iota3A, %eq3A_202 : vector<16xi32>
      tpu.vector_store_idx %arg5[%get3A_164, %get3A_162], %broadcast_in_dim3A_5 masked %eq3A_203 {add = true} : memref<64x64xf32, #tpu.memory_space<vmem>>[vector<16xi32>, vector<16xi32>], vector<16xf32>, vector<16xi1>
      %eq3A_204 = arith.constant 13 : i32
      %eq3A_205 = vector.broadcast %eq3A_204 : i32 to vector<16xi32>
      %eq3A_206 = arith.cmpi eq, %iota3A, %eq3A_205 : vector<16xi32>
      tpu.vector_store_idx %arg5[%get3A_164, %get3A_162], %broadcast_in_dim3A_5 masked %eq3A_206 {add = true} : memref<64x64xf32, #tpu.memory_space<vmem>>[vector<16xi32>, vector<16xi32>], vector<16xf32>, vector<16xi1>
      %eq3A_207 = arith.constant 14 : i32
      %eq3A_208 = vector.broadcast %eq3A_207 : i32 to vector<16xi32>
      %eq3A_209 = arith.cmpi eq, %iota3A, %eq3A_208 : vector<16xi32>
      tpu.vector_store_idx %arg5[%get3A_164, %get3A_162], %broadcast_in_dim3A_5 masked %eq3A_209 {add = true} : memref<64x64xf32, #tpu.memory_space<vmem>>[vector<16xi32>, vector<16xi32>], vector<16xf32>, vector<16xi1>
      %eq3A_210 = arith.constant 15 : i32
      %eq3A_211 = vector.broadcast %eq3A_210 : i32 to vector<16xi32>
      %eq3A_212 = arith.cmpi eq, %iota3A, %eq3A_211 : vector<16xi32>
      tpu.vector_store_idx %arg5[%get3A_164, %get3A_162], %broadcast_in_dim3A_5 masked %eq3A_212 {add = true} : memref<64x64xf32, #tpu.memory_space<vmem>>[vector<16xi32>, vector<16xi32>], vector<16xf32>, vector<16xi1>
      %get3A_213 = arith.constant 64 : index
      %get3A_214 = tpu.vector_load %arg6[%get3A_213] {strides = array<i32>} : memref<384xi32, #tpu.memory_space<vmem>>, vector<16xi32>,
      %get3A_215 = arith.constant 64 : index
      %get3A_216 = tpu.vector_load %arg7[%get3A_215] {strides = array<i32>} : memref<384xi32, #tpu.memory_space<vmem>>, vector<16xi32>,
      %eq3A_217 = arith.constant 0 : i32
      %eq3A_218 = vector.broadcast %eq3A_217 : i32 to vector<16xi32>
      %eq3A_219 = arith.cmpi eq, %iota3A, %eq3A_218 : vector<16xi32>
      tpu.vector_store_idx %arg5[%get3A_216, %get3A_214], %broadcast_in_dim3A_5 masked %eq3A_219 {add = true} : memref<64x64xf32, #tpu.memory_space<vmem>>[vector<16xi32>, vector<16xi32>], vector<16xf32>, vector<16xi1>
      %eq3A_220 = arith.constant 1 : i32
      %eq3A_221 = vector.broadcast %eq3A_220 : i32 to vector<16xi32>
      %eq3A_222 = arith.cmpi eq, %iota3A, %eq3A_221 : vector<16xi32>
      tpu.vector_store_idx %arg5[%get3A_216, %get3A_214], %broadcast_in_dim3A_5 masked %eq3A_222 {add = true} : memref<64x64xf32, #tpu.memory_space<vmem>>[vector<16xi32>, vector<16xi32>], vector<16xf32>, vector<16xi1>
      %eq3A_223 = arith.constant 2 : i32
      %eq3A_224 = vector.broadcast %eq3A_223 : i32 to vector<16xi32>
      %eq3A_225 = arith.cmpi eq, %iota3A, %eq3A_224 : vector<16xi32>
      tpu.vector_store_idx %arg5[%get3A_216, %get3A_214], %broadcast_in_dim3A_5 masked %eq3A_225 {add = true} : memref<64x64xf32, #tpu.memory_space<vmem>>[vector<16xi32>, vector<16xi32>], vector<16xf32>, vector<16xi1>
      %eq3A_226 = arith.constant 3 : i32
      %eq3A_227 = vector.broadcast %eq3A_226 : i32 to vector<16xi32>
      %eq3A_228 = arith.cmpi eq, %iota3A, %eq3A_227 : vector<16xi32>
      tpu.vector_store_idx %arg5[%get3A_216, %get3A_214], %broadcast_in_dim3A_5 masked %eq3A_228 {add = true} : memref<64x64xf32, #tpu.memory_space<vmem>>[vector<16xi32>, vector<16xi32>], vector<16xf32>, vector<16xi1>
      %eq3A_229 = arith.constant 4 : i32
      %eq3A_230 = vector.broadcast %eq3A_229 : i32 to vector<16xi32>
      %eq3A_231 = arith.cmpi eq, %iota3A, %eq3A_230 : vector<16xi32>
      tpu.vector_store_idx %arg5[%get3A_216, %get3A_214], %broadcast_in_dim3A_5 masked %eq3A_231 {add = true} : memref<64x64xf32, #tpu.memory_space<vmem>>[vector<16xi32>, vector<16xi32>], vector<16xf32>, vector<16xi1>
      %eq3A_232 = arith.constant 5 : i32
      %eq3A_233 = vector.broadcast %eq3A_232 : i32 to vector<16xi32>
      %eq3A_234 = arith.cmpi eq, %iota3A, %eq3A_233 : vector<16xi32>
      tpu.vector_store_idx %arg5[%get3A_216, %get3A_214], %broadcast_in_dim3A_5 masked %eq3A_234 {add = true} : memref<64x64xf32, #tpu.memory_space<vmem>>[vector<16xi32>, vector<16xi32>], vector<16xf32>, vector<16xi1>
      %eq3A_235 = arith.constant 6 : i32
      %eq3A_236 = vector.broadcast %eq3A_235 : i32 to vector<16xi32>
      %eq3A_237 = arith.cmpi eq, %iota3A, %eq3A_236 : vector<16xi32>
      tpu.vector_store_idx %arg5[%get3A_216, %get3A_214], %broadcast_in_dim3A_5 masked %eq3A_237 {add = true} : memref<64x64xf32, #tpu.memory_space<vmem>>[vector<16xi32>, vector<16xi32>], vector<16xf32>, vector<16xi1>
      %eq3A_238 = arith.constant 7 : i32
      %eq3A_239 = vector.broadcast %eq3A_238 : i32 to vector<16xi32>
      %eq3A_240 = arith.cmpi eq, %iota3A, %eq3A_239 : vector<16xi32>
      tpu.vector_store_idx %arg5[%get3A_216, %get3A_214], %broadcast_in_dim3A_5 masked %eq3A_240 {add = true} : memref<64x64xf32, #tpu.memory_space<vmem>>[vector<16xi32>, vector<16xi32>], vector<16xf32>, vector<16xi1>
      %eq3A_241 = arith.constant 8 : i32
      %eq3A_242 = vector.broadcast %eq3A_241 : i32 to vector<16xi32>
      %eq3A_243 = arith.cmpi eq, %iota3A, %eq3A_242 : vector<16xi32>
      tpu.vector_store_idx %arg5[%get3A_216, %get3A_214], %broadcast_in_dim3A_5 masked %eq3A_243 {add = true} : memref<64x64xf32, #tpu.memory_space<vmem>>[vector<16xi32>, vector<16xi32>], vector<16xf32>, vector<16xi1>
      %eq3A_244 = arith.constant 9 : i32
      %eq3A_245 = vector.broadcast %eq3A_244 : i32 to vector<16xi32>
      %eq3A_246 = arith.cmpi eq, %iota3A, %eq3A_245 : vector<16xi32>
      tpu.vector_store_idx %arg5[%get3A_216, %get3A_214], %broadcast_in_dim3A_5 masked %eq3A_246 {add = true} : memref<64x64xf32, #tpu.memory_space<vmem>>[vector<16xi32>, vector<16xi32>], vector<16xf32>, vector<16xi1>
      %eq3A_247 = arith.constant 10 : i32
      %eq3A_248 = vector.broadcast %eq3A_247 : i32 to vector<16xi32>
      %eq3A_249 = arith.cmpi eq, %iota3A, %eq3A_248 : vector<16xi32>
      tpu.vector_store_idx %arg5[%get3A_216, %get3A_214], %broadcast_in_dim3A_5 masked %eq3A_249 {add = true} : memref<64x64xf32, #tpu.memory_space<vmem>>[vector<16xi32>, vector<16xi32>], vector<16xf32>, vector<16xi1>
      %eq3A_250 = arith.constant 11 : i32
      %eq3A_251 = vector.broadcast %eq3A_250 : i32 to vector<16xi32>
      %eq3A_252 = arith.cmpi eq, %iota3A, %eq3A_251 : vector<16xi32>
      tpu.vector_store_idx %arg5[%get3A_216, %get3A_214], %broadcast_in_dim3A_5 masked %eq3A_252 {add = true} : memref<64x64xf32, #tpu.memory_space<vmem>>[vector<16xi32>, vector<16xi32>], vector<16xf32>, vector<16xi1>
      %eq3A_253 = arith.constant 12 : i32
      %eq3A_254 = vector.broadcast %eq3A_253 : i32 to vector<16xi32>
      %eq3A_255 = arith.cmpi eq, %iota3A, %eq3A_254 : vector<16xi32>
      tpu.vector_store_idx %arg5[%get3A_216, %get3A_214], %broadcast_in_dim3A_5 masked %eq3A_255 {add = true} : memref<64x64xf32, #tpu.memory_space<vmem>>[vector<16xi32>, vector<16xi32>], vector<16xf32>, vector<16xi1>
      %eq3A_256 = arith.constant 13 : i32
      %eq3A_257 = vector.broadcast %eq3A_256 : i32 to vector<16xi32>
      %eq3A_258 = arith.cmpi eq, %iota3A, %eq3A_257 : vector<16xi32>
      tpu.vector_store_idx %arg5[%get3A_216, %get3A_214], %broadcast_in_dim3A_5 masked %eq3A_258 {add = true} : memref<64x64xf32, #tpu.memory_space<vmem>>[vector<16xi32>, vector<16xi32>], vector<16xf32>, vector<16xi1>
      %eq3A_259 = arith.constant 14 : i32
      %eq3A_260 = vector.broadcast %eq3A_259 : i32 to vector<16xi32>
      %eq3A_261 = arith.cmpi eq, %iota3A, %eq3A_260 : vector<16xi32>
      tpu.vector_store_idx %arg5[%get3A_216, %get3A_214], %broadcast_in_dim3A_5 masked %eq3A_261 {add = true} : memref<64x64xf32, #tpu.memory_space<vmem>>[vector<16xi32>, vector<16xi32>], vector<16xf32>, vector<16xi1>
      %eq3A_262 = arith.constant 15 : i32
      %eq3A_263 = vector.broadcast %eq3A_262 : i32 to vector<16xi32>
      %eq3A_264 = arith.cmpi eq, %iota3A, %eq3A_263 : vector<16xi32>
      tpu.vector_store_idx %arg5[%get3A_216, %get3A_214], %broadcast_in_dim3A_5 masked %eq3A_264 {add = true} : memref<64x64xf32, #tpu.memory_space<vmem>>[vector<16xi32>, vector<16xi32>], vector<16xf32>, vector<16xi1>
      %get3A_265 = arith.constant 80 : index
      %get3A_266 = tpu.vector_load %arg6[%get3A_265] {strides = array<i32>} : memref<384xi32, #tpu.memory_space<vmem>>, vector<16xi32>,
      %get3A_267 = arith.constant 80 : index
      %get3A_268 = tpu.vector_load %arg7[%get3A_267] {strides = array<i32>} : memref<384xi32, #tpu.memory_space<vmem>>, vector<16xi32>,
      %eq3A_269 = arith.constant 0 : i32
      %eq3A_270 = vector.broadcast %eq3A_269 : i32 to vector<16xi32>
      %eq3A_271 = arith.cmpi eq, %iota3A, %eq3A_270 : vector<16xi32>
      tpu.vector_store_idx %arg5[%get3A_268, %get3A_266], %broadcast_in_dim3A_5 masked %eq3A_271 {add = true} : memref<64x64xf32, #tpu.memory_space<vmem>>[vector<16xi32>, vector<16xi32>], vector<16xf32>, vector<16xi1>
      %eq3A_272 = arith.constant 1 : i32
      %eq3A_273 = vector.broadcast %eq3A_272 : i32 to vector<16xi32>
      %eq3A_274 = arith.cmpi eq, %iota3A, %eq3A_273 : vector<16xi32>
      tpu.vector_store_idx %arg5[%get3A_268, %get3A_266], %broadcast_in_dim3A_5 masked %eq3A_274 {add = true} : memref<64x64xf32, #tpu.memory_space<vmem>>[vector<16xi32>, vector<16xi32>], vector<16xf32>, vector<16xi1>
      %eq3A_275 = arith.constant 2 : i32
      %eq3A_276 = vector.broadcast %eq3A_275 : i32 to vector<16xi32>
      %eq3A_277 = arith.cmpi eq, %iota3A, %eq3A_276 : vector<16xi32>
      tpu.vector_store_idx %arg5[%get3A_268, %get3A_266], %broadcast_in_dim3A_5 masked %eq3A_277 {add = true} : memref<64x64xf32, #tpu.memory_space<vmem>>[vector<16xi32>, vector<16xi32>], vector<16xf32>, vector<16xi1>
      %eq3A_278 = arith.constant 3 : i32
      %eq3A_279 = vector.broadcast %eq3A_278 : i32 to vector<16xi32>
      %eq3A_280 = arith.cmpi eq, %iota3A, %eq3A_279 : vector<16xi32>
      tpu.vector_store_idx %arg5[%get3A_268, %get3A_266], %broadcast_in_dim3A_5 masked %eq3A_280 {add = true} : memref<64x64xf32, #tpu.memory_space<vmem>>[vector<16xi32>, vector<16xi32>], vector<16xf32>, vector<16xi1>
      %eq3A_281 = arith.constant 4 : i32
      %eq3A_282 = vector.broadcast %eq3A_281 : i32 to vector<16xi32>
      %eq3A_283 = arith.cmpi eq, %iota3A, %eq3A_282 : vector<16xi32>
      tpu.vector_store_idx %arg5[%get3A_268, %get3A_266], %broadcast_in_dim3A_5 masked %eq3A_283 {add = true} : memref<64x64xf32, #tpu.memory_space<vmem>>[vector<16xi32>, vector<16xi32>], vector<16xf32>, vector<16xi1>
      %eq3A_284 = arith.constant 5 : i32
      %eq3A_285 = vector.broadcast %eq3A_284 : i32 to vector<16xi32>
      %eq3A_286 = arith.cmpi eq, %iota3A, %eq3A_285 : vector<16xi32>
      tpu.vector_store_idx %arg5[%get3A_268, %get3A_266], %broadcast_in_dim3A_5 masked %eq3A_286 {add = true} : memref<64x64xf32, #tpu.memory_space<vmem>>[vector<16xi32>, vector<16xi32>], vector<16xf32>, vector<16xi1>
      %eq3A_287 = arith.constant 6 : i32
      %eq3A_288 = vector.broadcast %eq3A_287 : i32 to vector<16xi32>
      %eq3A_289 = arith.cmpi eq, %iota3A, %eq3A_288 : vector<16xi32>
      tpu.vector_store_idx %arg5[%get3A_268, %get3A_266], %broadcast_in_dim3A_5 masked %eq3A_289 {add = true} : memref<64x64xf32, #tpu.memory_space<vmem>>[vector<16xi32>, vector<16xi32>], vector<16xf32>, vector<16xi1>
      %eq3A_290 = arith.constant 7 : i32
      %eq3A_291 = vector.broadcast %eq3A_290 : i32 to vector<16xi32>
      %eq3A_292 = arith.cmpi eq, %iota3A, %eq3A_291 : vector<16xi32>
      tpu.vector_store_idx %arg5[%get3A_268, %get3A_266], %broadcast_in_dim3A_5 masked %eq3A_292 {add = true} : memref<64x64xf32, #tpu.memory_space<vmem>>[vector<16xi32>, vector<16xi32>], vector<16xf32>, vector<16xi1>
      %eq3A_293 = arith.constant 8 : i32
      %eq3A_294 = vector.broadcast %eq3A_293 : i32 to vector<16xi32>
      %eq3A_295 = arith.cmpi eq, %iota3A, %eq3A_294 : vector<16xi32>
      tpu.vector_store_idx %arg5[%get3A_268, %get3A_266], %broadcast_in_dim3A_5 masked %eq3A_295 {add = true} : memref<64x64xf32, #tpu.memory_space<vmem>>[vector<16xi32>, vector<16xi32>], vector<16xf32>, vector<16xi1>
      %eq3A_296 = arith.constant 9 : i32
      %eq3A_297 = vector.broadcast %eq3A_296 : i32 to vector<16xi32>
      %eq3A_298 = arith.cmpi eq, %iota3A, %eq3A_297 : vector<16xi32>
      tpu.vector_store_idx %arg5[%get3A_268, %get3A_266], %broadcast_in_dim3A_5 masked %eq3A_298 {add = true} : memref<64x64xf32, #tpu.memory_space<vmem>>[vector<16xi32>, vector<16xi32>], vector<16xf32>, vector<16xi1>
      %eq3A_299 = arith.constant 10 : i32
      %eq3A_300 = vector.broadcast %eq3A_299 : i32 to vector<16xi32>
      %eq3A_301 = arith.cmpi eq, %iota3A, %eq3A_300 : vector<16xi32>
      tpu.vector_store_idx %arg5[%get3A_268, %get3A_266], %broadcast_in_dim3A_5 masked %eq3A_301 {add = true} : memref<64x64xf32, #tpu.memory_space<vmem>>[vector<16xi32>, vector<16xi32>], vector<16xf32>, vector<16xi1>
      %eq3A_302 = arith.constant 11 : i32
      %eq3A_303 = vector.broadcast %eq3A_302 : i32 to vector<16xi32>
      %eq3A_304 = arith.cmpi eq, %iota3A, %eq3A_303 : vector<16xi32>
      tpu.vector_store_idx %arg5[%get3A_268, %get3A_266], %broadcast_in_dim3A_5 masked %eq3A_304 {add = true} : memref<64x64xf32, #tpu.memory_space<vmem>>[vector<16xi32>, vector<16xi32>], vector<16xf32>, vector<16xi1>
      %eq3A_305 = arith.constant 12 : i32
      %eq3A_306 = vector.broadcast %eq3A_305 : i32 to vector<16xi32>
      %eq3A_307 = arith.cmpi eq, %iota3A, %eq3A_306 : vector<16xi32>
      tpu.vector_store_idx %arg5[%get3A_268, %get3A_266], %broadcast_in_dim3A_5 masked %eq3A_307 {add = true} : memref<64x64xf32, #tpu.memory_space<vmem>>[vector<16xi32>, vector<16xi32>], vector<16xf32>, vector<16xi1>
      %eq3A_308 = arith.constant 13 : i32
      %eq3A_309 = vector.broadcast %eq3A_308 : i32 to vector<16xi32>
      %eq3A_310 = arith.cmpi eq, %iota3A, %eq3A_309 : vector<16xi32>
      tpu.vector_store_idx %arg5[%get3A_268, %get3A_266], %broadcast_in_dim3A_5 masked %eq3A_310 {add = true} : memref<64x64xf32, #tpu.memory_space<vmem>>[vector<16xi32>, vector<16xi32>], vector<16xf32>, vector<16xi1>
      %eq3A_311 = arith.constant 14 : i32
      %eq3A_312 = vector.broadcast %eq3A_311 : i32 to vector<16xi32>
      %eq3A_313 = arith.cmpi eq, %iota3A, %eq3A_312 : vector<16xi32>
      tpu.vector_store_idx %arg5[%get3A_268, %get3A_266], %broadcast_in_dim3A_5 masked %eq3A_313 {add = true} : memref<64x64xf32, #tpu.memory_space<vmem>>[vector<16xi32>, vector<16xi32>], vector<16xf32>, vector<16xi1>
      %eq3A_314 = arith.constant 15 : i32
      %eq3A_315 = vector.broadcast %eq3A_314 : i32 to vector<16xi32>
      %eq3A_316 = arith.cmpi eq, %iota3A, %eq3A_315 : vector<16xi32>
      tpu.vector_store_idx %arg5[%get3A_268, %get3A_266], %broadcast_in_dim3A_5 masked %eq3A_316 {add = true} : memref<64x64xf32, #tpu.memory_space<vmem>>[vector<16xi32>, vector<16xi32>], vector<16xf32>, vector<16xi1>
      %get3A_317 = arith.constant 96 : index
      %get3A_318 = tpu.vector_load %arg6[%get3A_317] {strides = array<i32>} : memref<384xi32, #tpu.memory_space<vmem>>, vector<16xi32>,
      %get3A_319 = arith.constant 96 : index
      %get3A_320 = tpu.vector_load %arg7[%get3A_319] {strides = array<i32>} : memref<384xi32, #tpu.memory_space<vmem>>, vector<16xi32>,
      %eq3A_321 = arith.constant 0 : i32
      %eq3A_322 = vector.broadcast %eq3A_321 : i32 to vector<16xi32>
      %eq3A_323 = arith.cmpi eq, %iota3A, %eq3A_322 : vector<16xi32>
      tpu.vector_store_idx %arg5[%get3A_320, %get3A_318], %broadcast_in_dim3A_5 masked %eq3A_323 {add = true} : memref<64x64xf32, #tpu.memory_space<vmem>>[vector<16xi32>, vector<16xi32>], vector<16xf32>, vector<16xi1>
      %eq3A_324 = arith.constant 1 : i32
      %eq3A_325 = vector.broadcast %eq3A_324 : i32 to vector<16xi32>
      %eq3A_326 = arith.cmpi eq, %iota3A, %eq3A_325 : vector<16xi32>
      tpu.vector_store_idx %arg5[%get3A_320, %get3A_318], %broadcast_in_dim3A_5 masked %eq3A_326 {add = true} : memref<64x64xf32, #tpu.memory_space<vmem>>[vector<16xi32>, vector<16xi32>], vector<16xf32>, vector<16xi1>
      %eq3A_327 = arith.constant 2 : i32
      %eq3A_328 = vector.broadcast %eq3A_327 : i32 to vector<16xi32>
      %eq3A_329 = arith.cmpi eq, %iota3A, %eq3A_328 : vector<16xi32>
      tpu.vector_store_idx %arg5[%get3A_320, %get3A_318], %broadcast_in_dim3A_5 masked %eq3A_329 {add = true} : memref<64x64xf32, #tpu.memory_space<vmem>>[vector<16xi32>, vector<16xi32>], vector<16xf32>, vector<16xi1>
      %eq3A_330 = arith.constant 3 : i32
      %eq3A_331 = vector.broadcast %eq3A_330 : i32 to vector<16xi32>
      %eq3A_332 = arith.cmpi eq, %iota3A, %eq3A_331 : vector<16xi32>
      tpu.vector_store_idx %arg5[%get3A_320, %get3A_318], %broadcast_in_dim3A_5 masked %eq3A_332 {add = true} : memref<64x64xf32, #tpu.memory_space<vmem>>[vector<16xi32>, vector<16xi32>], vector<16xf32>, vector<16xi1>
      %eq3A_333 = arith.constant 4 : i32
      %eq3A_334 = vector.broadcast %eq3A_333 : i32 to vector<16xi32>
      %eq3A_335 = arith.cmpi eq, %iota3A, %eq3A_334 : vector<16xi32>
      tpu.vector_store_idx %arg5[%get3A_320, %get3A_318], %broadcast_in_dim3A_5 masked %eq3A_335 {add = true} : memref<64x64xf32, #tpu.memory_space<vmem>>[vector<16xi32>, vector<16xi32>], vector<16xf32>, vector<16xi1>
      %eq3A_336 = arith.constant 5 : i32
      %eq3A_337 = vector.broadcast %eq3A_336 : i32 to vector<16xi32>
      %eq3A_338 = arith.cmpi eq, %iota3A, %eq3A_337 : vector<16xi32>
      tpu.vector_store_idx %arg5[%get3A_320, %get3A_318], %broadcast_in_dim3A_5 masked %eq3A_338 {add = true} : memref<64x64xf32, #tpu.memory_space<vmem>>[vector<16xi32>, vector<16xi32>], vector<16xf32>, vector<16xi1>
      %eq3A_339 = arith.constant 6 : i32
      %eq3A_340 = vector.broadcast %eq3A_339 : i32 to vector<16xi32>
      %eq3A_341 = arith.cmpi eq, %iota3A, %eq3A_340 : vector<16xi32>
      tpu.vector_store_idx %arg5[%get3A_320, %get3A_318], %broadcast_in_dim3A_5 masked %eq3A_341 {add = true} : memref<64x64xf32, #tpu.memory_space<vmem>>[vector<16xi32>, vector<16xi32>], vector<16xf32>, vector<16xi1>
      %eq3A_342 = arith.constant 7 : i32
      %eq3A_343 = vector.broadcast %eq3A_342 : i32 to vector<16xi32>
      %eq3A_344 = arith.cmpi eq, %iota3A, %eq3A_343 : vector<16xi32>
      tpu.vector_store_idx %arg5[%get3A_320, %get3A_318], %broadcast_in_dim3A_5 masked %eq3A_344 {add = true} : memref<64x64xf32, #tpu.memory_space<vmem>>[vector<16xi32>, vector<16xi32>], vector<16xf32>, vector<16xi1>
      %eq3A_345 = arith.constant 8 : i32
      %eq3A_346 = vector.broadcast %eq3A_345 : i32 to vector<16xi32>
      %eq3A_347 = arith.cmpi eq, %iota3A, %eq3A_346 : vector<16xi32>
      tpu.vector_store_idx %arg5[%get3A_320, %get3A_318], %broadcast_in_dim3A_5 masked %eq3A_347 {add = true} : memref<64x64xf32, #tpu.memory_space<vmem>>[vector<16xi32>, vector<16xi32>], vector<16xf32>, vector<16xi1>
      %eq3A_348 = arith.constant 9 : i32
      %eq3A_349 = vector.broadcast %eq3A_348 : i32 to vector<16xi32>
      %eq3A_350 = arith.cmpi eq, %iota3A, %eq3A_349 : vector<16xi32>
      tpu.vector_store_idx %arg5[%get3A_320, %get3A_318], %broadcast_in_dim3A_5 masked %eq3A_350 {add = true} : memref<64x64xf32, #tpu.memory_space<vmem>>[vector<16xi32>, vector<16xi32>], vector<16xf32>, vector<16xi1>
      %eq3A_351 = arith.constant 10 : i32
      %eq3A_352 = vector.broadcast %eq3A_351 : i32 to vector<16xi32>
      %eq3A_353 = arith.cmpi eq, %iota3A, %eq3A_352 : vector<16xi32>
      tpu.vector_store_idx %arg5[%get3A_320, %get3A_318], %broadcast_in_dim3A_5 masked %eq3A_353 {add = true} : memref<64x64xf32, #tpu.memory_space<vmem>>[vector<16xi32>, vector<16xi32>], vector<16xf32>, vector<16xi1>
      %eq3A_354 = arith.constant 11 : i32
      %eq3A_355 = vector.broadcast %eq3A_354 : i32 to vector<16xi32>
      %eq3A_356 = arith.cmpi eq, %iota3A, %eq3A_355 : vector<16xi32>
      tpu.vector_store_idx %arg5[%get3A_320, %get3A_318], %broadcast_in_dim3A_5 masked %eq3A_356 {add = true} : memref<64x64xf32, #tpu.memory_space<vmem>>[vector<16xi32>, vector<16xi32>], vector<16xf32>, vector<16xi1>
      %eq3A_357 = arith.constant 12 : i32
      %eq3A_358 = vector.broadcast %eq3A_357 : i32 to vector<16xi32>
      %eq3A_359 = arith.cmpi eq, %iota3A, %eq3A_358 : vector<16xi32>
      tpu.vector_store_idx %arg5[%get3A_320, %get3A_318], %broadcast_in_dim3A_5 masked %eq3A_359 {add = true} : memref<64x64xf32, #tpu.memory_space<vmem>>[vector<16xi32>, vector<16xi32>], vector<16xf32>, vector<16xi1>
      %eq3A_360 = arith.constant 13 : i32
      %eq3A_361 = vector.broadcast %eq3A_360 : i32 to vector<16xi32>
      %eq3A_362 = arith.cmpi eq, %iota3A, %eq3A_361 : vector<16xi32>
      tpu.vector_store_idx %arg5[%get3A_320, %get3A_318], %broadcast_in_dim3A_5 masked %eq3A_362 {add = true} : memref<64x64xf32, #tpu.memory_space<vmem>>[vector<16xi32>, vector<16xi32>], vector<16xf32>, vector<16xi1>
      %eq3A_363 = arith.constant 14 : i32
      %eq3A_364 = vector.broadcast %eq3A_363 : i32 to vector<16xi32>
      %eq3A_365 = arith.cmpi eq, %iota3A, %eq3A_364 : vector<16xi32>
      tpu.vector_store_idx %arg5[%get3A_320, %get3A_318], %broadcast_in_dim3A_5 masked %eq3A_365 {add = true} : memref<64x64xf32, #tpu.memory_space<vmem>>[vector<16xi32>, vector<16xi32>], vector<16xf32>, vector<16xi1>
      %eq3A_366 = arith.constant 15 : i32
      %eq3A_367 = vector.broadcast %eq3A_366 : i32 to vector<16xi32>
      %eq3A_368 = arith.cmpi eq, %iota3A, %eq3A_367 : vector<16xi32>
      tpu.vector_store_idx %arg5[%get3A_320, %get3A_318], %broadcast_in_dim3A_5 masked %eq3A_368 {add = true} : memref<64x64xf32, #tpu.memory_space<vmem>>[vector<16xi32>, vector<16xi32>], vector<16xf32>, vector<16xi1>
      %get3A_369 = arith.constant 112 : index
      %get3A_370 = tpu.vector_load %arg6[%get3A_369] {strides = array<i32>} : memref<384xi32, #tpu.memory_space<vmem>>, vector<16xi32>,
      %get3A_371 = arith.constant 112 : index
      %get3A_372 = tpu.vector_load %arg7[%get3A_371] {strides = array<i32>} : memref<384xi32, #tpu.memory_space<vmem>>, vector<16xi32>,
      %eq3A_373 = arith.constant 0 : i32
      %eq3A_374 = vector.broadcast %eq3A_373 : i32 to vector<16xi32>
      %eq3A_375 = arith.cmpi eq, %iota3A, %eq3A_374 : vector<16xi32>
      tpu.vector_store_idx %arg5[%get3A_372, %get3A_370], %broadcast_in_dim3A_5 masked %eq3A_375 {add = true} : memref<64x64xf32, #tpu.memory_space<vmem>>[vector<16xi32>, vector<16xi32>], vector<16xf32>, vector<16xi1>
      %eq3A_376 = arith.constant 1 : i32
      %eq3A_377 = vector.broadcast %eq3A_376 : i32 to vector<16xi32>
      %eq3A_378 = arith.cmpi eq, %iota3A, %eq3A_377 : vector<16xi32>
      tpu.vector_store_idx %arg5[%get3A_372, %get3A_370], %broadcast_in_dim3A_5 masked %eq3A_378 {add = true} : memref<64x64xf32, #tpu.memory_space<vmem>>[vector<16xi32>, vector<16xi32>], vector<16xf32>, vector<16xi1>
      %eq3A_379 = arith.constant 2 : i32
      %eq3A_380 = vector.broadcast %eq3A_379 : i32 to vector<16xi32>
      %eq3A_381 = arith.cmpi eq, %iota3A, %eq3A_380 : vector<16xi32>
      tpu.vector_store_idx %arg5[%get3A_372, %get3A_370], %broadcast_in_dim3A_5 masked %eq3A_381 {add = true} : memref<64x64xf32, #tpu.memory_space<vmem>>[vector<16xi32>, vector<16xi32>], vector<16xf32>, vector<16xi1>
      %eq3A_382 = arith.constant 3 : i32
      %eq3A_383 = vector.broadcast %eq3A_382 : i32 to vector<16xi32>
      %eq3A_384 = arith.cmpi eq, %iota3A, %eq3A_383 : vector<16xi32>
      tpu.vector_store_idx %arg5[%get3A_372, %get3A_370], %broadcast_in_dim3A_5 masked %eq3A_384 {add = true} : memref<64x64xf32, #tpu.memory_space<vmem>>[vector<16xi32>, vector<16xi32>], vector<16xf32>, vector<16xi1>
      %eq3A_385 = arith.constant 4 : i32
      %eq3A_386 = vector.broadcast %eq3A_385 : i32 to vector<16xi32>
      %eq3A_387 = arith.cmpi eq, %iota3A, %eq3A_386 : vector<16xi32>
      tpu.vector_store_idx %arg5[%get3A_372, %get3A_370], %broadcast_in_dim3A_5 masked %eq3A_387 {add = true} : memref<64x64xf32, #tpu.memory_space<vmem>>[vector<16xi32>, vector<16xi32>], vector<16xf32>, vector<16xi1>
      %eq3A_388 = arith.constant 5 : i32
      %eq3A_389 = vector.broadcast %eq3A_388 : i32 to vector<16xi32>
      %eq3A_390 = arith.cmpi eq, %iota3A, %eq3A_389 : vector<16xi32>
      tpu.vector_store_idx %arg5[%get3A_372, %get3A_370], %broadcast_in_dim3A_5 masked %eq3A_390 {add = true} : memref<64x64xf32, #tpu.memory_space<vmem>>[vector<16xi32>, vector<16xi32>], vector<16xf32>, vector<16xi1>
      %eq3A_391 = arith.constant 6 : i32
      %eq3A_392 = vector.broadcast %eq3A_391 : i32 to vector<16xi32>
      %eq3A_393 = arith.cmpi eq, %iota3A, %eq3A_392 : vector<16xi32>
      tpu.vector_store_idx %arg5[%get3A_372, %get3A_370], %broadcast_in_dim3A_5 masked %eq3A_393 {add = true} : memref<64x64xf32, #tpu.memory_space<vmem>>[vector<16xi32>, vector<16xi32>], vector<16xf32>, vector<16xi1>
      %eq3A_394 = arith.constant 7 : i32
      %eq3A_395 = vector.broadcast %eq3A_394 : i32 to vector<16xi32>
      %eq3A_396 = arith.cmpi eq, %iota3A, %eq3A_395 : vector<16xi32>
      tpu.vector_store_idx %arg5[%get3A_372, %get3A_370], %broadcast_in_dim3A_5 masked %eq3A_396 {add = true} : memref<64x64xf32, #tpu.memory_space<vmem>>[vector<16xi32>, vector<16xi32>], vector<16xf32>, vector<16xi1>
      %eq3A_397 = arith.constant 8 : i32
      %eq3A_398 = vector.broadcast %eq3A_397 : i32 to vector<16xi32>
      %eq3A_399 = arith.cmpi eq, %iota3A, %eq3A_398 : vector<16xi32>
      tpu.vector_store_idx %arg5[%get3A_372, %get3A_370], %broadcast_in_dim3A_5 masked %eq3A_399 {add = true} : memref<64x64xf32, #tpu.memory_space<vmem>>[vector<16xi32>, vector<16xi32>], vector<16xf32>, vector<16xi1>
      %eq3A_400 = arith.constant 9 : i32
      %eq3A_401 = vector.broadcast %eq3A_400 : i32 to vector<16xi32>
      %eq3A_402 = arith.cmpi eq, %iota3A, %eq3A_401 : vector<16xi32>
      tpu.vector_store_idx %arg5[%get3A_372, %get3A_370], %broadcast_in_dim3A_5 masked %eq3A_402 {add = true} : memref<64x64xf32, #tpu.memory_space<vmem>>[vector<16xi32>, vector<16xi32>], vector<16xf32>, vector<16xi1>
      %eq3A_403 = arith.constant 10 : i32
      %eq3A_404 = vector.broadcast %eq3A_403 : i32 to vector<16xi32>
      %eq3A_405 = arith.cmpi eq, %iota3A, %eq3A_404 : vector<16xi32>
      tpu.vector_store_idx %arg5[%get3A_372, %get3A_370], %broadcast_in_dim3A_5 masked %eq3A_405 {add = true} : memref<64x64xf32, #tpu.memory_space<vmem>>[vector<16xi32>, vector<16xi32>], vector<16xf32>, vector<16xi1>
      %eq3A_406 = arith.constant 11 : i32
      %eq3A_407 = vector.broadcast %eq3A_406 : i32 to vector<16xi32>
      %eq3A_408 = arith.cmpi eq, %iota3A, %eq3A_407 : vector<16xi32>
      tpu.vector_store_idx %arg5[%get3A_372, %get3A_370], %broadcast_in_dim3A_5 masked %eq3A_408 {add = true} : memref<64x64xf32, #tpu.memory_space<vmem>>[vector<16xi32>, vector<16xi32>], vector<16xf32>, vector<16xi1>
      %eq3A_409 = arith.constant 12 : i32
      %eq3A_410 = vector.broadcast %eq3A_409 : i32 to vector<16xi32>
      %eq3A_411 = arith.cmpi eq, %iota3A, %eq3A_410 : vector<16xi32>
      tpu.vector_store_idx %arg5[%get3A_372, %get3A_370], %broadcast_in_dim3A_5 masked %eq3A_411 {add = true} : memref<64x64xf32, #tpu.memory_space<vmem>>[vector<16xi32>, vector<16xi32>], vector<16xf32>, vector<16xi1>
      %eq3A_412 = arith.constant 13 : i32
      %eq3A_413 = vector.broadcast %eq3A_412 : i32 to vector<16xi32>
      %eq3A_414 = arith.cmpi eq, %iota3A, %eq3A_413 : vector<16xi32>
      tpu.vector_store_idx %arg5[%get3A_372, %get3A_370], %broadcast_in_dim3A_5 masked %eq3A_414 {add = true} : memref<64x64xf32, #tpu.memory_space<vmem>>[vector<16xi32>, vector<16xi32>], vector<16xf32>, vector<16xi1>
      %eq3A_415 = arith.constant 14 : i32
      %eq3A_416 = vector.broadcast %eq3A_415 : i32 to vector<16xi32>
      %eq3A_417 = arith.cmpi eq, %iota3A, %eq3A_416 : vector<16xi32>
      tpu.vector_store_idx %arg5[%get3A_372, %get3A_370], %broadcast_in_dim3A_5 masked %eq3A_417 {add = true} : memref<64x64xf32, #tpu.memory_space<vmem>>[vector<16xi32>, vector<16xi32>], vector<16xf32>, vector<16xi1>
      %eq3A_418 = arith.constant 15 : i32
      %eq3A_419 = vector.broadcast %eq3A_418 : i32 to vector<16xi32>
      %eq3A_420 = arith.cmpi eq, %iota3A, %eq3A_419 : vector<16xi32>
      tpu.vector_store_idx %arg5[%get3A_372, %get3A_370], %broadcast_in_dim3A_5 masked %eq3A_420 {add = true} : memref<64x64xf32, #tpu.memory_space<vmem>>[vector<16xi32>, vector<16xi32>], vector<16xf32>, vector<16xi1>
      %get3A_421 = arith.constant 128 : index
      %get3A_422 = tpu.vector_load %arg6[%get3A_421] {strides = array<i32>} : memref<384xi32, #tpu.memory_space<vmem>>, vector<16xi32>,
      %get3A_423 = arith.constant 128 : index
      %get3A_424 = tpu.vector_load %arg7[%get3A_423] {strides = array<i32>} : memref<384xi32, #tpu.memory_space<vmem>>, vector<16xi32>,
      %eq3A_425 = arith.constant 0 : i32
      %eq3A_426 = vector.broadcast %eq3A_425 : i32 to vector<16xi32>
      %eq3A_427 = arith.cmpi eq, %iota3A, %eq3A_426 : vector<16xi32>
      tpu.vector_store_idx %arg5[%get3A_424, %get3A_422], %broadcast_in_dim3A_5 masked %eq3A_427 {add = true} : memref<64x64xf32, #tpu.memory_space<vmem>>[vector<16xi32>, vector<16xi32>], vector<16xf32>, vector<16xi1>
      %eq3A_428 = arith.constant 1 : i32
      %eq3A_429 = vector.broadcast %eq3A_428 : i32 to vector<16xi32>
      %eq3A_430 = arith.cmpi eq, %iota3A, %eq3A_429 : vector<16xi32>
      tpu.vector_store_idx %arg5[%get3A_424, %get3A_422], %broadcast_in_dim3A_5 masked %eq3A_430 {add = true} : memref<64x64xf32, #tpu.memory_space<vmem>>[vector<16xi32>, vector<16xi32>], vector<16xf32>, vector<16xi1>
      %eq3A_431 = arith.constant 2 : i32
      %eq3A_432 = vector.broadcast %eq3A_431 : i32 to vector<16xi32>
      %eq3A_433 = arith.cmpi eq, %iota3A, %eq3A_432 : vector<16xi32>
      tpu.vector_store_idx %arg5[%get3A_424, %get3A_422], %broadcast_in_dim3A_5 masked %eq3A_433 {add = true} : memref<64x64xf32, #tpu.memory_space<vmem>>[vector<16xi32>, vector<16xi32>], vector<16xf32>, vector<16xi1>
      %eq3A_434 = arith.constant 3 : i32
      %eq3A_435 = vector.broadcast %eq3A_434 : i32 to vector<16xi32>
      %eq3A_436 = arith.cmpi eq, %iota3A, %eq3A_435 : vector<16xi32>
      tpu.vector_store_idx %arg5[%get3A_424, %get3A_422], %broadcast_in_dim3A_5 masked %eq3A_436 {add = true} : memref<64x64xf32, #tpu.memory_space<vmem>>[vector<16xi32>, vector<16xi32>], vector<16xf32>, vector<16xi1>
      %eq3A_437 = arith.constant 4 : i32
      %eq3A_438 = vector.broadcast %eq3A_437 : i32 to vector<16xi32>
      %eq3A_439 = arith.cmpi eq, %iota3A, %eq3A_438 : vector<16xi32>
      tpu.vector_store_idx %arg5[%get3A_424, %get3A_422], %broadcast_in_dim3A_5 masked %eq3A_439 {add = true} : memref<64x64xf32, #tpu.memory_space<vmem>>[vector<16xi32>, vector<16xi32>], vector<16xf32>, vector<16xi1>
      %eq3A_440 = arith.constant 5 : i32
      %eq3A_441 = vector.broadcast %eq3A_440 : i32 to vector<16xi32>
      %eq3A_442 = arith.cmpi eq, %iota3A, %eq3A_441 : vector<16xi32>
      tpu.vector_store_idx %arg5[%get3A_424, %get3A_422], %broadcast_in_dim3A_5 masked %eq3A_442 {add = true} : memref<64x64xf32, #tpu.memory_space<vmem>>[vector<16xi32>, vector<16xi32>], vector<16xf32>, vector<16xi1>
      %eq3A_443 = arith.constant 6 : i32
      %eq3A_444 = vector.broadcast %eq3A_443 : i32 to vector<16xi32>
      %eq3A_445 = arith.cmpi eq, %iota3A, %eq3A_444 : vector<16xi32>
      tpu.vector_store_idx %arg5[%get3A_424, %get3A_422], %broadcast_in_dim3A_5 masked %eq3A_445 {add = true} : memref<64x64xf32, #tpu.memory_space<vmem>>[vector<16xi32>, vector<16xi32>], vector<16xf32>, vector<16xi1>
      %eq3A_446 = arith.constant 7 : i32
      %eq3A_447 = vector.broadcast %eq3A_446 : i32 to vector<16xi32>
      %eq3A_448 = arith.cmpi eq, %iota3A, %eq3A_447 : vector<16xi32>
      tpu.vector_store_idx %arg5[%get3A_424, %get3A_422], %broadcast_in_dim3A_5 masked %eq3A_448 {add = true} : memref<64x64xf32, #tpu.memory_space<vmem>>[vector<16xi32>, vector<16xi32>], vector<16xf32>, vector<16xi1>
      %eq3A_449 = arith.constant 8 : i32
      %eq3A_450 = vector.broadcast %eq3A_449 : i32 to vector<16xi32>
      %eq3A_451 = arith.cmpi eq, %iota3A, %eq3A_450 : vector<16xi32>
      tpu.vector_store_idx %arg5[%get3A_424, %get3A_422], %broadcast_in_dim3A_5 masked %eq3A_451 {add = true} : memref<64x64xf32, #tpu.memory_space<vmem>>[vector<16xi32>, vector<16xi32>], vector<16xf32>, vector<16xi1>
      %eq3A_452 = arith.constant 9 : i32
      %eq3A_453 = vector.broadcast %eq3A_452 : i32 to vector<16xi32>
      %eq3A_454 = arith.cmpi eq, %iota3A, %eq3A_453 : vector<16xi32>
      tpu.vector_store_idx %arg5[%get3A_424, %get3A_422], %broadcast_in_dim3A_5 masked %eq3A_454 {add = true} : memref<64x64xf32, #tpu.memory_space<vmem>>[vector<16xi32>, vector<16xi32>], vector<16xf32>, vector<16xi1>
      %eq3A_455 = arith.constant 10 : i32
      %eq3A_456 = vector.broadcast %eq3A_455 : i32 to vector<16xi32>
      %eq3A_457 = arith.cmpi eq, %iota3A, %eq3A_456 : vector<16xi32>
      tpu.vector_store_idx %arg5[%get3A_424, %get3A_422], %broadcast_in_dim3A_5 masked %eq3A_457 {add = true} : memref<64x64xf32, #tpu.memory_space<vmem>>[vector<16xi32>, vector<16xi32>], vector<16xf32>, vector<16xi1>
      %eq3A_458 = arith.constant 11 : i32
      %eq3A_459 = vector.broadcast %eq3A_458 : i32 to vector<16xi32>
      %eq3A_460 = arith.cmpi eq, %iota3A, %eq3A_459 : vector<16xi32>
      tpu.vector_store_idx %arg5[%get3A_424, %get3A_422], %broadcast_in_dim3A_5 masked %eq3A_460 {add = true} : memref<64x64xf32, #tpu.memory_space<vmem>>[vector<16xi32>, vector<16xi32>], vector<16xf32>, vector<16xi1>
      %eq3A_461 = arith.constant 12 : i32
      %eq3A_462 = vector.broadcast %eq3A_461 : i32 to vector<16xi32>
      %eq3A_463 = arith.cmpi eq, %iota3A, %eq3A_462 : vector<16xi32>
      tpu.vector_store_idx %arg5[%get3A_424, %get3A_422], %broadcast_in_dim3A_5 masked %eq3A_463 {add = true} : memref<64x64xf32, #tpu.memory_space<vmem>>[vector<16xi32>, vector<16xi32>], vector<16xf32>, vector<16xi1>
      %eq3A_464 = arith.constant 13 : i32
      %eq3A_465 = vector.broadcast %eq3A_464 : i32 to vector<16xi32>
      %eq3A_466 = arith.cmpi eq, %iota3A, %eq3A_465 : vector<16xi32>
      tpu.vector_store_idx %arg5[%get3A_424, %get3A_422], %broadcast_in_dim3A_5 masked %eq3A_466 {add = true} : memref<64x64xf32, #tpu.memory_space<vmem>>[vector<16xi32>, vector<16xi32>], vector<16xf32>, vector<16xi1>
      %eq3A_467 = arith.constant 14 : i32
      %eq3A_468 = vector.broadcast %eq3A_467 : i32 to vector<16xi32>
      %eq3A_469 = arith.cmpi eq, %iota3A, %eq3A_468 : vector<16xi32>
      tpu.vector_store_idx %arg5[%get3A_424, %get3A_422], %broadcast_in_dim3A_5 masked %eq3A_469 {add = true} : memref<64x64xf32, #tpu.memory_space<vmem>>[vector<16xi32>, vector<16xi32>], vector<16xf32>, vector<16xi1>
      %eq3A_470 = arith.constant 15 : i32
      %eq3A_471 = vector.broadcast %eq3A_470 : i32 to vector<16xi32>
      %eq3A_472 = arith.cmpi eq, %iota3A, %eq3A_471 : vector<16xi32>
      tpu.vector_store_idx %arg5[%get3A_424, %get3A_422], %broadcast_in_dim3A_5 masked %eq3A_472 {add = true} : memref<64x64xf32, #tpu.memory_space<vmem>>[vector<16xi32>, vector<16xi32>], vector<16xf32>, vector<16xi1>
      %get3A_473 = arith.constant 144 : index
      %get3A_474 = tpu.vector_load %arg6[%get3A_473] {strides = array<i32>} : memref<384xi32, #tpu.memory_space<vmem>>, vector<16xi32>,
      %get3A_475 = arith.constant 144 : index
      %get3A_476 = tpu.vector_load %arg7[%get3A_475] {strides = array<i32>} : memref<384xi32, #tpu.memory_space<vmem>>, vector<16xi32>,
      %eq3A_477 = arith.constant 0 : i32
      %eq3A_478 = vector.broadcast %eq3A_477 : i32 to vector<16xi32>
      %eq3A_479 = arith.cmpi eq, %iota3A, %eq3A_478 : vector<16xi32>
      tpu.vector_store_idx %arg5[%get3A_476, %get3A_474], %broadcast_in_dim3A_5 masked %eq3A_479 {add = true} : memref<64x64xf32, #tpu.memory_space<vmem>>[vector<16xi32>, vector<16xi32>], vector<16xf32>, vector<16xi1>
      %eq3A_480 = arith.constant 1 : i32
      %eq3A_481 = vector.broadcast %eq3A_480 : i32 to vector<16xi32>
      %eq3A_482 = arith.cmpi eq, %iota3A, %eq3A_481 : vector<16xi32>
      tpu.vector_store_idx %arg5[%get3A_476, %get3A_474], %broadcast_in_dim3A_5 masked %eq3A_482 {add = true} : memref<64x64xf32, #tpu.memory_space<vmem>>[vector<16xi32>, vector<16xi32>], vector<16xf32>, vector<16xi1>
      %eq3A_483 = arith.constant 2 : i32
      %eq3A_484 = vector.broadcast %eq3A_483 : i32 to vector<16xi32>
      %eq3A_485 = arith.cmpi eq, %iota3A, %eq3A_484 : vector<16xi32>
      tpu.vector_store_idx %arg5[%get3A_476, %get3A_474], %broadcast_in_dim3A_5 masked %eq3A_485 {add = true} : memref<64x64xf32, #tpu.memory_space<vmem>>[vector<16xi32>, vector<16xi32>], vector<16xf32>, vector<16xi1>
      %eq3A_486 = arith.constant 3 : i32
      %eq3A_487 = vector.broadcast %eq3A_486 : i32 to vector<16xi32>
      %eq3A_488 = arith.cmpi eq, %iota3A, %eq3A_487 : vector<16xi32>
      tpu.vector_store_idx %arg5[%get3A_476, %get3A_474], %broadcast_in_dim3A_5 masked %eq3A_488 {add = true} : memref<64x64xf32, #tpu.memory_space<vmem>>[vector<16xi32>, vector<16xi32>], vector<16xf32>, vector<16xi1>
      %eq3A_489 = arith.constant 4 : i32
      %eq3A_490 = vector.broadcast %eq3A_489 : i32 to vector<16xi32>
      %eq3A_491 = arith.cmpi eq, %iota3A, %eq3A_490 : vector<16xi32>
      tpu.vector_store_idx %arg5[%get3A_476, %get3A_474], %broadcast_in_dim3A_5 masked %eq3A_491 {add = true} : memref<64x64xf32, #tpu.memory_space<vmem>>[vector<16xi32>, vector<16xi32>], vector<16xf32>, vector<16xi1>
      %eq3A_492 = arith.constant 5 : i32
      %eq3A_493 = vector.broadcast %eq3A_492 : i32 to vector<16xi32>
      %eq3A_494 = arith.cmpi eq, %iota3A, %eq3A_493 : vector<16xi32>
      tpu.vector_store_idx %arg5[%get3A_476, %get3A_474], %broadcast_in_dim3A_5 masked %eq3A_494 {add = true} : memref<64x64xf32, #tpu.memory_space<vmem>>[vector<16xi32>, vector<16xi32>], vector<16xf32>, vector<16xi1>
      %eq3A_495 = arith.constant 6 : i32
      %eq3A_496 = vector.broadcast %eq3A_495 : i32 to vector<16xi32>
      %eq3A_497 = arith.cmpi eq, %iota3A, %eq3A_496 : vector<16xi32>
      tpu.vector_store_idx %arg5[%get3A_476, %get3A_474], %broadcast_in_dim3A_5 masked %eq3A_497 {add = true} : memref<64x64xf32, #tpu.memory_space<vmem>>[vector<16xi32>, vector<16xi32>], vector<16xf32>, vector<16xi1>
      %eq3A_498 = arith.constant 7 : i32
      %eq3A_499 = vector.broadcast %eq3A_498 : i32 to vector<16xi32>
      %eq3A_500 = arith.cmpi eq, %iota3A, %eq3A_499 : vector<16xi32>
      tpu.vector_store_idx %arg5[%get3A_476, %get3A_474], %broadcast_in_dim3A_5 masked %eq3A_500 {add = true} : memref<64x64xf32, #tpu.memory_space<vmem>>[vector<16xi32>, vector<16xi32>], vector<16xf32>, vector<16xi1>
      %eq3A_501 = arith.constant 8 : i32
      %eq3A_502 = vector.broadcast %eq3A_501 : i32 to vector<16xi32>
      %eq3A_503 = arith.cmpi eq, %iota3A, %eq3A_502 : vector<16xi32>
      tpu.vector_store_idx %arg5[%get3A_476, %get3A_474], %broadcast_in_dim3A_5 masked %eq3A_503 {add = true} : memref<64x64xf32, #tpu.memory_space<vmem>>[vector<16xi32>, vector<16xi32>], vector<16xf32>, vector<16xi1>
      %eq3A_504 = arith.constant 9 : i32
      %eq3A_505 = vector.broadcast %eq3A_504 : i32 to vector<16xi32>
      %eq3A_506 = arith.cmpi eq, %iota3A, %eq3A_505 : vector<16xi32>
      tpu.vector_store_idx %arg5[%get3A_476, %get3A_474], %broadcast_in_dim3A_5 masked %eq3A_506 {add = true} : memref<64x64xf32, #tpu.memory_space<vmem>>[vector<16xi32>, vector<16xi32>], vector<16xf32>, vector<16xi1>
      %eq3A_507 = arith.constant 10 : i32
      %eq3A_508 = vector.broadcast %eq3A_507 : i32 to vector<16xi32>
      %eq3A_509 = arith.cmpi eq, %iota3A, %eq3A_508 : vector<16xi32>
      tpu.vector_store_idx %arg5[%get3A_476, %get3A_474], %broadcast_in_dim3A_5 masked %eq3A_509 {add = true} : memref<64x64xf32, #tpu.memory_space<vmem>>[vector<16xi32>, vector<16xi32>], vector<16xf32>, vector<16xi1>
      %eq3A_510 = arith.constant 11 : i32
      %eq3A_511 = vector.broadcast %eq3A_510 : i32 to vector<16xi32>
      %eq3A_512 = arith.cmpi eq, %iota3A, %eq3A_511 : vector<16xi32>
      tpu.vector_store_idx %arg5[%get3A_476, %get3A_474], %broadcast_in_dim3A_5 masked %eq3A_512 {add = true} : memref<64x64xf32, #tpu.memory_space<vmem>>[vector<16xi32>, vector<16xi32>], vector<16xf32>, vector<16xi1>
      %eq3A_513 = arith.constant 12 : i32
      %eq3A_514 = vector.broadcast %eq3A_513 : i32 to vector<16xi32>
      %eq3A_515 = arith.cmpi eq, %iota3A, %eq3A_514 : vector<16xi32>
      tpu.vector_store_idx %arg5[%get3A_476, %get3A_474], %broadcast_in_dim3A_5 masked %eq3A_515 {add = true} : memref<64x64xf32, #tpu.memory_space<vmem>>[vector<16xi32>, vector<16xi32>], vector<16xf32>, vector<16xi1>
      %eq3A_516 = arith.constant 13 : i32
      %eq3A_517 = vector.broadcast %eq3A_516 : i32 to vector<16xi32>
      %eq3A_518 = arith.cmpi eq, %iota3A, %eq3A_517 : vector<16xi32>
      tpu.vector_store_idx %arg5[%get3A_476, %get3A_474], %broadcast_in_dim3A_5 masked %eq3A_518 {add = true} : memref<64x64xf32, #tpu.memory_space<vmem>>[vector<16xi32>, vector<16xi32>], vector<16xf32>, vector<16xi1>
      %eq3A_519 = arith.constant 14 : i32
      %eq3A_520 = vector.broadcast %eq3A_519 : i32 to vector<16xi32>
      %eq3A_521 = arith.cmpi eq, %iota3A, %eq3A_520 : vector<16xi32>
      tpu.vector_store_idx %arg5[%get3A_476, %get3A_474], %broadcast_in_dim3A_5 masked %eq3A_521 {add = true} : memref<64x64xf32, #tpu.memory_space<vmem>>[vector<16xi32>, vector<16xi32>], vector<16xf32>, vector<16xi1>
      %eq3A_522 = arith.constant 15 : i32
      %eq3A_523 = vector.broadcast %eq3A_522 : i32 to vector<16xi32>
      %eq3A_524 = arith.cmpi eq, %iota3A, %eq3A_523 : vector<16xi32>
      tpu.vector_store_idx %arg5[%get3A_476, %get3A_474], %broadcast_in_dim3A_5 masked %eq3A_524 {add = true} : memref<64x64xf32, #tpu.memory_space<vmem>>[vector<16xi32>, vector<16xi32>], vector<16xf32>, vector<16xi1>
      %get3A_525 = arith.constant 160 : index
      %get3A_526 = tpu.vector_load %arg6[%get3A_525] {strides = array<i32>} : memref<384xi32, #tpu.memory_space<vmem>>, vector<16xi32>,
      %get3A_527 = arith.constant 160 : index
      %get3A_528 = tpu.vector_load %arg7[%get3A_527] {strides = array<i32>} : memref<384xi32, #tpu.memory_space<vmem>>, vector<16xi32>,
      %eq3A_529 = arith.constant 0 : i32
      %eq3A_530 = vector.broadcast %eq3A_529 : i32 to vector<16xi32>
      %eq3A_531 = arith.cmpi eq, %iota3A, %eq3A_530 : vector<16xi32>
      tpu.vector_store_idx %arg5[%get3A_528, %get3A_526], %broadcast_in_dim3A_5 masked %eq3A_531 {add = true} : memref<64x64xf32, #tpu.memory_space<vmem>>[vector<16xi32>, vector<16xi32>], vector<16xf32>, vector<16xi1>
      %eq3A_532 = arith.constant 1 : i32
      %eq3A_533 = vector.broadcast %eq3A_532 : i32 to vector<16xi32>
      %eq3A_534 = arith.cmpi eq, %iota3A, %eq3A_533 : vector<16xi32>
      tpu.vector_store_idx %arg5[%get3A_528, %get3A_526], %broadcast_in_dim3A_5 masked %eq3A_534 {add = true} : memref<64x64xf32, #tpu.memory_space<vmem>>[vector<16xi32>, vector<16xi32>], vector<16xf32>, vector<16xi1>
      %eq3A_535 = arith.constant 2 : i32
      %eq3A_536 = vector.broadcast %eq3A_535 : i32 to vector<16xi32>
      %eq3A_537 = arith.cmpi eq, %iota3A, %eq3A_536 : vector<16xi32>
      tpu.vector_store_idx %arg5[%get3A_528, %get3A_526], %broadcast_in_dim3A_5 masked %eq3A_537 {add = true} : memref<64x64xf32, #tpu.memory_space<vmem>>[vector<16xi32>, vector<16xi32>], vector<16xf32>, vector<16xi1>
      %eq3A_538 = arith.constant 3 : i32
      %eq3A_539 = vector.broadcast %eq3A_538 : i32 to vector<16xi32>
      %eq3A_540 = arith.cmpi eq, %iota3A, %eq3A_539 : vector<16xi32>
      tpu.vector_store_idx %arg5[%get3A_528, %get3A_526], %broadcast_in_dim3A_5 masked %eq3A_540 {add = true} : memref<64x64xf32, #tpu.memory_space<vmem>>[vector<16xi32>, vector<16xi32>], vector<16xf32>, vector<16xi1>
      %eq3A_541 = arith.constant 4 : i32
      %eq3A_542 = vector.broadcast %eq3A_541 : i32 to vector<16xi32>
      %eq3A_543 = arith.cmpi eq, %iota3A, %eq3A_542 : vector<16xi32>
      tpu.vector_store_idx %arg5[%get3A_528, %get3A_526], %broadcast_in_dim3A_5 masked %eq3A_543 {add = true} : memref<64x64xf32, #tpu.memory_space<vmem>>[vector<16xi32>, vector<16xi32>], vector<16xf32>, vector<16xi1>
      %eq3A_544 = arith.constant 5 : i32
      %eq3A_545 = vector.broadcast %eq3A_544 : i32 to vector<16xi32>
      %eq3A_546 = arith.cmpi eq, %iota3A, %eq3A_545 : vector<16xi32>
      tpu.vector_store_idx %arg5[%get3A_528, %get3A_526], %broadcast_in_dim3A_5 masked %eq3A_546 {add = true} : memref<64x64xf32, #tpu.memory_space<vmem>>[vector<16xi32>, vector<16xi32>], vector<16xf32>, vector<16xi1>
      %eq3A_547 = arith.constant 6 : i32
      %eq3A_548 = vector.broadcast %eq3A_547 : i32 to vector<16xi32>
      %eq3A_549 = arith.cmpi eq, %iota3A, %eq3A_548 : vector<16xi32>
      tpu.vector_store_idx %arg5[%get3A_528, %get3A_526], %broadcast_in_dim3A_5 masked %eq3A_549 {add = true} : memref<64x64xf32, #tpu.memory_space<vmem>>[vector<16xi32>, vector<16xi32>], vector<16xf32>, vector<16xi1>
      %eq3A_550 = arith.constant 7 : i32
      %eq3A_551 = vector.broadcast %eq3A_550 : i32 to vector<16xi32>
      %eq3A_552 = arith.cmpi eq, %iota3A, %eq3A_551 : vector<16xi32>
      tpu.vector_store_idx %arg5[%get3A_528, %get3A_526], %broadcast_in_dim3A_5 masked %eq3A_552 {add = true} : memref<64x64xf32, #tpu.memory_space<vmem>>[vector<16xi32>, vector<16xi32>], vector<16xf32>, vector<16xi1>
      %eq3A_553 = arith.constant 8 : i32
      %eq3A_554 = vector.broadcast %eq3A_553 : i32 to vector<16xi32>
      %eq3A_555 = arith.cmpi eq, %iota3A, %eq3A_554 : vector<16xi32>
      tpu.vector_store_idx %arg5[%get3A_528, %get3A_526], %broadcast_in_dim3A_5 masked %eq3A_555 {add = true} : memref<64x64xf32, #tpu.memory_space<vmem>>[vector<16xi32>, vector<16xi32>], vector<16xf32>, vector<16xi1>
      %eq3A_556 = arith.constant 9 : i32
      %eq3A_557 = vector.broadcast %eq3A_556 : i32 to vector<16xi32>
      %eq3A_558 = arith.cmpi eq, %iota3A, %eq3A_557 : vector<16xi32>
      tpu.vector_store_idx %arg5[%get3A_528, %get3A_526], %broadcast_in_dim3A_5 masked %eq3A_558 {add = true} : memref<64x64xf32, #tpu.memory_space<vmem>>[vector<16xi32>, vector<16xi32>], vector<16xf32>, vector<16xi1>
      %eq3A_559 = arith.constant 10 : i32
      %eq3A_560 = vector.broadcast %eq3A_559 : i32 to vector<16xi32>
      %eq3A_561 = arith.cmpi eq, %iota3A, %eq3A_560 : vector<16xi32>
      tpu.vector_store_idx %arg5[%get3A_528, %get3A_526], %broadcast_in_dim3A_5 masked %eq3A_561 {add = true} : memref<64x64xf32, #tpu.memory_space<vmem>>[vector<16xi32>, vector<16xi32>], vector<16xf32>, vector<16xi1>
      %eq3A_562 = arith.constant 11 : i32
      %eq3A_563 = vector.broadcast %eq3A_562 : i32 to vector<16xi32>
      %eq3A_564 = arith.cmpi eq, %iota3A, %eq3A_563 : vector<16xi32>
      tpu.vector_store_idx %arg5[%get3A_528, %get3A_526], %broadcast_in_dim3A_5 masked %eq3A_564 {add = true} : memref<64x64xf32, #tpu.memory_space<vmem>>[vector<16xi32>, vector<16xi32>], vector<16xf32>, vector<16xi1>
      %eq3A_565 = arith.constant 12 : i32
      %eq3A_566 = vector.broadcast %eq3A_565 : i32 to vector<16xi32>
      %eq3A_567 = arith.cmpi eq, %iota3A, %eq3A_566 : vector<16xi32>
      tpu.vector_store_idx %arg5[%get3A_528, %get3A_526], %broadcast_in_dim3A_5 masked %eq3A_567 {add = true} : memref<64x64xf32, #tpu.memory_space<vmem>>[vector<16xi32>, vector<16xi32>], vector<16xf32>, vector<16xi1>
      %eq3A_568 = arith.constant 13 : i32
      %eq3A_569 = vector.broadcast %eq3A_568 : i32 to vector<16xi32>
      %eq3A_570 = arith.cmpi eq, %iota3A, %eq3A_569 : vector<16xi32>
      tpu.vector_store_idx %arg5[%get3A_528, %get3A_526], %broadcast_in_dim3A_5 masked %eq3A_570 {add = true} : memref<64x64xf32, #tpu.memory_space<vmem>>[vector<16xi32>, vector<16xi32>], vector<16xf32>, vector<16xi1>
      %eq3A_571 = arith.constant 14 : i32
      %eq3A_572 = vector.broadcast %eq3A_571 : i32 to vector<16xi32>
      %eq3A_573 = arith.cmpi eq, %iota3A, %eq3A_572 : vector<16xi32>
      tpu.vector_store_idx %arg5[%get3A_528, %get3A_526], %broadcast_in_dim3A_5 masked %eq3A_573 {add = true} : memref<64x64xf32, #tpu.memory_space<vmem>>[vector<16xi32>, vector<16xi32>], vector<16xf32>, vector<16xi1>
      %eq3A_574 = arith.constant 15 : i32
      %eq3A_575 = vector.broadcast %eq3A_574 : i32 to vector<16xi32>
      %eq3A_576 = arith.cmpi eq, %iota3A, %eq3A_575 : vector<16xi32>
      tpu.vector_store_idx %arg5[%get3A_528, %get3A_526], %broadcast_in_dim3A_5 masked %eq3A_576 {add = true} : memref<64x64xf32, #tpu.memory_space<vmem>>[vector<16xi32>, vector<16xi32>], vector<16xf32>, vector<16xi1>
      %get3A_577 = arith.constant 176 : index
      %get3A_578 = tpu.vector_load %arg6[%get3A_577] {strides = array<i32>} : memref<384xi32, #tpu.memory_space<vmem>>, vector<16xi32>,
      %get3A_579 = arith.constant 176 : index
      %get3A_580 = tpu.vector_load %arg7[%get3A_579] {strides = array<i32>} : memref<384xi32, #tpu.memory_space<vmem>>, vector<16xi32>,
      %eq3A_581 = arith.constant 0 : i32
      %eq3A_582 = vector.broadcast %eq3A_581 : i32 to vector<16xi32>
      %eq3A_583 = arith.cmpi eq, %iota3A, %eq3A_582 : vector<16xi32>
      tpu.vector_store_idx %arg5[%get3A_580, %get3A_578], %broadcast_in_dim3A_5 masked %eq3A_583 {add = true} : memref<64x64xf32, #tpu.memory_space<vmem>>[vector<16xi32>, vector<16xi32>], vector<16xf32>, vector<16xi1>
      %eq3A_584 = arith.constant 1 : i32
      %eq3A_585 = vector.broadcast %eq3A_584 : i32 to vector<16xi32>
      %eq3A_586 = arith.cmpi eq, %iota3A, %eq3A_585 : vector<16xi32>
      tpu.vector_store_idx %arg5[%get3A_580, %get3A_578], %broadcast_in_dim3A_5 masked %eq3A_586 {add = true} : memref<64x64xf32, #tpu.memory_space<vmem>>[vector<16xi32>, vector<16xi32>], vector<16xf32>, vector<16xi1>
      %eq3A_587 = arith.constant 2 : i32
      %eq3A_588 = vector.broadcast %eq3A_587 : i32 to vector<16xi32>
      %eq3A_589 = arith.cmpi eq, %iota3A, %eq3A_588 : vector<16xi32>
      tpu.vector_store_idx %arg5[%get3A_580, %get3A_578], %broadcast_in_dim3A_5 masked %eq3A_589 {add = true} : memref<64x64xf32, #tpu.memory_space<vmem>>[vector<16xi32>, vector<16xi32>], vector<16xf32>, vector<16xi1>
      %eq3A_590 = arith.constant 3 : i32
      %eq3A_591 = vector.broadcast %eq3A_590 : i32 to vector<16xi32>
      %eq3A_592 = arith.cmpi eq, %iota3A, %eq3A_591 : vector<16xi32>
      tpu.vector_store_idx %arg5[%get3A_580, %get3A_578], %broadcast_in_dim3A_5 masked %eq3A_592 {add = true} : memref<64x64xf32, #tpu.memory_space<vmem>>[vector<16xi32>, vector<16xi32>], vector<16xf32>, vector<16xi1>
      %eq3A_593 = arith.constant 4 : i32
      %eq3A_594 = vector.broadcast %eq3A_593 : i32 to vector<16xi32>
      %eq3A_595 = arith.cmpi eq, %iota3A, %eq3A_594 : vector<16xi32>
      tpu.vector_store_idx %arg5[%get3A_580, %get3A_578], %broadcast_in_dim3A_5 masked %eq3A_595 {add = true} : memref<64x64xf32, #tpu.memory_space<vmem>>[vector<16xi32>, vector<16xi32>], vector<16xf32>, vector<16xi1>
      %eq3A_596 = arith.constant 5 : i32
      %eq3A_597 = vector.broadcast %eq3A_596 : i32 to vector<16xi32>
      %eq3A_598 = arith.cmpi eq, %iota3A, %eq3A_597 : vector<16xi32>
      tpu.vector_store_idx %arg5[%get3A_580, %get3A_578], %broadcast_in_dim3A_5 masked %eq3A_598 {add = true} : memref<64x64xf32, #tpu.memory_space<vmem>>[vector<16xi32>, vector<16xi32>], vector<16xf32>, vector<16xi1>
      %eq3A_599 = arith.constant 6 : i32
      %eq3A_600 = vector.broadcast %eq3A_599 : i32 to vector<16xi32>
      %eq3A_601 = arith.cmpi eq, %iota3A, %eq3A_600 : vector<16xi32>
      tpu.vector_store_idx %arg5[%get3A_580, %get3A_578], %broadcast_in_dim3A_5 masked %eq3A_601 {add = true} : memref<64x64xf32, #tpu.memory_space<vmem>>[vector<16xi32>, vector<16xi32>], vector<16xf32>, vector<16xi1>
      %eq3A_602 = arith.constant 7 : i32
      %eq3A_603 = vector.broadcast %eq3A_602 : i32 to vector<16xi32>
      %eq3A_604 = arith.cmpi eq, %iota3A, %eq3A_603 : vector<16xi32>
      tpu.vector_store_idx %arg5[%get3A_580, %get3A_578], %broadcast_in_dim3A_5 masked %eq3A_604 {add = true} : memref<64x64xf32, #tpu.memory_space<vmem>>[vector<16xi32>, vector<16xi32>], vector<16xf32>, vector<16xi1>
      %eq3A_605 = arith.constant 8 : i32
      %eq3A_606 = vector.broadcast %eq3A_605 : i32 to vector<16xi32>
      %eq3A_607 = arith.cmpi eq, %iota3A, %eq3A_606 : vector<16xi32>
      tpu.vector_store_idx %arg5[%get3A_580, %get3A_578], %broadcast_in_dim3A_5 masked %eq3A_607 {add = true} : memref<64x64xf32, #tpu.memory_space<vmem>>[vector<16xi32>, vector<16xi32>], vector<16xf32>, vector<16xi1>
      %eq3A_608 = arith.constant 9 : i32
      %eq3A_609 = vector.broadcast %eq3A_608 : i32 to vector<16xi32>
      %eq3A_610 = arith.cmpi eq, %iota3A, %eq3A_609 : vector<16xi32>
      tpu.vector_store_idx %arg5[%get3A_580, %get3A_578], %broadcast_in_dim3A_5 masked %eq3A_610 {add = true} : memref<64x64xf32, #tpu.memory_space<vmem>>[vector<16xi32>, vector<16xi32>], vector<16xf32>, vector<16xi1>
      %eq3A_611 = arith.constant 10 : i32
      %eq3A_612 = vector.broadcast %eq3A_611 : i32 to vector<16xi32>
      %eq3A_613 = arith.cmpi eq, %iota3A, %eq3A_612 : vector<16xi32>
      tpu.vector_store_idx %arg5[%get3A_580, %get3A_578], %broadcast_in_dim3A_5 masked %eq3A_613 {add = true} : memref<64x64xf32, #tpu.memory_space<vmem>>[vector<16xi32>, vector<16xi32>], vector<16xf32>, vector<16xi1>
      %eq3A_614 = arith.constant 11 : i32
      %eq3A_615 = vector.broadcast %eq3A_614 : i32 to vector<16xi32>
      %eq3A_616 = arith.cmpi eq, %iota3A, %eq3A_615 : vector<16xi32>
      tpu.vector_store_idx %arg5[%get3A_580, %get3A_578], %broadcast_in_dim3A_5 masked %eq3A_616 {add = true} : memref<64x64xf32, #tpu.memory_space<vmem>>[vector<16xi32>, vector<16xi32>], vector<16xf32>, vector<16xi1>
      %eq3A_617 = arith.constant 12 : i32
      %eq3A_618 = vector.broadcast %eq3A_617 : i32 to vector<16xi32>
      %eq3A_619 = arith.cmpi eq, %iota3A, %eq3A_618 : vector<16xi32>
      tpu.vector_store_idx %arg5[%get3A_580, %get3A_578], %broadcast_in_dim3A_5 masked %eq3A_619 {add = true} : memref<64x64xf32, #tpu.memory_space<vmem>>[vector<16xi32>, vector<16xi32>], vector<16xf32>, vector<16xi1>
      %eq3A_620 = arith.constant 13 : i32
      %eq3A_621 = vector.broadcast %eq3A_620 : i32 to vector<16xi32>
      %eq3A_622 = arith.cmpi eq, %iota3A, %eq3A_621 : vector<16xi32>
      tpu.vector_store_idx %arg5[%get3A_580, %get3A_578], %broadcast_in_dim3A_5 masked %eq3A_622 {add = true} : memref<64x64xf32, #tpu.memory_space<vmem>>[vector<16xi32>, vector<16xi32>], vector<16xf32>, vector<16xi1>
      %eq3A_623 = arith.constant 14 : i32
      %eq3A_624 = vector.broadcast %eq3A_623 : i32 to vector<16xi32>
      %eq3A_625 = arith.cmpi eq, %iota3A, %eq3A_624 : vector<16xi32>
      tpu.vector_store_idx %arg5[%get3A_580, %get3A_578], %broadcast_in_dim3A_5 masked %eq3A_625 {add = true} : memref<64x64xf32, #tpu.memory_space<vmem>>[vector<16xi32>, vector<16xi32>], vector<16xf32>, vector<16xi1>
      %eq3A_626 = arith.constant 15 : i32
      %eq3A_627 = vector.broadcast %eq3A_626 : i32 to vector<16xi32>
      %eq3A_628 = arith.cmpi eq, %iota3A, %eq3A_627 : vector<16xi32>
      tpu.vector_store_idx %arg5[%get3A_580, %get3A_578], %broadcast_in_dim3A_5 masked %eq3A_628 {add = true} : memref<64x64xf32, #tpu.memory_space<vmem>>[vector<16xi32>, vector<16xi32>], vector<16xf32>, vector<16xi1>
      %get3A_629 = arith.constant 192 : index
      %get3A_630 = tpu.vector_load %arg6[%get3A_629] {strides = array<i32>} : memref<384xi32, #tpu.memory_space<vmem>>, vector<16xi32>,
      %get3A_631 = arith.constant 192 : index
      %get3A_632 = tpu.vector_load %arg7[%get3A_631] {strides = array<i32>} : memref<384xi32, #tpu.memory_space<vmem>>, vector<16xi32>,
      %eq3A_633 = arith.constant 0 : i32
      %eq3A_634 = vector.broadcast %eq3A_633 : i32 to vector<16xi32>
      %eq3A_635 = arith.cmpi eq, %iota3A, %eq3A_634 : vector<16xi32>
      tpu.vector_store_idx %arg5[%get3A_632, %get3A_630], %broadcast_in_dim3A_5 masked %eq3A_635 {add = true} : memref<64x64xf32, #tpu.memory_space<vmem>>[vector<16xi32>, vector<16xi32>], vector<16xf32>, vector<16xi1>
      %eq3A_636 = arith.constant 1 : i32
      %eq3A_637 = vector.broadcast %eq3A_636 : i32 to vector<16xi32>
      %eq3A_638 = arith.cmpi eq, %iota3A, %eq3A_637 : vector<16xi32>
      tpu.vector_store_idx %arg5[%get3A_632, %get3A_630], %broadcast_in_dim3A_5 masked %eq3A_638 {add = true} : memref<64x64xf32, #tpu.memory_space<vmem>>[vector<16xi32>, vector<16xi32>], vector<16xf32>, vector<16xi1>
      %eq3A_639 = arith.constant 2 : i32
      %eq3A_640 = vector.broadcast %eq3A_639 : i32 to vector<16xi32>
      %eq3A_641 = arith.cmpi eq, %iota3A, %eq3A_640 : vector<16xi32>
      tpu.vector_store_idx %arg5[%get3A_632, %get3A_630], %broadcast_in_dim3A_5 masked %eq3A_641 {add = true} : memref<64x64xf32, #tpu.memory_space<vmem>>[vector<16xi32>, vector<16xi32>], vector<16xf32>, vector<16xi1>
      %eq3A_642 = arith.constant 3 : i32
      %eq3A_643 = vector.broadcast %eq3A_642 : i32 to vector<16xi32>
      %eq3A_644 = arith.cmpi eq, %iota3A, %eq3A_643 : vector<16xi32>
      tpu.vector_store_idx %arg5[%get3A_632, %get3A_630], %broadcast_in_dim3A_5 masked %eq3A_644 {add = true} : memref<64x64xf32, #tpu.memory_space<vmem>>[vector<16xi32>, vector<16xi32>], vector<16xf32>, vector<16xi1>
      %eq3A_645 = arith.constant 4 : i32
      %eq3A_646 = vector.broadcast %eq3A_645 : i32 to vector<16xi32>
      %eq3A_647 = arith.cmpi eq, %iota3A, %eq3A_646 : vector<16xi32>
      tpu.vector_store_idx %arg5[%get3A_632, %get3A_630], %broadcast_in_dim3A_5 masked %eq3A_647 {add = true} : memref<64x64xf32, #tpu.memory_space<vmem>>[vector<16xi32>, vector<16xi32>], vector<16xf32>, vector<16xi1>
      %eq3A_648 = arith.constant 5 : i32
      %eq3A_649 = vector.broadcast %eq3A_648 : i32 to vector<16xi32>
      %eq3A_650 = arith.cmpi eq, %iota3A, %eq3A_649 : vector<16xi32>
      tpu.vector_store_idx %arg5[%get3A_632, %get3A_630], %broadcast_in_dim3A_5 masked %eq3A_650 {add = true} : memref<64x64xf32, #tpu.memory_space<vmem>>[vector<16xi32>, vector<16xi32>], vector<16xf32>, vector<16xi1>
      %eq3A_651 = arith.constant 6 : i32
      %eq3A_652 = vector.broadcast %eq3A_651 : i32 to vector<16xi32>
      %eq3A_653 = arith.cmpi eq, %iota3A, %eq3A_652 : vector<16xi32>
      tpu.vector_store_idx %arg5[%get3A_632, %get3A_630], %broadcast_in_dim3A_5 masked %eq3A_653 {add = true} : memref<64x64xf32, #tpu.memory_space<vmem>>[vector<16xi32>, vector<16xi32>], vector<16xf32>, vector<16xi1>
      %eq3A_654 = arith.constant 7 : i32
      %eq3A_655 = vector.broadcast %eq3A_654 : i32 to vector<16xi32>
      %eq3A_656 = arith.cmpi eq, %iota3A, %eq3A_655 : vector<16xi32>
      tpu.vector_store_idx %arg5[%get3A_632, %get3A_630], %broadcast_in_dim3A_5 masked %eq3A_656 {add = true} : memref<64x64xf32, #tpu.memory_space<vmem>>[vector<16xi32>, vector<16xi32>], vector<16xf32>, vector<16xi1>
      %eq3A_657 = arith.constant 8 : i32
      %eq3A_658 = vector.broadcast %eq3A_657 : i32 to vector<16xi32>
      %eq3A_659 = arith.cmpi eq, %iota3A, %eq3A_658 : vector<16xi32>
      tpu.vector_store_idx %arg5[%get3A_632, %get3A_630], %broadcast_in_dim3A_5 masked %eq3A_659 {add = true} : memref<64x64xf32, #tpu.memory_space<vmem>>[vector<16xi32>, vector<16xi32>], vector<16xf32>, vector<16xi1>
      %eq3A_660 = arith.constant 9 : i32
      %eq3A_661 = vector.broadcast %eq3A_660 : i32 to vector<16xi32>
      %eq3A_662 = arith.cmpi eq, %iota3A, %eq3A_661 : vector<16xi32>
      tpu.vector_store_idx %arg5[%get3A_632, %get3A_630], %broadcast_in_dim3A_5 masked %eq3A_662 {add = true} : memref<64x64xf32, #tpu.memory_space<vmem>>[vector<16xi32>, vector<16xi32>], vector<16xf32>, vector<16xi1>
      %eq3A_663 = arith.constant 10 : i32
      %eq3A_664 = vector.broadcast %eq3A_663 : i32 to vector<16xi32>
      %eq3A_665 = arith.cmpi eq, %iota3A, %eq3A_664 : vector<16xi32>
      tpu.vector_store_idx %arg5[%get3A_632, %get3A_630], %broadcast_in_dim3A_5 masked %eq3A_665 {add = true} : memref<64x64xf32, #tpu.memory_space<vmem>>[vector<16xi32>, vector<16xi32>], vector<16xf32>, vector<16xi1>
      %eq3A_666 = arith.constant 11 : i32
      %eq3A_667 = vector.broadcast %eq3A_666 : i32 to vector<16xi32>
      %eq3A_668 = arith.cmpi eq, %iota3A, %eq3A_667 : vector<16xi32>
      tpu.vector_store_idx %arg5[%get3A_632, %get3A_630], %broadcast_in_dim3A_5 masked %eq3A_668 {add = true} : memref<64x64xf32, #tpu.memory_space<vmem>>[vector<16xi32>, vector<16xi32>], vector<16xf32>, vector<16xi1>
      %eq3A_669 = arith.constant 12 : i32
      %eq3A_670 = vector.broadcast %eq3A_669 : i32 to vector<16xi32>
      %eq3A_671 = arith.cmpi eq, %iota3A, %eq3A_670 : vector<16xi32>
      tpu.vector_store_idx %arg5[%get3A_632, %get3A_630], %broadcast_in_dim3A_5 masked %eq3A_671 {add = true} : memref<64x64xf32, #tpu.memory_space<vmem>>[vector<16xi32>, vector<16xi32>], vector<16xf32>, vector<16xi1>
      %eq3A_672 = arith.constant 13 : i32
      %eq3A_673 = vector.broadcast %eq3A_672 : i32 to vector<16xi32>
      %eq3A_674 = arith.cmpi eq, %iota3A, %eq3A_673 : vector<16xi32>
      tpu.vector_store_idx %arg5[%get3A_632, %get3A_630], %broadcast_in_dim3A_5 masked %eq3A_674 {add = true} : memref<64x64xf32, #tpu.memory_space<vmem>>[vector<16xi32>, vector<16xi32>], vector<16xf32>, vector<16xi1>
      %eq3A_675 = arith.constant 14 : i32
      %eq3A_676 = vector.broadcast %eq3A_675 : i32 to vector<16xi32>
      %eq3A_677 = arith.cmpi eq, %iota3A, %eq3A_676 : vector<16xi32>
      tpu.vector_store_idx %arg5[%get3A_632, %get3A_630], %broadcast_in_dim3A_5 masked %eq3A_677 {add = true} : memref<64x64xf32, #tpu.memory_space<vmem>>[vector<16xi32>, vector<16xi32>], vector<16xf32>, vector<16xi1>
      %eq3A_678 = arith.constant 15 : i32
      %eq3A_679 = vector.broadcast %eq3A_678 : i32 to vector<16xi32>
      %eq3A_680 = arith.cmpi eq, %iota3A, %eq3A_679 : vector<16xi32>
      tpu.vector_store_idx %arg5[%get3A_632, %get3A_630], %broadcast_in_dim3A_5 masked %eq3A_680 {add = true} : memref<64x64xf32, #tpu.memory_space<vmem>>[vector<16xi32>, vector<16xi32>], vector<16xf32>, vector<16xi1>
      %get3A_681 = arith.constant 208 : index
      %get3A_682 = tpu.vector_load %arg6[%get3A_681] {strides = array<i32>} : memref<384xi32, #tpu.memory_space<vmem>>, vector<16xi32>,
      %get3A_683 = arith.constant 208 : index
      %get3A_684 = tpu.vector_load %arg7[%get3A_683] {strides = array<i32>} : memref<384xi32, #tpu.memory_space<vmem>>, vector<16xi32>,
      %eq3A_685 = arith.constant 0 : i32
      %eq3A_686 = vector.broadcast %eq3A_685 : i32 to vector<16xi32>
      %eq3A_687 = arith.cmpi eq, %iota3A, %eq3A_686 : vector<16xi32>
      tpu.vector_store_idx %arg5[%get3A_684, %get3A_682], %broadcast_in_dim3A_5 masked %eq3A_687 {add = true} : memref<64x64xf32, #tpu.memory_space<vmem>>[vector<16xi32>, vector<16xi32>], vector<16xf32>, vector<16xi1>
      %eq3A_688 = arith.constant 1 : i32
      %eq3A_689 = vector.broadcast %eq3A_688 : i32 to vector<16xi32>
      %eq3A_690 = arith.cmpi eq, %iota3A, %eq3A_689 : vector<16xi32>
      tpu.vector_store_idx %arg5[%get3A_684, %get3A_682], %broadcast_in_dim3A_5 masked %eq3A_690 {add = true} : memref<64x64xf32, #tpu.memory_space<vmem>>[vector<16xi32>, vector<16xi32>], vector<16xf32>, vector<16xi1>
      %eq3A_691 = arith.constant 2 : i32
      %eq3A_692 = vector.broadcast %eq3A_691 : i32 to vector<16xi32>
      %eq3A_693 = arith.cmpi eq, %iota3A, %eq3A_692 : vector<16xi32>
      tpu.vector_store_idx %arg5[%get3A_684, %get3A_682], %broadcast_in_dim3A_5 masked %eq3A_693 {add = true} : memref<64x64xf32, #tpu.memory_space<vmem>>[vector<16xi32>, vector<16xi32>], vector<16xf32>, vector<16xi1>
      %eq3A_694 = arith.constant 3 : i32
      %eq3A_695 = vector.broadcast %eq3A_694 : i32 to vector<16xi32>
      %eq3A_696 = arith.cmpi eq, %iota3A, %eq3A_695 : vector<16xi32>
      tpu.vector_store_idx %arg5[%get3A_684, %get3A_682], %broadcast_in_dim3A_5 masked %eq3A_696 {add = true} : memref<64x64xf32, #tpu.memory_space<vmem>>[vector<16xi32>, vector<16xi32>], vector<16xf32>, vector<16xi1>
      %eq3A_697 = arith.constant 4 : i32
      %eq3A_698 = vector.broadcast %eq3A_697 : i32 to vector<16xi32>
      %eq3A_699 = arith.cmpi eq, %iota3A, %eq3A_698 : vector<16xi32>
      tpu.vector_store_idx %arg5[%get3A_684, %get3A_682], %broadcast_in_dim3A_5 masked %eq3A_699 {add = true} : memref<64x64xf32, #tpu.memory_space<vmem>>[vector<16xi32>, vector<16xi32>], vector<16xf32>, vector<16xi1>
      %eq3A_700 = arith.constant 5 : i32
      %eq3A_701 = vector.broadcast %eq3A_700 : i32 to vector<16xi32>
      %eq3A_702 = arith.cmpi eq, %iota3A, %eq3A_701 : vector<16xi32>
      tpu.vector_store_idx %arg5[%get3A_684, %get3A_682], %broadcast_in_dim3A_5 masked %eq3A_702 {add = true} : memref<64x64xf32, #tpu.memory_space<vmem>>[vector<16xi32>, vector<16xi32>], vector<16xf32>, vector<16xi1>
      %eq3A_703 = arith.constant 6 : i32
      %eq3A_704 = vector.broadcast %eq3A_703 : i32 to vector<16xi32>
      %eq3A_705 = arith.cmpi eq, %iota3A, %eq3A_704 : vector<16xi32>
      tpu.vector_store_idx %arg5[%get3A_684, %get3A_682], %broadcast_in_dim3A_5 masked %eq3A_705 {add = true} : memref<64x64xf32, #tpu.memory_space<vmem>>[vector<16xi32>, vector<16xi32>], vector<16xf32>, vector<16xi1>
      %eq3A_706 = arith.constant 7 : i32
      %eq3A_707 = vector.broadcast %eq3A_706 : i32 to vector<16xi32>
      %eq3A_708 = arith.cmpi eq, %iota3A, %eq3A_707 : vector<16xi32>
      tpu.vector_store_idx %arg5[%get3A_684, %get3A_682], %broadcast_in_dim3A_5 masked %eq3A_708 {add = true} : memref<64x64xf32, #tpu.memory_space<vmem>>[vector<16xi32>, vector<16xi32>], vector<16xf32>, vector<16xi1>
      %eq3A_709 = arith.constant 8 : i32
      %eq3A_710 = vector.broadcast %eq3A_709 : i32 to vector<16xi32>
      %eq3A_711 = arith.cmpi eq, %iota3A, %eq3A_710 : vector<16xi32>
      tpu.vector_store_idx %arg5[%get3A_684, %get3A_682], %broadcast_in_dim3A_5 masked %eq3A_711 {add = true} : memref<64x64xf32, #tpu.memory_space<vmem>>[vector<16xi32>, vector<16xi32>], vector<16xf32>, vector<16xi1>
      %eq3A_712 = arith.constant 9 : i32
      %eq3A_713 = vector.broadcast %eq3A_712 : i32 to vector<16xi32>
      %eq3A_714 = arith.cmpi eq, %iota3A, %eq3A_713 : vector<16xi32>
      tpu.vector_store_idx %arg5[%get3A_684, %get3A_682], %broadcast_in_dim3A_5 masked %eq3A_714 {add = true} : memref<64x64xf32, #tpu.memory_space<vmem>>[vector<16xi32>, vector<16xi32>], vector<16xf32>, vector<16xi1>
      %eq3A_715 = arith.constant 10 : i32
      %eq3A_716 = vector.broadcast %eq3A_715 : i32 to vector<16xi32>
      %eq3A_717 = arith.cmpi eq, %iota3A, %eq3A_716 : vector<16xi32>
      tpu.vector_store_idx %arg5[%get3A_684, %get3A_682], %broadcast_in_dim3A_5 masked %eq3A_717 {add = true} : memref<64x64xf32, #tpu.memory_space<vmem>>[vector<16xi32>, vector<16xi32>], vector<16xf32>, vector<16xi1>
      %eq3A_718 = arith.constant 11 : i32
      %eq3A_719 = vector.broadcast %eq3A_718 : i32 to vector<16xi32>
      %eq3A_720 = arith.cmpi eq, %iota3A, %eq3A_719 : vector<16xi32>
      tpu.vector_store_idx %arg5[%get3A_684, %get3A_682], %broadcast_in_dim3A_5 masked %eq3A_720 {add = true} : memref<64x64xf32, #tpu.memory_space<vmem>>[vector<16xi32>, vector<16xi32>], vector<16xf32>, vector<16xi1>
      %eq3A_721 = arith.constant 12 : i32
      %eq3A_722 = vector.broadcast %eq3A_721 : i32 to vector<16xi32>
      %eq3A_723 = arith.cmpi eq, %iota3A, %eq3A_722 : vector<16xi32>
      tpu.vector_store_idx %arg5[%get3A_684, %get3A_682], %broadcast_in_dim3A_5 masked %eq3A_723 {add = true} : memref<64x64xf32, #tpu.memory_space<vmem>>[vector<16xi32>, vector<16xi32>], vector<16xf32>, vector<16xi1>
      %eq3A_724 = arith.constant 13 : i32
      %eq3A_725 = vector.broadcast %eq3A_724 : i32 to vector<16xi32>
      %eq3A_726 = arith.cmpi eq, %iota3A, %eq3A_725 : vector<16xi32>
      tpu.vector_store_idx %arg5[%get3A_684, %get3A_682], %broadcast_in_dim3A_5 masked %eq3A_726 {add = true} : memref<64x64xf32, #tpu.memory_space<vmem>>[vector<16xi32>, vector<16xi32>], vector<16xf32>, vector<16xi1>
      %eq3A_727 = arith.constant 14 : i32
      %eq3A_728 = vector.broadcast %eq3A_727 : i32 to vector<16xi32>
      %eq3A_729 = arith.cmpi eq, %iota3A, %eq3A_728 : vector<16xi32>
      tpu.vector_store_idx %arg5[%get3A_684, %get3A_682], %broadcast_in_dim3A_5 masked %eq3A_729 {add = true} : memref<64x64xf32, #tpu.memory_space<vmem>>[vector<16xi32>, vector<16xi32>], vector<16xf32>, vector<16xi1>
      %eq3A_730 = arith.constant 15 : i32
      %eq3A_731 = vector.broadcast %eq3A_730 : i32 to vector<16xi32>
      %eq3A_732 = arith.cmpi eq, %iota3A, %eq3A_731 : vector<16xi32>
      tpu.vector_store_idx %arg5[%get3A_684, %get3A_682], %broadcast_in_dim3A_5 masked %eq3A_732 {add = true} : memref<64x64xf32, #tpu.memory_space<vmem>>[vector<16xi32>, vector<16xi32>], vector<16xf32>, vector<16xi1>
      %get3A_733 = arith.constant 224 : index
      %get3A_734 = tpu.vector_load %arg6[%get3A_733] {strides = array<i32>} : memref<384xi32, #tpu.memory_space<vmem>>, vector<16xi32>,
      %get3A_735 = arith.constant 224 : index
      %get3A_736 = tpu.vector_load %arg7[%get3A_735] {strides = array<i32>} : memref<384xi32, #tpu.memory_space<vmem>>, vector<16xi32>,
      %eq3A_737 = arith.constant 0 : i32
      %eq3A_738 = vector.broadcast %eq3A_737 : i32 to vector<16xi32>
      %eq3A_739 = arith.cmpi eq, %iota3A, %eq3A_738 : vector<16xi32>
      tpu.vector_store_idx %arg5[%get3A_736, %get3A_734], %broadcast_in_dim3A_5 masked %eq3A_739 {add = true} : memref<64x64xf32, #tpu.memory_space<vmem>>[vector<16xi32>, vector<16xi32>], vector<16xf32>, vector<16xi1>
      %eq3A_740 = arith.constant 1 : i32
      %eq3A_741 = vector.broadcast %eq3A_740 : i32 to vector<16xi32>
      %eq3A_742 = arith.cmpi eq, %iota3A, %eq3A_741 : vector<16xi32>
      tpu.vector_store_idx %arg5[%get3A_736, %get3A_734], %broadcast_in_dim3A_5 masked %eq3A_742 {add = true} : memref<64x64xf32, #tpu.memory_space<vmem>>[vector<16xi32>, vector<16xi32>], vector<16xf32>, vector<16xi1>
      %eq3A_743 = arith.constant 2 : i32
      %eq3A_744 = vector.broadcast %eq3A_743 : i32 to vector<16xi32>
      %eq3A_745 = arith.cmpi eq, %iota3A, %eq3A_744 : vector<16xi32>
      tpu.vector_store_idx %arg5[%get3A_736, %get3A_734], %broadcast_in_dim3A_5 masked %eq3A_745 {add = true} : memref<64x64xf32, #tpu.memory_space<vmem>>[vector<16xi32>, vector<16xi32>], vector<16xf32>, vector<16xi1>
      %eq3A_746 = arith.constant 3 : i32
      %eq3A_747 = vector.broadcast %eq3A_746 : i32 to vector<16xi32>
      %eq3A_748 = arith.cmpi eq, %iota3A, %eq3A_747 : vector<16xi32>
      tpu.vector_store_idx %arg5[%get3A_736, %get3A_734], %broadcast_in_dim3A_5 masked %eq3A_748 {add = true} : memref<64x64xf32, #tpu.memory_space<vmem>>[vector<16xi32>, vector<16xi32>], vector<16xf32>, vector<16xi1>
      %eq3A_749 = arith.constant 4 : i32
      %eq3A_750 = vector.broadcast %eq3A_749 : i32 to vector<16xi32>
      %eq3A_751 = arith.cmpi eq, %iota3A, %eq3A_750 : vector<16xi32>
      tpu.vector_store_idx %arg5[%get3A_736, %get3A_734], %broadcast_in_dim3A_5 masked %eq3A_751 {add = true} : memref<64x64xf32, #tpu.memory_space<vmem>>[vector<16xi32>, vector<16xi32>], vector<16xf32>, vector<16xi1>
      %eq3A_752 = arith.constant 5 : i32
      %eq3A_753 = vector.broadcast %eq3A_752 : i32 to vector<16xi32>
      %eq3A_754 = arith.cmpi eq, %iota3A, %eq3A_753 : vector<16xi32>
      tpu.vector_store_idx %arg5[%get3A_736, %get3A_734], %broadcast_in_dim3A_5 masked %eq3A_754 {add = true} : memref<64x64xf32, #tpu.memory_space<vmem>>[vector<16xi32>, vector<16xi32>], vector<16xf32>, vector<16xi1>
      %eq3A_755 = arith.constant 6 : i32
      %eq3A_756 = vector.broadcast %eq3A_755 : i32 to vector<16xi32>
      %eq3A_757 = arith.cmpi eq, %iota3A, %eq3A_756 : vector<16xi32>
      tpu.vector_store_idx %arg5[%get3A_736, %get3A_734], %broadcast_in_dim3A_5 masked %eq3A_757 {add = true} : memref<64x64xf32, #tpu.memory_space<vmem>>[vector<16xi32>, vector<16xi32>], vector<16xf32>, vector<16xi1>
      %eq3A_758 = arith.constant 7 : i32
      %eq3A_759 = vector.broadcast %eq3A_758 : i32 to vector<16xi32>
      %eq3A_760 = arith.cmpi eq, %iota3A, %eq3A_759 : vector<16xi32>
      tpu.vector_store_idx %arg5[%get3A_736, %get3A_734], %broadcast_in_dim3A_5 masked %eq3A_760 {add = true} : memref<64x64xf32, #tpu.memory_space<vmem>>[vector<16xi32>, vector<16xi32>], vector<16xf32>, vector<16xi1>
      %eq3A_761 = arith.constant 8 : i32
      %eq3A_762 = vector.broadcast %eq3A_761 : i32 to vector<16xi32>
      %eq3A_763 = arith.cmpi eq, %iota3A, %eq3A_762 : vector<16xi32>
      tpu.vector_store_idx %arg5[%get3A_736, %get3A_734], %broadcast_in_dim3A_5 masked %eq3A_763 {add = true} : memref<64x64xf32, #tpu.memory_space<vmem>>[vector<16xi32>, vector<16xi32>], vector<16xf32>, vector<16xi1>
      %eq3A_764 = arith.constant 9 : i32
      %eq3A_765 = vector.broadcast %eq3A_764 : i32 to vector<16xi32>
      %eq3A_766 = arith.cmpi eq, %iota3A, %eq3A_765 : vector<16xi32>
      tpu.vector_store_idx %arg5[%get3A_736, %get3A_734], %broadcast_in_dim3A_5 masked %eq3A_766 {add = true} : memref<64x64xf32, #tpu.memory_space<vmem>>[vector<16xi32>, vector<16xi32>], vector<16xf32>, vector<16xi1>
      %eq3A_767 = arith.constant 10 : i32
      %eq3A_768 = vector.broadcast %eq3A_767 : i32 to vector<16xi32>
      %eq3A_769 = arith.cmpi eq, %iota3A, %eq3A_768 : vector<16xi32>
      tpu.vector_store_idx %arg5[%get3A_736, %get3A_734], %broadcast_in_dim3A_5 masked %eq3A_769 {add = true} : memref<64x64xf32, #tpu.memory_space<vmem>>[vector<16xi32>, vector<16xi32>], vector<16xf32>, vector<16xi1>
      %eq3A_770 = arith.constant 11 : i32
      %eq3A_771 = vector.broadcast %eq3A_770 : i32 to vector<16xi32>
      %eq3A_772 = arith.cmpi eq, %iota3A, %eq3A_771 : vector<16xi32>
      tpu.vector_store_idx %arg5[%get3A_736, %get3A_734], %broadcast_in_dim3A_5 masked %eq3A_772 {add = true} : memref<64x64xf32, #tpu.memory_space<vmem>>[vector<16xi32>, vector<16xi32>], vector<16xf32>, vector<16xi1>
      %eq3A_773 = arith.constant 12 : i32
      %eq3A_774 = vector.broadcast %eq3A_773 : i32 to vector<16xi32>
      %eq3A_775 = arith.cmpi eq, %iota3A, %eq3A_774 : vector<16xi32>
      tpu.vector_store_idx %arg5[%get3A_736, %get3A_734], %broadcast_in_dim3A_5 masked %eq3A_775 {add = true} : memref<64x64xf32, #tpu.memory_space<vmem>>[vector<16xi32>, vector<16xi32>], vector<16xf32>, vector<16xi1>
      %eq3A_776 = arith.constant 13 : i32
      %eq3A_777 = vector.broadcast %eq3A_776 : i32 to vector<16xi32>
      %eq3A_778 = arith.cmpi eq, %iota3A, %eq3A_777 : vector<16xi32>
      tpu.vector_store_idx %arg5[%get3A_736, %get3A_734], %broadcast_in_dim3A_5 masked %eq3A_778 {add = true} : memref<64x64xf32, #tpu.memory_space<vmem>>[vector<16xi32>, vector<16xi32>], vector<16xf32>, vector<16xi1>
      %eq3A_779 = arith.constant 14 : i32
      %eq3A_780 = vector.broadcast %eq3A_779 : i32 to vector<16xi32>
      %eq3A_781 = arith.cmpi eq, %iota3A, %eq3A_780 : vector<16xi32>
      tpu.vector_store_idx %arg5[%get3A_736, %get3A_734], %broadcast_in_dim3A_5 masked %eq3A_781 {add = true} : memref<64x64xf32, #tpu.memory_space<vmem>>[vector<16xi32>, vector<16xi32>], vector<16xf32>, vector<16xi1>
      %eq3A_782 = arith.constant 15 : i32
      %eq3A_783 = vector.broadcast %eq3A_782 : i32 to vector<16xi32>
      %eq3A_784 = arith.cmpi eq, %iota3A, %eq3A_783 : vector<16xi32>
      tpu.vector_store_idx %arg5[%get3A_736, %get3A_734], %broadcast_in_dim3A_5 masked %eq3A_784 {add = true} : memref<64x64xf32, #tpu.memory_space<vmem>>[vector<16xi32>, vector<16xi32>], vector<16xf32>, vector<16xi1>
      %get3A_785 = arith.constant 240 : index
      %get3A_786 = tpu.vector_load %arg6[%get3A_785] {strides = array<i32>} : memref<384xi32, #tpu.memory_space<vmem>>, vector<16xi32>,
      %get3A_787 = arith.constant 240 : index
      %get3A_788 = tpu.vector_load %arg7[%get3A_787] {strides = array<i32>} : memref<384xi32, #tpu.memory_space<vmem>>, vector<16xi32>,
      %eq3A_789 = arith.constant 0 : i32
      %eq3A_790 = vector.broadcast %eq3A_789 : i32 to vector<16xi32>
      %eq3A_791 = arith.cmpi eq, %iota3A, %eq3A_790 : vector<16xi32>
      tpu.vector_store_idx %arg5[%get3A_788, %get3A_786], %broadcast_in_dim3A_5 masked %eq3A_791 {add = true} : memref<64x64xf32, #tpu.memory_space<vmem>>[vector<16xi32>, vector<16xi32>], vector<16xf32>, vector<16xi1>
      %eq3A_792 = arith.constant 1 : i32
      %eq3A_793 = vector.broadcast %eq3A_792 : i32 to vector<16xi32>
      %eq3A_794 = arith.cmpi eq, %iota3A, %eq3A_793 : vector<16xi32>
      tpu.vector_store_idx %arg5[%get3A_788, %get3A_786], %broadcast_in_dim3A_5 masked %eq3A_794 {add = true} : memref<64x64xf32, #tpu.memory_space<vmem>>[vector<16xi32>, vector<16xi32>], vector<16xf32>, vector<16xi1>
      %eq3A_795 = arith.constant 2 : i32
      %eq3A_796 = vector.broadcast %eq3A_795 : i32 to vector<16xi32>
      %eq3A_797 = arith.cmpi eq, %iota3A, %eq3A_796 : vector<16xi32>
      tpu.vector_store_idx %arg5[%get3A_788, %get3A_786], %broadcast_in_dim3A_5 masked %eq3A_797 {add = true} : memref<64x64xf32, #tpu.memory_space<vmem>>[vector<16xi32>, vector<16xi32>], vector<16xf32>, vector<16xi1>
      %eq3A_798 = arith.constant 3 : i32
      %eq3A_799 = vector.broadcast %eq3A_798 : i32 to vector<16xi32>
      %eq3A_800 = arith.cmpi eq, %iota3A, %eq3A_799 : vector<16xi32>
      tpu.vector_store_idx %arg5[%get3A_788, %get3A_786], %broadcast_in_dim3A_5 masked %eq3A_800 {add = true} : memref<64x64xf32, #tpu.memory_space<vmem>>[vector<16xi32>, vector<16xi32>], vector<16xf32>, vector<16xi1>
      %eq3A_801 = arith.constant 4 : i32
      %eq3A_802 = vector.broadcast %eq3A_801 : i32 to vector<16xi32>
      %eq3A_803 = arith.cmpi eq, %iota3A, %eq3A_802 : vector<16xi32>
      tpu.vector_store_idx %arg5[%get3A_788, %get3A_786], %broadcast_in_dim3A_5 masked %eq3A_803 {add = true} : memref<64x64xf32, #tpu.memory_space<vmem>>[vector<16xi32>, vector<16xi32>], vector<16xf32>, vector<16xi1>
      %eq3A_804 = arith.constant 5 : i32
      %eq3A_805 = vector.broadcast %eq3A_804 : i32 to vector<16xi32>
      %eq3A_806 = arith.cmpi eq, %iota3A, %eq3A_805 : vector<16xi32>
      tpu.vector_store_idx %arg5[%get3A_788, %get3A_786], %broadcast_in_dim3A_5 masked %eq3A_806 {add = true} : memref<64x64xf32, #tpu.memory_space<vmem>>[vector<16xi32>, vector<16xi32>], vector<16xf32>, vector<16xi1>
      %eq3A_807 = arith.constant 6 : i32
      %eq3A_808 = vector.broadcast %eq3A_807 : i32 to vector<16xi32>
      %eq3A_809 = arith.cmpi eq, %iota3A, %eq3A_808 : vector<16xi32>
      tpu.vector_store_idx %arg5[%get3A_788, %get3A_786], %broadcast_in_dim3A_5 masked %eq3A_809 {add = true} : memref<64x64xf32, #tpu.memory_space<vmem>>[vector<16xi32>, vector<16xi32>], vector<16xf32>, vector<16xi1>
      %eq3A_810 = arith.constant 7 : i32
      %eq3A_811 = vector.broadcast %eq3A_810 : i32 to vector<16xi32>
      %eq3A_812 = arith.cmpi eq, %iota3A, %eq3A_811 : vector<16xi32>
      tpu.vector_store_idx %arg5[%get3A_788, %get3A_786], %broadcast_in_dim3A_5 masked %eq3A_812 {add = true} : memref<64x64xf32, #tpu.memory_space<vmem>>[vector<16xi32>, vector<16xi32>], vector<16xf32>, vector<16xi1>
      %eq3A_813 = arith.constant 8 : i32
      %eq3A_814 = vector.broadcast %eq3A_813 : i32 to vector<16xi32>
      %eq3A_815 = arith.cmpi eq, %iota3A, %eq3A_814 : vector<16xi32>
      tpu.vector_store_idx %arg5[%get3A_788, %get3A_786], %broadcast_in_dim3A_5 masked %eq3A_815 {add = true} : memref<64x64xf32, #tpu.memory_space<vmem>>[vector<16xi32>, vector<16xi32>], vector<16xf32>, vector<16xi1>
      %eq3A_816 = arith.constant 9 : i32
      %eq3A_817 = vector.broadcast %eq3A_816 : i32 to vector<16xi32>
      %eq3A_818 = arith.cmpi eq, %iota3A, %eq3A_817 : vector<16xi32>
      tpu.vector_store_idx %arg5[%get3A_788, %get3A_786], %broadcast_in_dim3A_5 masked %eq3A_818 {add = true} : memref<64x64xf32, #tpu.memory_space<vmem>>[vector<16xi32>, vector<16xi32>], vector<16xf32>, vector<16xi1>
      %eq3A_819 = arith.constant 10 : i32
      %eq3A_820 = vector.broadcast %eq3A_819 : i32 to vector<16xi32>
      %eq3A_821 = arith.cmpi eq, %iota3A, %eq3A_820 : vector<16xi32>
      tpu.vector_store_idx %arg5[%get3A_788, %get3A_786], %broadcast_in_dim3A_5 masked %eq3A_821 {add = true} : memref<64x64xf32, #tpu.memory_space<vmem>>[vector<16xi32>, vector<16xi32>], vector<16xf32>, vector<16xi1>
      %eq3A_822 = arith.constant 11 : i32
      %eq3A_823 = vector.broadcast %eq3A_822 : i32 to vector<16xi32>
      %eq3A_824 = arith.cmpi eq, %iota3A, %eq3A_823 : vector<16xi32>
      tpu.vector_store_idx %arg5[%get3A_788, %get3A_786], %broadcast_in_dim3A_5 masked %eq3A_824 {add = true} : memref<64x64xf32, #tpu.memory_space<vmem>>[vector<16xi32>, vector<16xi32>], vector<16xf32>, vector<16xi1>
      %eq3A_825 = arith.constant 12 : i32
      %eq3A_826 = vector.broadcast %eq3A_825 : i32 to vector<16xi32>
      %eq3A_827 = arith.cmpi eq, %iota3A, %eq3A_826 : vector<16xi32>
      tpu.vector_store_idx %arg5[%get3A_788, %get3A_786], %broadcast_in_dim3A_5 masked %eq3A_827 {add = true} : memref<64x64xf32, #tpu.memory_space<vmem>>[vector<16xi32>, vector<16xi32>], vector<16xf32>, vector<16xi1>
      %eq3A_828 = arith.constant 13 : i32
      %eq3A_829 = vector.broadcast %eq3A_828 : i32 to vector<16xi32>
      %eq3A_830 = arith.cmpi eq, %iota3A, %eq3A_829 : vector<16xi32>
      tpu.vector_store_idx %arg5[%get3A_788, %get3A_786], %broadcast_in_dim3A_5 masked %eq3A_830 {add = true} : memref<64x64xf32, #tpu.memory_space<vmem>>[vector<16xi32>, vector<16xi32>], vector<16xf32>, vector<16xi1>
      %eq3A_831 = arith.constant 14 : i32
      %eq3A_832 = vector.broadcast %eq3A_831 : i32 to vector<16xi32>
      %eq3A_833 = arith.cmpi eq, %iota3A, %eq3A_832 : vector<16xi32>
      tpu.vector_store_idx %arg5[%get3A_788, %get3A_786], %broadcast_in_dim3A_5 masked %eq3A_833 {add = true} : memref<64x64xf32, #tpu.memory_space<vmem>>[vector<16xi32>, vector<16xi32>], vector<16xf32>, vector<16xi1>
      %eq3A_834 = arith.constant 15 : i32
      %eq3A_835 = vector.broadcast %eq3A_834 : i32 to vector<16xi32>
      %eq3A_836 = arith.cmpi eq, %iota3A, %eq3A_835 : vector<16xi32>
      tpu.vector_store_idx %arg5[%get3A_788, %get3A_786], %broadcast_in_dim3A_5 masked %eq3A_836 {add = true} : memref<64x64xf32, #tpu.memory_space<vmem>>[vector<16xi32>, vector<16xi32>], vector<16xf32>, vector<16xi1>
      %get3A_837 = arith.constant 256 : index
      %get3A_838 = tpu.vector_load %arg6[%get3A_837] {strides = array<i32>} : memref<384xi32, #tpu.memory_space<vmem>>, vector<16xi32>,
      %get3A_839 = arith.constant 256 : index
      %get3A_840 = tpu.vector_load %arg7[%get3A_839] {strides = array<i32>} : memref<384xi32, #tpu.memory_space<vmem>>, vector<16xi32>,
      %eq3A_841 = arith.constant 0 : i32
      %eq3A_842 = vector.broadcast %eq3A_841 : i32 to vector<16xi32>
      %eq3A_843 = arith.cmpi eq, %iota3A, %eq3A_842 : vector<16xi32>
      tpu.vector_store_idx %arg5[%get3A_840, %get3A_838], %broadcast_in_dim3A_5 masked %eq3A_843 {add = true} : memref<64x64xf32, #tpu.memory_space<vmem>>[vector<16xi32>, vector<16xi32>], vector<16xf32>, vector<16xi1>
      %eq3A_844 = arith.constant 1 : i32
      %eq3A_845 = vector.broadcast %eq3A_844 : i32 to vector<16xi32>
      %eq3A_846 = arith.cmpi eq, %iota3A, %eq3A_845 : vector<16xi32>
      tpu.vector_store_idx %arg5[%get3A_840, %get3A_838], %broadcast_in_dim3A_5 masked %eq3A_846 {add = true} : memref<64x64xf32, #tpu.memory_space<vmem>>[vector<16xi32>, vector<16xi32>], vector<16xf32>, vector<16xi1>
      %eq3A_847 = arith.constant 2 : i32
      %eq3A_848 = vector.broadcast %eq3A_847 : i32 to vector<16xi32>
      %eq3A_849 = arith.cmpi eq, %iota3A, %eq3A_848 : vector<16xi32>
      tpu.vector_store_idx %arg5[%get3A_840, %get3A_838], %broadcast_in_dim3A_5 masked %eq3A_849 {add = true} : memref<64x64xf32, #tpu.memory_space<vmem>>[vector<16xi32>, vector<16xi32>], vector<16xf32>, vector<16xi1>
      %eq3A_850 = arith.constant 3 : i32
      %eq3A_851 = vector.broadcast %eq3A_850 : i32 to vector<16xi32>
      %eq3A_852 = arith.cmpi eq, %iota3A, %eq3A_851 : vector<16xi32>
      tpu.vector_store_idx %arg5[%get3A_840, %get3A_838], %broadcast_in_dim3A_5 masked %eq3A_852 {add = true} : memref<64x64xf32, #tpu.memory_space<vmem>>[vector<16xi32>, vector<16xi32>], vector<16xf32>, vector<16xi1>
      %eq3A_853 = arith.constant 4 : i32
      %eq3A_854 = vector.broadcast %eq3A_853 : i32 to vector<16xi32>
      %eq3A_855 = arith.cmpi eq, %iota3A, %eq3A_854 : vector<16xi32>
      tpu.vector_store_idx %arg5[%get3A_840, %get3A_838], %broadcast_in_dim3A_5 masked %eq3A_855 {add = true} : memref<64x64xf32, #tpu.memory_space<vmem>>[vector<16xi32>, vector<16xi32>], vector<16xf32>, vector<16xi1>
      %eq3A_856 = arith.constant 5 : i32
      %eq3A_857 = vector.broadcast %eq3A_856 : i32 to vector<16xi32>
      %eq3A_858 = arith.cmpi eq, %iota3A, %eq3A_857 : vector<16xi32>
      tpu.vector_store_idx %arg5[%get3A_840, %get3A_838], %broadcast_in_dim3A_5 masked %eq3A_858 {add = true} : memref<64x64xf32, #tpu.memory_space<vmem>>[vector<16xi32>, vector<16xi32>], vector<16xf32>, vector<16xi1>
      %eq3A_859 = arith.constant 6 : i32
      %eq3A_860 = vector.broadcast %eq3A_859 : i32 to vector<16xi32>
      %eq3A_861 = arith.cmpi eq, %iota3A, %eq3A_860 : vector<16xi32>
      tpu.vector_store_idx %arg5[%get3A_840, %get3A_838], %broadcast_in_dim3A_5 masked %eq3A_861 {add = true} : memref<64x64xf32, #tpu.memory_space<vmem>>[vector<16xi32>, vector<16xi32>], vector<16xf32>, vector<16xi1>
      %eq3A_862 = arith.constant 7 : i32
      %eq3A_863 = vector.broadcast %eq3A_862 : i32 to vector<16xi32>
      %eq3A_864 = arith.cmpi eq, %iota3A, %eq3A_863 : vector<16xi32>
      tpu.vector_store_idx %arg5[%get3A_840, %get3A_838], %broadcast_in_dim3A_5 masked %eq3A_864 {add = true} : memref<64x64xf32, #tpu.memory_space<vmem>>[vector<16xi32>, vector<16xi32>], vector<16xf32>, vector<16xi1>
      %eq3A_865 = arith.constant 8 : i32
      %eq3A_866 = vector.broadcast %eq3A_865 : i32 to vector<16xi32>
      %eq3A_867 = arith.cmpi eq, %iota3A, %eq3A_866 : vector<16xi32>
      tpu.vector_store_idx %arg5[%get3A_840, %get3A_838], %broadcast_in_dim3A_5 masked %eq3A_867 {add = true} : memref<64x64xf32, #tpu.memory_space<vmem>>[vector<16xi32>, vector<16xi32>], vector<16xf32>, vector<16xi1>
      %eq3A_868 = arith.constant 9 : i32
      %eq3A_869 = vector.broadcast %eq3A_868 : i32 to vector<16xi32>
      %eq3A_870 = arith.cmpi eq, %iota3A, %eq3A_869 : vector<16xi32>
      tpu.vector_store_idx %arg5[%get3A_840, %get3A_838], %broadcast_in_dim3A_5 masked %eq3A_870 {add = true} : memref<64x64xf32, #tpu.memory_space<vmem>>[vector<16xi32>, vector<16xi32>], vector<16xf32>, vector<16xi1>
      %eq3A_871 = arith.constant 10 : i32
      %eq3A_872 = vector.broadcast %eq3A_871 : i32 to vector<16xi32>
      %eq3A_873 = arith.cmpi eq, %iota3A, %eq3A_872 : vector<16xi32>
      tpu.vector_store_idx %arg5[%get3A_840, %get3A_838], %broadcast_in_dim3A_5 masked %eq3A_873 {add = true} : memref<64x64xf32, #tpu.memory_space<vmem>>[vector<16xi32>, vector<16xi32>], vector<16xf32>, vector<16xi1>
      %eq3A_874 = arith.constant 11 : i32
      %eq3A_875 = vector.broadcast %eq3A_874 : i32 to vector<16xi32>
      %eq3A_876 = arith.cmpi eq, %iota3A, %eq3A_875 : vector<16xi32>
      tpu.vector_store_idx %arg5[%get3A_840, %get3A_838], %broadcast_in_dim3A_5 masked %eq3A_876 {add = true} : memref<64x64xf32, #tpu.memory_space<vmem>>[vector<16xi32>, vector<16xi32>], vector<16xf32>, vector<16xi1>
      %eq3A_877 = arith.constant 12 : i32
      %eq3A_878 = vector.broadcast %eq3A_877 : i32 to vector<16xi32>
      %eq3A_879 = arith.cmpi eq, %iota3A, %eq3A_878 : vector<16xi32>
      tpu.vector_store_idx %arg5[%get3A_840, %get3A_838], %broadcast_in_dim3A_5 masked %eq3A_879 {add = true} : memref<64x64xf32, #tpu.memory_space<vmem>>[vector<16xi32>, vector<16xi32>], vector<16xf32>, vector<16xi1>
      %eq3A_880 = arith.constant 13 : i32
      %eq3A_881 = vector.broadcast %eq3A_880 : i32 to vector<16xi32>
      %eq3A_882 = arith.cmpi eq, %iota3A, %eq3A_881 : vector<16xi32>
      tpu.vector_store_idx %arg5[%get3A_840, %get3A_838], %broadcast_in_dim3A_5 masked %eq3A_882 {add = true} : memref<64x64xf32, #tpu.memory_space<vmem>>[vector<16xi32>, vector<16xi32>], vector<16xf32>, vector<16xi1>
      %eq3A_883 = arith.constant 14 : i32
      %eq3A_884 = vector.broadcast %eq3A_883 : i32 to vector<16xi32>
      %eq3A_885 = arith.cmpi eq, %iota3A, %eq3A_884 : vector<16xi32>
      tpu.vector_store_idx %arg5[%get3A_840, %get3A_838], %broadcast_in_dim3A_5 masked %eq3A_885 {add = true} : memref<64x64xf32, #tpu.memory_space<vmem>>[vector<16xi32>, vector<16xi32>], vector<16xf32>, vector<16xi1>
      %eq3A_886 = arith.constant 15 : i32
      %eq3A_887 = vector.broadcast %eq3A_886 : i32 to vector<16xi32>
      %eq3A_888 = arith.cmpi eq, %iota3A, %eq3A_887 : vector<16xi32>
      tpu.vector_store_idx %arg5[%get3A_840, %get3A_838], %broadcast_in_dim3A_5 masked %eq3A_888 {add = true} : memref<64x64xf32, #tpu.memory_space<vmem>>[vector<16xi32>, vector<16xi32>], vector<16xf32>, vector<16xi1>
      %get3A_889 = arith.constant 272 : index
      %get3A_890 = tpu.vector_load %arg6[%get3A_889] {strides = array<i32>} : memref<384xi32, #tpu.memory_space<vmem>>, vector<16xi32>,
      %get3A_891 = arith.constant 272 : index
      %get3A_892 = tpu.vector_load %arg7[%get3A_891] {strides = array<i32>} : memref<384xi32, #tpu.memory_space<vmem>>, vector<16xi32>,
      %eq3A_893 = arith.constant 0 : i32
      %eq3A_894 = vector.broadcast %eq3A_893 : i32 to vector<16xi32>
      %eq3A_895 = arith.cmpi eq, %iota3A, %eq3A_894 : vector<16xi32>
      tpu.vector_store_idx %arg5[%get3A_892, %get3A_890], %broadcast_in_dim3A_5 masked %eq3A_895 {add = true} : memref<64x64xf32, #tpu.memory_space<vmem>>[vector<16xi32>, vector<16xi32>], vector<16xf32>, vector<16xi1>
      %eq3A_896 = arith.constant 1 : i32
      %eq3A_897 = vector.broadcast %eq3A_896 : i32 to vector<16xi32>
      %eq3A_898 = arith.cmpi eq, %iota3A, %eq3A_897 : vector<16xi32>
      tpu.vector_store_idx %arg5[%get3A_892, %get3A_890], %broadcast_in_dim3A_5 masked %eq3A_898 {add = true} : memref<64x64xf32, #tpu.memory_space<vmem>>[vector<16xi32>, vector<16xi32>], vector<16xf32>, vector<16xi1>
      %eq3A_899 = arith.constant 2 : i32
      %eq3A_900 = vector.broadcast %eq3A_899 : i32 to vector<16xi32>
      %eq3A_901 = arith.cmpi eq, %iota3A, %eq3A_900 : vector<16xi32>
      tpu.vector_store_idx %arg5[%get3A_892, %get3A_890], %broadcast_in_dim3A_5 masked %eq3A_901 {add = true} : memref<64x64xf32, #tpu.memory_space<vmem>>[vector<16xi32>, vector<16xi32>], vector<16xf32>, vector<16xi1>
      %eq3A_902 = arith.constant 3 : i32
      %eq3A_903 = vector.broadcast %eq3A_902 : i32 to vector<16xi32>
      %eq3A_904 = arith.cmpi eq, %iota3A, %eq3A_903 : vector<16xi32>
      tpu.vector_store_idx %arg5[%get3A_892, %get3A_890], %broadcast_in_dim3A_5 masked %eq3A_904 {add = true} : memref<64x64xf32, #tpu.memory_space<vmem>>[vector<16xi32>, vector<16xi32>], vector<16xf32>, vector<16xi1>
      %eq3A_905 = arith.constant 4 : i32
      %eq3A_906 = vector.broadcast %eq3A_905 : i32 to vector<16xi32>
      %eq3A_907 = arith.cmpi eq, %iota3A, %eq3A_906 : vector<16xi32>
      tpu.vector_store_idx %arg5[%get3A_892, %get3A_890], %broadcast_in_dim3A_5 masked %eq3A_907 {add = true} : memref<64x64xf32, #tpu.memory_space<vmem>>[vector<16xi32>, vector<16xi32>], vector<16xf32>, vector<16xi1>
      %eq3A_908 = arith.constant 5 : i32
      %eq3A_909 = vector.broadcast %eq3A_908 : i32 to vector<16xi32>
      %eq3A_910 = arith.cmpi eq, %iota3A, %eq3A_909 : vector<16xi32>
      tpu.vector_store_idx %arg5[%get3A_892, %get3A_890], %broadcast_in_dim3A_5 masked %eq3A_910 {add = true} : memref<64x64xf32, #tpu.memory_space<vmem>>[vector<16xi32>, vector<16xi32>], vector<16xf32>, vector<16xi1>
      %eq3A_911 = arith.constant 6 : i32
      %eq3A_912 = vector.broadcast %eq3A_911 : i32 to vector<16xi32>
      %eq3A_913 = arith.cmpi eq, %iota3A, %eq3A_912 : vector<16xi32>
      tpu.vector_store_idx %arg5[%get3A_892, %get3A_890], %broadcast_in_dim3A_5 masked %eq3A_913 {add = true} : memref<64x64xf32, #tpu.memory_space<vmem>>[vector<16xi32>, vector<16xi32>], vector<16xf32>, vector<16xi1>
      %eq3A_914 = arith.constant 7 : i32
      %eq3A_915 = vector.broadcast %eq3A_914 : i32 to vector<16xi32>
      %eq3A_916 = arith.cmpi eq, %iota3A, %eq3A_915 : vector<16xi32>
      tpu.vector_store_idx %arg5[%get3A_892, %get3A_890], %broadcast_in_dim3A_5 masked %eq3A_916 {add = true} : memref<64x64xf32, #tpu.memory_space<vmem>>[vector<16xi32>, vector<16xi32>], vector<16xf32>, vector<16xi1>
      %eq3A_917 = arith.constant 8 : i32
      %eq3A_918 = vector.broadcast %eq3A_917 : i32 to vector<16xi32>
      %eq3A_919 = arith.cmpi eq, %iota3A, %eq3A_918 : vector<16xi32>
      tpu.vector_store_idx %arg5[%get3A_892, %get3A_890], %broadcast_in_dim3A_5 masked %eq3A_919 {add = true} : memref<64x64xf32, #tpu.memory_space<vmem>>[vector<16xi32>, vector<16xi32>], vector<16xf32>, vector<16xi1>
      %eq3A_920 = arith.constant 9 : i32
      %eq3A_921 = vector.broadcast %eq3A_920 : i32 to vector<16xi32>
      %eq3A_922 = arith.cmpi eq, %iota3A, %eq3A_921 : vector<16xi32>
      tpu.vector_store_idx %arg5[%get3A_892, %get3A_890], %broadcast_in_dim3A_5 masked %eq3A_922 {add = true} : memref<64x64xf32, #tpu.memory_space<vmem>>[vector<16xi32>, vector<16xi32>], vector<16xf32>, vector<16xi1>
      %eq3A_923 = arith.constant 10 : i32
      %eq3A_924 = vector.broadcast %eq3A_923 : i32 to vector<16xi32>
      %eq3A_925 = arith.cmpi eq, %iota3A, %eq3A_924 : vector<16xi32>
      tpu.vector_store_idx %arg5[%get3A_892, %get3A_890], %broadcast_in_dim3A_5 masked %eq3A_925 {add = true} : memref<64x64xf32, #tpu.memory_space<vmem>>[vector<16xi32>, vector<16xi32>], vector<16xf32>, vector<16xi1>
      %eq3A_926 = arith.constant 11 : i32
      %eq3A_927 = vector.broadcast %eq3A_926 : i32 to vector<16xi32>
      %eq3A_928 = arith.cmpi eq, %iota3A, %eq3A_927 : vector<16xi32>
      tpu.vector_store_idx %arg5[%get3A_892, %get3A_890], %broadcast_in_dim3A_5 masked %eq3A_928 {add = true} : memref<64x64xf32, #tpu.memory_space<vmem>>[vector<16xi32>, vector<16xi32>], vector<16xf32>, vector<16xi1>
      %eq3A_929 = arith.constant 12 : i32
      %eq3A_930 = vector.broadcast %eq3A_929 : i32 to vector<16xi32>
      %eq3A_931 = arith.cmpi eq, %iota3A, %eq3A_930 : vector<16xi32>
      tpu.vector_store_idx %arg5[%get3A_892, %get3A_890], %broadcast_in_dim3A_5 masked %eq3A_931 {add = true} : memref<64x64xf32, #tpu.memory_space<vmem>>[vector<16xi32>, vector<16xi32>], vector<16xf32>, vector<16xi1>
      %eq3A_932 = arith.constant 13 : i32
      %eq3A_933 = vector.broadcast %eq3A_932 : i32 to vector<16xi32>
      %eq3A_934 = arith.cmpi eq, %iota3A, %eq3A_933 : vector<16xi32>
      tpu.vector_store_idx %arg5[%get3A_892, %get3A_890], %broadcast_in_dim3A_5 masked %eq3A_934 {add = true} : memref<64x64xf32, #tpu.memory_space<vmem>>[vector<16xi32>, vector<16xi32>], vector<16xf32>, vector<16xi1>
      %eq3A_935 = arith.constant 14 : i32
      %eq3A_936 = vector.broadcast %eq3A_935 : i32 to vector<16xi32>
      %eq3A_937 = arith.cmpi eq, %iota3A, %eq3A_936 : vector<16xi32>
      tpu.vector_store_idx %arg5[%get3A_892, %get3A_890], %broadcast_in_dim3A_5 masked %eq3A_937 {add = true} : memref<64x64xf32, #tpu.memory_space<vmem>>[vector<16xi32>, vector<16xi32>], vector<16xf32>, vector<16xi1>
      %eq3A_938 = arith.constant 15 : i32
      %eq3A_939 = vector.broadcast %eq3A_938 : i32 to vector<16xi32>
      %eq3A_940 = arith.cmpi eq, %iota3A, %eq3A_939 : vector<16xi32>
      tpu.vector_store_idx %arg5[%get3A_892, %get3A_890], %broadcast_in_dim3A_5 masked %eq3A_940 {add = true} : memref<64x64xf32, #tpu.memory_space<vmem>>[vector<16xi32>, vector<16xi32>], vector<16xf32>, vector<16xi1>
      "tpu.region"() ({
        %run_scoped3A_941 = tpu.sem_alloc : memref<!tpu.dma_semaphore, #tpu.memory_space<semaphore_mem>>
        tpu.enqueue_dma source(%arg5 : memref<64x64xf32, #tpu.memory_space<vmem>>) target(%arg4 : memref<64x64xf32, #tpu.memory_space<hbm>>) target_semaphore(%run_scoped3A_941 : memref<!tpu.dma_semaphore, #tpu.memory_space<semaphore_mem>>)
        tpu.wait_dma2 semaphore(%run_scoped3A_941 : memref<!tpu.dma_semaphore, #tpu.memory_space<semaphore_mem>>) src(%arg5 : memref<64x64xf32, #tpu.memory_space<vmem>>) dst(%arg4 : memref<64x64xf32, #tpu.memory_space<hbm>>)
        tpu.yield
      }) : () -> ()
    } else {
    }
    return
  }
}

module attributes {stable_mosaic.version = 14 : i64} {
  func.func @_tc_body(%arg0: i32, %arg1: memref<32x53x400xf32, #tpu.memory_space<vmem>>, %arg2: memref<32x26xf32, #tpu.memory_space<vmem>>, %arg3: memref<64x64xf32, #tpu.memory_space<vmem>>, %arg4: memref<1x1xf32, #tpu.memory_space<vmem>>, %arg5: memref<1x1xf32, #tpu.memory_space<vmem>>, %arg6: memref<1x1xf32, #tpu.memory_space<vmem>>, %arg7: memref<256x400xf32, #tpu.memory_space<vmem>>, %arg8: memref<1x256xf32, #tpu.memory_space<vmem>>, %arg9: memref<256x256xf32, #tpu.memory_space<vmem>>, %arg10: memref<1x256xf32, #tpu.memory_space<vmem>>, %arg11: memref<256x256xf32, #tpu.memory_space<vmem>>, %arg12: memref<1x256xf32, #tpu.memory_space<vmem>>, %arg13: memref<128x26xf32, #tpu.memory_space<vmem>>, %arg14: memref<1x128xf32, #tpu.memory_space<vmem>>, %arg15: memref<2x896xf32, #tpu.memory_space<vmem>>, %arg16: memref<1x2xf32, #tpu.memory_space<vmem>>, %arg17: memref<32x2xf32, #tpu.memory_space<vmem>>, %arg18: memref<64x64xf32, #tpu.memory_space<vmem>>, %arg19: memref<64x64xf32, #tpu.memory_space<vmem>>, %arg20: memref<64x64xf32, #tpu.memory_space<vmem>>, %arg21: memref<32x2048xf32, #tpu.memory_space<vmem>>, %arg22: memref<2048x256xf32, #tpu.memory_space<vmem>>, %arg23: memref<2048x256xf32, #tpu.memory_space<vmem>>, %arg24: memref<2048x256xf32, #tpu.memory_space<vmem>>, %arg25: memref<32x896xf32, #tpu.memory_space<vmem>>) attributes {dimension_semantics = [#tpu.dimension_semantics<arbitrary>], iteration_bounds = array<i64: 4>, scalar_prefetch = 0 : i64, scratch_operands = 8 : i64, tpu.core_type = #tpu.core_type<tc>, window_params = [{transform_indices = @transform_0, window_bounds = array<i64: 32, 53, 400>}, {transform_indices = @transform_1, window_bounds = array<i64: 32, 26>}, {pipeline_mode = #tpu.pipeline_mode<synchronous>, transform_indices = @transform_2, window_bounds = array<i64: 64, 64>}, {pipeline_mode = #tpu.pipeline_mode<synchronous>, transform_indices = @transform_3, window_bounds = array<i64: 1, 1>}, {pipeline_mode = #tpu.pipeline_mode<synchronous>, transform_indices = @transform_4, window_bounds = array<i64: 1, 1>}, {pipeline_mode = #tpu.pipeline_mode<synchronous>, transform_indices = @transform_5, window_bounds = array<i64: 1, 1>}, {pipeline_mode = #tpu.pipeline_mode<synchronous>, transform_indices = @transform_6, window_bounds = array<i64: 256, 400>}, {pipeline_mode = #tpu.pipeline_mode<synchronous>, transform_indices = @transform_7, window_bounds = array<i64: 1, 256>}, {pipeline_mode = #tpu.pipeline_mode<synchronous>, transform_indices = @transform_8, window_bounds = array<i64: 256, 256>}, {pipeline_mode = #tpu.pipeline_mode<synchronous>, transform_indices = @transform_9, window_bounds = array<i64: 1, 256>}, {pipeline_mode = #tpu.pipeline_mode<synchronous>, transform_indices = @transform_10, window_bounds = array<i64: 256, 256>}, {pipeline_mode = #tpu.pipeline_mode<synchronous>, transform_indices = @transform_11, window_bounds = array<i64: 1, 256>}, {pipeline_mode = #tpu.pipeline_mode<synchronous>, transform_indices = @transform_12, window_bounds = array<i64: 128, 26>}, {pipeline_mode = #tpu.pipeline_mode<synchronous>, transform_indices = @transform_13, window_bounds = array<i64: 1, 128>}, {pipeline_mode = #tpu.pipeline_mode<synchronous>, transform_indices = @transform_14, window_bounds = array<i64: 2, 896>}, {pipeline_mode = #tpu.pipeline_mode<synchronous>, transform_indices = @transform_15, window_bounds = array<i64: 1, 2>}, {transform_indices = @transform_16, window_bounds = array<i64: 32, 2>}]} {
    %eq3A = arith.constant 0 : i32
    %eq3A_0 = arith.cmpi eq, %arg0, %eq3A : i32
    %convert_element_type3A = arith.extui %eq3A_0 : i1 to i32
    %cond3A = arith.constant 0 : i32
    %cond3A_1 = arith.cmpi ne, %convert_element_type3A, %cond3A : i32
    scf.if %cond3A_1 {
      %get3A_1770 = arith.constant 0 : index
      %get3A_1771 = arith.constant 0 : index
      %get3A_1772 = vector.load %arg3[%get3A_1770, %get3A_1771] : memref<64x64xf32, #tpu.memory_space<vmem>>, vector<64x64xf32>
      %iota3A = tpu.iota {dimensions = array<i32: 0>} : vector<64x64xi32>
      %iota3A_1773 = tpu.iota {dimensions = array<i32: 1>} : vector<64x64xi32>
      %eq3A_1774 = arith.cmpi eq, %iota3A, %iota3A_1773 : vector<64x64xi32>
      %lt3A = arith.constant 53 : i32
      %lt3A_1775 = vector.broadcast %lt3A : i32 to vector<64x64xi32>
      %lt3A_1776 = arith.cmpi slt, %iota3A, %lt3A_1775 : vector<64x64xi32>
      %and3A = arith.andi %eq3A_1774, %lt3A_1776 : vector<64x64xi1>
      %convert_element_type3A_1777 = arith.extui %and3A : vector<64x64xi1> to vector<64x64xi32>
      %convert_element_type3A_1778 = arith.sitofp %convert_element_type3A_1777 : vector<64x64xi32> to vector<64x64xf32>
      %get3A_1779 = arith.constant 0 : index
      %get3A_1780 = arith.constant 0 : index
      %get3A_1781 = vector.load %arg4[%get3A_1779, %get3A_1780] : memref<1x1xf32, #tpu.memory_space<vmem>>, vector<1x1xf32>
      %get3A_1782 = vector.extract %get3A_1781[0, 0] : f32 from vector<1x1xf32>
      %add3A_1783 = arith.constant 1.000000e+00 : f32
      %add3A_1784 = arith.addf %add3A_1783, %get3A_1782 : f32
      %mul3A_1785 = vector.broadcast %add3A_1784 : f32 to vector<64x64xf32>
      %mul3A_1786 = arith.mulf %mul3A_1785, %convert_element_type3A_1778 : vector<64x64xf32>
      %add3A_1787 = arith.addf %get3A_1772, %mul3A_1786 : vector<64x64xf32>
      %swap3A_1788 = arith.constant 0 : index
      %swap3A_1789 = arith.constant 0 : index
      %swap3A_1790 = vector.load %arg18[%swap3A_1788, %swap3A_1789] : memref<64x64xf32, #tpu.memory_space<vmem>>, vector<64x64xf32>
      tpu.vector_store %arg18[%swap3A_1788, %swap3A_1789], %add3A_1787 {strides = array<i32>} : memref<64x64xf32, #tpu.memory_space<vmem>>, vector<64x64xf32>,
      %get3A_1791 = arith.constant 0 : index
      %get3A_1792 = arith.constant 0 : index
      %get3A_1793 = vector.load %arg5[%get3A_1791, %get3A_1792] : memref<1x1xf32, #tpu.memory_space<vmem>>, vector<1x1xf32>
      %get3A_1794 = vector.extract %get3A_1793[0, 0] : f32 from vector<1x1xf32>
      %add3A_1795 = arith.constant 1.000000e+00 : f32
      %add3A_1796 = arith.addf %add3A_1795, %get3A_1794 : f32
      %mul3A_1797 = vector.broadcast %add3A_1796 : f32 to vector<64x64xf32>
      %mul3A_1798 = arith.mulf %mul3A_1797, %convert_element_type3A_1778 : vector<64x64xf32>
      %add3A_1799 = arith.addf %get3A_1772, %mul3A_1798 : vector<64x64xf32>
      %swap3A_1800 = arith.constant 0 : index
      %swap3A_1801 = arith.constant 0 : index
      %swap3A_1802 = vector.load %arg19[%swap3A_1800, %swap3A_1801] : memref<64x64xf32, #tpu.memory_space<vmem>>, vector<64x64xf32>
      tpu.vector_store %arg19[%swap3A_1800, %swap3A_1801], %add3A_1799 {strides = array<i32>} : memref<64x64xf32, #tpu.memory_space<vmem>>, vector<64x64xf32>,
      %get3A_1803 = arith.constant 0 : index
      %get3A_1804 = arith.constant 0 : index
      %get3A_1805 = vector.load %arg6[%get3A_1803, %get3A_1804] : memref<1x1xf32, #tpu.memory_space<vmem>>, vector<1x1xf32>
      %get3A_1806 = vector.extract %get3A_1805[0, 0] : f32 from vector<1x1xf32>
      %add3A_1807 = arith.constant 1.000000e+00 : f32
      %add3A_1808 = arith.addf %add3A_1807, %get3A_1806 : f32
      %mul3A_1809 = vector.broadcast %add3A_1808 : f32 to vector<64x64xf32>
      %mul3A_1810 = arith.mulf %mul3A_1809, %convert_element_type3A_1778 : vector<64x64xf32>
      %add3A_1811 = arith.addf %get3A_1772, %mul3A_1810 : vector<64x64xf32>
      %swap3A_1812 = arith.constant 0 : index
      %swap3A_1813 = arith.constant 0 : index
      %swap3A_1814 = vector.load %arg20[%swap3A_1812, %swap3A_1813] : memref<64x64xf32, #tpu.memory_space<vmem>>, vector<64x64xf32>
      tpu.vector_store %arg20[%swap3A_1812, %swap3A_1813], %add3A_1811 {strides = array<i32>} : memref<64x64xf32, #tpu.memory_space<vmem>>, vector<64x64xf32>,
      %iota3A_1815 = tpu.iota {dimensions = array<i32: 0>} : vector<32x2048xi32>
      %iota3A_1816 = tpu.iota {dimensions = array<i32: 1>} : vector<32x2048xi32>
      %jit3A = arith.constant 64 : i32
      %div3A = vector.broadcast %jit3A : i32 to vector<32x2048xi32>
      %div3A_1817 = arith.divsi %iota3A_1816, %div3A : vector<32x2048xi32>
      %sign3A = arith.constant 0 : i32
      %sign3A_1818 = vector.broadcast %sign3A : i32 to vector<32x2048xi32>
      %sign3A_1819 = arith.cmpi sgt, %iota3A_1816, %sign3A_1818 : vector<32x2048xi32>
      %sign3A_1820 = arith.extui %sign3A_1819 : vector<32x2048xi1> to vector<32x2048xi32>
      %sign3A_1821 = arith.constant 0 : i32
      %sign3A_1822 = vector.broadcast %sign3A_1821 : i32 to vector<32x2048xi32>
      %sign3A_1823 = arith.cmpi slt, %iota3A_1816, %sign3A_1822 : vector<32x2048xi32>
      %sign3A_1824 = arith.extui %sign3A_1823 : vector<32x2048xi1> to vector<32x2048xi32>
      %sign3A_1825 = arith.subi %sign3A_1820, %sign3A_1824 : vector<32x2048xi32>
      %sign3A_1826 = arith.constant 0 : i32
      %sign3A_1827 = arith.cmpi sgt, %jit3A, %sign3A_1826 : i32
      %sign3A_1828 = arith.extui %sign3A_1827 : i1 to i32
      %sign3A_1829 = arith.constant 0 : i32
      %sign3A_1830 = arith.cmpi slt, %jit3A, %sign3A_1829 : i32
      %sign3A_1831 = arith.extui %sign3A_1830 : i1 to i32
      %sign3A_1832 = arith.subi %sign3A_1828, %sign3A_1831 : i32
      %ne3A = vector.broadcast %sign3A_1832 : i32 to vector<32x2048xi32>
      %ne3A_1833 = arith.cmpi ne, %sign3A_1825, %ne3A : vector<32x2048xi32>
      %rem3A = vector.broadcast %jit3A : i32 to vector<32x2048xi32>
      %rem3A_1834 = arith.remsi %iota3A_1816, %rem3A : vector<32x2048xi32>
      %ne3A_1835 = arith.constant 0 : i32
      %ne3A_1836 = vector.broadcast %ne3A_1835 : i32 to vector<32x2048xi32>
      %ne3A_1837 = arith.cmpi ne, %rem3A_1834, %ne3A_1836 : vector<32x2048xi32>
      %and3A_1838 = arith.andi %ne3A_1833, %ne3A_1837 : vector<32x2048xi1>
      %sub3A = arith.constant 1 : i32
      %sub3A_1839 = vector.broadcast %sub3A : i32 to vector<32x2048xi32>
      %sub3A_1840 = arith.subi %div3A_1817, %sub3A_1839 : vector<32x2048xi32>
      %select_n3A_1841 = arith.select %and3A_1838, %sub3A_1840, %div3A_1817 : vector<32x2048xi1>, vector<32x2048xi32>
      %eq3A_1842 = arith.cmpi eq, %select_n3A_1841, %iota3A_1815 : vector<32x2048xi32>
      %jit3A_1843 = arith.constant 64 : i32
      %eq3A_1844 = arith.constant 0 : i32
      %eq3A_1845 = arith.cmpi eq, %jit3A_1843, %eq3A_1844 : i32
      %jit3A_1846 = arith.constant 1 : i32
      %select_n3A_1847 = arith.select %eq3A_1845, %jit3A_1846, %jit3A_1843 : i32
      %rem3A_1848 = vector.broadcast %select_n3A_1847 : i32 to vector<32x2048xi32>
      %rem3A_1849 = arith.remsi %iota3A_1816, %rem3A_1848 : vector<32x2048xi32>
      %ne3A_1850 = arith.constant 0 : i32
      %ne3A_1851 = vector.broadcast %ne3A_1850 : i32 to vector<32x2048xi32>
      %ne3A_1852 = arith.cmpi ne, %rem3A_1849, %ne3A_1851 : vector<32x2048xi32>
      %lt3A_1853 = arith.constant 0 : i32
      %lt3A_1854 = vector.broadcast %lt3A_1853 : i32 to vector<32x2048xi32>
      %lt3A_1855 = arith.cmpi slt, %rem3A_1849, %lt3A_1854 : vector<32x2048xi32>
      %lt3A_1856 = arith.constant 0 : i32
      %lt3A_1857 = arith.cmpi slt, %select_n3A_1847, %lt3A_1856 : i32
      %ne3A_1858 = vector.broadcast %lt3A_1857 : i1 to vector<32x2048xi1>
      %ne3A_1859 = vector.broadcast %ne3A_1858 : vector<32x2048xi1> to vector<32x2048xi1>
      %ne3A_1860 = arith.xori %lt3A_1855, %ne3A_1859 : vector<32x2048xi1>
      %and3A_1861 = arith.andi %ne3A_1860, %ne3A_1852 : vector<32x2048xi1>
      %add3A_1862 = vector.broadcast %select_n3A_1847 : i32 to vector<32x2048xi32>
      %add3A_1863 = arith.addi %rem3A_1849, %add3A_1862 : vector<32x2048xi32>
      %select_n3A_1864 = arith.select %and3A_1861, %add3A_1863, %rem3A_1849 : vector<32x2048xi1>, vector<32x2048xi32>
      %lt3A_1865 = arith.constant 53 : i32
      %lt3A_1866 = vector.broadcast %lt3A_1865 : i32 to vector<32x2048xi32>
      %lt3A_1867 = arith.cmpi slt, %select_n3A_1864, %lt3A_1866 : vector<32x2048xi32>
      %and3A_1868 = arith.andi %eq3A_1842, %lt3A_1867 : vector<32x2048xi1>
      %convert_element_type3A_1869 = arith.extui %and3A_1868 : vector<32x2048xi1> to vector<32x2048xi32>
      %convert_element_type3A_1870 = arith.sitofp %convert_element_type3A_1869 : vector<32x2048xi32> to vector<32x2048xf32>
      %swap3A_1871 = arith.constant 0 : index
      %swap3A_1872 = arith.constant 0 : index
      %swap3A_1873 = vector.load %arg21[%swap3A_1871, %swap3A_1872] : memref<32x2048xf32, #tpu.memory_space<vmem>>, vector<32x2048xf32>
      tpu.vector_store %arg21[%swap3A_1871, %swap3A_1872], %convert_element_type3A_1870 {strides = array<i32>} : memref<32x2048xf32, #tpu.memory_space<vmem>>, vector<32x2048xf32>,
    } else {
    }
    %get3A = arith.constant 0 : index
    %get3A_2 = arith.constant 0 : index
    %get3A_3 = arith.constant 0 : index
    %get3A_4 = vector.load %arg1[%get3A, %get3A_2, %get3A_3] : memref<32x53x400xf32, #tpu.memory_space<vmem>>, vector<1x53x400xf32>
    %get3A_5 = vector.shape_cast %get3A_4 : vector<1x53x400xf32> to vector<53x400xf32>
    %get3A_6 = arith.constant 0 : index
    %get3A_7 = arith.constant 0 : index
    %get3A_8 = vector.load %arg7[%get3A_6, %get3A_7] : memref<256x400xf32, #tpu.memory_space<vmem>>, vector<256x400xf32>
    %dot_general3A = arith.constant dense<0.000000e+00> : vector<53x256xf32>
    %dot_general3A_9 = tpu.matmul %get3A_5, %get3A_8, %dot_general3A {dimension_numbers = #tpu.dot_dimension_numbers<[1], [1], [0], [0], [0, 0, 1, 0], [], []>, transpose_lhs_hint = false} : vector<53x400xf32>, vector<256x400xf32>, vector<53x256xf32> -> vector<53x256xf32>
    %swap3A = arith.constant 0 : index
    %swap3A_10 = arith.constant 0 : index
    %swap3A_11 = vector.load %arg22[%swap3A, %swap3A_10] : memref<2048x256xf32, #tpu.memory_space<vmem>>, vector<53x256xf32>
    tpu.vector_store %arg22[%swap3A, %swap3A_10], %dot_general3A_9 {strides = array<i32>} : memref<2048x256xf32, #tpu.memory_space<vmem>>, vector<53x256xf32>,
    %get3A_12 = arith.constant 1 : index
    %get3A_13 = arith.constant 0 : index
    %get3A_14 = arith.constant 0 : index
    %get3A_15 = vector.load %arg1[%get3A_12, %get3A_13, %get3A_14] : memref<32x53x400xf32, #tpu.memory_space<vmem>>, vector<1x53x400xf32>
    %get3A_16 = vector.shape_cast %get3A_15 : vector<1x53x400xf32> to vector<53x400xf32>
    %get3A_17 = arith.constant 0 : index
    %get3A_18 = arith.constant 0 : index
    %get3A_19 = vector.load %arg7[%get3A_17, %get3A_18] : memref<256x400xf32, #tpu.memory_space<vmem>>, vector<256x400xf32>
    %dot_general3A_20 = arith.constant dense<0.000000e+00> : vector<53x256xf32>
    %dot_general3A_21 = tpu.matmul %get3A_16, %get3A_19, %dot_general3A_20 {dimension_numbers = #tpu.dot_dimension_numbers<[1], [1], [0], [0], [0, 0, 1, 0], [], []>, transpose_lhs_hint = false} : vector<53x400xf32>, vector<256x400xf32>, vector<53x256xf32> -> vector<53x256xf32>
    %swap3A_22 = arith.constant 64 : index
    %swap3A_23 = arith.constant 0 : index
    %swap3A_24 = vector.load %arg22[%swap3A_22, %swap3A_23] : memref<2048x256xf32, #tpu.memory_space<vmem>>, vector<53x256xf32>
    tpu.vector_store %arg22[%swap3A_22, %swap3A_23], %dot_general3A_21 {strides = array<i32>} : memref<2048x256xf32, #tpu.memory_space<vmem>>, vector<53x256xf32>,
    %get3A_25 = arith.constant 2 : index
    %get3A_26 = arith.constant 0 : index
    %get3A_27 = arith.constant 0 : index
    %get3A_28 = vector.load %arg1[%get3A_25, %get3A_26, %get3A_27] : memref<32x53x400xf32, #tpu.memory_space<vmem>>, vector<1x53x400xf32>
    %get3A_29 = vector.shape_cast %get3A_28 : vector<1x53x400xf32> to vector<53x400xf32>
    %get3A_30 = arith.constant 0 : index
    %get3A_31 = arith.constant 0 : index
    %get3A_32 = vector.load %arg7[%get3A_30, %get3A_31] : memref<256x400xf32, #tpu.memory_space<vmem>>, vector<256x400xf32>
    %dot_general3A_33 = arith.constant dense<0.000000e+00> : vector<53x256xf32>
    %dot_general3A_34 = tpu.matmul %get3A_29, %get3A_32, %dot_general3A_33 {dimension_numbers = #tpu.dot_dimension_numbers<[1], [1], [0], [0], [0, 0, 1, 0], [], []>, transpose_lhs_hint = false} : vector<53x400xf32>, vector<256x400xf32>, vector<53x256xf32> -> vector<53x256xf32>
    %swap3A_35 = arith.constant 128 : index
    %swap3A_36 = arith.constant 0 : index
    %swap3A_37 = vector.load %arg22[%swap3A_35, %swap3A_36] : memref<2048x256xf32, #tpu.memory_space<vmem>>, vector<53x256xf32>
    tpu.vector_store %arg22[%swap3A_35, %swap3A_36], %dot_general3A_34 {strides = array<i32>} : memref<2048x256xf32, #tpu.memory_space<vmem>>, vector<53x256xf32>,
    %get3A_38 = arith.constant 3 : index
    %get3A_39 = arith.constant 0 : index
    %get3A_40 = arith.constant 0 : index
    %get3A_41 = vector.load %arg1[%get3A_38, %get3A_39, %get3A_40] : memref<32x53x400xf32, #tpu.memory_space<vmem>>, vector<1x53x400xf32>
    %get3A_42 = vector.shape_cast %get3A_41 : vector<1x53x400xf32> to vector<53x400xf32>
    %get3A_43 = arith.constant 0 : index
    %get3A_44 = arith.constant 0 : index
    %get3A_45 = vector.load %arg7[%get3A_43, %get3A_44] : memref<256x400xf32, #tpu.memory_space<vmem>>, vector<256x400xf32>
    %dot_general3A_46 = arith.constant dense<0.000000e+00> : vector<53x256xf32>
    %dot_general3A_47 = tpu.matmul %get3A_42, %get3A_45, %dot_general3A_46 {dimension_numbers = #tpu.dot_dimension_numbers<[1], [1], [0], [0], [0, 0, 1, 0], [], []>, transpose_lhs_hint = false} : vector<53x400xf32>, vector<256x400xf32>, vector<53x256xf32> -> vector<53x256xf32>
    %swap3A_48 = arith.constant 192 : index
    %swap3A_49 = arith.constant 0 : index
    %swap3A_50 = vector.load %arg22[%swap3A_48, %swap3A_49] : memref<2048x256xf32, #tpu.memory_space<vmem>>, vector<53x256xf32>
    tpu.vector_store %arg22[%swap3A_48, %swap3A_49], %dot_general3A_47 {strides = array<i32>} : memref<2048x256xf32, #tpu.memory_space<vmem>>, vector<53x256xf32>,
    %get3A_51 = arith.constant 4 : index
    %get3A_52 = arith.constant 0 : index
    %get3A_53 = arith.constant 0 : index
    %get3A_54 = vector.load %arg1[%get3A_51, %get3A_52, %get3A_53] : memref<32x53x400xf32, #tpu.memory_space<vmem>>, vector<1x53x400xf32>
    %get3A_55 = vector.shape_cast %get3A_54 : vector<1x53x400xf32> to vector<53x400xf32>
    %get3A_56 = arith.constant 0 : index
    %get3A_57 = arith.constant 0 : index
    %get3A_58 = vector.load %arg7[%get3A_56, %get3A_57] : memref<256x400xf32, #tpu.memory_space<vmem>>, vector<256x400xf32>
    %dot_general3A_59 = arith.constant dense<0.000000e+00> : vector<53x256xf32>
    %dot_general3A_60 = tpu.matmul %get3A_55, %get3A_58, %dot_general3A_59 {dimension_numbers = #tpu.dot_dimension_numbers<[1], [1], [0], [0], [0, 0, 1, 0], [], []>, transpose_lhs_hint = false} : vector<53x400xf32>, vector<256x400xf32>, vector<53x256xf32> -> vector<53x256xf32>
    %swap3A_61 = arith.constant 256 : index
    %swap3A_62 = arith.constant 0 : index
    %swap3A_63 = vector.load %arg22[%swap3A_61, %swap3A_62] : memref<2048x256xf32, #tpu.memory_space<vmem>>, vector<53x256xf32>
    tpu.vector_store %arg22[%swap3A_61, %swap3A_62], %dot_general3A_60 {strides = array<i32>} : memref<2048x256xf32, #tpu.memory_space<vmem>>, vector<53x256xf32>,
    %get3A_64 = arith.constant 5 : index
    %get3A_65 = arith.constant 0 : index
    %get3A_66 = arith.constant 0 : index
    %get3A_67 = vector.load %arg1[%get3A_64, %get3A_65, %get3A_66] : memref<32x53x400xf32, #tpu.memory_space<vmem>>, vector<1x53x400xf32>
    %get3A_68 = vector.shape_cast %get3A_67 : vector<1x53x400xf32> to vector<53x400xf32>
    %get3A_69 = arith.constant 0 : index
    %get3A_70 = arith.constant 0 : index
    %get3A_71 = vector.load %arg7[%get3A_69, %get3A_70] : memref<256x400xf32, #tpu.memory_space<vmem>>, vector<256x400xf32>
    %dot_general3A_72 = arith.constant dense<0.000000e+00> : vector<53x256xf32>
    %dot_general3A_73 = tpu.matmul %get3A_68, %get3A_71, %dot_general3A_72 {dimension_numbers = #tpu.dot_dimension_numbers<[1], [1], [0], [0], [0, 0, 1, 0], [], []>, transpose_lhs_hint = false} : vector<53x400xf32>, vector<256x400xf32>, vector<53x256xf32> -> vector<53x256xf32>
    %swap3A_74 = arith.constant 320 : index
    %swap3A_75 = arith.constant 0 : index
    %swap3A_76 = vector.load %arg22[%swap3A_74, %swap3A_75] : memref<2048x256xf32, #tpu.memory_space<vmem>>, vector<53x256xf32>
    tpu.vector_store %arg22[%swap3A_74, %swap3A_75], %dot_general3A_73 {strides = array<i32>} : memref<2048x256xf32, #tpu.memory_space<vmem>>, vector<53x256xf32>,
    %get3A_77 = arith.constant 6 : index
    %get3A_78 = arith.constant 0 : index
    %get3A_79 = arith.constant 0 : index
    %get3A_80 = vector.load %arg1[%get3A_77, %get3A_78, %get3A_79] : memref<32x53x400xf32, #tpu.memory_space<vmem>>, vector<1x53x400xf32>
    %get3A_81 = vector.shape_cast %get3A_80 : vector<1x53x400xf32> to vector<53x400xf32>
    %get3A_82 = arith.constant 0 : index
    %get3A_83 = arith.constant 0 : index
    %get3A_84 = vector.load %arg7[%get3A_82, %get3A_83] : memref<256x400xf32, #tpu.memory_space<vmem>>, vector<256x400xf32>
    %dot_general3A_85 = arith.constant dense<0.000000e+00> : vector<53x256xf32>
    %dot_general3A_86 = tpu.matmul %get3A_81, %get3A_84, %dot_general3A_85 {dimension_numbers = #tpu.dot_dimension_numbers<[1], [1], [0], [0], [0, 0, 1, 0], [], []>, transpose_lhs_hint = false} : vector<53x400xf32>, vector<256x400xf32>, vector<53x256xf32> -> vector<53x256xf32>
    %swap3A_87 = arith.constant 384 : index
    %swap3A_88 = arith.constant 0 : index
    %swap3A_89 = vector.load %arg22[%swap3A_87, %swap3A_88] : memref<2048x256xf32, #tpu.memory_space<vmem>>, vector<53x256xf32>
    tpu.vector_store %arg22[%swap3A_87, %swap3A_88], %dot_general3A_86 {strides = array<i32>} : memref<2048x256xf32, #tpu.memory_space<vmem>>, vector<53x256xf32>,
    %get3A_90 = arith.constant 7 : index
    %get3A_91 = arith.constant 0 : index
    %get3A_92 = arith.constant 0 : index
    %get3A_93 = vector.load %arg1[%get3A_90, %get3A_91, %get3A_92] : memref<32x53x400xf32, #tpu.memory_space<vmem>>, vector<1x53x400xf32>
    %get3A_94 = vector.shape_cast %get3A_93 : vector<1x53x400xf32> to vector<53x400xf32>
    %get3A_95 = arith.constant 0 : index
    %get3A_96 = arith.constant 0 : index
    %get3A_97 = vector.load %arg7[%get3A_95, %get3A_96] : memref<256x400xf32, #tpu.memory_space<vmem>>, vector<256x400xf32>
    %dot_general3A_98 = arith.constant dense<0.000000e+00> : vector<53x256xf32>
    %dot_general3A_99 = tpu.matmul %get3A_94, %get3A_97, %dot_general3A_98 {dimension_numbers = #tpu.dot_dimension_numbers<[1], [1], [0], [0], [0, 0, 1, 0], [], []>, transpose_lhs_hint = false} : vector<53x400xf32>, vector<256x400xf32>, vector<53x256xf32> -> vector<53x256xf32>
    %swap3A_100 = arith.constant 448 : index
    %swap3A_101 = arith.constant 0 : index
    %swap3A_102 = vector.load %arg22[%swap3A_100, %swap3A_101] : memref<2048x256xf32, #tpu.memory_space<vmem>>, vector<53x256xf32>
    tpu.vector_store %arg22[%swap3A_100, %swap3A_101], %dot_general3A_99 {strides = array<i32>} : memref<2048x256xf32, #tpu.memory_space<vmem>>, vector<53x256xf32>,
    %get3A_103 = arith.constant 8 : index
    %get3A_104 = arith.constant 0 : index
    %get3A_105 = arith.constant 0 : index
    %get3A_106 = vector.load %arg1[%get3A_103, %get3A_104, %get3A_105] : memref<32x53x400xf32, #tpu.memory_space<vmem>>, vector<1x53x400xf32>
    %get3A_107 = vector.shape_cast %get3A_106 : vector<1x53x400xf32> to vector<53x400xf32>
    %get3A_108 = arith.constant 0 : index
    %get3A_109 = arith.constant 0 : index
    %get3A_110 = vector.load %arg7[%get3A_108, %get3A_109] : memref<256x400xf32, #tpu.memory_space<vmem>>, vector<256x400xf32>
    %dot_general3A_111 = arith.constant dense<0.000000e+00> : vector<53x256xf32>
    %dot_general3A_112 = tpu.matmul %get3A_107, %get3A_110, %dot_general3A_111 {dimension_numbers = #tpu.dot_dimension_numbers<[1], [1], [0], [0], [0, 0, 1, 0], [], []>, transpose_lhs_hint = false} : vector<53x400xf32>, vector<256x400xf32>, vector<53x256xf32> -> vector<53x256xf32>
    %swap3A_113 = arith.constant 512 : index
    %swap3A_114 = arith.constant 0 : index
    %swap3A_115 = vector.load %arg22[%swap3A_113, %swap3A_114] : memref<2048x256xf32, #tpu.memory_space<vmem>>, vector<53x256xf32>
    tpu.vector_store %arg22[%swap3A_113, %swap3A_114], %dot_general3A_112 {strides = array<i32>} : memref<2048x256xf32, #tpu.memory_space<vmem>>, vector<53x256xf32>,
    %get3A_116 = arith.constant 9 : index
    %get3A_117 = arith.constant 0 : index
    %get3A_118 = arith.constant 0 : index
    %get3A_119 = vector.load %arg1[%get3A_116, %get3A_117, %get3A_118] : memref<32x53x400xf32, #tpu.memory_space<vmem>>, vector<1x53x400xf32>
    %get3A_120 = vector.shape_cast %get3A_119 : vector<1x53x400xf32> to vector<53x400xf32>
    %get3A_121 = arith.constant 0 : index
    %get3A_122 = arith.constant 0 : index
    %get3A_123 = vector.load %arg7[%get3A_121, %get3A_122] : memref<256x400xf32, #tpu.memory_space<vmem>>, vector<256x400xf32>
    %dot_general3A_124 = arith.constant dense<0.000000e+00> : vector<53x256xf32>
    %dot_general3A_125 = tpu.matmul %get3A_120, %get3A_123, %dot_general3A_124 {dimension_numbers = #tpu.dot_dimension_numbers<[1], [1], [0], [0], [0, 0, 1, 0], [], []>, transpose_lhs_hint = false} : vector<53x400xf32>, vector<256x400xf32>, vector<53x256xf32> -> vector<53x256xf32>
    %swap3A_126 = arith.constant 576 : index
    %swap3A_127 = arith.constant 0 : index
    %swap3A_128 = vector.load %arg22[%swap3A_126, %swap3A_127] : memref<2048x256xf32, #tpu.memory_space<vmem>>, vector<53x256xf32>
    tpu.vector_store %arg22[%swap3A_126, %swap3A_127], %dot_general3A_125 {strides = array<i32>} : memref<2048x256xf32, #tpu.memory_space<vmem>>, vector<53x256xf32>,
    %get3A_129 = arith.constant 10 : index
    %get3A_130 = arith.constant 0 : index
    %get3A_131 = arith.constant 0 : index
    %get3A_132 = vector.load %arg1[%get3A_129, %get3A_130, %get3A_131] : memref<32x53x400xf32, #tpu.memory_space<vmem>>, vector<1x53x400xf32>
    %get3A_133 = vector.shape_cast %get3A_132 : vector<1x53x400xf32> to vector<53x400xf32>
    %get3A_134 = arith.constant 0 : index
    %get3A_135 = arith.constant 0 : index
    %get3A_136 = vector.load %arg7[%get3A_134, %get3A_135] : memref<256x400xf32, #tpu.memory_space<vmem>>, vector<256x400xf32>
    %dot_general3A_137 = arith.constant dense<0.000000e+00> : vector<53x256xf32>
    %dot_general3A_138 = tpu.matmul %get3A_133, %get3A_136, %dot_general3A_137 {dimension_numbers = #tpu.dot_dimension_numbers<[1], [1], [0], [0], [0, 0, 1, 0], [], []>, transpose_lhs_hint = false} : vector<53x400xf32>, vector<256x400xf32>, vector<53x256xf32> -> vector<53x256xf32>
    %swap3A_139 = arith.constant 640 : index
    %swap3A_140 = arith.constant 0 : index
    %swap3A_141 = vector.load %arg22[%swap3A_139, %swap3A_140] : memref<2048x256xf32, #tpu.memory_space<vmem>>, vector<53x256xf32>
    tpu.vector_store %arg22[%swap3A_139, %swap3A_140], %dot_general3A_138 {strides = array<i32>} : memref<2048x256xf32, #tpu.memory_space<vmem>>, vector<53x256xf32>,
    %get3A_142 = arith.constant 11 : index
    %get3A_143 = arith.constant 0 : index
    %get3A_144 = arith.constant 0 : index
    %get3A_145 = vector.load %arg1[%get3A_142, %get3A_143, %get3A_144] : memref<32x53x400xf32, #tpu.memory_space<vmem>>, vector<1x53x400xf32>
    %get3A_146 = vector.shape_cast %get3A_145 : vector<1x53x400xf32> to vector<53x400xf32>
    %get3A_147 = arith.constant 0 : index
    %get3A_148 = arith.constant 0 : index
    %get3A_149 = vector.load %arg7[%get3A_147, %get3A_148] : memref<256x400xf32, #tpu.memory_space<vmem>>, vector<256x400xf32>
    %dot_general3A_150 = arith.constant dense<0.000000e+00> : vector<53x256xf32>
    %dot_general3A_151 = tpu.matmul %get3A_146, %get3A_149, %dot_general3A_150 {dimension_numbers = #tpu.dot_dimension_numbers<[1], [1], [0], [0], [0, 0, 1, 0], [], []>, transpose_lhs_hint = false} : vector<53x400xf32>, vector<256x400xf32>, vector<53x256xf32> -> vector<53x256xf32>
    %swap3A_152 = arith.constant 704 : index
    %swap3A_153 = arith.constant 0 : index
    %swap3A_154 = vector.load %arg22[%swap3A_152, %swap3A_153] : memref<2048x256xf32, #tpu.memory_space<vmem>>, vector<53x256xf32>
    tpu.vector_store %arg22[%swap3A_152, %swap3A_153], %dot_general3A_151 {strides = array<i32>} : memref<2048x256xf32, #tpu.memory_space<vmem>>, vector<53x256xf32>,
    %get3A_155 = arith.constant 12 : index
    %get3A_156 = arith.constant 0 : index
    %get3A_157 = arith.constant 0 : index
    %get3A_158 = vector.load %arg1[%get3A_155, %get3A_156, %get3A_157] : memref<32x53x400xf32, #tpu.memory_space<vmem>>, vector<1x53x400xf32>
    %get3A_159 = vector.shape_cast %get3A_158 : vector<1x53x400xf32> to vector<53x400xf32>
    %get3A_160 = arith.constant 0 : index
    %get3A_161 = arith.constant 0 : index
    %get3A_162 = vector.load %arg7[%get3A_160, %get3A_161] : memref<256x400xf32, #tpu.memory_space<vmem>>, vector<256x400xf32>
    %dot_general3A_163 = arith.constant dense<0.000000e+00> : vector<53x256xf32>
    %dot_general3A_164 = tpu.matmul %get3A_159, %get3A_162, %dot_general3A_163 {dimension_numbers = #tpu.dot_dimension_numbers<[1], [1], [0], [0], [0, 0, 1, 0], [], []>, transpose_lhs_hint = false} : vector<53x400xf32>, vector<256x400xf32>, vector<53x256xf32> -> vector<53x256xf32>
    %swap3A_165 = arith.constant 768 : index
    %swap3A_166 = arith.constant 0 : index
    %swap3A_167 = vector.load %arg22[%swap3A_165, %swap3A_166] : memref<2048x256xf32, #tpu.memory_space<vmem>>, vector<53x256xf32>
    tpu.vector_store %arg22[%swap3A_165, %swap3A_166], %dot_general3A_164 {strides = array<i32>} : memref<2048x256xf32, #tpu.memory_space<vmem>>, vector<53x256xf32>,
    %get3A_168 = arith.constant 13 : index
    %get3A_169 = arith.constant 0 : index
    %get3A_170 = arith.constant 0 : index
    %get3A_171 = vector.load %arg1[%get3A_168, %get3A_169, %get3A_170] : memref<32x53x400xf32, #tpu.memory_space<vmem>>, vector<1x53x400xf32>
    %get3A_172 = vector.shape_cast %get3A_171 : vector<1x53x400xf32> to vector<53x400xf32>
    %get3A_173 = arith.constant 0 : index
    %get3A_174 = arith.constant 0 : index
    %get3A_175 = vector.load %arg7[%get3A_173, %get3A_174] : memref<256x400xf32, #tpu.memory_space<vmem>>, vector<256x400xf32>
    %dot_general3A_176 = arith.constant dense<0.000000e+00> : vector<53x256xf32>
    %dot_general3A_177 = tpu.matmul %get3A_172, %get3A_175, %dot_general3A_176 {dimension_numbers = #tpu.dot_dimension_numbers<[1], [1], [0], [0], [0, 0, 1, 0], [], []>, transpose_lhs_hint = false} : vector<53x400xf32>, vector<256x400xf32>, vector<53x256xf32> -> vector<53x256xf32>
    %swap3A_178 = arith.constant 832 : index
    %swap3A_179 = arith.constant 0 : index
    %swap3A_180 = vector.load %arg22[%swap3A_178, %swap3A_179] : memref<2048x256xf32, #tpu.memory_space<vmem>>, vector<53x256xf32>
    tpu.vector_store %arg22[%swap3A_178, %swap3A_179], %dot_general3A_177 {strides = array<i32>} : memref<2048x256xf32, #tpu.memory_space<vmem>>, vector<53x256xf32>,
    %get3A_181 = arith.constant 14 : index
    %get3A_182 = arith.constant 0 : index
    %get3A_183 = arith.constant 0 : index
    %get3A_184 = vector.load %arg1[%get3A_181, %get3A_182, %get3A_183] : memref<32x53x400xf32, #tpu.memory_space<vmem>>, vector<1x53x400xf32>
    %get3A_185 = vector.shape_cast %get3A_184 : vector<1x53x400xf32> to vector<53x400xf32>
    %get3A_186 = arith.constant 0 : index
    %get3A_187 = arith.constant 0 : index
    %get3A_188 = vector.load %arg7[%get3A_186, %get3A_187] : memref<256x400xf32, #tpu.memory_space<vmem>>, vector<256x400xf32>
    %dot_general3A_189 = arith.constant dense<0.000000e+00> : vector<53x256xf32>
    %dot_general3A_190 = tpu.matmul %get3A_185, %get3A_188, %dot_general3A_189 {dimension_numbers = #tpu.dot_dimension_numbers<[1], [1], [0], [0], [0, 0, 1, 0], [], []>, transpose_lhs_hint = false} : vector<53x400xf32>, vector<256x400xf32>, vector<53x256xf32> -> vector<53x256xf32>
    %swap3A_191 = arith.constant 896 : index
    %swap3A_192 = arith.constant 0 : index
    %swap3A_193 = vector.load %arg22[%swap3A_191, %swap3A_192] : memref<2048x256xf32, #tpu.memory_space<vmem>>, vector<53x256xf32>
    tpu.vector_store %arg22[%swap3A_191, %swap3A_192], %dot_general3A_190 {strides = array<i32>} : memref<2048x256xf32, #tpu.memory_space<vmem>>, vector<53x256xf32>,
    %get3A_194 = arith.constant 15 : index
    %get3A_195 = arith.constant 0 : index
    %get3A_196 = arith.constant 0 : index
    %get3A_197 = vector.load %arg1[%get3A_194, %get3A_195, %get3A_196] : memref<32x53x400xf32, #tpu.memory_space<vmem>>, vector<1x53x400xf32>
    %get3A_198 = vector.shape_cast %get3A_197 : vector<1x53x400xf32> to vector<53x400xf32>
    %get3A_199 = arith.constant 0 : index
    %get3A_200 = arith.constant 0 : index
    %get3A_201 = vector.load %arg7[%get3A_199, %get3A_200] : memref<256x400xf32, #tpu.memory_space<vmem>>, vector<256x400xf32>
    %dot_general3A_202 = arith.constant dense<0.000000e+00> : vector<53x256xf32>
    %dot_general3A_203 = tpu.matmul %get3A_198, %get3A_201, %dot_general3A_202 {dimension_numbers = #tpu.dot_dimension_numbers<[1], [1], [0], [0], [0, 0, 1, 0], [], []>, transpose_lhs_hint = false} : vector<53x400xf32>, vector<256x400xf32>, vector<53x256xf32> -> vector<53x256xf32>
    %swap3A_204 = arith.constant 960 : index
    %swap3A_205 = arith.constant 0 : index
    %swap3A_206 = vector.load %arg22[%swap3A_204, %swap3A_205] : memref<2048x256xf32, #tpu.memory_space<vmem>>, vector<53x256xf32>
    tpu.vector_store %arg22[%swap3A_204, %swap3A_205], %dot_general3A_203 {strides = array<i32>} : memref<2048x256xf32, #tpu.memory_space<vmem>>, vector<53x256xf32>,
    %get3A_207 = arith.constant 16 : index
    %get3A_208 = arith.constant 0 : index
    %get3A_209 = arith.constant 0 : index
    %get3A_210 = vector.load %arg1[%get3A_207, %get3A_208, %get3A_209] : memref<32x53x400xf32, #tpu.memory_space<vmem>>, vector<1x53x400xf32>
    %get3A_211 = vector.shape_cast %get3A_210 : vector<1x53x400xf32> to vector<53x400xf32>
    %get3A_212 = arith.constant 0 : index
    %get3A_213 = arith.constant 0 : index
    %get3A_214 = vector.load %arg7[%get3A_212, %get3A_213] : memref<256x400xf32, #tpu.memory_space<vmem>>, vector<256x400xf32>
    %dot_general3A_215 = arith.constant dense<0.000000e+00> : vector<53x256xf32>
    %dot_general3A_216 = tpu.matmul %get3A_211, %get3A_214, %dot_general3A_215 {dimension_numbers = #tpu.dot_dimension_numbers<[1], [1], [0], [0], [0, 0, 1, 0], [], []>, transpose_lhs_hint = false} : vector<53x400xf32>, vector<256x400xf32>, vector<53x256xf32> -> vector<53x256xf32>
    %swap3A_217 = arith.constant 1024 : index
    %swap3A_218 = arith.constant 0 : index
    %swap3A_219 = vector.load %arg22[%swap3A_217, %swap3A_218] : memref<2048x256xf32, #tpu.memory_space<vmem>>, vector<53x256xf32>
    tpu.vector_store %arg22[%swap3A_217, %swap3A_218], %dot_general3A_216 {strides = array<i32>} : memref<2048x256xf32, #tpu.memory_space<vmem>>, vector<53x256xf32>,
    %get3A_220 = arith.constant 17 : index
    %get3A_221 = arith.constant 0 : index
    %get3A_222 = arith.constant 0 : index
    %get3A_223 = vector.load %arg1[%get3A_220, %get3A_221, %get3A_222] : memref<32x53x400xf32, #tpu.memory_space<vmem>>, vector<1x53x400xf32>
    %get3A_224 = vector.shape_cast %get3A_223 : vector<1x53x400xf32> to vector<53x400xf32>
    %get3A_225 = arith.constant 0 : index
    %get3A_226 = arith.constant 0 : index
    %get3A_227 = vector.load %arg7[%get3A_225, %get3A_226] : memref<256x400xf32, #tpu.memory_space<vmem>>, vector<256x400xf32>
    %dot_general3A_228 = arith.constant dense<0.000000e+00> : vector<53x256xf32>
    %dot_general3A_229 = tpu.matmul %get3A_224, %get3A_227, %dot_general3A_228 {dimension_numbers = #tpu.dot_dimension_numbers<[1], [1], [0], [0], [0, 0, 1, 0], [], []>, transpose_lhs_hint = false} : vector<53x400xf32>, vector<256x400xf32>, vector<53x256xf32> -> vector<53x256xf32>
    %swap3A_230 = arith.constant 1088 : index
    %swap3A_231 = arith.constant 0 : index
    %swap3A_232 = vector.load %arg22[%swap3A_230, %swap3A_231] : memref<2048x256xf32, #tpu.memory_space<vmem>>, vector<53x256xf32>
    tpu.vector_store %arg22[%swap3A_230, %swap3A_231], %dot_general3A_229 {strides = array<i32>} : memref<2048x256xf32, #tpu.memory_space<vmem>>, vector<53x256xf32>,
    %get3A_233 = arith.constant 18 : index
    %get3A_234 = arith.constant 0 : index
    %get3A_235 = arith.constant 0 : index
    %get3A_236 = vector.load %arg1[%get3A_233, %get3A_234, %get3A_235] : memref<32x53x400xf32, #tpu.memory_space<vmem>>, vector<1x53x400xf32>
    %get3A_237 = vector.shape_cast %get3A_236 : vector<1x53x400xf32> to vector<53x400xf32>
    %get3A_238 = arith.constant 0 : index
    %get3A_239 = arith.constant 0 : index
    %get3A_240 = vector.load %arg7[%get3A_238, %get3A_239] : memref<256x400xf32, #tpu.memory_space<vmem>>, vector<256x400xf32>
    %dot_general3A_241 = arith.constant dense<0.000000e+00> : vector<53x256xf32>
    %dot_general3A_242 = tpu.matmul %get3A_237, %get3A_240, %dot_general3A_241 {dimension_numbers = #tpu.dot_dimension_numbers<[1], [1], [0], [0], [0, 0, 1, 0], [], []>, transpose_lhs_hint = false} : vector<53x400xf32>, vector<256x400xf32>, vector<53x256xf32> -> vector<53x256xf32>
    %swap3A_243 = arith.constant 1152 : index
    %swap3A_244 = arith.constant 0 : index
    %swap3A_245 = vector.load %arg22[%swap3A_243, %swap3A_244] : memref<2048x256xf32, #tpu.memory_space<vmem>>, vector<53x256xf32>
    tpu.vector_store %arg22[%swap3A_243, %swap3A_244], %dot_general3A_242 {strides = array<i32>} : memref<2048x256xf32, #tpu.memory_space<vmem>>, vector<53x256xf32>,
    %get3A_246 = arith.constant 19 : index
    %get3A_247 = arith.constant 0 : index
    %get3A_248 = arith.constant 0 : index
    %get3A_249 = vector.load %arg1[%get3A_246, %get3A_247, %get3A_248] : memref<32x53x400xf32, #tpu.memory_space<vmem>>, vector<1x53x400xf32>
    %get3A_250 = vector.shape_cast %get3A_249 : vector<1x53x400xf32> to vector<53x400xf32>
    %get3A_251 = arith.constant 0 : index
    %get3A_252 = arith.constant 0 : index
    %get3A_253 = vector.load %arg7[%get3A_251, %get3A_252] : memref<256x400xf32, #tpu.memory_space<vmem>>, vector<256x400xf32>
    %dot_general3A_254 = arith.constant dense<0.000000e+00> : vector<53x256xf32>
    %dot_general3A_255 = tpu.matmul %get3A_250, %get3A_253, %dot_general3A_254 {dimension_numbers = #tpu.dot_dimension_numbers<[1], [1], [0], [0], [0, 0, 1, 0], [], []>, transpose_lhs_hint = false} : vector<53x400xf32>, vector<256x400xf32>, vector<53x256xf32> -> vector<53x256xf32>
    %swap3A_256 = arith.constant 1216 : index
    %swap3A_257 = arith.constant 0 : index
    %swap3A_258 = vector.load %arg22[%swap3A_256, %swap3A_257] : memref<2048x256xf32, #tpu.memory_space<vmem>>, vector<53x256xf32>
    tpu.vector_store %arg22[%swap3A_256, %swap3A_257], %dot_general3A_255 {strides = array<i32>} : memref<2048x256xf32, #tpu.memory_space<vmem>>, vector<53x256xf32>,
    %get3A_259 = arith.constant 20 : index
    %get3A_260 = arith.constant 0 : index
    %get3A_261 = arith.constant 0 : index
    %get3A_262 = vector.load %arg1[%get3A_259, %get3A_260, %get3A_261] : memref<32x53x400xf32, #tpu.memory_space<vmem>>, vector<1x53x400xf32>
    %get3A_263 = vector.shape_cast %get3A_262 : vector<1x53x400xf32> to vector<53x400xf32>
    %get3A_264 = arith.constant 0 : index
    %get3A_265 = arith.constant 0 : index
    %get3A_266 = vector.load %arg7[%get3A_264, %get3A_265] : memref<256x400xf32, #tpu.memory_space<vmem>>, vector<256x400xf32>
    %dot_general3A_267 = arith.constant dense<0.000000e+00> : vector<53x256xf32>
    %dot_general3A_268 = tpu.matmul %get3A_263, %get3A_266, %dot_general3A_267 {dimension_numbers = #tpu.dot_dimension_numbers<[1], [1], [0], [0], [0, 0, 1, 0], [], []>, transpose_lhs_hint = false} : vector<53x400xf32>, vector<256x400xf32>, vector<53x256xf32> -> vector<53x256xf32>
    %swap3A_269 = arith.constant 1280 : index
    %swap3A_270 = arith.constant 0 : index
    %swap3A_271 = vector.load %arg22[%swap3A_269, %swap3A_270] : memref<2048x256xf32, #tpu.memory_space<vmem>>, vector<53x256xf32>
    tpu.vector_store %arg22[%swap3A_269, %swap3A_270], %dot_general3A_268 {strides = array<i32>} : memref<2048x256xf32, #tpu.memory_space<vmem>>, vector<53x256xf32>,
    %get3A_272 = arith.constant 21 : index
    %get3A_273 = arith.constant 0 : index
    %get3A_274 = arith.constant 0 : index
    %get3A_275 = vector.load %arg1[%get3A_272, %get3A_273, %get3A_274] : memref<32x53x400xf32, #tpu.memory_space<vmem>>, vector<1x53x400xf32>
    %get3A_276 = vector.shape_cast %get3A_275 : vector<1x53x400xf32> to vector<53x400xf32>
    %get3A_277 = arith.constant 0 : index
    %get3A_278 = arith.constant 0 : index
    %get3A_279 = vector.load %arg7[%get3A_277, %get3A_278] : memref<256x400xf32, #tpu.memory_space<vmem>>, vector<256x400xf32>
    %dot_general3A_280 = arith.constant dense<0.000000e+00> : vector<53x256xf32>
    %dot_general3A_281 = tpu.matmul %get3A_276, %get3A_279, %dot_general3A_280 {dimension_numbers = #tpu.dot_dimension_numbers<[1], [1], [0], [0], [0, 0, 1, 0], [], []>, transpose_lhs_hint = false} : vector<53x400xf32>, vector<256x400xf32>, vector<53x256xf32> -> vector<53x256xf32>
    %swap3A_282 = arith.constant 1344 : index
    %swap3A_283 = arith.constant 0 : index
    %swap3A_284 = vector.load %arg22[%swap3A_282, %swap3A_283] : memref<2048x256xf32, #tpu.memory_space<vmem>>, vector<53x256xf32>
    tpu.vector_store %arg22[%swap3A_282, %swap3A_283], %dot_general3A_281 {strides = array<i32>} : memref<2048x256xf32, #tpu.memory_space<vmem>>, vector<53x256xf32>,
    %get3A_285 = arith.constant 22 : index
    %get3A_286 = arith.constant 0 : index
    %get3A_287 = arith.constant 0 : index
    %get3A_288 = vector.load %arg1[%get3A_285, %get3A_286, %get3A_287] : memref<32x53x400xf32, #tpu.memory_space<vmem>>, vector<1x53x400xf32>
    %get3A_289 = vector.shape_cast %get3A_288 : vector<1x53x400xf32> to vector<53x400xf32>
    %get3A_290 = arith.constant 0 : index
    %get3A_291 = arith.constant 0 : index
    %get3A_292 = vector.load %arg7[%get3A_290, %get3A_291] : memref<256x400xf32, #tpu.memory_space<vmem>>, vector<256x400xf32>
    %dot_general3A_293 = arith.constant dense<0.000000e+00> : vector<53x256xf32>
    %dot_general3A_294 = tpu.matmul %get3A_289, %get3A_292, %dot_general3A_293 {dimension_numbers = #tpu.dot_dimension_numbers<[1], [1], [0], [0], [0, 0, 1, 0], [], []>, transpose_lhs_hint = false} : vector<53x400xf32>, vector<256x400xf32>, vector<53x256xf32> -> vector<53x256xf32>
    %swap3A_295 = arith.constant 1408 : index
    %swap3A_296 = arith.constant 0 : index
    %swap3A_297 = vector.load %arg22[%swap3A_295, %swap3A_296] : memref<2048x256xf32, #tpu.memory_space<vmem>>, vector<53x256xf32>
    tpu.vector_store %arg22[%swap3A_295, %swap3A_296], %dot_general3A_294 {strides = array<i32>} : memref<2048x256xf32, #tpu.memory_space<vmem>>, vector<53x256xf32>,
    %get3A_298 = arith.constant 23 : index
    %get3A_299 = arith.constant 0 : index
    %get3A_300 = arith.constant 0 : index
    %get3A_301 = vector.load %arg1[%get3A_298, %get3A_299, %get3A_300] : memref<32x53x400xf32, #tpu.memory_space<vmem>>, vector<1x53x400xf32>
    %get3A_302 = vector.shape_cast %get3A_301 : vector<1x53x400xf32> to vector<53x400xf32>
    %get3A_303 = arith.constant 0 : index
    %get3A_304 = arith.constant 0 : index
    %get3A_305 = vector.load %arg7[%get3A_303, %get3A_304] : memref<256x400xf32, #tpu.memory_space<vmem>>, vector<256x400xf32>
    %dot_general3A_306 = arith.constant dense<0.000000e+00> : vector<53x256xf32>
    %dot_general3A_307 = tpu.matmul %get3A_302, %get3A_305, %dot_general3A_306 {dimension_numbers = #tpu.dot_dimension_numbers<[1], [1], [0], [0], [0, 0, 1, 0], [], []>, transpose_lhs_hint = false} : vector<53x400xf32>, vector<256x400xf32>, vector<53x256xf32> -> vector<53x256xf32>
    %swap3A_308 = arith.constant 1472 : index
    %swap3A_309 = arith.constant 0 : index
    %swap3A_310 = vector.load %arg22[%swap3A_308, %swap3A_309] : memref<2048x256xf32, #tpu.memory_space<vmem>>, vector<53x256xf32>
    tpu.vector_store %arg22[%swap3A_308, %swap3A_309], %dot_general3A_307 {strides = array<i32>} : memref<2048x256xf32, #tpu.memory_space<vmem>>, vector<53x256xf32>,
    %get3A_311 = arith.constant 24 : index
    %get3A_312 = arith.constant 0 : index
    %get3A_313 = arith.constant 0 : index
    %get3A_314 = vector.load %arg1[%get3A_311, %get3A_312, %get3A_313] : memref<32x53x400xf32, #tpu.memory_space<vmem>>, vector<1x53x400xf32>
    %get3A_315 = vector.shape_cast %get3A_314 : vector<1x53x400xf32> to vector<53x400xf32>
    %get3A_316 = arith.constant 0 : index
    %get3A_317 = arith.constant 0 : index
    %get3A_318 = vector.load %arg7[%get3A_316, %get3A_317] : memref<256x400xf32, #tpu.memory_space<vmem>>, vector<256x400xf32>
    %dot_general3A_319 = arith.constant dense<0.000000e+00> : vector<53x256xf32>
    %dot_general3A_320 = tpu.matmul %get3A_315, %get3A_318, %dot_general3A_319 {dimension_numbers = #tpu.dot_dimension_numbers<[1], [1], [0], [0], [0, 0, 1, 0], [], []>, transpose_lhs_hint = false} : vector<53x400xf32>, vector<256x400xf32>, vector<53x256xf32> -> vector<53x256xf32>
    %swap3A_321 = arith.constant 1536 : index
    %swap3A_322 = arith.constant 0 : index
    %swap3A_323 = vector.load %arg22[%swap3A_321, %swap3A_322] : memref<2048x256xf32, #tpu.memory_space<vmem>>, vector<53x256xf32>
    tpu.vector_store %arg22[%swap3A_321, %swap3A_322], %dot_general3A_320 {strides = array<i32>} : memref<2048x256xf32, #tpu.memory_space<vmem>>, vector<53x256xf32>,
    %get3A_324 = arith.constant 25 : index
    %get3A_325 = arith.constant 0 : index
    %get3A_326 = arith.constant 0 : index
    %get3A_327 = vector.load %arg1[%get3A_324, %get3A_325, %get3A_326] : memref<32x53x400xf32, #tpu.memory_space<vmem>>, vector<1x53x400xf32>
    %get3A_328 = vector.shape_cast %get3A_327 : vector<1x53x400xf32> to vector<53x400xf32>
    %get3A_329 = arith.constant 0 : index
    %get3A_330 = arith.constant 0 : index
    %get3A_331 = vector.load %arg7[%get3A_329, %get3A_330] : memref<256x400xf32, #tpu.memory_space<vmem>>, vector<256x400xf32>
    %dot_general3A_332 = arith.constant dense<0.000000e+00> : vector<53x256xf32>
    %dot_general3A_333 = tpu.matmul %get3A_328, %get3A_331, %dot_general3A_332 {dimension_numbers = #tpu.dot_dimension_numbers<[1], [1], [0], [0], [0, 0, 1, 0], [], []>, transpose_lhs_hint = false} : vector<53x400xf32>, vector<256x400xf32>, vector<53x256xf32> -> vector<53x256xf32>
    %swap3A_334 = arith.constant 1600 : index
    %swap3A_335 = arith.constant 0 : index
    %swap3A_336 = vector.load %arg22[%swap3A_334, %swap3A_335] : memref<2048x256xf32, #tpu.memory_space<vmem>>, vector<53x256xf32>
    tpu.vector_store %arg22[%swap3A_334, %swap3A_335], %dot_general3A_333 {strides = array<i32>} : memref<2048x256xf32, #tpu.memory_space<vmem>>, vector<53x256xf32>,
    %get3A_337 = arith.constant 26 : index
    %get3A_338 = arith.constant 0 : index
    %get3A_339 = arith.constant 0 : index
    %get3A_340 = vector.load %arg1[%get3A_337, %get3A_338, %get3A_339] : memref<32x53x400xf32, #tpu.memory_space<vmem>>, vector<1x53x400xf32>
    %get3A_341 = vector.shape_cast %get3A_340 : vector<1x53x400xf32> to vector<53x400xf32>
    %get3A_342 = arith.constant 0 : index
    %get3A_343 = arith.constant 0 : index
    %get3A_344 = vector.load %arg7[%get3A_342, %get3A_343] : memref<256x400xf32, #tpu.memory_space<vmem>>, vector<256x400xf32>
    %dot_general3A_345 = arith.constant dense<0.000000e+00> : vector<53x256xf32>
    %dot_general3A_346 = tpu.matmul %get3A_341, %get3A_344, %dot_general3A_345 {dimension_numbers = #tpu.dot_dimension_numbers<[1], [1], [0], [0], [0, 0, 1, 0], [], []>, transpose_lhs_hint = false} : vector<53x400xf32>, vector<256x400xf32>, vector<53x256xf32> -> vector<53x256xf32>
    %swap3A_347 = arith.constant 1664 : index
    %swap3A_348 = arith.constant 0 : index
    %swap3A_349 = vector.load %arg22[%swap3A_347, %swap3A_348] : memref<2048x256xf32, #tpu.memory_space<vmem>>, vector<53x256xf32>
    tpu.vector_store %arg22[%swap3A_347, %swap3A_348], %dot_general3A_346 {strides = array<i32>} : memref<2048x256xf32, #tpu.memory_space<vmem>>, vector<53x256xf32>,
    %get3A_350 = arith.constant 27 : index
    %get3A_351 = arith.constant 0 : index
    %get3A_352 = arith.constant 0 : index
    %get3A_353 = vector.load %arg1[%get3A_350, %get3A_351, %get3A_352] : memref<32x53x400xf32, #tpu.memory_space<vmem>>, vector<1x53x400xf32>
    %get3A_354 = vector.shape_cast %get3A_353 : vector<1x53x400xf32> to vector<53x400xf32>
    %get3A_355 = arith.constant 0 : index
    %get3A_356 = arith.constant 0 : index
    %get3A_357 = vector.load %arg7[%get3A_355, %get3A_356] : memref<256x400xf32, #tpu.memory_space<vmem>>, vector<256x400xf32>
    %dot_general3A_358 = arith.constant dense<0.000000e+00> : vector<53x256xf32>
    %dot_general3A_359 = tpu.matmul %get3A_354, %get3A_357, %dot_general3A_358 {dimension_numbers = #tpu.dot_dimension_numbers<[1], [1], [0], [0], [0, 0, 1, 0], [], []>, transpose_lhs_hint = false} : vector<53x400xf32>, vector<256x400xf32>, vector<53x256xf32> -> vector<53x256xf32>
    %swap3A_360 = arith.constant 1728 : index
    %swap3A_361 = arith.constant 0 : index
    %swap3A_362 = vector.load %arg22[%swap3A_360, %swap3A_361] : memref<2048x256xf32, #tpu.memory_space<vmem>>, vector<53x256xf32>
    tpu.vector_store %arg22[%swap3A_360, %swap3A_361], %dot_general3A_359 {strides = array<i32>} : memref<2048x256xf32, #tpu.memory_space<vmem>>, vector<53x256xf32>,
    %get3A_363 = arith.constant 28 : index
    %get3A_364 = arith.constant 0 : index
    %get3A_365 = arith.constant 0 : index
    %get3A_366 = vector.load %arg1[%get3A_363, %get3A_364, %get3A_365] : memref<32x53x400xf32, #tpu.memory_space<vmem>>, vector<1x53x400xf32>
    %get3A_367 = vector.shape_cast %get3A_366 : vector<1x53x400xf32> to vector<53x400xf32>
    %get3A_368 = arith.constant 0 : index
    %get3A_369 = arith.constant 0 : index
    %get3A_370 = vector.load %arg7[%get3A_368, %get3A_369] : memref<256x400xf32, #tpu.memory_space<vmem>>, vector<256x400xf32>
    %dot_general3A_371 = arith.constant dense<0.000000e+00> : vector<53x256xf32>
    %dot_general3A_372 = tpu.matmul %get3A_367, %get3A_370, %dot_general3A_371 {dimension_numbers = #tpu.dot_dimension_numbers<[1], [1], [0], [0], [0, 0, 1, 0], [], []>, transpose_lhs_hint = false} : vector<53x400xf32>, vector<256x400xf32>, vector<53x256xf32> -> vector<53x256xf32>
    %swap3A_373 = arith.constant 1792 : index
    %swap3A_374 = arith.constant 0 : index
    %swap3A_375 = vector.load %arg22[%swap3A_373, %swap3A_374] : memref<2048x256xf32, #tpu.memory_space<vmem>>, vector<53x256xf32>
    tpu.vector_store %arg22[%swap3A_373, %swap3A_374], %dot_general3A_372 {strides = array<i32>} : memref<2048x256xf32, #tpu.memory_space<vmem>>, vector<53x256xf32>,
    %get3A_376 = arith.constant 29 : index
    %get3A_377 = arith.constant 0 : index
    %get3A_378 = arith.constant 0 : index
    %get3A_379 = vector.load %arg1[%get3A_376, %get3A_377, %get3A_378] : memref<32x53x400xf32, #tpu.memory_space<vmem>>, vector<1x53x400xf32>
    %get3A_380 = vector.shape_cast %get3A_379 : vector<1x53x400xf32> to vector<53x400xf32>
    %get3A_381 = arith.constant 0 : index
    %get3A_382 = arith.constant 0 : index
    %get3A_383 = vector.load %arg7[%get3A_381, %get3A_382] : memref<256x400xf32, #tpu.memory_space<vmem>>, vector<256x400xf32>
    %dot_general3A_384 = arith.constant dense<0.000000e+00> : vector<53x256xf32>
    %dot_general3A_385 = tpu.matmul %get3A_380, %get3A_383, %dot_general3A_384 {dimension_numbers = #tpu.dot_dimension_numbers<[1], [1], [0], [0], [0, 0, 1, 0], [], []>, transpose_lhs_hint = false} : vector<53x400xf32>, vector<256x400xf32>, vector<53x256xf32> -> vector<53x256xf32>
    %swap3A_386 = arith.constant 1856 : index
    %swap3A_387 = arith.constant 0 : index
    %swap3A_388 = vector.load %arg22[%swap3A_386, %swap3A_387] : memref<2048x256xf32, #tpu.memory_space<vmem>>, vector<53x256xf32>
    tpu.vector_store %arg22[%swap3A_386, %swap3A_387], %dot_general3A_385 {strides = array<i32>} : memref<2048x256xf32, #tpu.memory_space<vmem>>, vector<53x256xf32>,
    %get3A_389 = arith.constant 30 : index
    %get3A_390 = arith.constant 0 : index
    %get3A_391 = arith.constant 0 : index
    %get3A_392 = vector.load %arg1[%get3A_389, %get3A_390, %get3A_391] : memref<32x53x400xf32, #tpu.memory_space<vmem>>, vector<1x53x400xf32>
    %get3A_393 = vector.shape_cast %get3A_392 : vector<1x53x400xf32> to vector<53x400xf32>
    %get3A_394 = arith.constant 0 : index
    %get3A_395 = arith.constant 0 : index
    %get3A_396 = vector.load %arg7[%get3A_394, %get3A_395] : memref<256x400xf32, #tpu.memory_space<vmem>>, vector<256x400xf32>
    %dot_general3A_397 = arith.constant dense<0.000000e+00> : vector<53x256xf32>
    %dot_general3A_398 = tpu.matmul %get3A_393, %get3A_396, %dot_general3A_397 {dimension_numbers = #tpu.dot_dimension_numbers<[1], [1], [0], [0], [0, 0, 1, 0], [], []>, transpose_lhs_hint = false} : vector<53x400xf32>, vector<256x400xf32>, vector<53x256xf32> -> vector<53x256xf32>
    %swap3A_399 = arith.constant 1920 : index
    %swap3A_400 = arith.constant 0 : index
    %swap3A_401 = vector.load %arg22[%swap3A_399, %swap3A_400] : memref<2048x256xf32, #tpu.memory_space<vmem>>, vector<53x256xf32>
    tpu.vector_store %arg22[%swap3A_399, %swap3A_400], %dot_general3A_398 {strides = array<i32>} : memref<2048x256xf32, #tpu.memory_space<vmem>>, vector<53x256xf32>,
    %get3A_402 = arith.constant 31 : index
    %get3A_403 = arith.constant 0 : index
    %get3A_404 = arith.constant 0 : index
    %get3A_405 = vector.load %arg1[%get3A_402, %get3A_403, %get3A_404] : memref<32x53x400xf32, #tpu.memory_space<vmem>>, vector<1x53x400xf32>
    %get3A_406 = vector.shape_cast %get3A_405 : vector<1x53x400xf32> to vector<53x400xf32>
    %get3A_407 = arith.constant 0 : index
    %get3A_408 = arith.constant 0 : index
    %get3A_409 = vector.load %arg7[%get3A_407, %get3A_408] : memref<256x400xf32, #tpu.memory_space<vmem>>, vector<256x400xf32>
    %dot_general3A_410 = arith.constant dense<0.000000e+00> : vector<53x256xf32>
    %dot_general3A_411 = tpu.matmul %get3A_406, %get3A_409, %dot_general3A_410 {dimension_numbers = #tpu.dot_dimension_numbers<[1], [1], [0], [0], [0, 0, 1, 0], [], []>, transpose_lhs_hint = false} : vector<53x400xf32>, vector<256x400xf32>, vector<53x256xf32> -> vector<53x256xf32>
    %swap3A_412 = arith.constant 1984 : index
    %swap3A_413 = arith.constant 0 : index
    %swap3A_414 = vector.load %arg22[%swap3A_412, %swap3A_413] : memref<2048x256xf32, #tpu.memory_space<vmem>>, vector<53x256xf32>
    tpu.vector_store %arg22[%swap3A_412, %swap3A_413], %dot_general3A_411 {strides = array<i32>} : memref<2048x256xf32, #tpu.memory_space<vmem>>, vector<53x256xf32>,
    %get3A_415 = arith.constant 0 : index
    %get3A_416 = arith.constant 0 : index
    %get3A_417 = vector.load %arg18[%get3A_415, %get3A_416] : memref<64x64xf32, #tpu.memory_space<vmem>>, vector<64x53xf32>
    %get3A_418 = arith.constant 0 : index
    %get3A_419 = arith.constant 0 : index
    %get3A_420 = vector.load %arg8[%get3A_418, %get3A_419] : memref<1x256xf32, #tpu.memory_space<vmem>>, vector<1x256xf32>
    %get3A_421 = arith.constant 0 : index
    %get3A_422 = arith.constant 0 : index
    %get3A_423 = vector.load %arg22[%get3A_421, %get3A_422] : memref<2048x256xf32, #tpu.memory_space<vmem>>, vector<53x256xf32>
    %dot_general3A_424 = arith.constant dense<0.000000e+00> : vector<64x256xf32>
    %dot_general3A_425 = tpu.matmul %get3A_417, %get3A_423, %dot_general3A_424 {dimension_numbers = #tpu.dot_dimension_numbers<[1], [0], [0], [1], [0, 0, 1, 1], [], []>, transpose_lhs_hint = false} : vector<64x53xf32>, vector<53x256xf32>, vector<64x256xf32> -> vector<64x256xf32>
    %add3A = vector.broadcast %get3A_420 : vector<1x256xf32> to vector<64x256xf32>
    %add3A_426 = arith.addf %dot_general3A_425, %add3A : vector<64x256xf32>
    %max3A = arith.constant 0.000000e+00 : f32
    %max3A_427 = vector.broadcast %max3A : f32 to vector<64x256xf32>
    %max3A_428 = arith.maximumf %add3A_426, %max3A_427 : vector<64x256xf32>
    %swap3A_429 = arith.constant 0 : index
    %swap3A_430 = arith.constant 0 : index
    %swap3A_431 = vector.load %arg23[%swap3A_429, %swap3A_430] : memref<2048x256xf32, #tpu.memory_space<vmem>>, vector<64x256xf32>
    tpu.vector_store %arg23[%swap3A_429, %swap3A_430], %max3A_428 {strides = array<i32>} : memref<2048x256xf32, #tpu.memory_space<vmem>>, vector<64x256xf32>,
    %get3A_432 = arith.constant 64 : index
    %get3A_433 = arith.constant 0 : index
    %get3A_434 = vector.load %arg22[%get3A_432, %get3A_433] : memref<2048x256xf32, #tpu.memory_space<vmem>>, vector<53x256xf32>
    %dot_general3A_435 = arith.constant dense<0.000000e+00> : vector<64x256xf32>
    %dot_general3A_436 = tpu.matmul %get3A_417, %get3A_434, %dot_general3A_435 {dimension_numbers = #tpu.dot_dimension_numbers<[1], [0], [0], [1], [0, 0, 1, 1], [], []>, transpose_lhs_hint = false} : vector<64x53xf32>, vector<53x256xf32>, vector<64x256xf32> -> vector<64x256xf32>
    %add3A_437 = vector.broadcast %get3A_420 : vector<1x256xf32> to vector<64x256xf32>
    %add3A_438 = arith.addf %dot_general3A_436, %add3A_437 : vector<64x256xf32>
    %max3A_439 = arith.constant 0.000000e+00 : f32
    %max3A_440 = vector.broadcast %max3A_439 : f32 to vector<64x256xf32>
    %max3A_441 = arith.maximumf %add3A_438, %max3A_440 : vector<64x256xf32>
    %swap3A_442 = arith.constant 64 : index
    %swap3A_443 = arith.constant 0 : index
    %swap3A_444 = vector.load %arg23[%swap3A_442, %swap3A_443] : memref<2048x256xf32, #tpu.memory_space<vmem>>, vector<64x256xf32>
    tpu.vector_store %arg23[%swap3A_442, %swap3A_443], %max3A_441 {strides = array<i32>} : memref<2048x256xf32, #tpu.memory_space<vmem>>, vector<64x256xf32>,
    %get3A_445 = arith.constant 128 : index
    %get3A_446 = arith.constant 0 : index
    %get3A_447 = vector.load %arg22[%get3A_445, %get3A_446] : memref<2048x256xf32, #tpu.memory_space<vmem>>, vector<53x256xf32>
    %dot_general3A_448 = arith.constant dense<0.000000e+00> : vector<64x256xf32>
    %dot_general3A_449 = tpu.matmul %get3A_417, %get3A_447, %dot_general3A_448 {dimension_numbers = #tpu.dot_dimension_numbers<[1], [0], [0], [1], [0, 0, 1, 1], [], []>, transpose_lhs_hint = false} : vector<64x53xf32>, vector<53x256xf32>, vector<64x256xf32> -> vector<64x256xf32>
    %add3A_450 = vector.broadcast %get3A_420 : vector<1x256xf32> to vector<64x256xf32>
    %add3A_451 = arith.addf %dot_general3A_449, %add3A_450 : vector<64x256xf32>
    %max3A_452 = arith.constant 0.000000e+00 : f32
    %max3A_453 = vector.broadcast %max3A_452 : f32 to vector<64x256xf32>
    %max3A_454 = arith.maximumf %add3A_451, %max3A_453 : vector<64x256xf32>
    %swap3A_455 = arith.constant 128 : index
    %swap3A_456 = arith.constant 0 : index
    %swap3A_457 = vector.load %arg23[%swap3A_455, %swap3A_456] : memref<2048x256xf32, #tpu.memory_space<vmem>>, vector<64x256xf32>
    tpu.vector_store %arg23[%swap3A_455, %swap3A_456], %max3A_454 {strides = array<i32>} : memref<2048x256xf32, #tpu.memory_space<vmem>>, vector<64x256xf32>,
    %get3A_458 = arith.constant 192 : index
    %get3A_459 = arith.constant 0 : index
    %get3A_460 = vector.load %arg22[%get3A_458, %get3A_459] : memref<2048x256xf32, #tpu.memory_space<vmem>>, vector<53x256xf32>
    %dot_general3A_461 = arith.constant dense<0.000000e+00> : vector<64x256xf32>
    %dot_general3A_462 = tpu.matmul %get3A_417, %get3A_460, %dot_general3A_461 {dimension_numbers = #tpu.dot_dimension_numbers<[1], [0], [0], [1], [0, 0, 1, 1], [], []>, transpose_lhs_hint = false} : vector<64x53xf32>, vector<53x256xf32>, vector<64x256xf32> -> vector<64x256xf32>
    %add3A_463 = vector.broadcast %get3A_420 : vector<1x256xf32> to vector<64x256xf32>
    %add3A_464 = arith.addf %dot_general3A_462, %add3A_463 : vector<64x256xf32>
    %max3A_465 = arith.constant 0.000000e+00 : f32
    %max3A_466 = vector.broadcast %max3A_465 : f32 to vector<64x256xf32>
    %max3A_467 = arith.maximumf %add3A_464, %max3A_466 : vector<64x256xf32>
    %swap3A_468 = arith.constant 192 : index
    %swap3A_469 = arith.constant 0 : index
    %swap3A_470 = vector.load %arg23[%swap3A_468, %swap3A_469] : memref<2048x256xf32, #tpu.memory_space<vmem>>, vector<64x256xf32>
    tpu.vector_store %arg23[%swap3A_468, %swap3A_469], %max3A_467 {strides = array<i32>} : memref<2048x256xf32, #tpu.memory_space<vmem>>, vector<64x256xf32>,
    %get3A_471 = arith.constant 256 : index
    %get3A_472 = arith.constant 0 : index
    %get3A_473 = vector.load %arg22[%get3A_471, %get3A_472] : memref<2048x256xf32, #tpu.memory_space<vmem>>, vector<53x256xf32>
    %dot_general3A_474 = arith.constant dense<0.000000e+00> : vector<64x256xf32>
    %dot_general3A_475 = tpu.matmul %get3A_417, %get3A_473, %dot_general3A_474 {dimension_numbers = #tpu.dot_dimension_numbers<[1], [0], [0], [1], [0, 0, 1, 1], [], []>, transpose_lhs_hint = false} : vector<64x53xf32>, vector<53x256xf32>, vector<64x256xf32> -> vector<64x256xf32>
    %add3A_476 = vector.broadcast %get3A_420 : vector<1x256xf32> to vector<64x256xf32>
    %add3A_477 = arith.addf %dot_general3A_475, %add3A_476 : vector<64x256xf32>
    %max3A_478 = arith.constant 0.000000e+00 : f32
    %max3A_479 = vector.broadcast %max3A_478 : f32 to vector<64x256xf32>
    %max3A_480 = arith.maximumf %add3A_477, %max3A_479 : vector<64x256xf32>
    %swap3A_481 = arith.constant 256 : index
    %swap3A_482 = arith.constant 0 : index
    %swap3A_483 = vector.load %arg23[%swap3A_481, %swap3A_482] : memref<2048x256xf32, #tpu.memory_space<vmem>>, vector<64x256xf32>
    tpu.vector_store %arg23[%swap3A_481, %swap3A_482], %max3A_480 {strides = array<i32>} : memref<2048x256xf32, #tpu.memory_space<vmem>>, vector<64x256xf32>,
    %get3A_484 = arith.constant 320 : index
    %get3A_485 = arith.constant 0 : index
    %get3A_486 = vector.load %arg22[%get3A_484, %get3A_485] : memref<2048x256xf32, #tpu.memory_space<vmem>>, vector<53x256xf32>
    %dot_general3A_487 = arith.constant dense<0.000000e+00> : vector<64x256xf32>
    %dot_general3A_488 = tpu.matmul %get3A_417, %get3A_486, %dot_general3A_487 {dimension_numbers = #tpu.dot_dimension_numbers<[1], [0], [0], [1], [0, 0, 1, 1], [], []>, transpose_lhs_hint = false} : vector<64x53xf32>, vector<53x256xf32>, vector<64x256xf32> -> vector<64x256xf32>
    %add3A_489 = vector.broadcast %get3A_420 : vector<1x256xf32> to vector<64x256xf32>
    %add3A_490 = arith.addf %dot_general3A_488, %add3A_489 : vector<64x256xf32>
    %max3A_491 = arith.constant 0.000000e+00 : f32
    %max3A_492 = vector.broadcast %max3A_491 : f32 to vector<64x256xf32>
    %max3A_493 = arith.maximumf %add3A_490, %max3A_492 : vector<64x256xf32>
    %swap3A_494 = arith.constant 320 : index
    %swap3A_495 = arith.constant 0 : index
    %swap3A_496 = vector.load %arg23[%swap3A_494, %swap3A_495] : memref<2048x256xf32, #tpu.memory_space<vmem>>, vector<64x256xf32>
    tpu.vector_store %arg23[%swap3A_494, %swap3A_495], %max3A_493 {strides = array<i32>} : memref<2048x256xf32, #tpu.memory_space<vmem>>, vector<64x256xf32>,
    %get3A_497 = arith.constant 384 : index
    %get3A_498 = arith.constant 0 : index
    %get3A_499 = vector.load %arg22[%get3A_497, %get3A_498] : memref<2048x256xf32, #tpu.memory_space<vmem>>, vector<53x256xf32>
    %dot_general3A_500 = arith.constant dense<0.000000e+00> : vector<64x256xf32>
    %dot_general3A_501 = tpu.matmul %get3A_417, %get3A_499, %dot_general3A_500 {dimension_numbers = #tpu.dot_dimension_numbers<[1], [0], [0], [1], [0, 0, 1, 1], [], []>, transpose_lhs_hint = false} : vector<64x53xf32>, vector<53x256xf32>, vector<64x256xf32> -> vector<64x256xf32>
    %add3A_502 = vector.broadcast %get3A_420 : vector<1x256xf32> to vector<64x256xf32>
    %add3A_503 = arith.addf %dot_general3A_501, %add3A_502 : vector<64x256xf32>
    %max3A_504 = arith.constant 0.000000e+00 : f32
    %max3A_505 = vector.broadcast %max3A_504 : f32 to vector<64x256xf32>
    %max3A_506 = arith.maximumf %add3A_503, %max3A_505 : vector<64x256xf32>
    %swap3A_507 = arith.constant 384 : index
    %swap3A_508 = arith.constant 0 : index
    %swap3A_509 = vector.load %arg23[%swap3A_507, %swap3A_508] : memref<2048x256xf32, #tpu.memory_space<vmem>>, vector<64x256xf32>
    tpu.vector_store %arg23[%swap3A_507, %swap3A_508], %max3A_506 {strides = array<i32>} : memref<2048x256xf32, #tpu.memory_space<vmem>>, vector<64x256xf32>,
    %get3A_510 = arith.constant 448 : index
    %get3A_511 = arith.constant 0 : index
    %get3A_512 = vector.load %arg22[%get3A_510, %get3A_511] : memref<2048x256xf32, #tpu.memory_space<vmem>>, vector<53x256xf32>
    %dot_general3A_513 = arith.constant dense<0.000000e+00> : vector<64x256xf32>
    %dot_general3A_514 = tpu.matmul %get3A_417, %get3A_512, %dot_general3A_513 {dimension_numbers = #tpu.dot_dimension_numbers<[1], [0], [0], [1], [0, 0, 1, 1], [], []>, transpose_lhs_hint = false} : vector<64x53xf32>, vector<53x256xf32>, vector<64x256xf32> -> vector<64x256xf32>
    %add3A_515 = vector.broadcast %get3A_420 : vector<1x256xf32> to vector<64x256xf32>
    %add3A_516 = arith.addf %dot_general3A_514, %add3A_515 : vector<64x256xf32>
    %max3A_517 = arith.constant 0.000000e+00 : f32
    %max3A_518 = vector.broadcast %max3A_517 : f32 to vector<64x256xf32>
    %max3A_519 = arith.maximumf %add3A_516, %max3A_518 : vector<64x256xf32>
    %swap3A_520 = arith.constant 448 : index
    %swap3A_521 = arith.constant 0 : index
    %swap3A_522 = vector.load %arg23[%swap3A_520, %swap3A_521] : memref<2048x256xf32, #tpu.memory_space<vmem>>, vector<64x256xf32>
    tpu.vector_store %arg23[%swap3A_520, %swap3A_521], %max3A_519 {strides = array<i32>} : memref<2048x256xf32, #tpu.memory_space<vmem>>, vector<64x256xf32>,
    %get3A_523 = arith.constant 512 : index
    %get3A_524 = arith.constant 0 : index
    %get3A_525 = vector.load %arg22[%get3A_523, %get3A_524] : memref<2048x256xf32, #tpu.memory_space<vmem>>, vector<53x256xf32>
    %dot_general3A_526 = arith.constant dense<0.000000e+00> : vector<64x256xf32>
    %dot_general3A_527 = tpu.matmul %get3A_417, %get3A_525, %dot_general3A_526 {dimension_numbers = #tpu.dot_dimension_numbers<[1], [0], [0], [1], [0, 0, 1, 1], [], []>, transpose_lhs_hint = false} : vector<64x53xf32>, vector<53x256xf32>, vector<64x256xf32> -> vector<64x256xf32>
    %add3A_528 = vector.broadcast %get3A_420 : vector<1x256xf32> to vector<64x256xf32>
    %add3A_529 = arith.addf %dot_general3A_527, %add3A_528 : vector<64x256xf32>
    %max3A_530 = arith.constant 0.000000e+00 : f32
    %max3A_531 = vector.broadcast %max3A_530 : f32 to vector<64x256xf32>
    %max3A_532 = arith.maximumf %add3A_529, %max3A_531 : vector<64x256xf32>
    %swap3A_533 = arith.constant 512 : index
    %swap3A_534 = arith.constant 0 : index
    %swap3A_535 = vector.load %arg23[%swap3A_533, %swap3A_534] : memref<2048x256xf32, #tpu.memory_space<vmem>>, vector<64x256xf32>
    tpu.vector_store %arg23[%swap3A_533, %swap3A_534], %max3A_532 {strides = array<i32>} : memref<2048x256xf32, #tpu.memory_space<vmem>>, vector<64x256xf32>,
    %get3A_536 = arith.constant 576 : index
    %get3A_537 = arith.constant 0 : index
    %get3A_538 = vector.load %arg22[%get3A_536, %get3A_537] : memref<2048x256xf32, #tpu.memory_space<vmem>>, vector<53x256xf32>
    %dot_general3A_539 = arith.constant dense<0.000000e+00> : vector<64x256xf32>
    %dot_general3A_540 = tpu.matmul %get3A_417, %get3A_538, %dot_general3A_539 {dimension_numbers = #tpu.dot_dimension_numbers<[1], [0], [0], [1], [0, 0, 1, 1], [], []>, transpose_lhs_hint = false} : vector<64x53xf32>, vector<53x256xf32>, vector<64x256xf32> -> vector<64x256xf32>
    %add3A_541 = vector.broadcast %get3A_420 : vector<1x256xf32> to vector<64x256xf32>
    %add3A_542 = arith.addf %dot_general3A_540, %add3A_541 : vector<64x256xf32>
    %max3A_543 = arith.constant 0.000000e+00 : f32
    %max3A_544 = vector.broadcast %max3A_543 : f32 to vector<64x256xf32>
    %max3A_545 = arith.maximumf %add3A_542, %max3A_544 : vector<64x256xf32>
    %swap3A_546 = arith.constant 576 : index
    %swap3A_547 = arith.constant 0 : index
    %swap3A_548 = vector.load %arg23[%swap3A_546, %swap3A_547] : memref<2048x256xf32, #tpu.memory_space<vmem>>, vector<64x256xf32>
    tpu.vector_store %arg23[%swap3A_546, %swap3A_547], %max3A_545 {strides = array<i32>} : memref<2048x256xf32, #tpu.memory_space<vmem>>, vector<64x256xf32>,
    %get3A_549 = arith.constant 640 : index
    %get3A_550 = arith.constant 0 : index
    %get3A_551 = vector.load %arg22[%get3A_549, %get3A_550] : memref<2048x256xf32, #tpu.memory_space<vmem>>, vector<53x256xf32>
    %dot_general3A_552 = arith.constant dense<0.000000e+00> : vector<64x256xf32>
    %dot_general3A_553 = tpu.matmul %get3A_417, %get3A_551, %dot_general3A_552 {dimension_numbers = #tpu.dot_dimension_numbers<[1], [0], [0], [1], [0, 0, 1, 1], [], []>, transpose_lhs_hint = false} : vector<64x53xf32>, vector<53x256xf32>, vector<64x256xf32> -> vector<64x256xf32>
    %add3A_554 = vector.broadcast %get3A_420 : vector<1x256xf32> to vector<64x256xf32>
    %add3A_555 = arith.addf %dot_general3A_553, %add3A_554 : vector<64x256xf32>
    %max3A_556 = arith.constant 0.000000e+00 : f32
    %max3A_557 = vector.broadcast %max3A_556 : f32 to vector<64x256xf32>
    %max3A_558 = arith.maximumf %add3A_555, %max3A_557 : vector<64x256xf32>
    %swap3A_559 = arith.constant 640 : index
    %swap3A_560 = arith.constant 0 : index
    %swap3A_561 = vector.load %arg23[%swap3A_559, %swap3A_560] : memref<2048x256xf32, #tpu.memory_space<vmem>>, vector<64x256xf32>
    tpu.vector_store %arg23[%swap3A_559, %swap3A_560], %max3A_558 {strides = array<i32>} : memref<2048x256xf32, #tpu.memory_space<vmem>>, vector<64x256xf32>,
    %get3A_562 = arith.constant 704 : index
    %get3A_563 = arith.constant 0 : index
    %get3A_564 = vector.load %arg22[%get3A_562, %get3A_563] : memref<2048x256xf32, #tpu.memory_space<vmem>>, vector<53x256xf32>
    %dot_general3A_565 = arith.constant dense<0.000000e+00> : vector<64x256xf32>
    %dot_general3A_566 = tpu.matmul %get3A_417, %get3A_564, %dot_general3A_565 {dimension_numbers = #tpu.dot_dimension_numbers<[1], [0], [0], [1], [0, 0, 1, 1], [], []>, transpose_lhs_hint = false} : vector<64x53xf32>, vector<53x256xf32>, vector<64x256xf32> -> vector<64x256xf32>
    %add3A_567 = vector.broadcast %get3A_420 : vector<1x256xf32> to vector<64x256xf32>
    %add3A_568 = arith.addf %dot_general3A_566, %add3A_567 : vector<64x256xf32>
    %max3A_569 = arith.constant 0.000000e+00 : f32
    %max3A_570 = vector.broadcast %max3A_569 : f32 to vector<64x256xf32>
    %max3A_571 = arith.maximumf %add3A_568, %max3A_570 : vector<64x256xf32>
    %swap3A_572 = arith.constant 704 : index
    %swap3A_573 = arith.constant 0 : index
    %swap3A_574 = vector.load %arg23[%swap3A_572, %swap3A_573] : memref<2048x256xf32, #tpu.memory_space<vmem>>, vector<64x256xf32>
    tpu.vector_store %arg23[%swap3A_572, %swap3A_573], %max3A_571 {strides = array<i32>} : memref<2048x256xf32, #tpu.memory_space<vmem>>, vector<64x256xf32>,
    %get3A_575 = arith.constant 768 : index
    %get3A_576 = arith.constant 0 : index
    %get3A_577 = vector.load %arg22[%get3A_575, %get3A_576] : memref<2048x256xf32, #tpu.memory_space<vmem>>, vector<53x256xf32>
    %dot_general3A_578 = arith.constant dense<0.000000e+00> : vector<64x256xf32>
    %dot_general3A_579 = tpu.matmul %get3A_417, %get3A_577, %dot_general3A_578 {dimension_numbers = #tpu.dot_dimension_numbers<[1], [0], [0], [1], [0, 0, 1, 1], [], []>, transpose_lhs_hint = false} : vector<64x53xf32>, vector<53x256xf32>, vector<64x256xf32> -> vector<64x256xf32>
    %add3A_580 = vector.broadcast %get3A_420 : vector<1x256xf32> to vector<64x256xf32>
    %add3A_581 = arith.addf %dot_general3A_579, %add3A_580 : vector<64x256xf32>
    %max3A_582 = arith.constant 0.000000e+00 : f32
    %max3A_583 = vector.broadcast %max3A_582 : f32 to vector<64x256xf32>
    %max3A_584 = arith.maximumf %add3A_581, %max3A_583 : vector<64x256xf32>
    %swap3A_585 = arith.constant 768 : index
    %swap3A_586 = arith.constant 0 : index
    %swap3A_587 = vector.load %arg23[%swap3A_585, %swap3A_586] : memref<2048x256xf32, #tpu.memory_space<vmem>>, vector<64x256xf32>
    tpu.vector_store %arg23[%swap3A_585, %swap3A_586], %max3A_584 {strides = array<i32>} : memref<2048x256xf32, #tpu.memory_space<vmem>>, vector<64x256xf32>,
    %get3A_588 = arith.constant 832 : index
    %get3A_589 = arith.constant 0 : index
    %get3A_590 = vector.load %arg22[%get3A_588, %get3A_589] : memref<2048x256xf32, #tpu.memory_space<vmem>>, vector<53x256xf32>
    %dot_general3A_591 = arith.constant dense<0.000000e+00> : vector<64x256xf32>
    %dot_general3A_592 = tpu.matmul %get3A_417, %get3A_590, %dot_general3A_591 {dimension_numbers = #tpu.dot_dimension_numbers<[1], [0], [0], [1], [0, 0, 1, 1], [], []>, transpose_lhs_hint = false} : vector<64x53xf32>, vector<53x256xf32>, vector<64x256xf32> -> vector<64x256xf32>
    %add3A_593 = vector.broadcast %get3A_420 : vector<1x256xf32> to vector<64x256xf32>
    %add3A_594 = arith.addf %dot_general3A_592, %add3A_593 : vector<64x256xf32>
    %max3A_595 = arith.constant 0.000000e+00 : f32
    %max3A_596 = vector.broadcast %max3A_595 : f32 to vector<64x256xf32>
    %max3A_597 = arith.maximumf %add3A_594, %max3A_596 : vector<64x256xf32>
    %swap3A_598 = arith.constant 832 : index
    %swap3A_599 = arith.constant 0 : index
    %swap3A_600 = vector.load %arg23[%swap3A_598, %swap3A_599] : memref<2048x256xf32, #tpu.memory_space<vmem>>, vector<64x256xf32>
    tpu.vector_store %arg23[%swap3A_598, %swap3A_599], %max3A_597 {strides = array<i32>} : memref<2048x256xf32, #tpu.memory_space<vmem>>, vector<64x256xf32>,
    %get3A_601 = arith.constant 896 : index
    %get3A_602 = arith.constant 0 : index
    %get3A_603 = vector.load %arg22[%get3A_601, %get3A_602] : memref<2048x256xf32, #tpu.memory_space<vmem>>, vector<53x256xf32>
    %dot_general3A_604 = arith.constant dense<0.000000e+00> : vector<64x256xf32>
    %dot_general3A_605 = tpu.matmul %get3A_417, %get3A_603, %dot_general3A_604 {dimension_numbers = #tpu.dot_dimension_numbers<[1], [0], [0], [1], [0, 0, 1, 1], [], []>, transpose_lhs_hint = false} : vector<64x53xf32>, vector<53x256xf32>, vector<64x256xf32> -> vector<64x256xf32>
    %add3A_606 = vector.broadcast %get3A_420 : vector<1x256xf32> to vector<64x256xf32>
    %add3A_607 = arith.addf %dot_general3A_605, %add3A_606 : vector<64x256xf32>
    %max3A_608 = arith.constant 0.000000e+00 : f32
    %max3A_609 = vector.broadcast %max3A_608 : f32 to vector<64x256xf32>
    %max3A_610 = arith.maximumf %add3A_607, %max3A_609 : vector<64x256xf32>
    %swap3A_611 = arith.constant 896 : index
    %swap3A_612 = arith.constant 0 : index
    %swap3A_613 = vector.load %arg23[%swap3A_611, %swap3A_612] : memref<2048x256xf32, #tpu.memory_space<vmem>>, vector<64x256xf32>
    tpu.vector_store %arg23[%swap3A_611, %swap3A_612], %max3A_610 {strides = array<i32>} : memref<2048x256xf32, #tpu.memory_space<vmem>>, vector<64x256xf32>,
    %get3A_614 = arith.constant 960 : index
    %get3A_615 = arith.constant 0 : index
    %get3A_616 = vector.load %arg22[%get3A_614, %get3A_615] : memref<2048x256xf32, #tpu.memory_space<vmem>>, vector<53x256xf32>
    %dot_general3A_617 = arith.constant dense<0.000000e+00> : vector<64x256xf32>
    %dot_general3A_618 = tpu.matmul %get3A_417, %get3A_616, %dot_general3A_617 {dimension_numbers = #tpu.dot_dimension_numbers<[1], [0], [0], [1], [0, 0, 1, 1], [], []>, transpose_lhs_hint = false} : vector<64x53xf32>, vector<53x256xf32>, vector<64x256xf32> -> vector<64x256xf32>
    %add3A_619 = vector.broadcast %get3A_420 : vector<1x256xf32> to vector<64x256xf32>
    %add3A_620 = arith.addf %dot_general3A_618, %add3A_619 : vector<64x256xf32>
    %max3A_621 = arith.constant 0.000000e+00 : f32
    %max3A_622 = vector.broadcast %max3A_621 : f32 to vector<64x256xf32>
    %max3A_623 = arith.maximumf %add3A_620, %max3A_622 : vector<64x256xf32>
    %swap3A_624 = arith.constant 960 : index
    %swap3A_625 = arith.constant 0 : index
    %swap3A_626 = vector.load %arg23[%swap3A_624, %swap3A_625] : memref<2048x256xf32, #tpu.memory_space<vmem>>, vector<64x256xf32>
    tpu.vector_store %arg23[%swap3A_624, %swap3A_625], %max3A_623 {strides = array<i32>} : memref<2048x256xf32, #tpu.memory_space<vmem>>, vector<64x256xf32>,
    %get3A_627 = arith.constant 1024 : index
    %get3A_628 = arith.constant 0 : index
    %get3A_629 = vector.load %arg22[%get3A_627, %get3A_628] : memref<2048x256xf32, #tpu.memory_space<vmem>>, vector<53x256xf32>
    %dot_general3A_630 = arith.constant dense<0.000000e+00> : vector<64x256xf32>
    %dot_general3A_631 = tpu.matmul %get3A_417, %get3A_629, %dot_general3A_630 {dimension_numbers = #tpu.dot_dimension_numbers<[1], [0], [0], [1], [0, 0, 1, 1], [], []>, transpose_lhs_hint = false} : vector<64x53xf32>, vector<53x256xf32>, vector<64x256xf32> -> vector<64x256xf32>
    %add3A_632 = vector.broadcast %get3A_420 : vector<1x256xf32> to vector<64x256xf32>
    %add3A_633 = arith.addf %dot_general3A_631, %add3A_632 : vector<64x256xf32>
    %max3A_634 = arith.constant 0.000000e+00 : f32
    %max3A_635 = vector.broadcast %max3A_634 : f32 to vector<64x256xf32>
    %max3A_636 = arith.maximumf %add3A_633, %max3A_635 : vector<64x256xf32>
    %swap3A_637 = arith.constant 1024 : index
    %swap3A_638 = arith.constant 0 : index
    %swap3A_639 = vector.load %arg23[%swap3A_637, %swap3A_638] : memref<2048x256xf32, #tpu.memory_space<vmem>>, vector<64x256xf32>
    tpu.vector_store %arg23[%swap3A_637, %swap3A_638], %max3A_636 {strides = array<i32>} : memref<2048x256xf32, #tpu.memory_space<vmem>>, vector<64x256xf32>,
    %get3A_640 = arith.constant 1088 : index
    %get3A_641 = arith.constant 0 : index
    %get3A_642 = vector.load %arg22[%get3A_640, %get3A_641] : memref<2048x256xf32, #tpu.memory_space<vmem>>, vector<53x256xf32>
    %dot_general3A_643 = arith.constant dense<0.000000e+00> : vector<64x256xf32>
    %dot_general3A_644 = tpu.matmul %get3A_417, %get3A_642, %dot_general3A_643 {dimension_numbers = #tpu.dot_dimension_numbers<[1], [0], [0], [1], [0, 0, 1, 1], [], []>, transpose_lhs_hint = false} : vector<64x53xf32>, vector<53x256xf32>, vector<64x256xf32> -> vector<64x256xf32>
    %add3A_645 = vector.broadcast %get3A_420 : vector<1x256xf32> to vector<64x256xf32>
    %add3A_646 = arith.addf %dot_general3A_644, %add3A_645 : vector<64x256xf32>
    %max3A_647 = arith.constant 0.000000e+00 : f32
    %max3A_648 = vector.broadcast %max3A_647 : f32 to vector<64x256xf32>
    %max3A_649 = arith.maximumf %add3A_646, %max3A_648 : vector<64x256xf32>
    %swap3A_650 = arith.constant 1088 : index
    %swap3A_651 = arith.constant 0 : index
    %swap3A_652 = vector.load %arg23[%swap3A_650, %swap3A_651] : memref<2048x256xf32, #tpu.memory_space<vmem>>, vector<64x256xf32>
    tpu.vector_store %arg23[%swap3A_650, %swap3A_651], %max3A_649 {strides = array<i32>} : memref<2048x256xf32, #tpu.memory_space<vmem>>, vector<64x256xf32>,
    %get3A_653 = arith.constant 1152 : index
    %get3A_654 = arith.constant 0 : index
    %get3A_655 = vector.load %arg22[%get3A_653, %get3A_654] : memref<2048x256xf32, #tpu.memory_space<vmem>>, vector<53x256xf32>
    %dot_general3A_656 = arith.constant dense<0.000000e+00> : vector<64x256xf32>
    %dot_general3A_657 = tpu.matmul %get3A_417, %get3A_655, %dot_general3A_656 {dimension_numbers = #tpu.dot_dimension_numbers<[1], [0], [0], [1], [0, 0, 1, 1], [], []>, transpose_lhs_hint = false} : vector<64x53xf32>, vector<53x256xf32>, vector<64x256xf32> -> vector<64x256xf32>
    %add3A_658 = vector.broadcast %get3A_420 : vector<1x256xf32> to vector<64x256xf32>
    %add3A_659 = arith.addf %dot_general3A_657, %add3A_658 : vector<64x256xf32>
    %max3A_660 = arith.constant 0.000000e+00 : f32
    %max3A_661 = vector.broadcast %max3A_660 : f32 to vector<64x256xf32>
    %max3A_662 = arith.maximumf %add3A_659, %max3A_661 : vector<64x256xf32>
    %swap3A_663 = arith.constant 1152 : index
    %swap3A_664 = arith.constant 0 : index
    %swap3A_665 = vector.load %arg23[%swap3A_663, %swap3A_664] : memref<2048x256xf32, #tpu.memory_space<vmem>>, vector<64x256xf32>
    tpu.vector_store %arg23[%swap3A_663, %swap3A_664], %max3A_662 {strides = array<i32>} : memref<2048x256xf32, #tpu.memory_space<vmem>>, vector<64x256xf32>,
    %get3A_666 = arith.constant 1216 : index
    %get3A_667 = arith.constant 0 : index
    %get3A_668 = vector.load %arg22[%get3A_666, %get3A_667] : memref<2048x256xf32, #tpu.memory_space<vmem>>, vector<53x256xf32>
    %dot_general3A_669 = arith.constant dense<0.000000e+00> : vector<64x256xf32>
    %dot_general3A_670 = tpu.matmul %get3A_417, %get3A_668, %dot_general3A_669 {dimension_numbers = #tpu.dot_dimension_numbers<[1], [0], [0], [1], [0, 0, 1, 1], [], []>, transpose_lhs_hint = false} : vector<64x53xf32>, vector<53x256xf32>, vector<64x256xf32> -> vector<64x256xf32>
    %add3A_671 = vector.broadcast %get3A_420 : vector<1x256xf32> to vector<64x256xf32>
    %add3A_672 = arith.addf %dot_general3A_670, %add3A_671 : vector<64x256xf32>
    %max3A_673 = arith.constant 0.000000e+00 : f32
    %max3A_674 = vector.broadcast %max3A_673 : f32 to vector<64x256xf32>
    %max3A_675 = arith.maximumf %add3A_672, %max3A_674 : vector<64x256xf32>
    %swap3A_676 = arith.constant 1216 : index
    %swap3A_677 = arith.constant 0 : index
    %swap3A_678 = vector.load %arg23[%swap3A_676, %swap3A_677] : memref<2048x256xf32, #tpu.memory_space<vmem>>, vector<64x256xf32>
    tpu.vector_store %arg23[%swap3A_676, %swap3A_677], %max3A_675 {strides = array<i32>} : memref<2048x256xf32, #tpu.memory_space<vmem>>, vector<64x256xf32>,
    %get3A_679 = arith.constant 1280 : index
    %get3A_680 = arith.constant 0 : index
    %get3A_681 = vector.load %arg22[%get3A_679, %get3A_680] : memref<2048x256xf32, #tpu.memory_space<vmem>>, vector<53x256xf32>
    %dot_general3A_682 = arith.constant dense<0.000000e+00> : vector<64x256xf32>
    %dot_general3A_683 = tpu.matmul %get3A_417, %get3A_681, %dot_general3A_682 {dimension_numbers = #tpu.dot_dimension_numbers<[1], [0], [0], [1], [0, 0, 1, 1], [], []>, transpose_lhs_hint = false} : vector<64x53xf32>, vector<53x256xf32>, vector<64x256xf32> -> vector<64x256xf32>
    %add3A_684 = vector.broadcast %get3A_420 : vector<1x256xf32> to vector<64x256xf32>
    %add3A_685 = arith.addf %dot_general3A_683, %add3A_684 : vector<64x256xf32>
    %max3A_686 = arith.constant 0.000000e+00 : f32
    %max3A_687 = vector.broadcast %max3A_686 : f32 to vector<64x256xf32>
    %max3A_688 = arith.maximumf %add3A_685, %max3A_687 : vector<64x256xf32>
    %swap3A_689 = arith.constant 1280 : index
    %swap3A_690 = arith.constant 0 : index
    %swap3A_691 = vector.load %arg23[%swap3A_689, %swap3A_690] : memref<2048x256xf32, #tpu.memory_space<vmem>>, vector<64x256xf32>
    tpu.vector_store %arg23[%swap3A_689, %swap3A_690], %max3A_688 {strides = array<i32>} : memref<2048x256xf32, #tpu.memory_space<vmem>>, vector<64x256xf32>,
    %get3A_692 = arith.constant 1344 : index
    %get3A_693 = arith.constant 0 : index
    %get3A_694 = vector.load %arg22[%get3A_692, %get3A_693] : memref<2048x256xf32, #tpu.memory_space<vmem>>, vector<53x256xf32>
    %dot_general3A_695 = arith.constant dense<0.000000e+00> : vector<64x256xf32>
    %dot_general3A_696 = tpu.matmul %get3A_417, %get3A_694, %dot_general3A_695 {dimension_numbers = #tpu.dot_dimension_numbers<[1], [0], [0], [1], [0, 0, 1, 1], [], []>, transpose_lhs_hint = false} : vector<64x53xf32>, vector<53x256xf32>, vector<64x256xf32> -> vector<64x256xf32>
    %add3A_697 = vector.broadcast %get3A_420 : vector<1x256xf32> to vector<64x256xf32>
    %add3A_698 = arith.addf %dot_general3A_696, %add3A_697 : vector<64x256xf32>
    %max3A_699 = arith.constant 0.000000e+00 : f32
    %max3A_700 = vector.broadcast %max3A_699 : f32 to vector<64x256xf32>
    %max3A_701 = arith.maximumf %add3A_698, %max3A_700 : vector<64x256xf32>
    %swap3A_702 = arith.constant 1344 : index
    %swap3A_703 = arith.constant 0 : index
    %swap3A_704 = vector.load %arg23[%swap3A_702, %swap3A_703] : memref<2048x256xf32, #tpu.memory_space<vmem>>, vector<64x256xf32>
    tpu.vector_store %arg23[%swap3A_702, %swap3A_703], %max3A_701 {strides = array<i32>} : memref<2048x256xf32, #tpu.memory_space<vmem>>, vector<64x256xf32>,
    %get3A_705 = arith.constant 1408 : index
    %get3A_706 = arith.constant 0 : index
    %get3A_707 = vector.load %arg22[%get3A_705, %get3A_706] : memref<2048x256xf32, #tpu.memory_space<vmem>>, vector<53x256xf32>
    %dot_general3A_708 = arith.constant dense<0.000000e+00> : vector<64x256xf32>
    %dot_general3A_709 = tpu.matmul %get3A_417, %get3A_707, %dot_general3A_708 {dimension_numbers = #tpu.dot_dimension_numbers<[1], [0], [0], [1], [0, 0, 1, 1], [], []>, transpose_lhs_hint = false} : vector<64x53xf32>, vector<53x256xf32>, vector<64x256xf32> -> vector<64x256xf32>
    %add3A_710 = vector.broadcast %get3A_420 : vector<1x256xf32> to vector<64x256xf32>
    %add3A_711 = arith.addf %dot_general3A_709, %add3A_710 : vector<64x256xf32>
    %max3A_712 = arith.constant 0.000000e+00 : f32
    %max3A_713 = vector.broadcast %max3A_712 : f32 to vector<64x256xf32>
    %max3A_714 = arith.maximumf %add3A_711, %max3A_713 : vector<64x256xf32>
    %swap3A_715 = arith.constant 1408 : index
    %swap3A_716 = arith.constant 0 : index
    %swap3A_717 = vector.load %arg23[%swap3A_715, %swap3A_716] : memref<2048x256xf32, #tpu.memory_space<vmem>>, vector<64x256xf32>
    tpu.vector_store %arg23[%swap3A_715, %swap3A_716], %max3A_714 {strides = array<i32>} : memref<2048x256xf32, #tpu.memory_space<vmem>>, vector<64x256xf32>,
    %get3A_718 = arith.constant 1472 : index
    %get3A_719 = arith.constant 0 : index
    %get3A_720 = vector.load %arg22[%get3A_718, %get3A_719] : memref<2048x256xf32, #tpu.memory_space<vmem>>, vector<53x256xf32>
    %dot_general3A_721 = arith.constant dense<0.000000e+00> : vector<64x256xf32>
    %dot_general3A_722 = tpu.matmul %get3A_417, %get3A_720, %dot_general3A_721 {dimension_numbers = #tpu.dot_dimension_numbers<[1], [0], [0], [1], [0, 0, 1, 1], [], []>, transpose_lhs_hint = false} : vector<64x53xf32>, vector<53x256xf32>, vector<64x256xf32> -> vector<64x256xf32>
    %add3A_723 = vector.broadcast %get3A_420 : vector<1x256xf32> to vector<64x256xf32>
    %add3A_724 = arith.addf %dot_general3A_722, %add3A_723 : vector<64x256xf32>
    %max3A_725 = arith.constant 0.000000e+00 : f32
    %max3A_726 = vector.broadcast %max3A_725 : f32 to vector<64x256xf32>
    %max3A_727 = arith.maximumf %add3A_724, %max3A_726 : vector<64x256xf32>
    %swap3A_728 = arith.constant 1472 : index
    %swap3A_729 = arith.constant 0 : index
    %swap3A_730 = vector.load %arg23[%swap3A_728, %swap3A_729] : memref<2048x256xf32, #tpu.memory_space<vmem>>, vector<64x256xf32>
    tpu.vector_store %arg23[%swap3A_728, %swap3A_729], %max3A_727 {strides = array<i32>} : memref<2048x256xf32, #tpu.memory_space<vmem>>, vector<64x256xf32>,
    %get3A_731 = arith.constant 1536 : index
    %get3A_732 = arith.constant 0 : index
    %get3A_733 = vector.load %arg22[%get3A_731, %get3A_732] : memref<2048x256xf32, #tpu.memory_space<vmem>>, vector<53x256xf32>
    %dot_general3A_734 = arith.constant dense<0.000000e+00> : vector<64x256xf32>
    %dot_general3A_735 = tpu.matmul %get3A_417, %get3A_733, %dot_general3A_734 {dimension_numbers = #tpu.dot_dimension_numbers<[1], [0], [0], [1], [0, 0, 1, 1], [], []>, transpose_lhs_hint = false} : vector<64x53xf32>, vector<53x256xf32>, vector<64x256xf32> -> vector<64x256xf32>
    %add3A_736 = vector.broadcast %get3A_420 : vector<1x256xf32> to vector<64x256xf32>
    %add3A_737 = arith.addf %dot_general3A_735, %add3A_736 : vector<64x256xf32>
    %max3A_738 = arith.constant 0.000000e+00 : f32
    %max3A_739 = vector.broadcast %max3A_738 : f32 to vector<64x256xf32>
    %max3A_740 = arith.maximumf %add3A_737, %max3A_739 : vector<64x256xf32>
    %swap3A_741 = arith.constant 1536 : index
    %swap3A_742 = arith.constant 0 : index
    %swap3A_743 = vector.load %arg23[%swap3A_741, %swap3A_742] : memref<2048x256xf32, #tpu.memory_space<vmem>>, vector<64x256xf32>
    tpu.vector_store %arg23[%swap3A_741, %swap3A_742], %max3A_740 {strides = array<i32>} : memref<2048x256xf32, #tpu.memory_space<vmem>>, vector<64x256xf32>,
    %get3A_744 = arith.constant 1600 : index
    %get3A_745 = arith.constant 0 : index
    %get3A_746 = vector.load %arg22[%get3A_744, %get3A_745] : memref<2048x256xf32, #tpu.memory_space<vmem>>, vector<53x256xf32>
    %dot_general3A_747 = arith.constant dense<0.000000e+00> : vector<64x256xf32>
    %dot_general3A_748 = tpu.matmul %get3A_417, %get3A_746, %dot_general3A_747 {dimension_numbers = #tpu.dot_dimension_numbers<[1], [0], [0], [1], [0, 0, 1, 1], [], []>, transpose_lhs_hint = false} : vector<64x53xf32>, vector<53x256xf32>, vector<64x256xf32> -> vector<64x256xf32>
    %add3A_749 = vector.broadcast %get3A_420 : vector<1x256xf32> to vector<64x256xf32>
    %add3A_750 = arith.addf %dot_general3A_748, %add3A_749 : vector<64x256xf32>
    %max3A_751 = arith.constant 0.000000e+00 : f32
    %max3A_752 = vector.broadcast %max3A_751 : f32 to vector<64x256xf32>
    %max3A_753 = arith.maximumf %add3A_750, %max3A_752 : vector<64x256xf32>
    %swap3A_754 = arith.constant 1600 : index
    %swap3A_755 = arith.constant 0 : index
    %swap3A_756 = vector.load %arg23[%swap3A_754, %swap3A_755] : memref<2048x256xf32, #tpu.memory_space<vmem>>, vector<64x256xf32>
    tpu.vector_store %arg23[%swap3A_754, %swap3A_755], %max3A_753 {strides = array<i32>} : memref<2048x256xf32, #tpu.memory_space<vmem>>, vector<64x256xf32>,
    %get3A_757 = arith.constant 1664 : index
    %get3A_758 = arith.constant 0 : index
    %get3A_759 = vector.load %arg22[%get3A_757, %get3A_758] : memref<2048x256xf32, #tpu.memory_space<vmem>>, vector<53x256xf32>
    %dot_general3A_760 = arith.constant dense<0.000000e+00> : vector<64x256xf32>
    %dot_general3A_761 = tpu.matmul %get3A_417, %get3A_759, %dot_general3A_760 {dimension_numbers = #tpu.dot_dimension_numbers<[1], [0], [0], [1], [0, 0, 1, 1], [], []>, transpose_lhs_hint = false} : vector<64x53xf32>, vector<53x256xf32>, vector<64x256xf32> -> vector<64x256xf32>
    %add3A_762 = vector.broadcast %get3A_420 : vector<1x256xf32> to vector<64x256xf32>
    %add3A_763 = arith.addf %dot_general3A_761, %add3A_762 : vector<64x256xf32>
    %max3A_764 = arith.constant 0.000000e+00 : f32
    %max3A_765 = vector.broadcast %max3A_764 : f32 to vector<64x256xf32>
    %max3A_766 = arith.maximumf %add3A_763, %max3A_765 : vector<64x256xf32>
    %swap3A_767 = arith.constant 1664 : index
    %swap3A_768 = arith.constant 0 : index
    %swap3A_769 = vector.load %arg23[%swap3A_767, %swap3A_768] : memref<2048x256xf32, #tpu.memory_space<vmem>>, vector<64x256xf32>
    tpu.vector_store %arg23[%swap3A_767, %swap3A_768], %max3A_766 {strides = array<i32>} : memref<2048x256xf32, #tpu.memory_space<vmem>>, vector<64x256xf32>,
    %get3A_770 = arith.constant 1728 : index
    %get3A_771 = arith.constant 0 : index
    %get3A_772 = vector.load %arg22[%get3A_770, %get3A_771] : memref<2048x256xf32, #tpu.memory_space<vmem>>, vector<53x256xf32>
    %dot_general3A_773 = arith.constant dense<0.000000e+00> : vector<64x256xf32>
    %dot_general3A_774 = tpu.matmul %get3A_417, %get3A_772, %dot_general3A_773 {dimension_numbers = #tpu.dot_dimension_numbers<[1], [0], [0], [1], [0, 0, 1, 1], [], []>, transpose_lhs_hint = false} : vector<64x53xf32>, vector<53x256xf32>, vector<64x256xf32> -> vector<64x256xf32>
    %add3A_775 = vector.broadcast %get3A_420 : vector<1x256xf32> to vector<64x256xf32>
    %add3A_776 = arith.addf %dot_general3A_774, %add3A_775 : vector<64x256xf32>
    %max3A_777 = arith.constant 0.000000e+00 : f32
    %max3A_778 = vector.broadcast %max3A_777 : f32 to vector<64x256xf32>
    %max3A_779 = arith.maximumf %add3A_776, %max3A_778 : vector<64x256xf32>
    %swap3A_780 = arith.constant 1728 : index
    %swap3A_781 = arith.constant 0 : index
    %swap3A_782 = vector.load %arg23[%swap3A_780, %swap3A_781] : memref<2048x256xf32, #tpu.memory_space<vmem>>, vector<64x256xf32>
    tpu.vector_store %arg23[%swap3A_780, %swap3A_781], %max3A_779 {strides = array<i32>} : memref<2048x256xf32, #tpu.memory_space<vmem>>, vector<64x256xf32>,
    %get3A_783 = arith.constant 1792 : index
    %get3A_784 = arith.constant 0 : index
    %get3A_785 = vector.load %arg22[%get3A_783, %get3A_784] : memref<2048x256xf32, #tpu.memory_space<vmem>>, vector<53x256xf32>
    %dot_general3A_786 = arith.constant dense<0.000000e+00> : vector<64x256xf32>
    %dot_general3A_787 = tpu.matmul %get3A_417, %get3A_785, %dot_general3A_786 {dimension_numbers = #tpu.dot_dimension_numbers<[1], [0], [0], [1], [0, 0, 1, 1], [], []>, transpose_lhs_hint = false} : vector<64x53xf32>, vector<53x256xf32>, vector<64x256xf32> -> vector<64x256xf32>
    %add3A_788 = vector.broadcast %get3A_420 : vector<1x256xf32> to vector<64x256xf32>
    %add3A_789 = arith.addf %dot_general3A_787, %add3A_788 : vector<64x256xf32>
    %max3A_790 = arith.constant 0.000000e+00 : f32
    %max3A_791 = vector.broadcast %max3A_790 : f32 to vector<64x256xf32>
    %max3A_792 = arith.maximumf %add3A_789, %max3A_791 : vector<64x256xf32>
    %swap3A_793 = arith.constant 1792 : index
    %swap3A_794 = arith.constant 0 : index
    %swap3A_795 = vector.load %arg23[%swap3A_793, %swap3A_794] : memref<2048x256xf32, #tpu.memory_space<vmem>>, vector<64x256xf32>
    tpu.vector_store %arg23[%swap3A_793, %swap3A_794], %max3A_792 {strides = array<i32>} : memref<2048x256xf32, #tpu.memory_space<vmem>>, vector<64x256xf32>,
    %get3A_796 = arith.constant 1856 : index
    %get3A_797 = arith.constant 0 : index
    %get3A_798 = vector.load %arg22[%get3A_796, %get3A_797] : memref<2048x256xf32, #tpu.memory_space<vmem>>, vector<53x256xf32>
    %dot_general3A_799 = arith.constant dense<0.000000e+00> : vector<64x256xf32>
    %dot_general3A_800 = tpu.matmul %get3A_417, %get3A_798, %dot_general3A_799 {dimension_numbers = #tpu.dot_dimension_numbers<[1], [0], [0], [1], [0, 0, 1, 1], [], []>, transpose_lhs_hint = false} : vector<64x53xf32>, vector<53x256xf32>, vector<64x256xf32> -> vector<64x256xf32>
    %add3A_801 = vector.broadcast %get3A_420 : vector<1x256xf32> to vector<64x256xf32>
    %add3A_802 = arith.addf %dot_general3A_800, %add3A_801 : vector<64x256xf32>
    %max3A_803 = arith.constant 0.000000e+00 : f32
    %max3A_804 = vector.broadcast %max3A_803 : f32 to vector<64x256xf32>
    %max3A_805 = arith.maximumf %add3A_802, %max3A_804 : vector<64x256xf32>
    %swap3A_806 = arith.constant 1856 : index
    %swap3A_807 = arith.constant 0 : index
    %swap3A_808 = vector.load %arg23[%swap3A_806, %swap3A_807] : memref<2048x256xf32, #tpu.memory_space<vmem>>, vector<64x256xf32>
    tpu.vector_store %arg23[%swap3A_806, %swap3A_807], %max3A_805 {strides = array<i32>} : memref<2048x256xf32, #tpu.memory_space<vmem>>, vector<64x256xf32>,
    %get3A_809 = arith.constant 1920 : index
    %get3A_810 = arith.constant 0 : index
    %get3A_811 = vector.load %arg22[%get3A_809, %get3A_810] : memref<2048x256xf32, #tpu.memory_space<vmem>>, vector<53x256xf32>
    %dot_general3A_812 = arith.constant dense<0.000000e+00> : vector<64x256xf32>
    %dot_general3A_813 = tpu.matmul %get3A_417, %get3A_811, %dot_general3A_812 {dimension_numbers = #tpu.dot_dimension_numbers<[1], [0], [0], [1], [0, 0, 1, 1], [], []>, transpose_lhs_hint = false} : vector<64x53xf32>, vector<53x256xf32>, vector<64x256xf32> -> vector<64x256xf32>
    %add3A_814 = vector.broadcast %get3A_420 : vector<1x256xf32> to vector<64x256xf32>
    %add3A_815 = arith.addf %dot_general3A_813, %add3A_814 : vector<64x256xf32>
    %max3A_816 = arith.constant 0.000000e+00 : f32
    %max3A_817 = vector.broadcast %max3A_816 : f32 to vector<64x256xf32>
    %max3A_818 = arith.maximumf %add3A_815, %max3A_817 : vector<64x256xf32>
    %swap3A_819 = arith.constant 1920 : index
    %swap3A_820 = arith.constant 0 : index
    %swap3A_821 = vector.load %arg23[%swap3A_819, %swap3A_820] : memref<2048x256xf32, #tpu.memory_space<vmem>>, vector<64x256xf32>
    tpu.vector_store %arg23[%swap3A_819, %swap3A_820], %max3A_818 {strides = array<i32>} : memref<2048x256xf32, #tpu.memory_space<vmem>>, vector<64x256xf32>,
    %get3A_822 = arith.constant 1984 : index
    %get3A_823 = arith.constant 0 : index
    %get3A_824 = vector.load %arg22[%get3A_822, %get3A_823] : memref<2048x256xf32, #tpu.memory_space<vmem>>, vector<53x256xf32>
    %dot_general3A_825 = arith.constant dense<0.000000e+00> : vector<64x256xf32>
    %dot_general3A_826 = tpu.matmul %get3A_417, %get3A_824, %dot_general3A_825 {dimension_numbers = #tpu.dot_dimension_numbers<[1], [0], [0], [1], [0, 0, 1, 1], [], []>, transpose_lhs_hint = false} : vector<64x53xf32>, vector<53x256xf32>, vector<64x256xf32> -> vector<64x256xf32>
    %add3A_827 = vector.broadcast %get3A_420 : vector<1x256xf32> to vector<64x256xf32>
    %add3A_828 = arith.addf %dot_general3A_826, %add3A_827 : vector<64x256xf32>
    %max3A_829 = arith.constant 0.000000e+00 : f32
    %max3A_830 = vector.broadcast %max3A_829 : f32 to vector<64x256xf32>
    %max3A_831 = arith.maximumf %add3A_828, %max3A_830 : vector<64x256xf32>
    %swap3A_832 = arith.constant 1984 : index
    %swap3A_833 = arith.constant 0 : index
    %swap3A_834 = vector.load %arg23[%swap3A_832, %swap3A_833] : memref<2048x256xf32, #tpu.memory_space<vmem>>, vector<64x256xf32>
    tpu.vector_store %arg23[%swap3A_832, %swap3A_833], %max3A_831 {strides = array<i32>} : memref<2048x256xf32, #tpu.memory_space<vmem>>, vector<64x256xf32>,
    %get3A_835 = arith.constant 0 : index
    %get3A_836 = arith.constant 0 : index
    %get3A_837 = vector.load %arg21[%get3A_835, %get3A_836] : memref<32x2048xf32, #tpu.memory_space<vmem>>, vector<32x2048xf32>
    %get3A_838 = arith.constant 0 : index
    %get3A_839 = arith.constant 0 : index
    %get3A_840 = vector.load %arg23[%get3A_838, %get3A_839] : memref<2048x256xf32, #tpu.memory_space<vmem>>, vector<2048x256xf32>
    %dot_general3A_841 = arith.constant dense<0.000000e+00> : vector<32x256xf32>
    %dot_general3A_842 = tpu.matmul %get3A_837, %get3A_840, %dot_general3A_841 {dimension_numbers = #tpu.dot_dimension_numbers<[1], [0], [0], [1], [0, 0, 1, 1], [], []>, transpose_lhs_hint = false} : vector<32x2048xf32>, vector<2048x256xf32>, vector<32x256xf32> -> vector<32x256xf32>
    %swap3A_843 = arith.constant 0 : index
    %swap3A_844 = arith.constant 0 : index
    %swap3A_845 = vector.load %arg25[%swap3A_843, %swap3A_844] : memref<32x896xf32, #tpu.memory_space<vmem>>, vector<32x256xf32>
    tpu.vector_store %arg25[%swap3A_843, %swap3A_844], %dot_general3A_842 {strides = array<i32>} : memref<32x896xf32, #tpu.memory_space<vmem>>, vector<32x256xf32>,
    %get3A_846 = arith.constant 0 : index
    %get3A_847 = arith.constant 0 : index
    %get3A_848 = vector.load %arg23[%get3A_846, %get3A_847] : memref<2048x256xf32, #tpu.memory_space<vmem>>, vector<2048x256xf32>
    %get3A_849 = arith.constant 0 : index
    %get3A_850 = arith.constant 0 : index
    %get3A_851 = vector.load %arg9[%get3A_849, %get3A_850] : memref<256x256xf32, #tpu.memory_space<vmem>>, vector<256x256xf32>
    %dot_general3A_852 = arith.constant dense<0.000000e+00> : vector<2048x256xf32>
    %dot_general3A_853 = tpu.matmul %get3A_848, %get3A_851, %dot_general3A_852 {dimension_numbers = #tpu.dot_dimension_numbers<[1], [1], [0], [0], [0, 0, 1, 0], [], []>, transpose_lhs_hint = false} : vector<2048x256xf32>, vector<256x256xf32>, vector<2048x256xf32> -> vector<2048x256xf32>
    %swap3A_854 = arith.constant 0 : index
    %swap3A_855 = arith.constant 0 : index
    %swap3A_856 = vector.load %arg22[%swap3A_854, %swap3A_855] : memref<2048x256xf32, #tpu.memory_space<vmem>>, vector<2048x256xf32>
    tpu.vector_store %arg22[%swap3A_854, %swap3A_855], %dot_general3A_853 {strides = array<i32>} : memref<2048x256xf32, #tpu.memory_space<vmem>>, vector<2048x256xf32>,
    %get3A_857 = arith.constant 0 : index
    %get3A_858 = arith.constant 0 : index
    %get3A_859 = vector.load %arg19[%get3A_857, %get3A_858] : memref<64x64xf32, #tpu.memory_space<vmem>>, vector<64x64xf32>
    %get3A_860 = arith.constant 0 : index
    %get3A_861 = arith.constant 0 : index
    %get3A_862 = vector.load %arg10[%get3A_860, %get3A_861] : memref<1x256xf32, #tpu.memory_space<vmem>>, vector<1x256xf32>
    %get3A_863 = arith.constant 0 : index
    %get3A_864 = arith.constant 0 : index
    %get3A_865 = vector.load %arg22[%get3A_863, %get3A_864] : memref<2048x256xf32, #tpu.memory_space<vmem>>, vector<64x256xf32>
    %dot_general3A_866 = arith.constant dense<0.000000e+00> : vector<64x256xf32>
    %dot_general3A_867 = tpu.matmul %get3A_859, %get3A_865, %dot_general3A_866 {dimension_numbers = #tpu.dot_dimension_numbers<[1], [0], [0], [1], [0, 0, 1, 1], [], []>, transpose_lhs_hint = false} : vector<64x64xf32>, vector<64x256xf32>, vector<64x256xf32> -> vector<64x256xf32>
    %add3A_868 = vector.broadcast %get3A_862 : vector<1x256xf32> to vector<64x256xf32>
    %add3A_869 = arith.addf %dot_general3A_867, %add3A_868 : vector<64x256xf32>
    %max3A_870 = arith.constant 0.000000e+00 : f32
    %max3A_871 = vector.broadcast %max3A_870 : f32 to vector<64x256xf32>
    %max3A_872 = arith.maximumf %add3A_869, %max3A_871 : vector<64x256xf32>
    %swap3A_873 = arith.constant 0 : index
    %swap3A_874 = arith.constant 0 : index
    %swap3A_875 = vector.load %arg24[%swap3A_873, %swap3A_874] : memref<2048x256xf32, #tpu.memory_space<vmem>>, vector<64x256xf32>
    tpu.vector_store %arg24[%swap3A_873, %swap3A_874], %max3A_872 {strides = array<i32>} : memref<2048x256xf32, #tpu.memory_space<vmem>>, vector<64x256xf32>,
    %get3A_876 = arith.constant 64 : index
    %get3A_877 = arith.constant 0 : index
    %get3A_878 = vector.load %arg22[%get3A_876, %get3A_877] : memref<2048x256xf32, #tpu.memory_space<vmem>>, vector<64x256xf32>
    %dot_general3A_879 = arith.constant dense<0.000000e+00> : vector<64x256xf32>
    %dot_general3A_880 = tpu.matmul %get3A_859, %get3A_878, %dot_general3A_879 {dimension_numbers = #tpu.dot_dimension_numbers<[1], [0], [0], [1], [0, 0, 1, 1], [], []>, transpose_lhs_hint = false} : vector<64x64xf32>, vector<64x256xf32>, vector<64x256xf32> -> vector<64x256xf32>
    %add3A_881 = vector.broadcast %get3A_862 : vector<1x256xf32> to vector<64x256xf32>
    %add3A_882 = arith.addf %dot_general3A_880, %add3A_881 : vector<64x256xf32>
    %max3A_883 = arith.constant 0.000000e+00 : f32
    %max3A_884 = vector.broadcast %max3A_883 : f32 to vector<64x256xf32>
    %max3A_885 = arith.maximumf %add3A_882, %max3A_884 : vector<64x256xf32>
    %swap3A_886 = arith.constant 64 : index
    %swap3A_887 = arith.constant 0 : index
    %swap3A_888 = vector.load %arg24[%swap3A_886, %swap3A_887] : memref<2048x256xf32, #tpu.memory_space<vmem>>, vector<64x256xf32>
    tpu.vector_store %arg24[%swap3A_886, %swap3A_887], %max3A_885 {strides = array<i32>} : memref<2048x256xf32, #tpu.memory_space<vmem>>, vector<64x256xf32>,
    %get3A_889 = arith.constant 128 : index
    %get3A_890 = arith.constant 0 : index
    %get3A_891 = vector.load %arg22[%get3A_889, %get3A_890] : memref<2048x256xf32, #tpu.memory_space<vmem>>, vector<64x256xf32>
    %dot_general3A_892 = arith.constant dense<0.000000e+00> : vector<64x256xf32>
    %dot_general3A_893 = tpu.matmul %get3A_859, %get3A_891, %dot_general3A_892 {dimension_numbers = #tpu.dot_dimension_numbers<[1], [0], [0], [1], [0, 0, 1, 1], [], []>, transpose_lhs_hint = false} : vector<64x64xf32>, vector<64x256xf32>, vector<64x256xf32> -> vector<64x256xf32>
    %add3A_894 = vector.broadcast %get3A_862 : vector<1x256xf32> to vector<64x256xf32>
    %add3A_895 = arith.addf %dot_general3A_893, %add3A_894 : vector<64x256xf32>
    %max3A_896 = arith.constant 0.000000e+00 : f32
    %max3A_897 = vector.broadcast %max3A_896 : f32 to vector<64x256xf32>
    %max3A_898 = arith.maximumf %add3A_895, %max3A_897 : vector<64x256xf32>
    %swap3A_899 = arith.constant 128 : index
    %swap3A_900 = arith.constant 0 : index
    %swap3A_901 = vector.load %arg24[%swap3A_899, %swap3A_900] : memref<2048x256xf32, #tpu.memory_space<vmem>>, vector<64x256xf32>
    tpu.vector_store %arg24[%swap3A_899, %swap3A_900], %max3A_898 {strides = array<i32>} : memref<2048x256xf32, #tpu.memory_space<vmem>>, vector<64x256xf32>,
    %get3A_902 = arith.constant 192 : index
    %get3A_903 = arith.constant 0 : index
    %get3A_904 = vector.load %arg22[%get3A_902, %get3A_903] : memref<2048x256xf32, #tpu.memory_space<vmem>>, vector<64x256xf32>
    %dot_general3A_905 = arith.constant dense<0.000000e+00> : vector<64x256xf32>
    %dot_general3A_906 = tpu.matmul %get3A_859, %get3A_904, %dot_general3A_905 {dimension_numbers = #tpu.dot_dimension_numbers<[1], [0], [0], [1], [0, 0, 1, 1], [], []>, transpose_lhs_hint = false} : vector<64x64xf32>, vector<64x256xf32>, vector<64x256xf32> -> vector<64x256xf32>
    %add3A_907 = vector.broadcast %get3A_862 : vector<1x256xf32> to vector<64x256xf32>
    %add3A_908 = arith.addf %dot_general3A_906, %add3A_907 : vector<64x256xf32>
    %max3A_909 = arith.constant 0.000000e+00 : f32
    %max3A_910 = vector.broadcast %max3A_909 : f32 to vector<64x256xf32>
    %max3A_911 = arith.maximumf %add3A_908, %max3A_910 : vector<64x256xf32>
    %swap3A_912 = arith.constant 192 : index
    %swap3A_913 = arith.constant 0 : index
    %swap3A_914 = vector.load %arg24[%swap3A_912, %swap3A_913] : memref<2048x256xf32, #tpu.memory_space<vmem>>, vector<64x256xf32>
    tpu.vector_store %arg24[%swap3A_912, %swap3A_913], %max3A_911 {strides = array<i32>} : memref<2048x256xf32, #tpu.memory_space<vmem>>, vector<64x256xf32>,
    %get3A_915 = arith.constant 256 : index
    %get3A_916 = arith.constant 0 : index
    %get3A_917 = vector.load %arg22[%get3A_915, %get3A_916] : memref<2048x256xf32, #tpu.memory_space<vmem>>, vector<64x256xf32>
    %dot_general3A_918 = arith.constant dense<0.000000e+00> : vector<64x256xf32>
    %dot_general3A_919 = tpu.matmul %get3A_859, %get3A_917, %dot_general3A_918 {dimension_numbers = #tpu.dot_dimension_numbers<[1], [0], [0], [1], [0, 0, 1, 1], [], []>, transpose_lhs_hint = false} : vector<64x64xf32>, vector<64x256xf32>, vector<64x256xf32> -> vector<64x256xf32>
    %add3A_920 = vector.broadcast %get3A_862 : vector<1x256xf32> to vector<64x256xf32>
    %add3A_921 = arith.addf %dot_general3A_919, %add3A_920 : vector<64x256xf32>
    %max3A_922 = arith.constant 0.000000e+00 : f32
    %max3A_923 = vector.broadcast %max3A_922 : f32 to vector<64x256xf32>
    %max3A_924 = arith.maximumf %add3A_921, %max3A_923 : vector<64x256xf32>
    %swap3A_925 = arith.constant 256 : index
    %swap3A_926 = arith.constant 0 : index
    %swap3A_927 = vector.load %arg24[%swap3A_925, %swap3A_926] : memref<2048x256xf32, #tpu.memory_space<vmem>>, vector<64x256xf32>
    tpu.vector_store %arg24[%swap3A_925, %swap3A_926], %max3A_924 {strides = array<i32>} : memref<2048x256xf32, #tpu.memory_space<vmem>>, vector<64x256xf32>,
    %get3A_928 = arith.constant 320 : index
    %get3A_929 = arith.constant 0 : index
    %get3A_930 = vector.load %arg22[%get3A_928, %get3A_929] : memref<2048x256xf32, #tpu.memory_space<vmem>>, vector<64x256xf32>
    %dot_general3A_931 = arith.constant dense<0.000000e+00> : vector<64x256xf32>
    %dot_general3A_932 = tpu.matmul %get3A_859, %get3A_930, %dot_general3A_931 {dimension_numbers = #tpu.dot_dimension_numbers<[1], [0], [0], [1], [0, 0, 1, 1], [], []>, transpose_lhs_hint = false} : vector<64x64xf32>, vector<64x256xf32>, vector<64x256xf32> -> vector<64x256xf32>
    %add3A_933 = vector.broadcast %get3A_862 : vector<1x256xf32> to vector<64x256xf32>
    %add3A_934 = arith.addf %dot_general3A_932, %add3A_933 : vector<64x256xf32>
    %max3A_935 = arith.constant 0.000000e+00 : f32
    %max3A_936 = vector.broadcast %max3A_935 : f32 to vector<64x256xf32>
    %max3A_937 = arith.maximumf %add3A_934, %max3A_936 : vector<64x256xf32>
    %swap3A_938 = arith.constant 320 : index
    %swap3A_939 = arith.constant 0 : index
    %swap3A_940 = vector.load %arg24[%swap3A_938, %swap3A_939] : memref<2048x256xf32, #tpu.memory_space<vmem>>, vector<64x256xf32>
    tpu.vector_store %arg24[%swap3A_938, %swap3A_939], %max3A_937 {strides = array<i32>} : memref<2048x256xf32, #tpu.memory_space<vmem>>, vector<64x256xf32>,
    %get3A_941 = arith.constant 384 : index
    %get3A_942 = arith.constant 0 : index
    %get3A_943 = vector.load %arg22[%get3A_941, %get3A_942] : memref<2048x256xf32, #tpu.memory_space<vmem>>, vector<64x256xf32>
    %dot_general3A_944 = arith.constant dense<0.000000e+00> : vector<64x256xf32>
    %dot_general3A_945 = tpu.matmul %get3A_859, %get3A_943, %dot_general3A_944 {dimension_numbers = #tpu.dot_dimension_numbers<[1], [0], [0], [1], [0, 0, 1, 1], [], []>, transpose_lhs_hint = false} : vector<64x64xf32>, vector<64x256xf32>, vector<64x256xf32> -> vector<64x256xf32>
    %add3A_946 = vector.broadcast %get3A_862 : vector<1x256xf32> to vector<64x256xf32>
    %add3A_947 = arith.addf %dot_general3A_945, %add3A_946 : vector<64x256xf32>
    %max3A_948 = arith.constant 0.000000e+00 : f32
    %max3A_949 = vector.broadcast %max3A_948 : f32 to vector<64x256xf32>
    %max3A_950 = arith.maximumf %add3A_947, %max3A_949 : vector<64x256xf32>
    %swap3A_951 = arith.constant 384 : index
    %swap3A_952 = arith.constant 0 : index
    %swap3A_953 = vector.load %arg24[%swap3A_951, %swap3A_952] : memref<2048x256xf32, #tpu.memory_space<vmem>>, vector<64x256xf32>
    tpu.vector_store %arg24[%swap3A_951, %swap3A_952], %max3A_950 {strides = array<i32>} : memref<2048x256xf32, #tpu.memory_space<vmem>>, vector<64x256xf32>,
    %get3A_954 = arith.constant 448 : index
    %get3A_955 = arith.constant 0 : index
    %get3A_956 = vector.load %arg22[%get3A_954, %get3A_955] : memref<2048x256xf32, #tpu.memory_space<vmem>>, vector<64x256xf32>
    %dot_general3A_957 = arith.constant dense<0.000000e+00> : vector<64x256xf32>
    %dot_general3A_958 = tpu.matmul %get3A_859, %get3A_956, %dot_general3A_957 {dimension_numbers = #tpu.dot_dimension_numbers<[1], [0], [0], [1], [0, 0, 1, 1], [], []>, transpose_lhs_hint = false} : vector<64x64xf32>, vector<64x256xf32>, vector<64x256xf32> -> vector<64x256xf32>
    %add3A_959 = vector.broadcast %get3A_862 : vector<1x256xf32> to vector<64x256xf32>
    %add3A_960 = arith.addf %dot_general3A_958, %add3A_959 : vector<64x256xf32>
    %max3A_961 = arith.constant 0.000000e+00 : f32
    %max3A_962 = vector.broadcast %max3A_961 : f32 to vector<64x256xf32>
    %max3A_963 = arith.maximumf %add3A_960, %max3A_962 : vector<64x256xf32>
    %swap3A_964 = arith.constant 448 : index
    %swap3A_965 = arith.constant 0 : index
    %swap3A_966 = vector.load %arg24[%swap3A_964, %swap3A_965] : memref<2048x256xf32, #tpu.memory_space<vmem>>, vector<64x256xf32>
    tpu.vector_store %arg24[%swap3A_964, %swap3A_965], %max3A_963 {strides = array<i32>} : memref<2048x256xf32, #tpu.memory_space<vmem>>, vector<64x256xf32>,
    %get3A_967 = arith.constant 512 : index
    %get3A_968 = arith.constant 0 : index
    %get3A_969 = vector.load %arg22[%get3A_967, %get3A_968] : memref<2048x256xf32, #tpu.memory_space<vmem>>, vector<64x256xf32>
    %dot_general3A_970 = arith.constant dense<0.000000e+00> : vector<64x256xf32>
    %dot_general3A_971 = tpu.matmul %get3A_859, %get3A_969, %dot_general3A_970 {dimension_numbers = #tpu.dot_dimension_numbers<[1], [0], [0], [1], [0, 0, 1, 1], [], []>, transpose_lhs_hint = false} : vector<64x64xf32>, vector<64x256xf32>, vector<64x256xf32> -> vector<64x256xf32>
    %add3A_972 = vector.broadcast %get3A_862 : vector<1x256xf32> to vector<64x256xf32>
    %add3A_973 = arith.addf %dot_general3A_971, %add3A_972 : vector<64x256xf32>
    %max3A_974 = arith.constant 0.000000e+00 : f32
    %max3A_975 = vector.broadcast %max3A_974 : f32 to vector<64x256xf32>
    %max3A_976 = arith.maximumf %add3A_973, %max3A_975 : vector<64x256xf32>
    %swap3A_977 = arith.constant 512 : index
    %swap3A_978 = arith.constant 0 : index
    %swap3A_979 = vector.load %arg24[%swap3A_977, %swap3A_978] : memref<2048x256xf32, #tpu.memory_space<vmem>>, vector<64x256xf32>
    tpu.vector_store %arg24[%swap3A_977, %swap3A_978], %max3A_976 {strides = array<i32>} : memref<2048x256xf32, #tpu.memory_space<vmem>>, vector<64x256xf32>,
    %get3A_980 = arith.constant 576 : index
    %get3A_981 = arith.constant 0 : index
    %get3A_982 = vector.load %arg22[%get3A_980, %get3A_981] : memref<2048x256xf32, #tpu.memory_space<vmem>>, vector<64x256xf32>
    %dot_general3A_983 = arith.constant dense<0.000000e+00> : vector<64x256xf32>
    %dot_general3A_984 = tpu.matmul %get3A_859, %get3A_982, %dot_general3A_983 {dimension_numbers = #tpu.dot_dimension_numbers<[1], [0], [0], [1], [0, 0, 1, 1], [], []>, transpose_lhs_hint = false} : vector<64x64xf32>, vector<64x256xf32>, vector<64x256xf32> -> vector<64x256xf32>
    %add3A_985 = vector.broadcast %get3A_862 : vector<1x256xf32> to vector<64x256xf32>
    %add3A_986 = arith.addf %dot_general3A_984, %add3A_985 : vector<64x256xf32>
    %max3A_987 = arith.constant 0.000000e+00 : f32
    %max3A_988 = vector.broadcast %max3A_987 : f32 to vector<64x256xf32>
    %max3A_989 = arith.maximumf %add3A_986, %max3A_988 : vector<64x256xf32>
    %swap3A_990 = arith.constant 576 : index
    %swap3A_991 = arith.constant 0 : index
    %swap3A_992 = vector.load %arg24[%swap3A_990, %swap3A_991] : memref<2048x256xf32, #tpu.memory_space<vmem>>, vector<64x256xf32>
    tpu.vector_store %arg24[%swap3A_990, %swap3A_991], %max3A_989 {strides = array<i32>} : memref<2048x256xf32, #tpu.memory_space<vmem>>, vector<64x256xf32>,
    %get3A_993 = arith.constant 640 : index
    %get3A_994 = arith.constant 0 : index
    %get3A_995 = vector.load %arg22[%get3A_993, %get3A_994] : memref<2048x256xf32, #tpu.memory_space<vmem>>, vector<64x256xf32>
    %dot_general3A_996 = arith.constant dense<0.000000e+00> : vector<64x256xf32>
    %dot_general3A_997 = tpu.matmul %get3A_859, %get3A_995, %dot_general3A_996 {dimension_numbers = #tpu.dot_dimension_numbers<[1], [0], [0], [1], [0, 0, 1, 1], [], []>, transpose_lhs_hint = false} : vector<64x64xf32>, vector<64x256xf32>, vector<64x256xf32> -> vector<64x256xf32>
    %add3A_998 = vector.broadcast %get3A_862 : vector<1x256xf32> to vector<64x256xf32>
    %add3A_999 = arith.addf %dot_general3A_997, %add3A_998 : vector<64x256xf32>
    %max3A_1000 = arith.constant 0.000000e+00 : f32
    %max3A_1001 = vector.broadcast %max3A_1000 : f32 to vector<64x256xf32>
    %max3A_1002 = arith.maximumf %add3A_999, %max3A_1001 : vector<64x256xf32>
    %swap3A_1003 = arith.constant 640 : index
    %swap3A_1004 = arith.constant 0 : index
    %swap3A_1005 = vector.load %arg24[%swap3A_1003, %swap3A_1004] : memref<2048x256xf32, #tpu.memory_space<vmem>>, vector<64x256xf32>
    tpu.vector_store %arg24[%swap3A_1003, %swap3A_1004], %max3A_1002 {strides = array<i32>} : memref<2048x256xf32, #tpu.memory_space<vmem>>, vector<64x256xf32>,
    %get3A_1006 = arith.constant 704 : index
    %get3A_1007 = arith.constant 0 : index
    %get3A_1008 = vector.load %arg22[%get3A_1006, %get3A_1007] : memref<2048x256xf32, #tpu.memory_space<vmem>>, vector<64x256xf32>
    %dot_general3A_1009 = arith.constant dense<0.000000e+00> : vector<64x256xf32>
    %dot_general3A_1010 = tpu.matmul %get3A_859, %get3A_1008, %dot_general3A_1009 {dimension_numbers = #tpu.dot_dimension_numbers<[1], [0], [0], [1], [0, 0, 1, 1], [], []>, transpose_lhs_hint = false} : vector<64x64xf32>, vector<64x256xf32>, vector<64x256xf32> -> vector<64x256xf32>
    %add3A_1011 = vector.broadcast %get3A_862 : vector<1x256xf32> to vector<64x256xf32>
    %add3A_1012 = arith.addf %dot_general3A_1010, %add3A_1011 : vector<64x256xf32>
    %max3A_1013 = arith.constant 0.000000e+00 : f32
    %max3A_1014 = vector.broadcast %max3A_1013 : f32 to vector<64x256xf32>
    %max3A_1015 = arith.maximumf %add3A_1012, %max3A_1014 : vector<64x256xf32>
    %swap3A_1016 = arith.constant 704 : index
    %swap3A_1017 = arith.constant 0 : index
    %swap3A_1018 = vector.load %arg24[%swap3A_1016, %swap3A_1017] : memref<2048x256xf32, #tpu.memory_space<vmem>>, vector<64x256xf32>
    tpu.vector_store %arg24[%swap3A_1016, %swap3A_1017], %max3A_1015 {strides = array<i32>} : memref<2048x256xf32, #tpu.memory_space<vmem>>, vector<64x256xf32>,
    %get3A_1019 = arith.constant 768 : index
    %get3A_1020 = arith.constant 0 : index
    %get3A_1021 = vector.load %arg22[%get3A_1019, %get3A_1020] : memref<2048x256xf32, #tpu.memory_space<vmem>>, vector<64x256xf32>
    %dot_general3A_1022 = arith.constant dense<0.000000e+00> : vector<64x256xf32>
    %dot_general3A_1023 = tpu.matmul %get3A_859, %get3A_1021, %dot_general3A_1022 {dimension_numbers = #tpu.dot_dimension_numbers<[1], [0], [0], [1], [0, 0, 1, 1], [], []>, transpose_lhs_hint = false} : vector<64x64xf32>, vector<64x256xf32>, vector<64x256xf32> -> vector<64x256xf32>
    %add3A_1024 = vector.broadcast %get3A_862 : vector<1x256xf32> to vector<64x256xf32>
    %add3A_1025 = arith.addf %dot_general3A_1023, %add3A_1024 : vector<64x256xf32>
    %max3A_1026 = arith.constant 0.000000e+00 : f32
    %max3A_1027 = vector.broadcast %max3A_1026 : f32 to vector<64x256xf32>
    %max3A_1028 = arith.maximumf %add3A_1025, %max3A_1027 : vector<64x256xf32>
    %swap3A_1029 = arith.constant 768 : index
    %swap3A_1030 = arith.constant 0 : index
    %swap3A_1031 = vector.load %arg24[%swap3A_1029, %swap3A_1030] : memref<2048x256xf32, #tpu.memory_space<vmem>>, vector<64x256xf32>
    tpu.vector_store %arg24[%swap3A_1029, %swap3A_1030], %max3A_1028 {strides = array<i32>} : memref<2048x256xf32, #tpu.memory_space<vmem>>, vector<64x256xf32>,
    %get3A_1032 = arith.constant 832 : index
    %get3A_1033 = arith.constant 0 : index
    %get3A_1034 = vector.load %arg22[%get3A_1032, %get3A_1033] : memref<2048x256xf32, #tpu.memory_space<vmem>>, vector<64x256xf32>
    %dot_general3A_1035 = arith.constant dense<0.000000e+00> : vector<64x256xf32>
    %dot_general3A_1036 = tpu.matmul %get3A_859, %get3A_1034, %dot_general3A_1035 {dimension_numbers = #tpu.dot_dimension_numbers<[1], [0], [0], [1], [0, 0, 1, 1], [], []>, transpose_lhs_hint = false} : vector<64x64xf32>, vector<64x256xf32>, vector<64x256xf32> -> vector<64x256xf32>
    %add3A_1037 = vector.broadcast %get3A_862 : vector<1x256xf32> to vector<64x256xf32>
    %add3A_1038 = arith.addf %dot_general3A_1036, %add3A_1037 : vector<64x256xf32>
    %max3A_1039 = arith.constant 0.000000e+00 : f32
    %max3A_1040 = vector.broadcast %max3A_1039 : f32 to vector<64x256xf32>
    %max3A_1041 = arith.maximumf %add3A_1038, %max3A_1040 : vector<64x256xf32>
    %swap3A_1042 = arith.constant 832 : index
    %swap3A_1043 = arith.constant 0 : index
    %swap3A_1044 = vector.load %arg24[%swap3A_1042, %swap3A_1043] : memref<2048x256xf32, #tpu.memory_space<vmem>>, vector<64x256xf32>
    tpu.vector_store %arg24[%swap3A_1042, %swap3A_1043], %max3A_1041 {strides = array<i32>} : memref<2048x256xf32, #tpu.memory_space<vmem>>, vector<64x256xf32>,
    %get3A_1045 = arith.constant 896 : index
    %get3A_1046 = arith.constant 0 : index
    %get3A_1047 = vector.load %arg22[%get3A_1045, %get3A_1046] : memref<2048x256xf32, #tpu.memory_space<vmem>>, vector<64x256xf32>
    %dot_general3A_1048 = arith.constant dense<0.000000e+00> : vector<64x256xf32>
    %dot_general3A_1049 = tpu.matmul %get3A_859, %get3A_1047, %dot_general3A_1048 {dimension_numbers = #tpu.dot_dimension_numbers<[1], [0], [0], [1], [0, 0, 1, 1], [], []>, transpose_lhs_hint = false} : vector<64x64xf32>, vector<64x256xf32>, vector<64x256xf32> -> vector<64x256xf32>
    %add3A_1050 = vector.broadcast %get3A_862 : vector<1x256xf32> to vector<64x256xf32>
    %add3A_1051 = arith.addf %dot_general3A_1049, %add3A_1050 : vector<64x256xf32>
    %max3A_1052 = arith.constant 0.000000e+00 : f32
    %max3A_1053 = vector.broadcast %max3A_1052 : f32 to vector<64x256xf32>
    %max3A_1054 = arith.maximumf %add3A_1051, %max3A_1053 : vector<64x256xf32>
    %swap3A_1055 = arith.constant 896 : index
    %swap3A_1056 = arith.constant 0 : index
    %swap3A_1057 = vector.load %arg24[%swap3A_1055, %swap3A_1056] : memref<2048x256xf32, #tpu.memory_space<vmem>>, vector<64x256xf32>
    tpu.vector_store %arg24[%swap3A_1055, %swap3A_1056], %max3A_1054 {strides = array<i32>} : memref<2048x256xf32, #tpu.memory_space<vmem>>, vector<64x256xf32>,
    %get3A_1058 = arith.constant 960 : index
    %get3A_1059 = arith.constant 0 : index
    %get3A_1060 = vector.load %arg22[%get3A_1058, %get3A_1059] : memref<2048x256xf32, #tpu.memory_space<vmem>>, vector<64x256xf32>
    %dot_general3A_1061 = arith.constant dense<0.000000e+00> : vector<64x256xf32>
    %dot_general3A_1062 = tpu.matmul %get3A_859, %get3A_1060, %dot_general3A_1061 {dimension_numbers = #tpu.dot_dimension_numbers<[1], [0], [0], [1], [0, 0, 1, 1], [], []>, transpose_lhs_hint = false} : vector<64x64xf32>, vector<64x256xf32>, vector<64x256xf32> -> vector<64x256xf32>
    %add3A_1063 = vector.broadcast %get3A_862 : vector<1x256xf32> to vector<64x256xf32>
    %add3A_1064 = arith.addf %dot_general3A_1062, %add3A_1063 : vector<64x256xf32>
    %max3A_1065 = arith.constant 0.000000e+00 : f32
    %max3A_1066 = vector.broadcast %max3A_1065 : f32 to vector<64x256xf32>
    %max3A_1067 = arith.maximumf %add3A_1064, %max3A_1066 : vector<64x256xf32>
    %swap3A_1068 = arith.constant 960 : index
    %swap3A_1069 = arith.constant 0 : index
    %swap3A_1070 = vector.load %arg24[%swap3A_1068, %swap3A_1069] : memref<2048x256xf32, #tpu.memory_space<vmem>>, vector<64x256xf32>
    tpu.vector_store %arg24[%swap3A_1068, %swap3A_1069], %max3A_1067 {strides = array<i32>} : memref<2048x256xf32, #tpu.memory_space<vmem>>, vector<64x256xf32>,
    %get3A_1071 = arith.constant 1024 : index
    %get3A_1072 = arith.constant 0 : index
    %get3A_1073 = vector.load %arg22[%get3A_1071, %get3A_1072] : memref<2048x256xf32, #tpu.memory_space<vmem>>, vector<64x256xf32>
    %dot_general3A_1074 = arith.constant dense<0.000000e+00> : vector<64x256xf32>
    %dot_general3A_1075 = tpu.matmul %get3A_859, %get3A_1073, %dot_general3A_1074 {dimension_numbers = #tpu.dot_dimension_numbers<[1], [0], [0], [1], [0, 0, 1, 1], [], []>, transpose_lhs_hint = false} : vector<64x64xf32>, vector<64x256xf32>, vector<64x256xf32> -> vector<64x256xf32>
    %add3A_1076 = vector.broadcast %get3A_862 : vector<1x256xf32> to vector<64x256xf32>
    %add3A_1077 = arith.addf %dot_general3A_1075, %add3A_1076 : vector<64x256xf32>
    %max3A_1078 = arith.constant 0.000000e+00 : f32
    %max3A_1079 = vector.broadcast %max3A_1078 : f32 to vector<64x256xf32>
    %max3A_1080 = arith.maximumf %add3A_1077, %max3A_1079 : vector<64x256xf32>
    %swap3A_1081 = arith.constant 1024 : index
    %swap3A_1082 = arith.constant 0 : index
    %swap3A_1083 = vector.load %arg24[%swap3A_1081, %swap3A_1082] : memref<2048x256xf32, #tpu.memory_space<vmem>>, vector<64x256xf32>
    tpu.vector_store %arg24[%swap3A_1081, %swap3A_1082], %max3A_1080 {strides = array<i32>} : memref<2048x256xf32, #tpu.memory_space<vmem>>, vector<64x256xf32>,
    %get3A_1084 = arith.constant 1088 : index
    %get3A_1085 = arith.constant 0 : index
    %get3A_1086 = vector.load %arg22[%get3A_1084, %get3A_1085] : memref<2048x256xf32, #tpu.memory_space<vmem>>, vector<64x256xf32>
    %dot_general3A_1087 = arith.constant dense<0.000000e+00> : vector<64x256xf32>
    %dot_general3A_1088 = tpu.matmul %get3A_859, %get3A_1086, %dot_general3A_1087 {dimension_numbers = #tpu.dot_dimension_numbers<[1], [0], [0], [1], [0, 0, 1, 1], [], []>, transpose_lhs_hint = false} : vector<64x64xf32>, vector<64x256xf32>, vector<64x256xf32> -> vector<64x256xf32>
    %add3A_1089 = vector.broadcast %get3A_862 : vector<1x256xf32> to vector<64x256xf32>
    %add3A_1090 = arith.addf %dot_general3A_1088, %add3A_1089 : vector<64x256xf32>
    %max3A_1091 = arith.constant 0.000000e+00 : f32
    %max3A_1092 = vector.broadcast %max3A_1091 : f32 to vector<64x256xf32>
    %max3A_1093 = arith.maximumf %add3A_1090, %max3A_1092 : vector<64x256xf32>
    %swap3A_1094 = arith.constant 1088 : index
    %swap3A_1095 = arith.constant 0 : index
    %swap3A_1096 = vector.load %arg24[%swap3A_1094, %swap3A_1095] : memref<2048x256xf32, #tpu.memory_space<vmem>>, vector<64x256xf32>
    tpu.vector_store %arg24[%swap3A_1094, %swap3A_1095], %max3A_1093 {strides = array<i32>} : memref<2048x256xf32, #tpu.memory_space<vmem>>, vector<64x256xf32>,
    %get3A_1097 = arith.constant 1152 : index
    %get3A_1098 = arith.constant 0 : index
    %get3A_1099 = vector.load %arg22[%get3A_1097, %get3A_1098] : memref<2048x256xf32, #tpu.memory_space<vmem>>, vector<64x256xf32>
    %dot_general3A_1100 = arith.constant dense<0.000000e+00> : vector<64x256xf32>
    %dot_general3A_1101 = tpu.matmul %get3A_859, %get3A_1099, %dot_general3A_1100 {dimension_numbers = #tpu.dot_dimension_numbers<[1], [0], [0], [1], [0, 0, 1, 1], [], []>, transpose_lhs_hint = false} : vector<64x64xf32>, vector<64x256xf32>, vector<64x256xf32> -> vector<64x256xf32>
    %add3A_1102 = vector.broadcast %get3A_862 : vector<1x256xf32> to vector<64x256xf32>
    %add3A_1103 = arith.addf %dot_general3A_1101, %add3A_1102 : vector<64x256xf32>
    %max3A_1104 = arith.constant 0.000000e+00 : f32
    %max3A_1105 = vector.broadcast %max3A_1104 : f32 to vector<64x256xf32>
    %max3A_1106 = arith.maximumf %add3A_1103, %max3A_1105 : vector<64x256xf32>
    %swap3A_1107 = arith.constant 1152 : index
    %swap3A_1108 = arith.constant 0 : index
    %swap3A_1109 = vector.load %arg24[%swap3A_1107, %swap3A_1108] : memref<2048x256xf32, #tpu.memory_space<vmem>>, vector<64x256xf32>
    tpu.vector_store %arg24[%swap3A_1107, %swap3A_1108], %max3A_1106 {strides = array<i32>} : memref<2048x256xf32, #tpu.memory_space<vmem>>, vector<64x256xf32>,
    %get3A_1110 = arith.constant 1216 : index
    %get3A_1111 = arith.constant 0 : index
    %get3A_1112 = vector.load %arg22[%get3A_1110, %get3A_1111] : memref<2048x256xf32, #tpu.memory_space<vmem>>, vector<64x256xf32>
    %dot_general3A_1113 = arith.constant dense<0.000000e+00> : vector<64x256xf32>
    %dot_general3A_1114 = tpu.matmul %get3A_859, %get3A_1112, %dot_general3A_1113 {dimension_numbers = #tpu.dot_dimension_numbers<[1], [0], [0], [1], [0, 0, 1, 1], [], []>, transpose_lhs_hint = false} : vector<64x64xf32>, vector<64x256xf32>, vector<64x256xf32> -> vector<64x256xf32>
    %add3A_1115 = vector.broadcast %get3A_862 : vector<1x256xf32> to vector<64x256xf32>
    %add3A_1116 = arith.addf %dot_general3A_1114, %add3A_1115 : vector<64x256xf32>
    %max3A_1117 = arith.constant 0.000000e+00 : f32
    %max3A_1118 = vector.broadcast %max3A_1117 : f32 to vector<64x256xf32>
    %max3A_1119 = arith.maximumf %add3A_1116, %max3A_1118 : vector<64x256xf32>
    %swap3A_1120 = arith.constant 1216 : index
    %swap3A_1121 = arith.constant 0 : index
    %swap3A_1122 = vector.load %arg24[%swap3A_1120, %swap3A_1121] : memref<2048x256xf32, #tpu.memory_space<vmem>>, vector<64x256xf32>
    tpu.vector_store %arg24[%swap3A_1120, %swap3A_1121], %max3A_1119 {strides = array<i32>} : memref<2048x256xf32, #tpu.memory_space<vmem>>, vector<64x256xf32>,
    %get3A_1123 = arith.constant 1280 : index
    %get3A_1124 = arith.constant 0 : index
    %get3A_1125 = vector.load %arg22[%get3A_1123, %get3A_1124] : memref<2048x256xf32, #tpu.memory_space<vmem>>, vector<64x256xf32>
    %dot_general3A_1126 = arith.constant dense<0.000000e+00> : vector<64x256xf32>
    %dot_general3A_1127 = tpu.matmul %get3A_859, %get3A_1125, %dot_general3A_1126 {dimension_numbers = #tpu.dot_dimension_numbers<[1], [0], [0], [1], [0, 0, 1, 1], [], []>, transpose_lhs_hint = false} : vector<64x64xf32>, vector<64x256xf32>, vector<64x256xf32> -> vector<64x256xf32>
    %add3A_1128 = vector.broadcast %get3A_862 : vector<1x256xf32> to vector<64x256xf32>
    %add3A_1129 = arith.addf %dot_general3A_1127, %add3A_1128 : vector<64x256xf32>
    %max3A_1130 = arith.constant 0.000000e+00 : f32
    %max3A_1131 = vector.broadcast %max3A_1130 : f32 to vector<64x256xf32>
    %max3A_1132 = arith.maximumf %add3A_1129, %max3A_1131 : vector<64x256xf32>
    %swap3A_1133 = arith.constant 1280 : index
    %swap3A_1134 = arith.constant 0 : index
    %swap3A_1135 = vector.load %arg24[%swap3A_1133, %swap3A_1134] : memref<2048x256xf32, #tpu.memory_space<vmem>>, vector<64x256xf32>
    tpu.vector_store %arg24[%swap3A_1133, %swap3A_1134], %max3A_1132 {strides = array<i32>} : memref<2048x256xf32, #tpu.memory_space<vmem>>, vector<64x256xf32>,
    %get3A_1136 = arith.constant 1344 : index
    %get3A_1137 = arith.constant 0 : index
    %get3A_1138 = vector.load %arg22[%get3A_1136, %get3A_1137] : memref<2048x256xf32, #tpu.memory_space<vmem>>, vector<64x256xf32>
    %dot_general3A_1139 = arith.constant dense<0.000000e+00> : vector<64x256xf32>
    %dot_general3A_1140 = tpu.matmul %get3A_859, %get3A_1138, %dot_general3A_1139 {dimension_numbers = #tpu.dot_dimension_numbers<[1], [0], [0], [1], [0, 0, 1, 1], [], []>, transpose_lhs_hint = false} : vector<64x64xf32>, vector<64x256xf32>, vector<64x256xf32> -> vector<64x256xf32>
    %add3A_1141 = vector.broadcast %get3A_862 : vector<1x256xf32> to vector<64x256xf32>
    %add3A_1142 = arith.addf %dot_general3A_1140, %add3A_1141 : vector<64x256xf32>
    %max3A_1143 = arith.constant 0.000000e+00 : f32
    %max3A_1144 = vector.broadcast %max3A_1143 : f32 to vector<64x256xf32>
    %max3A_1145 = arith.maximumf %add3A_1142, %max3A_1144 : vector<64x256xf32>
    %swap3A_1146 = arith.constant 1344 : index
    %swap3A_1147 = arith.constant 0 : index
    %swap3A_1148 = vector.load %arg24[%swap3A_1146, %swap3A_1147] : memref<2048x256xf32, #tpu.memory_space<vmem>>, vector<64x256xf32>
    tpu.vector_store %arg24[%swap3A_1146, %swap3A_1147], %max3A_1145 {strides = array<i32>} : memref<2048x256xf32, #tpu.memory_space<vmem>>, vector<64x256xf32>,
    %get3A_1149 = arith.constant 1408 : index
    %get3A_1150 = arith.constant 0 : index
    %get3A_1151 = vector.load %arg22[%get3A_1149, %get3A_1150] : memref<2048x256xf32, #tpu.memory_space<vmem>>, vector<64x256xf32>
    %dot_general3A_1152 = arith.constant dense<0.000000e+00> : vector<64x256xf32>
    %dot_general3A_1153 = tpu.matmul %get3A_859, %get3A_1151, %dot_general3A_1152 {dimension_numbers = #tpu.dot_dimension_numbers<[1], [0], [0], [1], [0, 0, 1, 1], [], []>, transpose_lhs_hint = false} : vector<64x64xf32>, vector<64x256xf32>, vector<64x256xf32> -> vector<64x256xf32>
    %add3A_1154 = vector.broadcast %get3A_862 : vector<1x256xf32> to vector<64x256xf32>
    %add3A_1155 = arith.addf %dot_general3A_1153, %add3A_1154 : vector<64x256xf32>
    %max3A_1156 = arith.constant 0.000000e+00 : f32
    %max3A_1157 = vector.broadcast %max3A_1156 : f32 to vector<64x256xf32>
    %max3A_1158 = arith.maximumf %add3A_1155, %max3A_1157 : vector<64x256xf32>
    %swap3A_1159 = arith.constant 1408 : index
    %swap3A_1160 = arith.constant 0 : index
    %swap3A_1161 = vector.load %arg24[%swap3A_1159, %swap3A_1160] : memref<2048x256xf32, #tpu.memory_space<vmem>>, vector<64x256xf32>
    tpu.vector_store %arg24[%swap3A_1159, %swap3A_1160], %max3A_1158 {strides = array<i32>} : memref<2048x256xf32, #tpu.memory_space<vmem>>, vector<64x256xf32>,
    %get3A_1162 = arith.constant 1472 : index
    %get3A_1163 = arith.constant 0 : index
    %get3A_1164 = vector.load %arg22[%get3A_1162, %get3A_1163] : memref<2048x256xf32, #tpu.memory_space<vmem>>, vector<64x256xf32>
    %dot_general3A_1165 = arith.constant dense<0.000000e+00> : vector<64x256xf32>
    %dot_general3A_1166 = tpu.matmul %get3A_859, %get3A_1164, %dot_general3A_1165 {dimension_numbers = #tpu.dot_dimension_numbers<[1], [0], [0], [1], [0, 0, 1, 1], [], []>, transpose_lhs_hint = false} : vector<64x64xf32>, vector<64x256xf32>, vector<64x256xf32> -> vector<64x256xf32>
    %add3A_1167 = vector.broadcast %get3A_862 : vector<1x256xf32> to vector<64x256xf32>
    %add3A_1168 = arith.addf %dot_general3A_1166, %add3A_1167 : vector<64x256xf32>
    %max3A_1169 = arith.constant 0.000000e+00 : f32
    %max3A_1170 = vector.broadcast %max3A_1169 : f32 to vector<64x256xf32>
    %max3A_1171 = arith.maximumf %add3A_1168, %max3A_1170 : vector<64x256xf32>
    %swap3A_1172 = arith.constant 1472 : index
    %swap3A_1173 = arith.constant 0 : index
    %swap3A_1174 = vector.load %arg24[%swap3A_1172, %swap3A_1173] : memref<2048x256xf32, #tpu.memory_space<vmem>>, vector<64x256xf32>
    tpu.vector_store %arg24[%swap3A_1172, %swap3A_1173], %max3A_1171 {strides = array<i32>} : memref<2048x256xf32, #tpu.memory_space<vmem>>, vector<64x256xf32>,
    %get3A_1175 = arith.constant 1536 : index
    %get3A_1176 = arith.constant 0 : index
    %get3A_1177 = vector.load %arg22[%get3A_1175, %get3A_1176] : memref<2048x256xf32, #tpu.memory_space<vmem>>, vector<64x256xf32>
    %dot_general3A_1178 = arith.constant dense<0.000000e+00> : vector<64x256xf32>
    %dot_general3A_1179 = tpu.matmul %get3A_859, %get3A_1177, %dot_general3A_1178 {dimension_numbers = #tpu.dot_dimension_numbers<[1], [0], [0], [1], [0, 0, 1, 1], [], []>, transpose_lhs_hint = false} : vector<64x64xf32>, vector<64x256xf32>, vector<64x256xf32> -> vector<64x256xf32>
    %add3A_1180 = vector.broadcast %get3A_862 : vector<1x256xf32> to vector<64x256xf32>
    %add3A_1181 = arith.addf %dot_general3A_1179, %add3A_1180 : vector<64x256xf32>
    %max3A_1182 = arith.constant 0.000000e+00 : f32
    %max3A_1183 = vector.broadcast %max3A_1182 : f32 to vector<64x256xf32>
    %max3A_1184 = arith.maximumf %add3A_1181, %max3A_1183 : vector<64x256xf32>
    %swap3A_1185 = arith.constant 1536 : index
    %swap3A_1186 = arith.constant 0 : index
    %swap3A_1187 = vector.load %arg24[%swap3A_1185, %swap3A_1186] : memref<2048x256xf32, #tpu.memory_space<vmem>>, vector<64x256xf32>
    tpu.vector_store %arg24[%swap3A_1185, %swap3A_1186], %max3A_1184 {strides = array<i32>} : memref<2048x256xf32, #tpu.memory_space<vmem>>, vector<64x256xf32>,
    %get3A_1188 = arith.constant 1600 : index
    %get3A_1189 = arith.constant 0 : index
    %get3A_1190 = vector.load %arg22[%get3A_1188, %get3A_1189] : memref<2048x256xf32, #tpu.memory_space<vmem>>, vector<64x256xf32>
    %dot_general3A_1191 = arith.constant dense<0.000000e+00> : vector<64x256xf32>
    %dot_general3A_1192 = tpu.matmul %get3A_859, %get3A_1190, %dot_general3A_1191 {dimension_numbers = #tpu.dot_dimension_numbers<[1], [0], [0], [1], [0, 0, 1, 1], [], []>, transpose_lhs_hint = false} : vector<64x64xf32>, vector<64x256xf32>, vector<64x256xf32> -> vector<64x256xf32>
    %add3A_1193 = vector.broadcast %get3A_862 : vector<1x256xf32> to vector<64x256xf32>
    %add3A_1194 = arith.addf %dot_general3A_1192, %add3A_1193 : vector<64x256xf32>
    %max3A_1195 = arith.constant 0.000000e+00 : f32
    %max3A_1196 = vector.broadcast %max3A_1195 : f32 to vector<64x256xf32>
    %max3A_1197 = arith.maximumf %add3A_1194, %max3A_1196 : vector<64x256xf32>
    %swap3A_1198 = arith.constant 1600 : index
    %swap3A_1199 = arith.constant 0 : index
    %swap3A_1200 = vector.load %arg24[%swap3A_1198, %swap3A_1199] : memref<2048x256xf32, #tpu.memory_space<vmem>>, vector<64x256xf32>
    tpu.vector_store %arg24[%swap3A_1198, %swap3A_1199], %max3A_1197 {strides = array<i32>} : memref<2048x256xf32, #tpu.memory_space<vmem>>, vector<64x256xf32>,
    %get3A_1201 = arith.constant 1664 : index
    %get3A_1202 = arith.constant 0 : index
    %get3A_1203 = vector.load %arg22[%get3A_1201, %get3A_1202] : memref<2048x256xf32, #tpu.memory_space<vmem>>, vector<64x256xf32>
    %dot_general3A_1204 = arith.constant dense<0.000000e+00> : vector<64x256xf32>
    %dot_general3A_1205 = tpu.matmul %get3A_859, %get3A_1203, %dot_general3A_1204 {dimension_numbers = #tpu.dot_dimension_numbers<[1], [0], [0], [1], [0, 0, 1, 1], [], []>, transpose_lhs_hint = false} : vector<64x64xf32>, vector<64x256xf32>, vector<64x256xf32> -> vector<64x256xf32>
    %add3A_1206 = vector.broadcast %get3A_862 : vector<1x256xf32> to vector<64x256xf32>
    %add3A_1207 = arith.addf %dot_general3A_1205, %add3A_1206 : vector<64x256xf32>
    %max3A_1208 = arith.constant 0.000000e+00 : f32
    %max3A_1209 = vector.broadcast %max3A_1208 : f32 to vector<64x256xf32>
    %max3A_1210 = arith.maximumf %add3A_1207, %max3A_1209 : vector<64x256xf32>
    %swap3A_1211 = arith.constant 1664 : index
    %swap3A_1212 = arith.constant 0 : index
    %swap3A_1213 = vector.load %arg24[%swap3A_1211, %swap3A_1212] : memref<2048x256xf32, #tpu.memory_space<vmem>>, vector<64x256xf32>
    tpu.vector_store %arg24[%swap3A_1211, %swap3A_1212], %max3A_1210 {strides = array<i32>} : memref<2048x256xf32, #tpu.memory_space<vmem>>, vector<64x256xf32>,
    %get3A_1214 = arith.constant 1728 : index
    %get3A_1215 = arith.constant 0 : index
    %get3A_1216 = vector.load %arg22[%get3A_1214, %get3A_1215] : memref<2048x256xf32, #tpu.memory_space<vmem>>, vector<64x256xf32>
    %dot_general3A_1217 = arith.constant dense<0.000000e+00> : vector<64x256xf32>
    %dot_general3A_1218 = tpu.matmul %get3A_859, %get3A_1216, %dot_general3A_1217 {dimension_numbers = #tpu.dot_dimension_numbers<[1], [0], [0], [1], [0, 0, 1, 1], [], []>, transpose_lhs_hint = false} : vector<64x64xf32>, vector<64x256xf32>, vector<64x256xf32> -> vector<64x256xf32>
    %add3A_1219 = vector.broadcast %get3A_862 : vector<1x256xf32> to vector<64x256xf32>
    %add3A_1220 = arith.addf %dot_general3A_1218, %add3A_1219 : vector<64x256xf32>
    %max3A_1221 = arith.constant 0.000000e+00 : f32
    %max3A_1222 = vector.broadcast %max3A_1221 : f32 to vector<64x256xf32>
    %max3A_1223 = arith.maximumf %add3A_1220, %max3A_1222 : vector<64x256xf32>
    %swap3A_1224 = arith.constant 1728 : index
    %swap3A_1225 = arith.constant 0 : index
    %swap3A_1226 = vector.load %arg24[%swap3A_1224, %swap3A_1225] : memref<2048x256xf32, #tpu.memory_space<vmem>>, vector<64x256xf32>
    tpu.vector_store %arg24[%swap3A_1224, %swap3A_1225], %max3A_1223 {strides = array<i32>} : memref<2048x256xf32, #tpu.memory_space<vmem>>, vector<64x256xf32>,
    %get3A_1227 = arith.constant 1792 : index
    %get3A_1228 = arith.constant 0 : index
    %get3A_1229 = vector.load %arg22[%get3A_1227, %get3A_1228] : memref<2048x256xf32, #tpu.memory_space<vmem>>, vector<64x256xf32>
    %dot_general3A_1230 = arith.constant dense<0.000000e+00> : vector<64x256xf32>
    %dot_general3A_1231 = tpu.matmul %get3A_859, %get3A_1229, %dot_general3A_1230 {dimension_numbers = #tpu.dot_dimension_numbers<[1], [0], [0], [1], [0, 0, 1, 1], [], []>, transpose_lhs_hint = false} : vector<64x64xf32>, vector<64x256xf32>, vector<64x256xf32> -> vector<64x256xf32>
    %add3A_1232 = vector.broadcast %get3A_862 : vector<1x256xf32> to vector<64x256xf32>
    %add3A_1233 = arith.addf %dot_general3A_1231, %add3A_1232 : vector<64x256xf32>
    %max3A_1234 = arith.constant 0.000000e+00 : f32
    %max3A_1235 = vector.broadcast %max3A_1234 : f32 to vector<64x256xf32>
    %max3A_1236 = arith.maximumf %add3A_1233, %max3A_1235 : vector<64x256xf32>
    %swap3A_1237 = arith.constant 1792 : index
    %swap3A_1238 = arith.constant 0 : index
    %swap3A_1239 = vector.load %arg24[%swap3A_1237, %swap3A_1238] : memref<2048x256xf32, #tpu.memory_space<vmem>>, vector<64x256xf32>
    tpu.vector_store %arg24[%swap3A_1237, %swap3A_1238], %max3A_1236 {strides = array<i32>} : memref<2048x256xf32, #tpu.memory_space<vmem>>, vector<64x256xf32>,
    %get3A_1240 = arith.constant 1856 : index
    %get3A_1241 = arith.constant 0 : index
    %get3A_1242 = vector.load %arg22[%get3A_1240, %get3A_1241] : memref<2048x256xf32, #tpu.memory_space<vmem>>, vector<64x256xf32>
    %dot_general3A_1243 = arith.constant dense<0.000000e+00> : vector<64x256xf32>
    %dot_general3A_1244 = tpu.matmul %get3A_859, %get3A_1242, %dot_general3A_1243 {dimension_numbers = #tpu.dot_dimension_numbers<[1], [0], [0], [1], [0, 0, 1, 1], [], []>, transpose_lhs_hint = false} : vector<64x64xf32>, vector<64x256xf32>, vector<64x256xf32> -> vector<64x256xf32>
    %add3A_1245 = vector.broadcast %get3A_862 : vector<1x256xf32> to vector<64x256xf32>
    %add3A_1246 = arith.addf %dot_general3A_1244, %add3A_1245 : vector<64x256xf32>
    %max3A_1247 = arith.constant 0.000000e+00 : f32
    %max3A_1248 = vector.broadcast %max3A_1247 : f32 to vector<64x256xf32>
    %max3A_1249 = arith.maximumf %add3A_1246, %max3A_1248 : vector<64x256xf32>
    %swap3A_1250 = arith.constant 1856 : index
    %swap3A_1251 = arith.constant 0 : index
    %swap3A_1252 = vector.load %arg24[%swap3A_1250, %swap3A_1251] : memref<2048x256xf32, #tpu.memory_space<vmem>>, vector<64x256xf32>
    tpu.vector_store %arg24[%swap3A_1250, %swap3A_1251], %max3A_1249 {strides = array<i32>} : memref<2048x256xf32, #tpu.memory_space<vmem>>, vector<64x256xf32>,
    %get3A_1253 = arith.constant 1920 : index
    %get3A_1254 = arith.constant 0 : index
    %get3A_1255 = vector.load %arg22[%get3A_1253, %get3A_1254] : memref<2048x256xf32, #tpu.memory_space<vmem>>, vector<64x256xf32>
    %dot_general3A_1256 = arith.constant dense<0.000000e+00> : vector<64x256xf32>
    %dot_general3A_1257 = tpu.matmul %get3A_859, %get3A_1255, %dot_general3A_1256 {dimension_numbers = #tpu.dot_dimension_numbers<[1], [0], [0], [1], [0, 0, 1, 1], [], []>, transpose_lhs_hint = false} : vector<64x64xf32>, vector<64x256xf32>, vector<64x256xf32> -> vector<64x256xf32>
    %add3A_1258 = vector.broadcast %get3A_862 : vector<1x256xf32> to vector<64x256xf32>
    %add3A_1259 = arith.addf %dot_general3A_1257, %add3A_1258 : vector<64x256xf32>
    %max3A_1260 = arith.constant 0.000000e+00 : f32
    %max3A_1261 = vector.broadcast %max3A_1260 : f32 to vector<64x256xf32>
    %max3A_1262 = arith.maximumf %add3A_1259, %max3A_1261 : vector<64x256xf32>
    %swap3A_1263 = arith.constant 1920 : index
    %swap3A_1264 = arith.constant 0 : index
    %swap3A_1265 = vector.load %arg24[%swap3A_1263, %swap3A_1264] : memref<2048x256xf32, #tpu.memory_space<vmem>>, vector<64x256xf32>
    tpu.vector_store %arg24[%swap3A_1263, %swap3A_1264], %max3A_1262 {strides = array<i32>} : memref<2048x256xf32, #tpu.memory_space<vmem>>, vector<64x256xf32>,
    %get3A_1266 = arith.constant 1984 : index
    %get3A_1267 = arith.constant 0 : index
    %get3A_1268 = vector.load %arg22[%get3A_1266, %get3A_1267] : memref<2048x256xf32, #tpu.memory_space<vmem>>, vector<64x256xf32>
    %dot_general3A_1269 = arith.constant dense<0.000000e+00> : vector<64x256xf32>
    %dot_general3A_1270 = tpu.matmul %get3A_859, %get3A_1268, %dot_general3A_1269 {dimension_numbers = #tpu.dot_dimension_numbers<[1], [0], [0], [1], [0, 0, 1, 1], [], []>, transpose_lhs_hint = false} : vector<64x64xf32>, vector<64x256xf32>, vector<64x256xf32> -> vector<64x256xf32>
    %add3A_1271 = vector.broadcast %get3A_862 : vector<1x256xf32> to vector<64x256xf32>
    %add3A_1272 = arith.addf %dot_general3A_1270, %add3A_1271 : vector<64x256xf32>
    %max3A_1273 = arith.constant 0.000000e+00 : f32
    %max3A_1274 = vector.broadcast %max3A_1273 : f32 to vector<64x256xf32>
    %max3A_1275 = arith.maximumf %add3A_1272, %max3A_1274 : vector<64x256xf32>
    %swap3A_1276 = arith.constant 1984 : index
    %swap3A_1277 = arith.constant 0 : index
    %swap3A_1278 = vector.load %arg24[%swap3A_1276, %swap3A_1277] : memref<2048x256xf32, #tpu.memory_space<vmem>>, vector<64x256xf32>
    tpu.vector_store %arg24[%swap3A_1276, %swap3A_1277], %max3A_1275 {strides = array<i32>} : memref<2048x256xf32, #tpu.memory_space<vmem>>, vector<64x256xf32>,
    %get3A_1279 = arith.constant 0 : index
    %get3A_1280 = arith.constant 0 : index
    %get3A_1281 = vector.load %arg21[%get3A_1279, %get3A_1280] : memref<32x2048xf32, #tpu.memory_space<vmem>>, vector<32x2048xf32>
    %get3A_1282 = arith.constant 0 : index
    %get3A_1283 = arith.constant 0 : index
    %get3A_1284 = vector.load %arg24[%get3A_1282, %get3A_1283] : memref<2048x256xf32, #tpu.memory_space<vmem>>, vector<2048x256xf32>
    %dot_general3A_1285 = arith.constant dense<0.000000e+00> : vector<32x256xf32>
    %dot_general3A_1286 = tpu.matmul %get3A_1281, %get3A_1284, %dot_general3A_1285 {dimension_numbers = #tpu.dot_dimension_numbers<[1], [0], [0], [1], [0, 0, 1, 1], [], []>, transpose_lhs_hint = false} : vector<32x2048xf32>, vector<2048x256xf32>, vector<32x256xf32> -> vector<32x256xf32>
    %swap3A_1287 = arith.constant 0 : index
    %swap3A_1288 = arith.constant 256 : index
    %swap3A_1289 = vector.load %arg25[%swap3A_1287, %swap3A_1288] : memref<32x896xf32, #tpu.memory_space<vmem>>, vector<32x256xf32>
    tpu.vector_store %arg25[%swap3A_1287, %swap3A_1288], %dot_general3A_1286 {strides = array<i32>} : memref<32x896xf32, #tpu.memory_space<vmem>>, vector<32x256xf32>,
    %get3A_1290 = arith.constant 0 : index
    %get3A_1291 = arith.constant 0 : index
    %get3A_1292 = vector.load %arg24[%get3A_1290, %get3A_1291] : memref<2048x256xf32, #tpu.memory_space<vmem>>, vector<2048x256xf32>
    %get3A_1293 = arith.constant 0 : index
    %get3A_1294 = arith.constant 0 : index
    %get3A_1295 = vector.load %arg11[%get3A_1293, %get3A_1294] : memref<256x256xf32, #tpu.memory_space<vmem>>, vector<256x256xf32>
    %dot_general3A_1296 = arith.constant dense<0.000000e+00> : vector<2048x256xf32>
    %dot_general3A_1297 = tpu.matmul %get3A_1292, %get3A_1295, %dot_general3A_1296 {dimension_numbers = #tpu.dot_dimension_numbers<[1], [1], [0], [0], [0, 0, 1, 0], [], []>, transpose_lhs_hint = false} : vector<2048x256xf32>, vector<256x256xf32>, vector<2048x256xf32> -> vector<2048x256xf32>
    %swap3A_1298 = arith.constant 0 : index
    %swap3A_1299 = arith.constant 0 : index
    %swap3A_1300 = vector.load %arg22[%swap3A_1298, %swap3A_1299] : memref<2048x256xf32, #tpu.memory_space<vmem>>, vector<2048x256xf32>
    tpu.vector_store %arg22[%swap3A_1298, %swap3A_1299], %dot_general3A_1297 {strides = array<i32>} : memref<2048x256xf32, #tpu.memory_space<vmem>>, vector<2048x256xf32>,
    %get3A_1301 = arith.constant 0 : index
    %get3A_1302 = arith.constant 0 : index
    %get3A_1303 = vector.load %arg20[%get3A_1301, %get3A_1302] : memref<64x64xf32, #tpu.memory_space<vmem>>, vector<64x64xf32>
    %get3A_1304 = arith.constant 0 : index
    %get3A_1305 = arith.constant 0 : index
    %get3A_1306 = vector.load %arg12[%get3A_1304, %get3A_1305] : memref<1x256xf32, #tpu.memory_space<vmem>>, vector<1x256xf32>
    %get3A_1307 = arith.constant 0 : index
    %get3A_1308 = arith.constant 0 : index
    %get3A_1309 = vector.load %arg22[%get3A_1307, %get3A_1308] : memref<2048x256xf32, #tpu.memory_space<vmem>>, vector<64x256xf32>
    %dot_general3A_1310 = arith.constant dense<0.000000e+00> : vector<64x256xf32>
    %dot_general3A_1311 = tpu.matmul %get3A_1303, %get3A_1309, %dot_general3A_1310 {dimension_numbers = #tpu.dot_dimension_numbers<[1], [0], [0], [1], [0, 0, 1, 1], [], []>, transpose_lhs_hint = false} : vector<64x64xf32>, vector<64x256xf32>, vector<64x256xf32> -> vector<64x256xf32>
    %add3A_1312 = vector.broadcast %get3A_1306 : vector<1x256xf32> to vector<64x256xf32>
    %add3A_1313 = arith.addf %dot_general3A_1311, %add3A_1312 : vector<64x256xf32>
    %max3A_1314 = arith.constant 0.000000e+00 : f32
    %max3A_1315 = vector.broadcast %max3A_1314 : f32 to vector<64x256xf32>
    %max3A_1316 = arith.maximumf %add3A_1313, %max3A_1315 : vector<64x256xf32>
    %swap3A_1317 = arith.constant 0 : index
    %swap3A_1318 = arith.constant 0 : index
    %swap3A_1319 = vector.load %arg23[%swap3A_1317, %swap3A_1318] : memref<2048x256xf32, #tpu.memory_space<vmem>>, vector<64x256xf32>
    tpu.vector_store %arg23[%swap3A_1317, %swap3A_1318], %max3A_1316 {strides = array<i32>} : memref<2048x256xf32, #tpu.memory_space<vmem>>, vector<64x256xf32>,
    %get3A_1320 = arith.constant 64 : index
    %get3A_1321 = arith.constant 0 : index
    %get3A_1322 = vector.load %arg22[%get3A_1320, %get3A_1321] : memref<2048x256xf32, #tpu.memory_space<vmem>>, vector<64x256xf32>
    %dot_general3A_1323 = arith.constant dense<0.000000e+00> : vector<64x256xf32>
    %dot_general3A_1324 = tpu.matmul %get3A_1303, %get3A_1322, %dot_general3A_1323 {dimension_numbers = #tpu.dot_dimension_numbers<[1], [0], [0], [1], [0, 0, 1, 1], [], []>, transpose_lhs_hint = false} : vector<64x64xf32>, vector<64x256xf32>, vector<64x256xf32> -> vector<64x256xf32>
    %add3A_1325 = vector.broadcast %get3A_1306 : vector<1x256xf32> to vector<64x256xf32>
    %add3A_1326 = arith.addf %dot_general3A_1324, %add3A_1325 : vector<64x256xf32>
    %max3A_1327 = arith.constant 0.000000e+00 : f32
    %max3A_1328 = vector.broadcast %max3A_1327 : f32 to vector<64x256xf32>
    %max3A_1329 = arith.maximumf %add3A_1326, %max3A_1328 : vector<64x256xf32>
    %swap3A_1330 = arith.constant 64 : index
    %swap3A_1331 = arith.constant 0 : index
    %swap3A_1332 = vector.load %arg23[%swap3A_1330, %swap3A_1331] : memref<2048x256xf32, #tpu.memory_space<vmem>>, vector<64x256xf32>
    tpu.vector_store %arg23[%swap3A_1330, %swap3A_1331], %max3A_1329 {strides = array<i32>} : memref<2048x256xf32, #tpu.memory_space<vmem>>, vector<64x256xf32>,
    %get3A_1333 = arith.constant 128 : index
    %get3A_1334 = arith.constant 0 : index
    %get3A_1335 = vector.load %arg22[%get3A_1333, %get3A_1334] : memref<2048x256xf32, #tpu.memory_space<vmem>>, vector<64x256xf32>
    %dot_general3A_1336 = arith.constant dense<0.000000e+00> : vector<64x256xf32>
    %dot_general3A_1337 = tpu.matmul %get3A_1303, %get3A_1335, %dot_general3A_1336 {dimension_numbers = #tpu.dot_dimension_numbers<[1], [0], [0], [1], [0, 0, 1, 1], [], []>, transpose_lhs_hint = false} : vector<64x64xf32>, vector<64x256xf32>, vector<64x256xf32> -> vector<64x256xf32>
    %add3A_1338 = vector.broadcast %get3A_1306 : vector<1x256xf32> to vector<64x256xf32>
    %add3A_1339 = arith.addf %dot_general3A_1337, %add3A_1338 : vector<64x256xf32>
    %max3A_1340 = arith.constant 0.000000e+00 : f32
    %max3A_1341 = vector.broadcast %max3A_1340 : f32 to vector<64x256xf32>
    %max3A_1342 = arith.maximumf %add3A_1339, %max3A_1341 : vector<64x256xf32>
    %swap3A_1343 = arith.constant 128 : index
    %swap3A_1344 = arith.constant 0 : index
    %swap3A_1345 = vector.load %arg23[%swap3A_1343, %swap3A_1344] : memref<2048x256xf32, #tpu.memory_space<vmem>>, vector<64x256xf32>
    tpu.vector_store %arg23[%swap3A_1343, %swap3A_1344], %max3A_1342 {strides = array<i32>} : memref<2048x256xf32, #tpu.memory_space<vmem>>, vector<64x256xf32>,
    %get3A_1346 = arith.constant 192 : index
    %get3A_1347 = arith.constant 0 : index
    %get3A_1348 = vector.load %arg22[%get3A_1346, %get3A_1347] : memref<2048x256xf32, #tpu.memory_space<vmem>>, vector<64x256xf32>
    %dot_general3A_1349 = arith.constant dense<0.000000e+00> : vector<64x256xf32>
    %dot_general3A_1350 = tpu.matmul %get3A_1303, %get3A_1348, %dot_general3A_1349 {dimension_numbers = #tpu.dot_dimension_numbers<[1], [0], [0], [1], [0, 0, 1, 1], [], []>, transpose_lhs_hint = false} : vector<64x64xf32>, vector<64x256xf32>, vector<64x256xf32> -> vector<64x256xf32>
    %add3A_1351 = vector.broadcast %get3A_1306 : vector<1x256xf32> to vector<64x256xf32>
    %add3A_1352 = arith.addf %dot_general3A_1350, %add3A_1351 : vector<64x256xf32>
    %max3A_1353 = arith.constant 0.000000e+00 : f32
    %max3A_1354 = vector.broadcast %max3A_1353 : f32 to vector<64x256xf32>
    %max3A_1355 = arith.maximumf %add3A_1352, %max3A_1354 : vector<64x256xf32>
    %swap3A_1356 = arith.constant 192 : index
    %swap3A_1357 = arith.constant 0 : index
    %swap3A_1358 = vector.load %arg23[%swap3A_1356, %swap3A_1357] : memref<2048x256xf32, #tpu.memory_space<vmem>>, vector<64x256xf32>
    tpu.vector_store %arg23[%swap3A_1356, %swap3A_1357], %max3A_1355 {strides = array<i32>} : memref<2048x256xf32, #tpu.memory_space<vmem>>, vector<64x256xf32>,
    %get3A_1359 = arith.constant 256 : index
    %get3A_1360 = arith.constant 0 : index
    %get3A_1361 = vector.load %arg22[%get3A_1359, %get3A_1360] : memref<2048x256xf32, #tpu.memory_space<vmem>>, vector<64x256xf32>
    %dot_general3A_1362 = arith.constant dense<0.000000e+00> : vector<64x256xf32>
    %dot_general3A_1363 = tpu.matmul %get3A_1303, %get3A_1361, %dot_general3A_1362 {dimension_numbers = #tpu.dot_dimension_numbers<[1], [0], [0], [1], [0, 0, 1, 1], [], []>, transpose_lhs_hint = false} : vector<64x64xf32>, vector<64x256xf32>, vector<64x256xf32> -> vector<64x256xf32>
    %add3A_1364 = vector.broadcast %get3A_1306 : vector<1x256xf32> to vector<64x256xf32>
    %add3A_1365 = arith.addf %dot_general3A_1363, %add3A_1364 : vector<64x256xf32>
    %max3A_1366 = arith.constant 0.000000e+00 : f32
    %max3A_1367 = vector.broadcast %max3A_1366 : f32 to vector<64x256xf32>
    %max3A_1368 = arith.maximumf %add3A_1365, %max3A_1367 : vector<64x256xf32>
    %swap3A_1369 = arith.constant 256 : index
    %swap3A_1370 = arith.constant 0 : index
    %swap3A_1371 = vector.load %arg23[%swap3A_1369, %swap3A_1370] : memref<2048x256xf32, #tpu.memory_space<vmem>>, vector<64x256xf32>
    tpu.vector_store %arg23[%swap3A_1369, %swap3A_1370], %max3A_1368 {strides = array<i32>} : memref<2048x256xf32, #tpu.memory_space<vmem>>, vector<64x256xf32>,
    %get3A_1372 = arith.constant 320 : index
    %get3A_1373 = arith.constant 0 : index
    %get3A_1374 = vector.load %arg22[%get3A_1372, %get3A_1373] : memref<2048x256xf32, #tpu.memory_space<vmem>>, vector<64x256xf32>
    %dot_general3A_1375 = arith.constant dense<0.000000e+00> : vector<64x256xf32>
    %dot_general3A_1376 = tpu.matmul %get3A_1303, %get3A_1374, %dot_general3A_1375 {dimension_numbers = #tpu.dot_dimension_numbers<[1], [0], [0], [1], [0, 0, 1, 1], [], []>, transpose_lhs_hint = false} : vector<64x64xf32>, vector<64x256xf32>, vector<64x256xf32> -> vector<64x256xf32>
    %add3A_1377 = vector.broadcast %get3A_1306 : vector<1x256xf32> to vector<64x256xf32>
    %add3A_1378 = arith.addf %dot_general3A_1376, %add3A_1377 : vector<64x256xf32>
    %max3A_1379 = arith.constant 0.000000e+00 : f32
    %max3A_1380 = vector.broadcast %max3A_1379 : f32 to vector<64x256xf32>
    %max3A_1381 = arith.maximumf %add3A_1378, %max3A_1380 : vector<64x256xf32>
    %swap3A_1382 = arith.constant 320 : index
    %swap3A_1383 = arith.constant 0 : index
    %swap3A_1384 = vector.load %arg23[%swap3A_1382, %swap3A_1383] : memref<2048x256xf32, #tpu.memory_space<vmem>>, vector<64x256xf32>
    tpu.vector_store %arg23[%swap3A_1382, %swap3A_1383], %max3A_1381 {strides = array<i32>} : memref<2048x256xf32, #tpu.memory_space<vmem>>, vector<64x256xf32>,
    %get3A_1385 = arith.constant 384 : index
    %get3A_1386 = arith.constant 0 : index
    %get3A_1387 = vector.load %arg22[%get3A_1385, %get3A_1386] : memref<2048x256xf32, #tpu.memory_space<vmem>>, vector<64x256xf32>
    %dot_general3A_1388 = arith.constant dense<0.000000e+00> : vector<64x256xf32>
    %dot_general3A_1389 = tpu.matmul %get3A_1303, %get3A_1387, %dot_general3A_1388 {dimension_numbers = #tpu.dot_dimension_numbers<[1], [0], [0], [1], [0, 0, 1, 1], [], []>, transpose_lhs_hint = false} : vector<64x64xf32>, vector<64x256xf32>, vector<64x256xf32> -> vector<64x256xf32>
    %add3A_1390 = vector.broadcast %get3A_1306 : vector<1x256xf32> to vector<64x256xf32>
    %add3A_1391 = arith.addf %dot_general3A_1389, %add3A_1390 : vector<64x256xf32>
    %max3A_1392 = arith.constant 0.000000e+00 : f32
    %max3A_1393 = vector.broadcast %max3A_1392 : f32 to vector<64x256xf32>
    %max3A_1394 = arith.maximumf %add3A_1391, %max3A_1393 : vector<64x256xf32>
    %swap3A_1395 = arith.constant 384 : index
    %swap3A_1396 = arith.constant 0 : index
    %swap3A_1397 = vector.load %arg23[%swap3A_1395, %swap3A_1396] : memref<2048x256xf32, #tpu.memory_space<vmem>>, vector<64x256xf32>
    tpu.vector_store %arg23[%swap3A_1395, %swap3A_1396], %max3A_1394 {strides = array<i32>} : memref<2048x256xf32, #tpu.memory_space<vmem>>, vector<64x256xf32>,
    %get3A_1398 = arith.constant 448 : index
    %get3A_1399 = arith.constant 0 : index
    %get3A_1400 = vector.load %arg22[%get3A_1398, %get3A_1399] : memref<2048x256xf32, #tpu.memory_space<vmem>>, vector<64x256xf32>
    %dot_general3A_1401 = arith.constant dense<0.000000e+00> : vector<64x256xf32>
    %dot_general3A_1402 = tpu.matmul %get3A_1303, %get3A_1400, %dot_general3A_1401 {dimension_numbers = #tpu.dot_dimension_numbers<[1], [0], [0], [1], [0, 0, 1, 1], [], []>, transpose_lhs_hint = false} : vector<64x64xf32>, vector<64x256xf32>, vector<64x256xf32> -> vector<64x256xf32>
    %add3A_1403 = vector.broadcast %get3A_1306 : vector<1x256xf32> to vector<64x256xf32>
    %add3A_1404 = arith.addf %dot_general3A_1402, %add3A_1403 : vector<64x256xf32>
    %max3A_1405 = arith.constant 0.000000e+00 : f32
    %max3A_1406 = vector.broadcast %max3A_1405 : f32 to vector<64x256xf32>
    %max3A_1407 = arith.maximumf %add3A_1404, %max3A_1406 : vector<64x256xf32>
    %swap3A_1408 = arith.constant 448 : index
    %swap3A_1409 = arith.constant 0 : index
    %swap3A_1410 = vector.load %arg23[%swap3A_1408, %swap3A_1409] : memref<2048x256xf32, #tpu.memory_space<vmem>>, vector<64x256xf32>
    tpu.vector_store %arg23[%swap3A_1408, %swap3A_1409], %max3A_1407 {strides = array<i32>} : memref<2048x256xf32, #tpu.memory_space<vmem>>, vector<64x256xf32>,
    %get3A_1411 = arith.constant 512 : index
    %get3A_1412 = arith.constant 0 : index
    %get3A_1413 = vector.load %arg22[%get3A_1411, %get3A_1412] : memref<2048x256xf32, #tpu.memory_space<vmem>>, vector<64x256xf32>
    %dot_general3A_1414 = arith.constant dense<0.000000e+00> : vector<64x256xf32>
    %dot_general3A_1415 = tpu.matmul %get3A_1303, %get3A_1413, %dot_general3A_1414 {dimension_numbers = #tpu.dot_dimension_numbers<[1], [0], [0], [1], [0, 0, 1, 1], [], []>, transpose_lhs_hint = false} : vector<64x64xf32>, vector<64x256xf32>, vector<64x256xf32> -> vector<64x256xf32>
    %add3A_1416 = vector.broadcast %get3A_1306 : vector<1x256xf32> to vector<64x256xf32>
    %add3A_1417 = arith.addf %dot_general3A_1415, %add3A_1416 : vector<64x256xf32>
    %max3A_1418 = arith.constant 0.000000e+00 : f32
    %max3A_1419 = vector.broadcast %max3A_1418 : f32 to vector<64x256xf32>
    %max3A_1420 = arith.maximumf %add3A_1417, %max3A_1419 : vector<64x256xf32>
    %swap3A_1421 = arith.constant 512 : index
    %swap3A_1422 = arith.constant 0 : index
    %swap3A_1423 = vector.load %arg23[%swap3A_1421, %swap3A_1422] : memref<2048x256xf32, #tpu.memory_space<vmem>>, vector<64x256xf32>
    tpu.vector_store %arg23[%swap3A_1421, %swap3A_1422], %max3A_1420 {strides = array<i32>} : memref<2048x256xf32, #tpu.memory_space<vmem>>, vector<64x256xf32>,
    %get3A_1424 = arith.constant 576 : index
    %get3A_1425 = arith.constant 0 : index
    %get3A_1426 = vector.load %arg22[%get3A_1424, %get3A_1425] : memref<2048x256xf32, #tpu.memory_space<vmem>>, vector<64x256xf32>
    %dot_general3A_1427 = arith.constant dense<0.000000e+00> : vector<64x256xf32>
    %dot_general3A_1428 = tpu.matmul %get3A_1303, %get3A_1426, %dot_general3A_1427 {dimension_numbers = #tpu.dot_dimension_numbers<[1], [0], [0], [1], [0, 0, 1, 1], [], []>, transpose_lhs_hint = false} : vector<64x64xf32>, vector<64x256xf32>, vector<64x256xf32> -> vector<64x256xf32>
    %add3A_1429 = vector.broadcast %get3A_1306 : vector<1x256xf32> to vector<64x256xf32>
    %add3A_1430 = arith.addf %dot_general3A_1428, %add3A_1429 : vector<64x256xf32>
    %max3A_1431 = arith.constant 0.000000e+00 : f32
    %max3A_1432 = vector.broadcast %max3A_1431 : f32 to vector<64x256xf32>
    %max3A_1433 = arith.maximumf %add3A_1430, %max3A_1432 : vector<64x256xf32>
    %swap3A_1434 = arith.constant 576 : index
    %swap3A_1435 = arith.constant 0 : index
    %swap3A_1436 = vector.load %arg23[%swap3A_1434, %swap3A_1435] : memref<2048x256xf32, #tpu.memory_space<vmem>>, vector<64x256xf32>
    tpu.vector_store %arg23[%swap3A_1434, %swap3A_1435], %max3A_1433 {strides = array<i32>} : memref<2048x256xf32, #tpu.memory_space<vmem>>, vector<64x256xf32>,
    %get3A_1437 = arith.constant 640 : index
    %get3A_1438 = arith.constant 0 : index
    %get3A_1439 = vector.load %arg22[%get3A_1437, %get3A_1438] : memref<2048x256xf32, #tpu.memory_space<vmem>>, vector<64x256xf32>
    %dot_general3A_1440 = arith.constant dense<0.000000e+00> : vector<64x256xf32>
    %dot_general3A_1441 = tpu.matmul %get3A_1303, %get3A_1439, %dot_general3A_1440 {dimension_numbers = #tpu.dot_dimension_numbers<[1], [0], [0], [1], [0, 0, 1, 1], [], []>, transpose_lhs_hint = false} : vector<64x64xf32>, vector<64x256xf32>, vector<64x256xf32> -> vector<64x256xf32>
    %add3A_1442 = vector.broadcast %get3A_1306 : vector<1x256xf32> to vector<64x256xf32>
    %add3A_1443 = arith.addf %dot_general3A_1441, %add3A_1442 : vector<64x256xf32>
    %max3A_1444 = arith.constant 0.000000e+00 : f32
    %max3A_1445 = vector.broadcast %max3A_1444 : f32 to vector<64x256xf32>
    %max3A_1446 = arith.maximumf %add3A_1443, %max3A_1445 : vector<64x256xf32>
    %swap3A_1447 = arith.constant 640 : index
    %swap3A_1448 = arith.constant 0 : index
    %swap3A_1449 = vector.load %arg23[%swap3A_1447, %swap3A_1448] : memref<2048x256xf32, #tpu.memory_space<vmem>>, vector<64x256xf32>
    tpu.vector_store %arg23[%swap3A_1447, %swap3A_1448], %max3A_1446 {strides = array<i32>} : memref<2048x256xf32, #tpu.memory_space<vmem>>, vector<64x256xf32>,
    %get3A_1450 = arith.constant 704 : index
    %get3A_1451 = arith.constant 0 : index
    %get3A_1452 = vector.load %arg22[%get3A_1450, %get3A_1451] : memref<2048x256xf32, #tpu.memory_space<vmem>>, vector<64x256xf32>
    %dot_general3A_1453 = arith.constant dense<0.000000e+00> : vector<64x256xf32>
    %dot_general3A_1454 = tpu.matmul %get3A_1303, %get3A_1452, %dot_general3A_1453 {dimension_numbers = #tpu.dot_dimension_numbers<[1], [0], [0], [1], [0, 0, 1, 1], [], []>, transpose_lhs_hint = false} : vector<64x64xf32>, vector<64x256xf32>, vector<64x256xf32> -> vector<64x256xf32>
    %add3A_1455 = vector.broadcast %get3A_1306 : vector<1x256xf32> to vector<64x256xf32>
    %add3A_1456 = arith.addf %dot_general3A_1454, %add3A_1455 : vector<64x256xf32>
    %max3A_1457 = arith.constant 0.000000e+00 : f32
    %max3A_1458 = vector.broadcast %max3A_1457 : f32 to vector<64x256xf32>
    %max3A_1459 = arith.maximumf %add3A_1456, %max3A_1458 : vector<64x256xf32>
    %swap3A_1460 = arith.constant 704 : index
    %swap3A_1461 = arith.constant 0 : index
    %swap3A_1462 = vector.load %arg23[%swap3A_1460, %swap3A_1461] : memref<2048x256xf32, #tpu.memory_space<vmem>>, vector<64x256xf32>
    tpu.vector_store %arg23[%swap3A_1460, %swap3A_1461], %max3A_1459 {strides = array<i32>} : memref<2048x256xf32, #tpu.memory_space<vmem>>, vector<64x256xf32>,
    %get3A_1463 = arith.constant 768 : index
    %get3A_1464 = arith.constant 0 : index
    %get3A_1465 = vector.load %arg22[%get3A_1463, %get3A_1464] : memref<2048x256xf32, #tpu.memory_space<vmem>>, vector<64x256xf32>
    %dot_general3A_1466 = arith.constant dense<0.000000e+00> : vector<64x256xf32>
    %dot_general3A_1467 = tpu.matmul %get3A_1303, %get3A_1465, %dot_general3A_1466 {dimension_numbers = #tpu.dot_dimension_numbers<[1], [0], [0], [1], [0, 0, 1, 1], [], []>, transpose_lhs_hint = false} : vector<64x64xf32>, vector<64x256xf32>, vector<64x256xf32> -> vector<64x256xf32>
    %add3A_1468 = vector.broadcast %get3A_1306 : vector<1x256xf32> to vector<64x256xf32>
    %add3A_1469 = arith.addf %dot_general3A_1467, %add3A_1468 : vector<64x256xf32>
    %max3A_1470 = arith.constant 0.000000e+00 : f32
    %max3A_1471 = vector.broadcast %max3A_1470 : f32 to vector<64x256xf32>
    %max3A_1472 = arith.maximumf %add3A_1469, %max3A_1471 : vector<64x256xf32>
    %swap3A_1473 = arith.constant 768 : index
    %swap3A_1474 = arith.constant 0 : index
    %swap3A_1475 = vector.load %arg23[%swap3A_1473, %swap3A_1474] : memref<2048x256xf32, #tpu.memory_space<vmem>>, vector<64x256xf32>
    tpu.vector_store %arg23[%swap3A_1473, %swap3A_1474], %max3A_1472 {strides = array<i32>} : memref<2048x256xf32, #tpu.memory_space<vmem>>, vector<64x256xf32>,
    %get3A_1476 = arith.constant 832 : index
    %get3A_1477 = arith.constant 0 : index
    %get3A_1478 = vector.load %arg22[%get3A_1476, %get3A_1477] : memref<2048x256xf32, #tpu.memory_space<vmem>>, vector<64x256xf32>
    %dot_general3A_1479 = arith.constant dense<0.000000e+00> : vector<64x256xf32>
    %dot_general3A_1480 = tpu.matmul %get3A_1303, %get3A_1478, %dot_general3A_1479 {dimension_numbers = #tpu.dot_dimension_numbers<[1], [0], [0], [1], [0, 0, 1, 1], [], []>, transpose_lhs_hint = false} : vector<64x64xf32>, vector<64x256xf32>, vector<64x256xf32> -> vector<64x256xf32>
    %add3A_1481 = vector.broadcast %get3A_1306 : vector<1x256xf32> to vector<64x256xf32>
    %add3A_1482 = arith.addf %dot_general3A_1480, %add3A_1481 : vector<64x256xf32>
    %max3A_1483 = arith.constant 0.000000e+00 : f32
    %max3A_1484 = vector.broadcast %max3A_1483 : f32 to vector<64x256xf32>
    %max3A_1485 = arith.maximumf %add3A_1482, %max3A_1484 : vector<64x256xf32>
    %swap3A_1486 = arith.constant 832 : index
    %swap3A_1487 = arith.constant 0 : index
    %swap3A_1488 = vector.load %arg23[%swap3A_1486, %swap3A_1487] : memref<2048x256xf32, #tpu.memory_space<vmem>>, vector<64x256xf32>
    tpu.vector_store %arg23[%swap3A_1486, %swap3A_1487], %max3A_1485 {strides = array<i32>} : memref<2048x256xf32, #tpu.memory_space<vmem>>, vector<64x256xf32>,
    %get3A_1489 = arith.constant 896 : index
    %get3A_1490 = arith.constant 0 : index
    %get3A_1491 = vector.load %arg22[%get3A_1489, %get3A_1490] : memref<2048x256xf32, #tpu.memory_space<vmem>>, vector<64x256xf32>
    %dot_general3A_1492 = arith.constant dense<0.000000e+00> : vector<64x256xf32>
    %dot_general3A_1493 = tpu.matmul %get3A_1303, %get3A_1491, %dot_general3A_1492 {dimension_numbers = #tpu.dot_dimension_numbers<[1], [0], [0], [1], [0, 0, 1, 1], [], []>, transpose_lhs_hint = false} : vector<64x64xf32>, vector<64x256xf32>, vector<64x256xf32> -> vector<64x256xf32>
    %add3A_1494 = vector.broadcast %get3A_1306 : vector<1x256xf32> to vector<64x256xf32>
    %add3A_1495 = arith.addf %dot_general3A_1493, %add3A_1494 : vector<64x256xf32>
    %max3A_1496 = arith.constant 0.000000e+00 : f32
    %max3A_1497 = vector.broadcast %max3A_1496 : f32 to vector<64x256xf32>
    %max3A_1498 = arith.maximumf %add3A_1495, %max3A_1497 : vector<64x256xf32>
    %swap3A_1499 = arith.constant 896 : index
    %swap3A_1500 = arith.constant 0 : index
    %swap3A_1501 = vector.load %arg23[%swap3A_1499, %swap3A_1500] : memref<2048x256xf32, #tpu.memory_space<vmem>>, vector<64x256xf32>
    tpu.vector_store %arg23[%swap3A_1499, %swap3A_1500], %max3A_1498 {strides = array<i32>} : memref<2048x256xf32, #tpu.memory_space<vmem>>, vector<64x256xf32>,
    %get3A_1502 = arith.constant 960 : index
    %get3A_1503 = arith.constant 0 : index
    %get3A_1504 = vector.load %arg22[%get3A_1502, %get3A_1503] : memref<2048x256xf32, #tpu.memory_space<vmem>>, vector<64x256xf32>
    %dot_general3A_1505 = arith.constant dense<0.000000e+00> : vector<64x256xf32>
    %dot_general3A_1506 = tpu.matmul %get3A_1303, %get3A_1504, %dot_general3A_1505 {dimension_numbers = #tpu.dot_dimension_numbers<[1], [0], [0], [1], [0, 0, 1, 1], [], []>, transpose_lhs_hint = false} : vector<64x64xf32>, vector<64x256xf32>, vector<64x256xf32> -> vector<64x256xf32>
    %add3A_1507 = vector.broadcast %get3A_1306 : vector<1x256xf32> to vector<64x256xf32>
    %add3A_1508 = arith.addf %dot_general3A_1506, %add3A_1507 : vector<64x256xf32>
    %max3A_1509 = arith.constant 0.000000e+00 : f32
    %max3A_1510 = vector.broadcast %max3A_1509 : f32 to vector<64x256xf32>
    %max3A_1511 = arith.maximumf %add3A_1508, %max3A_1510 : vector<64x256xf32>
    %swap3A_1512 = arith.constant 960 : index
    %swap3A_1513 = arith.constant 0 : index
    %swap3A_1514 = vector.load %arg23[%swap3A_1512, %swap3A_1513] : memref<2048x256xf32, #tpu.memory_space<vmem>>, vector<64x256xf32>
    tpu.vector_store %arg23[%swap3A_1512, %swap3A_1513], %max3A_1511 {strides = array<i32>} : memref<2048x256xf32, #tpu.memory_space<vmem>>, vector<64x256xf32>,
    %get3A_1515 = arith.constant 1024 : index
    %get3A_1516 = arith.constant 0 : index
    %get3A_1517 = vector.load %arg22[%get3A_1515, %get3A_1516] : memref<2048x256xf32, #tpu.memory_space<vmem>>, vector<64x256xf32>
    %dot_general3A_1518 = arith.constant dense<0.000000e+00> : vector<64x256xf32>
    %dot_general3A_1519 = tpu.matmul %get3A_1303, %get3A_1517, %dot_general3A_1518 {dimension_numbers = #tpu.dot_dimension_numbers<[1], [0], [0], [1], [0, 0, 1, 1], [], []>, transpose_lhs_hint = false} : vector<64x64xf32>, vector<64x256xf32>, vector<64x256xf32> -> vector<64x256xf32>
    %add3A_1520 = vector.broadcast %get3A_1306 : vector<1x256xf32> to vector<64x256xf32>
    %add3A_1521 = arith.addf %dot_general3A_1519, %add3A_1520 : vector<64x256xf32>
    %max3A_1522 = arith.constant 0.000000e+00 : f32
    %max3A_1523 = vector.broadcast %max3A_1522 : f32 to vector<64x256xf32>
    %max3A_1524 = arith.maximumf %add3A_1521, %max3A_1523 : vector<64x256xf32>
    %swap3A_1525 = arith.constant 1024 : index
    %swap3A_1526 = arith.constant 0 : index
    %swap3A_1527 = vector.load %arg23[%swap3A_1525, %swap3A_1526] : memref<2048x256xf32, #tpu.memory_space<vmem>>, vector<64x256xf32>
    tpu.vector_store %arg23[%swap3A_1525, %swap3A_1526], %max3A_1524 {strides = array<i32>} : memref<2048x256xf32, #tpu.memory_space<vmem>>, vector<64x256xf32>,
    %get3A_1528 = arith.constant 1088 : index
    %get3A_1529 = arith.constant 0 : index
    %get3A_1530 = vector.load %arg22[%get3A_1528, %get3A_1529] : memref<2048x256xf32, #tpu.memory_space<vmem>>, vector<64x256xf32>
    %dot_general3A_1531 = arith.constant dense<0.000000e+00> : vector<64x256xf32>
    %dot_general3A_1532 = tpu.matmul %get3A_1303, %get3A_1530, %dot_general3A_1531 {dimension_numbers = #tpu.dot_dimension_numbers<[1], [0], [0], [1], [0, 0, 1, 1], [], []>, transpose_lhs_hint = false} : vector<64x64xf32>, vector<64x256xf32>, vector<64x256xf32> -> vector<64x256xf32>
    %add3A_1533 = vector.broadcast %get3A_1306 : vector<1x256xf32> to vector<64x256xf32>
    %add3A_1534 = arith.addf %dot_general3A_1532, %add3A_1533 : vector<64x256xf32>
    %max3A_1535 = arith.constant 0.000000e+00 : f32
    %max3A_1536 = vector.broadcast %max3A_1535 : f32 to vector<64x256xf32>
    %max3A_1537 = arith.maximumf %add3A_1534, %max3A_1536 : vector<64x256xf32>
    %swap3A_1538 = arith.constant 1088 : index
    %swap3A_1539 = arith.constant 0 : index
    %swap3A_1540 = vector.load %arg23[%swap3A_1538, %swap3A_1539] : memref<2048x256xf32, #tpu.memory_space<vmem>>, vector<64x256xf32>
    tpu.vector_store %arg23[%swap3A_1538, %swap3A_1539], %max3A_1537 {strides = array<i32>} : memref<2048x256xf32, #tpu.memory_space<vmem>>, vector<64x256xf32>,
    %get3A_1541 = arith.constant 1152 : index
    %get3A_1542 = arith.constant 0 : index
    %get3A_1543 = vector.load %arg22[%get3A_1541, %get3A_1542] : memref<2048x256xf32, #tpu.memory_space<vmem>>, vector<64x256xf32>
    %dot_general3A_1544 = arith.constant dense<0.000000e+00> : vector<64x256xf32>
    %dot_general3A_1545 = tpu.matmul %get3A_1303, %get3A_1543, %dot_general3A_1544 {dimension_numbers = #tpu.dot_dimension_numbers<[1], [0], [0], [1], [0, 0, 1, 1], [], []>, transpose_lhs_hint = false} : vector<64x64xf32>, vector<64x256xf32>, vector<64x256xf32> -> vector<64x256xf32>
    %add3A_1546 = vector.broadcast %get3A_1306 : vector<1x256xf32> to vector<64x256xf32>
    %add3A_1547 = arith.addf %dot_general3A_1545, %add3A_1546 : vector<64x256xf32>
    %max3A_1548 = arith.constant 0.000000e+00 : f32
    %max3A_1549 = vector.broadcast %max3A_1548 : f32 to vector<64x256xf32>
    %max3A_1550 = arith.maximumf %add3A_1547, %max3A_1549 : vector<64x256xf32>
    %swap3A_1551 = arith.constant 1152 : index
    %swap3A_1552 = arith.constant 0 : index
    %swap3A_1553 = vector.load %arg23[%swap3A_1551, %swap3A_1552] : memref<2048x256xf32, #tpu.memory_space<vmem>>, vector<64x256xf32>
    tpu.vector_store %arg23[%swap3A_1551, %swap3A_1552], %max3A_1550 {strides = array<i32>} : memref<2048x256xf32, #tpu.memory_space<vmem>>, vector<64x256xf32>,
    %get3A_1554 = arith.constant 1216 : index
    %get3A_1555 = arith.constant 0 : index
    %get3A_1556 = vector.load %arg22[%get3A_1554, %get3A_1555] : memref<2048x256xf32, #tpu.memory_space<vmem>>, vector<64x256xf32>
    %dot_general3A_1557 = arith.constant dense<0.000000e+00> : vector<64x256xf32>
    %dot_general3A_1558 = tpu.matmul %get3A_1303, %get3A_1556, %dot_general3A_1557 {dimension_numbers = #tpu.dot_dimension_numbers<[1], [0], [0], [1], [0, 0, 1, 1], [], []>, transpose_lhs_hint = false} : vector<64x64xf32>, vector<64x256xf32>, vector<64x256xf32> -> vector<64x256xf32>
    %add3A_1559 = vector.broadcast %get3A_1306 : vector<1x256xf32> to vector<64x256xf32>
    %add3A_1560 = arith.addf %dot_general3A_1558, %add3A_1559 : vector<64x256xf32>
    %max3A_1561 = arith.constant 0.000000e+00 : f32
    %max3A_1562 = vector.broadcast %max3A_1561 : f32 to vector<64x256xf32>
    %max3A_1563 = arith.maximumf %add3A_1560, %max3A_1562 : vector<64x256xf32>
    %swap3A_1564 = arith.constant 1216 : index
    %swap3A_1565 = arith.constant 0 : index
    %swap3A_1566 = vector.load %arg23[%swap3A_1564, %swap3A_1565] : memref<2048x256xf32, #tpu.memory_space<vmem>>, vector<64x256xf32>
    tpu.vector_store %arg23[%swap3A_1564, %swap3A_1565], %max3A_1563 {strides = array<i32>} : memref<2048x256xf32, #tpu.memory_space<vmem>>, vector<64x256xf32>,
    %get3A_1567 = arith.constant 1280 : index
    %get3A_1568 = arith.constant 0 : index
    %get3A_1569 = vector.load %arg22[%get3A_1567, %get3A_1568] : memref<2048x256xf32, #tpu.memory_space<vmem>>, vector<64x256xf32>
    %dot_general3A_1570 = arith.constant dense<0.000000e+00> : vector<64x256xf32>
    %dot_general3A_1571 = tpu.matmul %get3A_1303, %get3A_1569, %dot_general3A_1570 {dimension_numbers = #tpu.dot_dimension_numbers<[1], [0], [0], [1], [0, 0, 1, 1], [], []>, transpose_lhs_hint = false} : vector<64x64xf32>, vector<64x256xf32>, vector<64x256xf32> -> vector<64x256xf32>
    %add3A_1572 = vector.broadcast %get3A_1306 : vector<1x256xf32> to vector<64x256xf32>
    %add3A_1573 = arith.addf %dot_general3A_1571, %add3A_1572 : vector<64x256xf32>
    %max3A_1574 = arith.constant 0.000000e+00 : f32
    %max3A_1575 = vector.broadcast %max3A_1574 : f32 to vector<64x256xf32>
    %max3A_1576 = arith.maximumf %add3A_1573, %max3A_1575 : vector<64x256xf32>
    %swap3A_1577 = arith.constant 1280 : index
    %swap3A_1578 = arith.constant 0 : index
    %swap3A_1579 = vector.load %arg23[%swap3A_1577, %swap3A_1578] : memref<2048x256xf32, #tpu.memory_space<vmem>>, vector<64x256xf32>
    tpu.vector_store %arg23[%swap3A_1577, %swap3A_1578], %max3A_1576 {strides = array<i32>} : memref<2048x256xf32, #tpu.memory_space<vmem>>, vector<64x256xf32>,
    %get3A_1580 = arith.constant 1344 : index
    %get3A_1581 = arith.constant 0 : index
    %get3A_1582 = vector.load %arg22[%get3A_1580, %get3A_1581] : memref<2048x256xf32, #tpu.memory_space<vmem>>, vector<64x256xf32>
    %dot_general3A_1583 = arith.constant dense<0.000000e+00> : vector<64x256xf32>
    %dot_general3A_1584 = tpu.matmul %get3A_1303, %get3A_1582, %dot_general3A_1583 {dimension_numbers = #tpu.dot_dimension_numbers<[1], [0], [0], [1], [0, 0, 1, 1], [], []>, transpose_lhs_hint = false} : vector<64x64xf32>, vector<64x256xf32>, vector<64x256xf32> -> vector<64x256xf32>
    %add3A_1585 = vector.broadcast %get3A_1306 : vector<1x256xf32> to vector<64x256xf32>
    %add3A_1586 = arith.addf %dot_general3A_1584, %add3A_1585 : vector<64x256xf32>
    %max3A_1587 = arith.constant 0.000000e+00 : f32
    %max3A_1588 = vector.broadcast %max3A_1587 : f32 to vector<64x256xf32>
    %max3A_1589 = arith.maximumf %add3A_1586, %max3A_1588 : vector<64x256xf32>
    %swap3A_1590 = arith.constant 1344 : index
    %swap3A_1591 = arith.constant 0 : index
    %swap3A_1592 = vector.load %arg23[%swap3A_1590, %swap3A_1591] : memref<2048x256xf32, #tpu.memory_space<vmem>>, vector<64x256xf32>
    tpu.vector_store %arg23[%swap3A_1590, %swap3A_1591], %max3A_1589 {strides = array<i32>} : memref<2048x256xf32, #tpu.memory_space<vmem>>, vector<64x256xf32>,
    %get3A_1593 = arith.constant 1408 : index
    %get3A_1594 = arith.constant 0 : index
    %get3A_1595 = vector.load %arg22[%get3A_1593, %get3A_1594] : memref<2048x256xf32, #tpu.memory_space<vmem>>, vector<64x256xf32>
    %dot_general3A_1596 = arith.constant dense<0.000000e+00> : vector<64x256xf32>
    %dot_general3A_1597 = tpu.matmul %get3A_1303, %get3A_1595, %dot_general3A_1596 {dimension_numbers = #tpu.dot_dimension_numbers<[1], [0], [0], [1], [0, 0, 1, 1], [], []>, transpose_lhs_hint = false} : vector<64x64xf32>, vector<64x256xf32>, vector<64x256xf32> -> vector<64x256xf32>
    %add3A_1598 = vector.broadcast %get3A_1306 : vector<1x256xf32> to vector<64x256xf32>
    %add3A_1599 = arith.addf %dot_general3A_1597, %add3A_1598 : vector<64x256xf32>
    %max3A_1600 = arith.constant 0.000000e+00 : f32
    %max3A_1601 = vector.broadcast %max3A_1600 : f32 to vector<64x256xf32>
    %max3A_1602 = arith.maximumf %add3A_1599, %max3A_1601 : vector<64x256xf32>
    %swap3A_1603 = arith.constant 1408 : index
    %swap3A_1604 = arith.constant 0 : index
    %swap3A_1605 = vector.load %arg23[%swap3A_1603, %swap3A_1604] : memref<2048x256xf32, #tpu.memory_space<vmem>>, vector<64x256xf32>
    tpu.vector_store %arg23[%swap3A_1603, %swap3A_1604], %max3A_1602 {strides = array<i32>} : memref<2048x256xf32, #tpu.memory_space<vmem>>, vector<64x256xf32>,
    %get3A_1606 = arith.constant 1472 : index
    %get3A_1607 = arith.constant 0 : index
    %get3A_1608 = vector.load %arg22[%get3A_1606, %get3A_1607] : memref<2048x256xf32, #tpu.memory_space<vmem>>, vector<64x256xf32>
    %dot_general3A_1609 = arith.constant dense<0.000000e+00> : vector<64x256xf32>
    %dot_general3A_1610 = tpu.matmul %get3A_1303, %get3A_1608, %dot_general3A_1609 {dimension_numbers = #tpu.dot_dimension_numbers<[1], [0], [0], [1], [0, 0, 1, 1], [], []>, transpose_lhs_hint = false} : vector<64x64xf32>, vector<64x256xf32>, vector<64x256xf32> -> vector<64x256xf32>
    %add3A_1611 = vector.broadcast %get3A_1306 : vector<1x256xf32> to vector<64x256xf32>
    %add3A_1612 = arith.addf %dot_general3A_1610, %add3A_1611 : vector<64x256xf32>
    %max3A_1613 = arith.constant 0.000000e+00 : f32
    %max3A_1614 = vector.broadcast %max3A_1613 : f32 to vector<64x256xf32>
    %max3A_1615 = arith.maximumf %add3A_1612, %max3A_1614 : vector<64x256xf32>
    %swap3A_1616 = arith.constant 1472 : index
    %swap3A_1617 = arith.constant 0 : index
    %swap3A_1618 = vector.load %arg23[%swap3A_1616, %swap3A_1617] : memref<2048x256xf32, #tpu.memory_space<vmem>>, vector<64x256xf32>
    tpu.vector_store %arg23[%swap3A_1616, %swap3A_1617], %max3A_1615 {strides = array<i32>} : memref<2048x256xf32, #tpu.memory_space<vmem>>, vector<64x256xf32>,
    %get3A_1619 = arith.constant 1536 : index
    %get3A_1620 = arith.constant 0 : index
    %get3A_1621 = vector.load %arg22[%get3A_1619, %get3A_1620] : memref<2048x256xf32, #tpu.memory_space<vmem>>, vector<64x256xf32>
    %dot_general3A_1622 = arith.constant dense<0.000000e+00> : vector<64x256xf32>
    %dot_general3A_1623 = tpu.matmul %get3A_1303, %get3A_1621, %dot_general3A_1622 {dimension_numbers = #tpu.dot_dimension_numbers<[1], [0], [0], [1], [0, 0, 1, 1], [], []>, transpose_lhs_hint = false} : vector<64x64xf32>, vector<64x256xf32>, vector<64x256xf32> -> vector<64x256xf32>
    %add3A_1624 = vector.broadcast %get3A_1306 : vector<1x256xf32> to vector<64x256xf32>
    %add3A_1625 = arith.addf %dot_general3A_1623, %add3A_1624 : vector<64x256xf32>
    %max3A_1626 = arith.constant 0.000000e+00 : f32
    %max3A_1627 = vector.broadcast %max3A_1626 : f32 to vector<64x256xf32>
    %max3A_1628 = arith.maximumf %add3A_1625, %max3A_1627 : vector<64x256xf32>
    %swap3A_1629 = arith.constant 1536 : index
    %swap3A_1630 = arith.constant 0 : index
    %swap3A_1631 = vector.load %arg23[%swap3A_1629, %swap3A_1630] : memref<2048x256xf32, #tpu.memory_space<vmem>>, vector<64x256xf32>
    tpu.vector_store %arg23[%swap3A_1629, %swap3A_1630], %max3A_1628 {strides = array<i32>} : memref<2048x256xf32, #tpu.memory_space<vmem>>, vector<64x256xf32>,
    %get3A_1632 = arith.constant 1600 : index
    %get3A_1633 = arith.constant 0 : index
    %get3A_1634 = vector.load %arg22[%get3A_1632, %get3A_1633] : memref<2048x256xf32, #tpu.memory_space<vmem>>, vector<64x256xf32>
    %dot_general3A_1635 = arith.constant dense<0.000000e+00> : vector<64x256xf32>
    %dot_general3A_1636 = tpu.matmul %get3A_1303, %get3A_1634, %dot_general3A_1635 {dimension_numbers = #tpu.dot_dimension_numbers<[1], [0], [0], [1], [0, 0, 1, 1], [], []>, transpose_lhs_hint = false} : vector<64x64xf32>, vector<64x256xf32>, vector<64x256xf32> -> vector<64x256xf32>
    %add3A_1637 = vector.broadcast %get3A_1306 : vector<1x256xf32> to vector<64x256xf32>
    %add3A_1638 = arith.addf %dot_general3A_1636, %add3A_1637 : vector<64x256xf32>
    %max3A_1639 = arith.constant 0.000000e+00 : f32
    %max3A_1640 = vector.broadcast %max3A_1639 : f32 to vector<64x256xf32>
    %max3A_1641 = arith.maximumf %add3A_1638, %max3A_1640 : vector<64x256xf32>
    %swap3A_1642 = arith.constant 1600 : index
    %swap3A_1643 = arith.constant 0 : index
    %swap3A_1644 = vector.load %arg23[%swap3A_1642, %swap3A_1643] : memref<2048x256xf32, #tpu.memory_space<vmem>>, vector<64x256xf32>
    tpu.vector_store %arg23[%swap3A_1642, %swap3A_1643], %max3A_1641 {strides = array<i32>} : memref<2048x256xf32, #tpu.memory_space<vmem>>, vector<64x256xf32>,
    %get3A_1645 = arith.constant 1664 : index
    %get3A_1646 = arith.constant 0 : index
    %get3A_1647 = vector.load %arg22[%get3A_1645, %get3A_1646] : memref<2048x256xf32, #tpu.memory_space<vmem>>, vector<64x256xf32>
    %dot_general3A_1648 = arith.constant dense<0.000000e+00> : vector<64x256xf32>
    %dot_general3A_1649 = tpu.matmul %get3A_1303, %get3A_1647, %dot_general3A_1648 {dimension_numbers = #tpu.dot_dimension_numbers<[1], [0], [0], [1], [0, 0, 1, 1], [], []>, transpose_lhs_hint = false} : vector<64x64xf32>, vector<64x256xf32>, vector<64x256xf32> -> vector<64x256xf32>
    %add3A_1650 = vector.broadcast %get3A_1306 : vector<1x256xf32> to vector<64x256xf32>
    %add3A_1651 = arith.addf %dot_general3A_1649, %add3A_1650 : vector<64x256xf32>
    %max3A_1652 = arith.constant 0.000000e+00 : f32
    %max3A_1653 = vector.broadcast %max3A_1652 : f32 to vector<64x256xf32>
    %max3A_1654 = arith.maximumf %add3A_1651, %max3A_1653 : vector<64x256xf32>
    %swap3A_1655 = arith.constant 1664 : index
    %swap3A_1656 = arith.constant 0 : index
    %swap3A_1657 = vector.load %arg23[%swap3A_1655, %swap3A_1656] : memref<2048x256xf32, #tpu.memory_space<vmem>>, vector<64x256xf32>
    tpu.vector_store %arg23[%swap3A_1655, %swap3A_1656], %max3A_1654 {strides = array<i32>} : memref<2048x256xf32, #tpu.memory_space<vmem>>, vector<64x256xf32>,
    %get3A_1658 = arith.constant 1728 : index
    %get3A_1659 = arith.constant 0 : index
    %get3A_1660 = vector.load %arg22[%get3A_1658, %get3A_1659] : memref<2048x256xf32, #tpu.memory_space<vmem>>, vector<64x256xf32>
    %dot_general3A_1661 = arith.constant dense<0.000000e+00> : vector<64x256xf32>
    %dot_general3A_1662 = tpu.matmul %get3A_1303, %get3A_1660, %dot_general3A_1661 {dimension_numbers = #tpu.dot_dimension_numbers<[1], [0], [0], [1], [0, 0, 1, 1], [], []>, transpose_lhs_hint = false} : vector<64x64xf32>, vector<64x256xf32>, vector<64x256xf32> -> vector<64x256xf32>
    %add3A_1663 = vector.broadcast %get3A_1306 : vector<1x256xf32> to vector<64x256xf32>
    %add3A_1664 = arith.addf %dot_general3A_1662, %add3A_1663 : vector<64x256xf32>
    %max3A_1665 = arith.constant 0.000000e+00 : f32
    %max3A_1666 = vector.broadcast %max3A_1665 : f32 to vector<64x256xf32>
    %max3A_1667 = arith.maximumf %add3A_1664, %max3A_1666 : vector<64x256xf32>
    %swap3A_1668 = arith.constant 1728 : index
    %swap3A_1669 = arith.constant 0 : index
    %swap3A_1670 = vector.load %arg23[%swap3A_1668, %swap3A_1669] : memref<2048x256xf32, #tpu.memory_space<vmem>>, vector<64x256xf32>
    tpu.vector_store %arg23[%swap3A_1668, %swap3A_1669], %max3A_1667 {strides = array<i32>} : memref<2048x256xf32, #tpu.memory_space<vmem>>, vector<64x256xf32>,
    %get3A_1671 = arith.constant 1792 : index
    %get3A_1672 = arith.constant 0 : index
    %get3A_1673 = vector.load %arg22[%get3A_1671, %get3A_1672] : memref<2048x256xf32, #tpu.memory_space<vmem>>, vector<64x256xf32>
    %dot_general3A_1674 = arith.constant dense<0.000000e+00> : vector<64x256xf32>
    %dot_general3A_1675 = tpu.matmul %get3A_1303, %get3A_1673, %dot_general3A_1674 {dimension_numbers = #tpu.dot_dimension_numbers<[1], [0], [0], [1], [0, 0, 1, 1], [], []>, transpose_lhs_hint = false} : vector<64x64xf32>, vector<64x256xf32>, vector<64x256xf32> -> vector<64x256xf32>
    %add3A_1676 = vector.broadcast %get3A_1306 : vector<1x256xf32> to vector<64x256xf32>
    %add3A_1677 = arith.addf %dot_general3A_1675, %add3A_1676 : vector<64x256xf32>
    %max3A_1678 = arith.constant 0.000000e+00 : f32
    %max3A_1679 = vector.broadcast %max3A_1678 : f32 to vector<64x256xf32>
    %max3A_1680 = arith.maximumf %add3A_1677, %max3A_1679 : vector<64x256xf32>
    %swap3A_1681 = arith.constant 1792 : index
    %swap3A_1682 = arith.constant 0 : index
    %swap3A_1683 = vector.load %arg23[%swap3A_1681, %swap3A_1682] : memref<2048x256xf32, #tpu.memory_space<vmem>>, vector<64x256xf32>
    tpu.vector_store %arg23[%swap3A_1681, %swap3A_1682], %max3A_1680 {strides = array<i32>} : memref<2048x256xf32, #tpu.memory_space<vmem>>, vector<64x256xf32>,
    %get3A_1684 = arith.constant 1856 : index
    %get3A_1685 = arith.constant 0 : index
    %get3A_1686 = vector.load %arg22[%get3A_1684, %get3A_1685] : memref<2048x256xf32, #tpu.memory_space<vmem>>, vector<64x256xf32>
    %dot_general3A_1687 = arith.constant dense<0.000000e+00> : vector<64x256xf32>
    %dot_general3A_1688 = tpu.matmul %get3A_1303, %get3A_1686, %dot_general3A_1687 {dimension_numbers = #tpu.dot_dimension_numbers<[1], [0], [0], [1], [0, 0, 1, 1], [], []>, transpose_lhs_hint = false} : vector<64x64xf32>, vector<64x256xf32>, vector<64x256xf32> -> vector<64x256xf32>
    %add3A_1689 = vector.broadcast %get3A_1306 : vector<1x256xf32> to vector<64x256xf32>
    %add3A_1690 = arith.addf %dot_general3A_1688, %add3A_1689 : vector<64x256xf32>
    %max3A_1691 = arith.constant 0.000000e+00 : f32
    %max3A_1692 = vector.broadcast %max3A_1691 : f32 to vector<64x256xf32>
    %max3A_1693 = arith.maximumf %add3A_1690, %max3A_1692 : vector<64x256xf32>
    %swap3A_1694 = arith.constant 1856 : index
    %swap3A_1695 = arith.constant 0 : index
    %swap3A_1696 = vector.load %arg23[%swap3A_1694, %swap3A_1695] : memref<2048x256xf32, #tpu.memory_space<vmem>>, vector<64x256xf32>
    tpu.vector_store %arg23[%swap3A_1694, %swap3A_1695], %max3A_1693 {strides = array<i32>} : memref<2048x256xf32, #tpu.memory_space<vmem>>, vector<64x256xf32>,
    %get3A_1697 = arith.constant 1920 : index
    %get3A_1698 = arith.constant 0 : index
    %get3A_1699 = vector.load %arg22[%get3A_1697, %get3A_1698] : memref<2048x256xf32, #tpu.memory_space<vmem>>, vector<64x256xf32>
    %dot_general3A_1700 = arith.constant dense<0.000000e+00> : vector<64x256xf32>
    %dot_general3A_1701 = tpu.matmul %get3A_1303, %get3A_1699, %dot_general3A_1700 {dimension_numbers = #tpu.dot_dimension_numbers<[1], [0], [0], [1], [0, 0, 1, 1], [], []>, transpose_lhs_hint = false} : vector<64x64xf32>, vector<64x256xf32>, vector<64x256xf32> -> vector<64x256xf32>
    %add3A_1702 = vector.broadcast %get3A_1306 : vector<1x256xf32> to vector<64x256xf32>
    %add3A_1703 = arith.addf %dot_general3A_1701, %add3A_1702 : vector<64x256xf32>
    %max3A_1704 = arith.constant 0.000000e+00 : f32
    %max3A_1705 = vector.broadcast %max3A_1704 : f32 to vector<64x256xf32>
    %max3A_1706 = arith.maximumf %add3A_1703, %max3A_1705 : vector<64x256xf32>
    %swap3A_1707 = arith.constant 1920 : index
    %swap3A_1708 = arith.constant 0 : index
    %swap3A_1709 = vector.load %arg23[%swap3A_1707, %swap3A_1708] : memref<2048x256xf32, #tpu.memory_space<vmem>>, vector<64x256xf32>
    tpu.vector_store %arg23[%swap3A_1707, %swap3A_1708], %max3A_1706 {strides = array<i32>} : memref<2048x256xf32, #tpu.memory_space<vmem>>, vector<64x256xf32>,
    %get3A_1710 = arith.constant 1984 : index
    %get3A_1711 = arith.constant 0 : index
    %get3A_1712 = vector.load %arg22[%get3A_1710, %get3A_1711] : memref<2048x256xf32, #tpu.memory_space<vmem>>, vector<64x256xf32>
    %dot_general3A_1713 = arith.constant dense<0.000000e+00> : vector<64x256xf32>
    %dot_general3A_1714 = tpu.matmul %get3A_1303, %get3A_1712, %dot_general3A_1713 {dimension_numbers = #tpu.dot_dimension_numbers<[1], [0], [0], [1], [0, 0, 1, 1], [], []>, transpose_lhs_hint = false} : vector<64x64xf32>, vector<64x256xf32>, vector<64x256xf32> -> vector<64x256xf32>
    %add3A_1715 = vector.broadcast %get3A_1306 : vector<1x256xf32> to vector<64x256xf32>
    %add3A_1716 = arith.addf %dot_general3A_1714, %add3A_1715 : vector<64x256xf32>
    %max3A_1717 = arith.constant 0.000000e+00 : f32
    %max3A_1718 = vector.broadcast %max3A_1717 : f32 to vector<64x256xf32>
    %max3A_1719 = arith.maximumf %add3A_1716, %max3A_1718 : vector<64x256xf32>
    %swap3A_1720 = arith.constant 1984 : index
    %swap3A_1721 = arith.constant 0 : index
    %swap3A_1722 = vector.load %arg23[%swap3A_1720, %swap3A_1721] : memref<2048x256xf32, #tpu.memory_space<vmem>>, vector<64x256xf32>
    tpu.vector_store %arg23[%swap3A_1720, %swap3A_1721], %max3A_1719 {strides = array<i32>} : memref<2048x256xf32, #tpu.memory_space<vmem>>, vector<64x256xf32>,
    %get3A_1723 = arith.constant 0 : index
    %get3A_1724 = arith.constant 0 : index
    %get3A_1725 = vector.load %arg21[%get3A_1723, %get3A_1724] : memref<32x2048xf32, #tpu.memory_space<vmem>>, vector<32x2048xf32>
    %get3A_1726 = arith.constant 0 : index
    %get3A_1727 = arith.constant 0 : index
    %get3A_1728 = vector.load %arg23[%get3A_1726, %get3A_1727] : memref<2048x256xf32, #tpu.memory_space<vmem>>, vector<2048x256xf32>
    %dot_general3A_1729 = arith.constant dense<0.000000e+00> : vector<32x256xf32>
    %dot_general3A_1730 = tpu.matmul %get3A_1725, %get3A_1728, %dot_general3A_1729 {dimension_numbers = #tpu.dot_dimension_numbers<[1], [0], [0], [1], [0, 0, 1, 1], [], []>, transpose_lhs_hint = false} : vector<32x2048xf32>, vector<2048x256xf32>, vector<32x256xf32> -> vector<32x256xf32>
    %swap3A_1731 = arith.constant 0 : index
    %swap3A_1732 = arith.constant 512 : index
    %swap3A_1733 = vector.load %arg25[%swap3A_1731, %swap3A_1732] : memref<32x896xf32, #tpu.memory_space<vmem>>, vector<32x256xf32>
    tpu.vector_store %arg25[%swap3A_1731, %swap3A_1732], %dot_general3A_1730 {strides = array<i32>} : memref<32x896xf32, #tpu.memory_space<vmem>>, vector<32x256xf32>,
    %get3A_1734 = arith.constant 0 : index
    %get3A_1735 = arith.constant 0 : index
    %get3A_1736 = vector.load %arg2[%get3A_1734, %get3A_1735] : memref<32x26xf32, #tpu.memory_space<vmem>>, vector<32x26xf32>
    %get3A_1737 = arith.constant 0 : index
    %get3A_1738 = arith.constant 0 : index
    %get3A_1739 = vector.load %arg13[%get3A_1737, %get3A_1738] : memref<128x26xf32, #tpu.memory_space<vmem>>, vector<128x26xf32>
    %dot_general3A_1740 = arith.constant dense<0.000000e+00> : vector<32x128xf32>
    %dot_general3A_1741 = tpu.matmul %get3A_1736, %get3A_1739, %dot_general3A_1740 {dimension_numbers = #tpu.dot_dimension_numbers<[1], [1], [0], [0], [0, 0, 1, 0], [], []>, transpose_lhs_hint = false} : vector<32x26xf32>, vector<128x26xf32>, vector<32x128xf32> -> vector<32x128xf32>
    %get3A_1742 = arith.constant 0 : index
    %get3A_1743 = arith.constant 0 : index
    %get3A_1744 = vector.load %arg14[%get3A_1742, %get3A_1743] : memref<1x128xf32, #tpu.memory_space<vmem>>, vector<1x128xf32>
    %add3A_1745 = vector.broadcast %get3A_1744 : vector<1x128xf32> to vector<32x128xf32>
    %add3A_1746 = arith.addf %dot_general3A_1741, %add3A_1745 : vector<32x128xf32>
    %ge3A = arith.constant 0.000000e+00 : f32
    %ge3A_1747 = vector.broadcast %ge3A : f32 to vector<32x128xf32>
    %ge3A_1748 = arith.cmpf oge, %add3A_1746, %ge3A_1747 : vector<32x128xf32>
    %mul3A = arith.constant 0.00999999977 : f32
    %mul3A_1749 = vector.broadcast %mul3A : f32 to vector<32x128xf32>
    %mul3A_1750 = arith.mulf %mul3A_1749, %add3A_1746 : vector<32x128xf32>
    %select_n3A = arith.select %ge3A_1748, %add3A_1746, %mul3A_1750 : vector<32x128xi1>, vector<32x128xf32>
    %swap3A_1751 = arith.constant 0 : index
    %swap3A_1752 = arith.constant 768 : index
    %swap3A_1753 = vector.load %arg25[%swap3A_1751, %swap3A_1752] : memref<32x896xf32, #tpu.memory_space<vmem>>, vector<32x128xf32>
    tpu.vector_store %arg25[%swap3A_1751, %swap3A_1752], %select_n3A {strides = array<i32>} : memref<32x896xf32, #tpu.memory_space<vmem>>, vector<32x128xf32>,
    %get3A_1754 = arith.constant 0 : index
    %get3A_1755 = arith.constant 0 : index
    %get3A_1756 = vector.load %arg25[%get3A_1754, %get3A_1755] : memref<32x896xf32, #tpu.memory_space<vmem>>, vector<32x896xf32>
    %get3A_1757 = arith.constant 0 : index
    %get3A_1758 = arith.constant 0 : index
    %get3A_1759 = vector.load %arg15[%get3A_1757, %get3A_1758] : memref<2x896xf32, #tpu.memory_space<vmem>>, vector<2x896xf32>
    %dot_general3A_1760 = arith.constant dense<0.000000e+00> : vector<32x2xf32>
    %dot_general3A_1761 = tpu.matmul %get3A_1756, %get3A_1759, %dot_general3A_1760 {dimension_numbers = #tpu.dot_dimension_numbers<[1], [1], [0], [0], [0, 0, 1, 0], [], []>, transpose_lhs_hint = false} : vector<32x896xf32>, vector<2x896xf32>, vector<32x2xf32> -> vector<32x2xf32>
    %get3A_1762 = arith.constant 0 : index
    %get3A_1763 = arith.constant 0 : index
    %get3A_1764 = vector.load %arg16[%get3A_1762, %get3A_1763] : memref<1x2xf32, #tpu.memory_space<vmem>>, vector<1x2xf32>
    %add3A_1765 = vector.broadcast %get3A_1764 : vector<1x2xf32> to vector<32x2xf32>
    %add3A_1766 = arith.addf %dot_general3A_1761, %add3A_1765 : vector<32x2xf32>
    %swap3A_1767 = arith.constant 0 : index
    %swap3A_1768 = arith.constant 0 : index
    %swap3A_1769 = vector.load %arg17[%swap3A_1767, %swap3A_1768] : memref<32x2xf32, #tpu.memory_space<vmem>>, vector<32x2xf32>
    tpu.vector_store %arg17[%swap3A_1767, %swap3A_1768], %add3A_1766 {strides = array<i32>} : memref<32x2xf32, #tpu.memory_space<vmem>>, vector<32x2xf32>,
    return
  }
  func.func @transform_0(%arg0: i32) -> (i32, i32, i32) {
    %c0_i32 = arith.constant 0 : i32
    %c0_i32_0 = arith.constant 0 : i32
    %c0_i32_1 = arith.constant 0 : i32
    return %arg0, %c0_i32, %c0_i32_0 : i32, i32, i32
  }
  func.func @transform_1(%arg0: i32) -> (i32, i32) {
    %c0_i32 = arith.constant 0 : i32
    %c0_i32_0 = arith.constant 0 : i32
    return %arg0, %c0_i32 : i32, i32
  }
  func.func @transform_2(%arg0: i32) -> (i32, i32) {
    %c0_i32 = arith.constant 0 : i32
    %c0_i32_0 = arith.constant 0 : i32
    %c0_i32_1 = arith.constant 0 : i32
    return %c0_i32, %c0_i32_0 : i32, i32
  }
  func.func @transform_3(%arg0: i32) -> (i32, i32) {
    %c0_i32 = arith.constant 0 : i32
    %c0_i32_0 = arith.constant 0 : i32
    %c0_i32_1 = arith.constant 0 : i32
    return %c0_i32, %c0_i32_0 : i32, i32
  }
  func.func @transform_4(%arg0: i32) -> (i32, i32) {
    %c0_i32 = arith.constant 0 : i32
    %c0_i32_0 = arith.constant 0 : i32
    %c0_i32_1 = arith.constant 0 : i32
    return %c0_i32, %c0_i32_0 : i32, i32
  }
  func.func @transform_5(%arg0: i32) -> (i32, i32) {
    %c0_i32 = arith.constant 0 : i32
    %c0_i32_0 = arith.constant 0 : i32
    %c0_i32_1 = arith.constant 0 : i32
    return %c0_i32, %c0_i32_0 : i32, i32
  }
  func.func @transform_6(%arg0: i32) -> (i32, i32) {
    %c0_i32 = arith.constant 0 : i32
    %c0_i32_0 = arith.constant 0 : i32
    %c0_i32_1 = arith.constant 0 : i32
    return %c0_i32, %c0_i32_0 : i32, i32
  }
  func.func @transform_7(%arg0: i32) -> (i32, i32) {
    %c0_i32 = arith.constant 0 : i32
    %c0_i32_0 = arith.constant 0 : i32
    %c0_i32_1 = arith.constant 0 : i32
    return %c0_i32, %c0_i32_0 : i32, i32
  }
  func.func @transform_8(%arg0: i32) -> (i32, i32) {
    %c0_i32 = arith.constant 0 : i32
    %c0_i32_0 = arith.constant 0 : i32
    %c0_i32_1 = arith.constant 0 : i32
    return %c0_i32, %c0_i32_0 : i32, i32
  }
  func.func @transform_9(%arg0: i32) -> (i32, i32) {
    %c0_i32 = arith.constant 0 : i32
    %c0_i32_0 = arith.constant 0 : i32
    %c0_i32_1 = arith.constant 0 : i32
    return %c0_i32, %c0_i32_0 : i32, i32
  }
  func.func @transform_10(%arg0: i32) -> (i32, i32) {
    %c0_i32 = arith.constant 0 : i32
    %c0_i32_0 = arith.constant 0 : i32
    %c0_i32_1 = arith.constant 0 : i32
    return %c0_i32, %c0_i32_0 : i32, i32
  }
  func.func @transform_11(%arg0: i32) -> (i32, i32) {
    %c0_i32 = arith.constant 0 : i32
    %c0_i32_0 = arith.constant 0 : i32
    %c0_i32_1 = arith.constant 0 : i32
    return %c0_i32, %c0_i32_0 : i32, i32
  }
  func.func @transform_12(%arg0: i32) -> (i32, i32) {
    %c0_i32 = arith.constant 0 : i32
    %c0_i32_0 = arith.constant 0 : i32
    %c0_i32_1 = arith.constant 0 : i32
    return %c0_i32, %c0_i32_0 : i32, i32
  }
  func.func @transform_13(%arg0: i32) -> (i32, i32) {
    %c0_i32 = arith.constant 0 : i32
    %c0_i32_0 = arith.constant 0 : i32
    %c0_i32_1 = arith.constant 0 : i32
    return %c0_i32, %c0_i32_0 : i32, i32
  }
  func.func @transform_14(%arg0: i32) -> (i32, i32) {
    %c0_i32 = arith.constant 0 : i32
    %c0_i32_0 = arith.constant 0 : i32
    %c0_i32_1 = arith.constant 0 : i32
    return %c0_i32, %c0_i32_0 : i32, i32
  }
  func.func @transform_15(%arg0: i32) -> (i32, i32) {
    %c0_i32 = arith.constant 0 : i32
    %c0_i32_0 = arith.constant 0 : i32
    %c0_i32_1 = arith.constant 0 : i32
    return %c0_i32, %c0_i32_0 : i32, i32
  }
  func.func @transform_16(%arg0: i32) -> (i32, i32) {
    %c0_i32 = arith.constant 0 : i32
    %c0_i32_0 = arith.constant 0 : i32
    return %arg0, %c0_i32 : i32, i32
  }
}

</mosaic_0001>

<sc_bundles>
// kernel: kernel.4.cloned.1.call-start
scs
__scs_entry_jumppad:
0x0: {  	(pc) =	sbr.rel $0x88, $3  }
0x1: {  	(tag) =	ssettag $0x0;
	lr =	simm.s32 $0x1  }
0x2: {  	[smem:$0x3F91] =	sst lr;
	_ =	strace $0xD0000000  }
0x3: {  	_ = 	snop  }
0x4: {  	_ = 	snop  }
0x5: {  	_ = 	snop  }
0x6: {  	_ = 	snop  }
0x7: {  	_ = 	snop  }
__scs_overlays_trampoline_lowered:
0x8: {  	[smem:$0x3FA0] =	sst s0  }
0x9: {  	[smem:$0x3FA1] =	sst s1  }
0xa: {  	[smem:$0x3FA2] =	sst s2  }
0xb: {  	[smem:$0x3FA3] =	sst s3  }
0xc: {  	[smem:$0x3FA4] =	sst s4  }
0xd: {  	[smem:$0x3FA5] =	sst s5  }
0xe: {  	[smem:$0x3FA6] =	sst s6  }
0xf: {  	[smem:$0x3FA7] =	sst s7  }
0x10: {  	[smem:$0x3FA8] =	sst s8  }
0x11: {  	[smem:$0x3FA9] =	sst s9;
	s0 =	simm.s32 @!p0 $0x0  }
0x12: {  	s1 =	sld [smem:$0x3F8F];
	s0 =	simm.s32 @p0 $0x1  }
0x13: {  	[smem:$0x3FAA] =	sst s0;
	s0 =	simm.s32 @!p1 $0x0  }
0x14: {  	s2 =	sld [smem:$0x3F8E];
	s0 =	simm.s32 @p1 $0x1  }
0x15: {  	[smem:$0x3FAB] =	sst s0;
	s0 =	simm.s32 @!p2 $0x0  }
0x16: {  	s3 =	sld [smem:$0x3FDB];
	s0 =	simm.s32 @p2 $0x1  }
0x17: {  	s4 =	simm.s32 $0x1BF5;
	[smem:$0x3FAD] =	sst s0  }
0x18: {  	s0 =	sld [smem:$0x3F90];
	_ =	swait.ge [sflag:s4], $0x0  }
0x19: {  	s7 =	sld [smem:$0x3F91]  }
0x1a: {  	s8 =	sadd.s32 $0xFFFFE003, lr  }
0x1b: {  	s9 =	sadd.s32 $0xFFFFFEF7, lr;
	s5 =	simm.s32 $0xFFFFFFFF;
	p2 =	slt.u32 s8, $0xFFFFF086  }
0x1c: {  	p1 =	slt.u32 s9, $0xF7A;
	s5 =	simm.s32 @!p2 $0x0  }
0x1d: {  	s5 =	simm.s32 @p1 $0x1;
	p0 =	seq.s32 s7, s2  }
0x1e: {  	s7 =	smul.u32 @!p0 $0xF7A, s2;
	p2 =	seq.s32 @!p0 s5, $0x0  }
0x1f: {  	s9 =	smul.u32 $0xF7A, s1;
	s8 =	simm.s32 @!p0 $0x1BF5;
	p2 =	por !p2, p0  }
0x20: {  	[sflag:s8] =	ssyncset.s32 @!p0 $0xFFFFF086;
	s6 =	sadd.s32 @!p0 s3, s7;
	s7 =	simm.s32 @!p0 $0x108  }
0x21: {  	s3 =	sadd.s32 s3, s9;
	s6 =	sadd.s32 @!p0 $0x88, s6;
	s7 =	simm.s32 @p2 $0x1082  }
0x22: {  	[simem:s7], [sflag:s8] =	dma.local @!p0 [hbm:s6], $0xF7A  }
0x23: {  	s9 =	sor.u32 $0xD0000000, s2;
	s6 =	simm.s32 $0x108;
	_ =	swait.ge @!p0 [sflag:s8], $0x0  }
0x24: {  	s3 =	sadd.s32 $0x88, s3;
	s6 =	simm.s32 @!p1 $0x1082;
	[sflag:s4] =	ssyncset.s32 $0xFFFFF086  }
0x25: {  	[simem:s6], [sflag:s4] =	dma.local [hbm:s3], $0xF7A  }
0x26: {  	[smem:$0x3F91] =	sst s1;
	(tag) =	ssettag s2;
	_ =	strace s9  }
0x27: {  	s1 =	sld [smem:$0x3FA1]  }
0x28: {  	s2 =	sld [smem:$0x3FA2]  }
0x29: {  	s4 =	sld [smem:$0x3FA4]  }
0x2a: {  	p0 =	seq.s32 s5, $0x0;
	s5 =	sld [smem:$0x3FA5]  }
0x2b: {  	s6 =	sld [smem:$0x3FA6]  }
0x2c: {  	s7 =	sld [smem:$0x3FA7]  }
0x2d: {  	s3 =	simm.s32 $0x108;
	s8 =	sld [smem:$0x3FA8]  }
0x2e: {  	s3 =	simm.s32 @!p0 $0x1082;
	s9 =	sld [smem:$0x3FA9]  }
0x2f: {  	lr =	sadd.s32 s0, s3;
	s0 =	sld [smem:$0x3FA0]  }
0x30: {  	s3 =	sld [smem:$0x3FA3]  }
0x31: {  	[smem:$0x3FAC] =	sst s10  }
0x32: {  	s10 =	sld [smem:$0x3FAA];
	_ =	sdelay $0x3  }
0x33: {  	p0 =	seq.s32 s10, $0x1;
	s10 =	sld [smem:$0x3FAC];
	_ =	sdelay $0x3  }
0x34: {  	[smem:$0x3FAC] =	sst s10  }
0x35: {  	s10 =	sld [smem:$0x3FAB];
	_ =	sdelay $0x3  }
0x36: {  	p1 =	seq.s32 s10, $0x1;
	s10 =	sld [smem:$0x3FAC];
	_ =	sdelay $0x3  }
0x37: {  	[smem:$0x3FAC] =	sst s10  }
0x38: {  	s10 =	sld [smem:$0x3FAD]  }
0x39: {  	_ = 	snop;
	(pc) =	sbr.ind lr, $3  }
0x3a: {  	_ = 	snop  }
0x3b: {  	_ = 	snop  }
0x3c: {  	p2 =	seq.s32 s10, $0x1;
	s10 =	sld [smem:$0x3FAC]  }
0x3d: {  	_ =	shalt  }
0x3e: {  	_ =	shalt  }
0x3f: {  	_ =	shalt  }
0x40: {  	_ =	shalt  }
0x41: {  	_ =	shalt  }
0x42: {  	_ =	shalt  }
0x43: {  	_ =	shalt  }
0x44: {  	_ =	shalt  }
0x45: {  	_ =	shalt  }
0x46: {  	_ =	shalt  }
0x47: {  	_ =	shalt  }
0x48: {  	_ =	shalt  }
0x49: {  	_ =	shalt  }
0x4a: {  	_ =	shalt  }
0x4b: {  	_ =	shalt  }
0x4c: {  	_ =	shalt  }
0x4d: {  	_ =	shalt  }
0x4e: {  	_ =	shalt  }
0x4f: {  	_ =	shalt  }
0x50: {  	_ =	shalt  }
0x51: {  	_ =	shalt  }
0x52: {  	_ =	shalt  }
0x53: {  	_ =	shalt  }
0x54: {  	_ =	shalt  }
0x55: {  	_ =	shalt  }
0x56: {  	_ =	shalt  }
0x57: {  	_ =	shalt  }
0x58: {  	_ =	shalt  }
0x59: {  	_ =	shalt  }
0x5a: {  	_ =	shalt  }
0x5b: {  	_ =	shalt  }
0x5c: {  	_ =	shalt  }
0x5d: {  	_ =	shalt  }
0x5e: {  	_ =	shalt  }
0x5f: {  	_ =	shalt  }
0x60: {  	_ =	shalt  }
0x61: {  	_ =	shalt  }
0x62: {  	_ =	shalt  }
0x63: {  	_ =	shalt  }
0x64: {  	_ =	shalt  }
0x65: {  	_ =	shalt  }
0x66: {  	_ =	shalt  }
0x67: {  	_ =	shalt  }
0x68: {  	_ =	shalt  }
0x69: {  	_ =	shalt  }
0x6a: {  	_ =	shalt  }
0x6b: {  	_ =	shalt  }
0x6c: {  	_ =	shalt  }
0x6d: {  	_ =	shalt  }
0x6e: {  	_ =	shalt  }
0x6f: {  	_ =	shalt  }
0x70: {  	_ =	shalt  }
0x71: {  	_ =	shalt  }
0x72: {  	_ =	shalt  }
0x73: {  	_ =	shalt  }
0x74: {  	_ =	shalt  }
0x75: {  	_ =	shalt  }
0x76: {  	_ =	shalt  }
0x77: {  	_ =	shalt  }
0x78: {  	_ =	shalt  }
0x79: {  	_ =	shalt  }
0x7a: {  	_ =	shalt  }
0x7b: {  	_ =	shalt  }
0x7c: {  	_ =	shalt  }
0x7d: {  	_ =	shalt  }
0x7e: {  	_ =	shalt  }
0x7f: {  	_ =	shalt  }
0x80: {  	_ =	shalt  }
0x81: {  	_ =	shalt  }
0x82: {  	_ =	shalt  }
0x83: {  	_ =	shalt  }
0x84: {  	_ =	shalt  }
0x85: {  	_ =	shalt  }
0x86: {  	_ =	shalt  }
0x87: {  	_ =	shalt  }
.Lfunc_end0:
.L_simem_size_0:
called_computation_lowered:
.L_overlay_start_0:
0x88: {  	s2 =	sld [smem:$0x3FD9]  }
0x89: {  	s3 =	sld [smem:$0x3FFE];
	_ =	sdelay $0x1  }
0x8a: {  	s1 =	srdreg.scid  }
0x8b: {  	s0 =	sand.u32 $0x1, s1  }
0x8c: {  	s16 =	sshll.u32 s0, $0xA;
	s2 =	sadd.s32 s3, s2  }
0x8d: {  	s2 =	sadd.s32 s2, s16  }
0x8e: {  	[smem:$0x3FB8] =	sst s2  }
0x8f: {  	_ = 	snop  }
0x90: {  	(tm) =	ssettm $0x1  }
0x91: {  	s17 =	sld [smem:$0x3FFB];
	_ =	sdelay $0x3  }
0x92: {  	_ =	strace s17  }
0x93: {  	s2 =	sld [smem:$0x3FFC];
	_ =	sdelay $0x3  }
0x94: {  	_ =	strace s2  }
0x95: {  	s2 =	sld [smem:$0x3FFD];
	_ =	sdelay $0x3  }
0x96: {  	_ =	strace s2  }
0x97: {  	_ =	strace $0x8FFFFFFF  }
0x98: {  	s18 =	sld [smem:$0x3FDB];
	_ =	sdelay $0x1  }
0x99: {  	s19 =	simm.s32 $_scs_section_size  }
0x9a: {  	s4 =	simm.s32 $_size__tile_overlayer_lowered;
	s5 =	simm.s32 $_tile_overlayer_lowered  }
0x9b: {  	s22 =	simm.s32 $0x1BFF;
	s21 =	sshll.u32 s5, $0x1;
	s2 =	sadd.s32 s19, s18  }
0x9c: {  	s6 =	simm.s32 $0x0;
	s20 =	sshll.u32 s4, $0x1;
	s4 =	sadd.s32 s21, s2  }
0x9d: {  	[timem:s6], [sflag:s22] =	dma.local [hbm:s4], s20  }
0x9e: {  	_ =	swait.ge [sflag:s22], s20  }
0x9f: {  	s3 =	ssub.s32 $0x0, s20;
	[sflag:s22] =	ssyncset.done $0x0  }
0xa0: {  	[sflag:s22] =	ssyncadd.s32 s3;
	_ =	sdelay $0x1  }
0xa1: {  	s23 =	simm.s32 $0x1B8B  }
0xa2: {  	_ =	swait.ge [sflag:s23], $0x1  }
0xa3: {  	[sflag:s23] =	ssyncset.done $0x0  }
0xa4: {  	s25 =	simm.s32 $0x1B8E;
	s24 =	sld [smem:$0x3FFE];
	[sflag:s23] =	ssyncadd.s32 $0xFFFFFFFF  }
0xa5: {  	s26 =	simm.s32 $execute0_lowered;
	[smem:$0x3FD2] =	sst s25  }
0xa6: {  	s4 =	sshll.u32 s26, $0x1;
	_ =	strace $0x80000046;
	[dreg:$0x1] =	wrdreg $0xFFFFFFFF  }
0xa7: {  	s28 =	simm.s32 $_size_execute0_lowered;
	s2 =	sadd.s32 s2, s4;
	[dreg:$0x0] =	wrdreg $0x0  }
0xa8: {  	s4 =	sshll.u32 s28, $0x1;
	[dreg:$0x2] =	wrdreg s2  }
0xa9: {  	[dreg:$0x3] =	wrdreg s4  }
0xaa: {  	[dreg:$0x4] =	wrdreg $0xC0  }
0xab: {  	_ =	task [dreg:s6], $0x5FFFF  }
0xac: {  	[dreg:$0x1] =	wrdreg $0xFFFFFFFF  }
0xad: {  	[dreg:$0x0] =	wrdreg $0x60  }
0xae: {  	[dreg:$0x2] =	wrdreg s24  }
0xaf: {  	[dreg:$0x3] =	wrdreg $0x9  }
0xb0: {  	_ =	task.clear_ibuf [dreg:s6], $0x4FFFF;
	_ =	strace $0x90000046  }
0xb1: {  	s29 =	simm.s32 $0x9;
	_ =	strace $0x80000048  }
0xb2: {  	_ =	swait.ge [sflag:s29], $0x1  }
0xb3: {  	[sflag:s29] =	ssyncadd.s32 $0xFFFFFFFF  }
0xb4: {  	_ =	strace $0x90000048  }
0xb5: {  	_ =	sfence  }
0xb6: {  	s30 =	sld [smem:$0x0];
	_ =	sdelay $0x2  }
0xb7: {  	s31 =	sshll.u32 s1, $0xD;
	s1 =	sshrl.u32 s1, $0x2  }
0xb8: {  	s3 =	sand.u32 $0x4000, s31;
	s1 =	sadd.s32 s1, s30  }
0xb9: {  	s0 =	sor.u32 s3, s0;
	s1 =	sshll.u32 s1, $0x11  }
0xba: {  	s0 =	sor.u32 s1, s0  }
0xbb: {  	s0 =	sadd.s32 $0x8F2B, s0  }
0xbc: {  	[sflag:s0] =	ssyncadd.remote.s32 $0x1  }
0xbd: {  	_ =	sfence.sel $0xFFFF  }
0xbe: {  	[dreg:$0x0] =	wrdreg $0xFFFFFFFF;
	(pc) =	sbr.abs _section_cstart, $3  }
0xbf: {  	[dreg:$0x1] =	wrdreg $0xFFFFFFFF  }
0xc0: {  	_ =	task.clear_ibuf [dreg:s6], $0x2FFFF;
	_ =	strace $0x9FFFFFFF  }
0xc1: {  	(tm) =	ssettm $0x7FFFFFFF  }
tec
execute0_lowered:
.L_overlay_start_1:
0x0: {  	(tag) =	ssettag $0x1  }
0x1: {  	s0 =	srdreg.scid  }
0x2: {  	s1 =	stileid.u32;
	s3 =	sand.u32 $0x1, s0  }
0x3: {  	s4 =	sor.u32 s1, s3  }
0x4: {  	p0 =	sne.s32 s4, $0x0  }
.Ltmp0:
0x5: {  	_ = 	snop;
	(pc) =	sbr.rel @p0 .LBB2_3-.Ltmp0, $4  }
0x6: {  	_ = 	snop  }
0x7: {  	s7 =	rddreg [dreg:$0x0];
	s2 =	simm.s32 $0x0  }
0x8: {  	[smem:$0x7FF] =	sst s2  }
0x9: {  	s0 =	rddreg [dreg:$0x1];
	_ =	strace $0x80000047  }
0xa: {  	v0 =	vimm.f32 $1.000000000e+00  }
0xb: {  	vm0 =	vcmask $0x704;
	vm1 =	vcmask $0xB08;
	vm2 =	vcmask $0xF0C  }
0xc: {  	s6 =	ssub.s32 $0x2, s3;
	s3 =	sadd.s32 $0x1600, s7;
	vm3 =	vcmask $0x1310;
	vm4 =	vcmask $0x1714;
	vm5 =	vcmask $0x1B18;
	s4 =	sadd.s32 $0x1800, s7  }
0xd: {  	s5 =	sadd.s32 $0x1C00, s7;
	vm6 =	vcmask $0x1F1C;
	vm7 =	vcmask $0x2320;
	vm8 =	vcmask $0x2724;
	s7 =	sadd.s32 $0x1610, s7;
	s9 =	simm.s32 $0x80  }
0xe: {  	vm9 =	vcmask $0x2B28;
	vm10 =	vcmask $0x2F2C;
	vm11 =	vcmask $0x3330;
	s10 =	simm.s32 $0x100;
	s11 =	simm.s32 $0x2000;
	s8 =	sshrl.u32 s6, $0x1  }
0xf: {  	s12 =	simm.s32 $0x2180;
	vm12 =	vcmask $0x3734;
	vm13 =	vcmask $0x3B38;
	vm14 =	vcmask $0x3F3C;
	s6 =	ssub.s32 s6, s8;
	s8 =	simm.s32 $0x1  }
.LBB2_2:
0x10: {  	[tilespmem:s2], [sflag:$0x1] =	stream.linear.gather [hbm4b:s4+s2], $0x2000, $0x38;
	[tilespmem:$0x2300] =	vst v63  }
0x11: {  	_ =	swait.ge [sflag:s8], $0x2000  }
0x12: {  	[sflag:s8] =	ssyncset.done $0x0  }
0x13: {  	[sflag:s8] =	ssyncadd.s32 $0xFFFFE000  }
0x14: {  	[tilespmem:s11], [sflag:$0x1] =	stream.strided.gather [hbm4b:s3+s9], $0x180, s10, s9, $0x38;
	[tilespmem:$0x2300] =	vst v63  }
0x15: {  	_ =	swait.ge [sflag:s8], $0x180  }
0x16: {  	[sflag:s8] =	ssyncset.done $0x0  }
0x17: {  	[sflag:s8] =	ssyncadd.s32 $0xFFFFFE80  }
0x18: {  	[tilespmem:s12], [sflag:$0x1] =	stream.strided.gather [hbm4b:s7+s9], $0x180, s10, s9, $0x38;
	[tilespmem:$0x2300] =	vst v63  }
0x19: {  	_ =	swait.ge [sflag:s8], $0x180  }
0x1a: {  	[sflag:s8] =	ssyncset.done $0x0  }
0x1b: {  	[sflag:s8] =	ssyncadd.s32 $0xFFFFFE80  }
0x1c: {  	v1 =	vld [tilespmem:$0x2000]  }
0x1d: {  	v2 =	vld [tilespmem:$0x2180];
	_ =	sdelay $0x4  }
0x1e: {  	v3 =	vand.u32 $0xFFFFFF80, v1;
	v2 =	vshll.u32 v2, $0x7  }
0x1f: {  	v1 =	vand.u32 $0x7F, v1;
	v2 =	vadd.s32 v3, v2  }
0x20: {  	v1 =	vor.u32 v1, v2;
	_ =	sdelay $0x4  }
0x21: {  	[tilespmem:v1+s2+$0x0] =	vst.idx.add.f32.msk $0x1, v0  }
0x22: {  	[tilespmem:v1+s2+$0x0] =	vst.idx.add.f32.msk vm0, v0  }
0x23: {  	[tilespmem:v1+s2+$0x0] =	vst.idx.add.f32.msk vm1, v0  }
0x24: {  	[tilespmem:v1+s2+$0x0] =	vst.idx.add.f32.msk vm2, v0  }
0x25: {  	[tilespmem:v1+s2+$0x0] =	vst.idx.add.f32.msk vm3, v0  }
0x26: {  	[tilespmem:v1+s2+$0x0] =	vst.idx.add.f32.msk vm4, v0  }
0x27: {  	[tilespmem:v1+s2+$0x0] =	vst.idx.add.f32.msk vm5, v0  }
0x28: {  	[tilespmem:v1+s2+$0x0] =	vst.idx.add.f32.msk vm6, v0  }
0x29: {  	[tilespmem:v1+s2+$0x0] =	vst.idx.add.f32.msk vm7, v0  }
0x2a: {  	[tilespmem:v1+s2+$0x0] =	vst.idx.add.f32.msk vm8, v0  }
0x2b: {  	[tilespmem:v1+s2+$0x0] =	vst.idx.add.f32.msk vm9, v0  }
0x2c: {  	[tilespmem:v1+s2+$0x0] =	vst.idx.add.f32.msk vm10, v0  }
0x2d: {  	[tilespmem:v1+s2+$0x0] =	vst.idx.add.f32.msk vm11, v0  }
0x2e: {  	[tilespmem:v1+s2+$0x0] =	vst.idx.add.f32.msk vm12, v0  }
0x2f: {  	[tilespmem:v1+s2+$0x0] =	vst.idx.add.f32.msk vm13, v0  }
0x30: {  	[tilespmem:v1+s2+$0x0] =	vst.idx.add.f32.msk vm14, v0  }
0x31: {  	v1 =	vld [tilespmem:$0x2010]  }
0x32: {  	v2 =	vld [tilespmem:$0x2190];
	_ =	sdelay $0x4  }
0x33: {  	v3 =	vand.u32 $0xFFFFFF80, v1;
	v2 =	vshll.u32 v2, $0x7  }
0x34: {  	v1 =	vand.u32 $0x7F, v1;
	v2 =	vadd.s32 v3, v2  }
0x35: {  	v1 =	vor.u32 v1, v2;
	_ =	sdelay $0x4  }
0x36: {  	[tilespmem:v1+s2+$0x0] =	vst.idx.add.f32.msk $0x1, v0  }
0x37: {  	[tilespmem:v1+s2+$0x0] =	vst.idx.add.f32.msk vm0, v0  }
0x38: {  	[tilespmem:v1+s2+$0x0] =	vst.idx.add.f32.msk vm1, v0  }
0x39: {  	[tilespmem:v1+s2+$0x0] =	vst.idx.add.f32.msk vm2, v0  }
0x3a: {  	[tilespmem:v1+s2+$0x0] =	vst.idx.add.f32.msk vm3, v0  }
0x3b: {  	[tilespmem:v1+s2+$0x0] =	vst.idx.add.f32.msk vm4, v0  }
0x3c: {  	[tilespmem:v1+s2+$0x0] =	vst.idx.add.f32.msk vm5, v0  }
0x3d: {  	[tilespmem:v1+s2+$0x0] =	vst.idx.add.f32.msk vm6, v0  }
0x3e: {  	[tilespmem:v1+s2+$0x0] =	vst.idx.add.f32.msk vm7, v0  }
0x3f: {  	[tilespmem:v1+s2+$0x0] =	vst.idx.add.f32.msk vm8, v0  }
0x40: {  	[tilespmem:v1+s2+$0x0] =	vst.idx.add.f32.msk vm9, v0  }
0x41: {  	[tilespmem:v1+s2+$0x0] =	vst.idx.add.f32.msk vm10, v0  }
0x42: {  	[tilespmem:v1+s2+$0x0] =	vst.idx.add.f32.msk vm11, v0  }
0x43: {  	[tilespmem:v1+s2+$0x0] =	vst.idx.add.f32.msk vm12, v0  }
0x44: {  	[tilespmem:v1+s2+$0x0] =	vst.idx.add.f32.msk vm13, v0  }
0x45: {  	[tilespmem:v1+s2+$0x0] =	vst.idx.add.f32.msk vm14, v0  }
0x46: {  	v1 =	vld [tilespmem:$0x2020]  }
0x47: {  	v2 =	vld [tilespmem:$0x21A0];
	_ =	sdelay $0x4  }
0x48: {  	v3 =	vand.u32 $0xFFFFFF80, v1;
	v2 =	vshll.u32 v2, $0x7  }
0x49: {  	v1 =	vand.u32 $0x7F, v1;
	v2 =	vadd.s32 v3, v2  }
0x4a: {  	v1 =	vor.u32 v1, v2;
	_ =	sdelay $0x4  }
0x4b: {  	[tilespmem:v1+s2+$0x0] =	vst.idx.add.f32.msk $0x1, v0  }
0x4c: {  	[tilespmem:v1+s2+$0x0] =	vst.idx.add.f32.msk vm0, v0  }
0x4d: {  	[tilespmem:v1+s2+$0x0] =	vst.idx.add.f32.msk vm1, v0  }
0x4e: {  	[tilespmem:v1+s2+$0x0] =	vst.idx.add.f32.msk vm2, v0  }
0x4f: {  	[tilespmem:v1+s2+$0x0] =	vst.idx.add.f32.msk vm3, v0  }
0x50: {  	[tilespmem:v1+s2+$0x0] =	vst.idx.add.f32.msk vm4, v0  }
0x51: {  	[tilespmem:v1+s2+$0x0] =	vst.idx.add.f32.msk vm5, v0  }
0x52: {  	[tilespmem:v1+s2+$0x0] =	vst.idx.add.f32.msk vm6, v0  }
0x53: {  	[tilespmem:v1+s2+$0x0] =	vst.idx.add.f32.msk vm7, v0  }
0x54: {  	[tilespmem:v1+s2+$0x0] =	vst.idx.add.f32.msk vm8, v0  }
0x55: {  	[tilespmem:v1+s2+$0x0] =	vst.idx.add.f32.msk vm9, v0  }
0x56: {  	[tilespmem:v1+s2+$0x0] =	vst.idx.add.f32.msk vm10, v0  }
0x57: {  	[tilespmem:v1+s2+$0x0] =	vst.idx.add.f32.msk vm11, v0  }
0x58: {  	[tilespmem:v1+s2+$0x0] =	vst.idx.add.f32.msk vm12, v0  }
0x59: {  	[tilespmem:v1+s2+$0x0] =	vst.idx.add.f32.msk vm13, v0  }
0x5a: {  	[tilespmem:v1+s2+$0x0] =	vst.idx.add.f32.msk vm14, v0  }
0x5b: {  	v1 =	vld [tilespmem:$0x2030]  }
0x5c: {  	v2 =	vld [tilespmem:$0x21B0];
	_ =	sdelay $0x4  }
0x5d: {  	v3 =	vand.u32 $0xFFFFFF80, v1;
	v2 =	vshll.u32 v2, $0x7  }
0x5e: {  	v1 =	vand.u32 $0x7F, v1;
	v2 =	vadd.s32 v3, v2  }
0x5f: {  	v1 =	vor.u32 v1, v2;
	_ =	sdelay $0x4  }
0x60: {  	[tilespmem:v1+s2+$0x0] =	vst.idx.add.f32.msk $0x1, v0  }
0x61: {  	[tilespmem:v1+s2+$0x0] =	vst.idx.add.f32.msk vm0, v0  }
0x62: {  	[tilespmem:v1+s2+$0x0] =	vst.idx.add.f32.msk vm1, v0  }
0x63: {  	[tilespmem:v1+s2+$0x0] =	vst.idx.add.f32.msk vm2, v0  }
0x64: {  	[tilespmem:v1+s2+$0x0] =	vst.idx.add.f32.msk vm3, v0  }
0x65: {  	[tilespmem:v1+s2+$0x0] =	vst.idx.add.f32.msk vm4, v0  }
0x66: {  	[tilespmem:v1+s2+$0x0] =	vst.idx.add.f32.msk vm5, v0  }
0x67: {  	[tilespmem:v1+s2+$0x0] =	vst.idx.add.f32.msk vm6, v0  }
0x68: {  	[tilespmem:v1+s2+$0x0] =	vst.idx.add.f32.msk vm7, v0  }
0x69: {  	[tilespmem:v1+s2+$0x0] =	vst.idx.add.f32.msk vm8, v0  }
0x6a: {  	[tilespmem:v1+s2+$0x0] =	vst.idx.add.f32.msk vm9, v0  }
0x6b: {  	[tilespmem:v1+s2+$0x0] =	vst.idx.add.f32.msk vm10, v0  }
0x6c: {  	[tilespmem:v1+s2+$0x0] =	vst.idx.add.f32.msk vm11, v0  }
0x6d: {  	[tilespmem:v1+s2+$0x0] =	vst.idx.add.f32.msk vm12, v0  }
0x6e: {  	[tilespmem:v1+s2+$0x0] =	vst.idx.add.f32.msk vm13, v0  }
0x6f: {  	[tilespmem:v1+s2+$0x0] =	vst.idx.add.f32.msk vm14, v0  }
0x70: {  	v1 =	vld [tilespmem:$0x2040]  }
0x71: {  	v2 =	vld [tilespmem:$0x21C0];
	_ =	sdelay $0x4  }
0x72: {  	v3 =	vand.u32 $0xFFFFFF80, v1;
	v2 =	vshll.u32 v2, $0x7  }
0x73: {  	v1 =	vand.u32 $0x7F, v1;
	v2 =	vadd.s32 v3, v2  }
0x74: {  	v1 =	vor.u32 v1, v2;
	_ =	sdelay $0x4  }
0x75: {  	[tilespmem:v1+s2+$0x0] =	vst.idx.add.f32.msk $0x1, v0  }
0x76: {  	[tilespmem:v1+s2+$0x0] =	vst.idx.add.f32.msk vm0, v0  }
0x77: {  	[tilespmem:v1+s2+$0x0] =	vst.idx.add.f32.msk vm1, v0  }
0x78: {  	[tilespmem:v1+s2+$0x0] =	vst.idx.add.f32.msk vm2, v0  }
0x79: {  	[tilespmem:v1+s2+$0x0] =	vst.idx.add.f32.msk vm3, v0  }
0x7a: {  	[tilespmem:v1+s2+$0x0] =	vst.idx.add.f32.msk vm4, v0  }
0x7b: {  	[tilespmem:v1+s2+$0x0] =	vst.idx.add.f32.msk vm5, v0  }
0x7c: {  	[tilespmem:v1+s2+$0x0] =	vst.idx.add.f32.msk vm6, v0  }
0x7d: {  	[tilespmem:v1+s2+$0x0] =	vst.idx.add.f32.msk vm7, v0  }
0x7e: {  	[tilespmem:v1+s2+$0x0] =	vst.idx.add.f32.msk vm8, v0  }
0x7f: {  	[tilespmem:v1+s2+$0x0] =	vst.idx.add.f32.msk vm9, v0  }
0x80: {  	[tilespmem:v1+s2+$0x0] =	vst.idx.add.f32.msk vm10, v0  }
0x81: {  	[tilespmem:v1+s2+$0x0] =	vst.idx.add.f32.msk vm11, v0  }
0x82: {  	[tilespmem:v1+s2+$0x0] =	vst.idx.add.f32.msk vm12, v0  }
0x83: {  	[tilespmem:v1+s2+$0x0] =	vst.idx.add.f32.msk vm13, v0  }
0x84: {  	[tilespmem:v1+s2+$0x0] =	vst.idx.add.f32.msk vm14, v0  }
0x85: {  	v1 =	vld [tilespmem:$0x2050]  }
0x86: {  	v2 =	vld [tilespmem:$0x21D0];
	_ =	sdelay $0x4  }
0x87: {  	v3 =	vand.u32 $0xFFFFFF80, v1;
	v2 =	vshll.u32 v2, $0x7  }
0x88: {  	v1 =	vand.u32 $0x7F, v1;
	v2 =	vadd.s32 v3, v2  }
0x89: {  	v1 =	vor.u32 v1, v2;
	_ =	sdelay $0x4  }
0x8a: {  	[tilespmem:v1+s2+$0x0] =	vst.idx.add.f32.msk $0x1, v0  }
0x8b: {  	[tilespmem:v1+s2+$0x0] =	vst.idx.add.f32.msk vm0, v0  }
0x8c: {  	[tilespmem:v1+s2+$0x0] =	vst.idx.add.f32.msk vm1, v0  }
0x8d: {  	[tilespmem:v1+s2+$0x0] =	vst.idx.add.f32.msk vm2, v0  }
0x8e: {  	[tilespmem:v1+s2+$0x0] =	vst.idx.add.f32.msk vm3, v0  }
0x8f: {  	[tilespmem:v1+s2+$0x0] =	vst.idx.add.f32.msk vm4, v0  }
0x90: {  	[tilespmem:v1+s2+$0x0] =	vst.idx.add.f32.msk vm5, v0  }
0x91: {  	[tilespmem:v1+s2+$0x0] =	vst.idx.add.f32.msk vm6, v0  }
0x92: {  	[tilespmem:v1+s2+$0x0] =	vst.idx.add.f32.msk vm7, v0  }
0x93: {  	[tilespmem:v1+s2+$0x0] =	vst.idx.add.f32.msk vm8, v0  }
0x94: {  	[tilespmem:v1+s2+$0x0] =	vst.idx.add.f32.msk vm9, v0  }
0x95: {  	[tilespmem:v1+s2+$0x0] =	vst.idx.add.f32.msk vm10, v0  }
0x96: {  	[tilespmem:v1+s2+$0x0] =	vst.idx.add.f32.msk vm11, v0  }
0x97: {  	[tilespmem:v1+s2+$0x0] =	vst.idx.add.f32.msk vm12, v0  }
0x98: {  	[tilespmem:v1+s2+$0x0] =	vst.idx.add.f32.msk vm13, v0  }
0x99: {  	[tilespmem:v1+s2+$0x0] =	vst.idx.add.f32.msk vm14, v0  }
0x9a: {  	v1 =	vld [tilespmem:$0x2060]  }
0x9b: {  	v2 =	vld [tilespmem:$0x21E0];
	_ =	sdelay $0x4  }
0x9c: {  	v3 =	vand.u32 $0xFFFFFF80, v1;
	v2 =	vshll.u32 v2, $0x7  }
0x9d: {  	v1 =	vand.u32 $0x7F, v1;
	v2 =	vadd.s32 v3, v2  }
0x9e: {  	v1 =	vor.u32 v1, v2;
	_ =	sdelay $0x4  }
0x9f: {  	[tilespmem:v1+s2+$0x0] =	vst.idx.add.f32.msk $0x1, v0  }
0xa0: {  	[tilespmem:v1+s2+$0x0] =	vst.idx.add.f32.msk vm0, v0  }
0xa1: {  	[tilespmem:v1+s2+$0x0] =	vst.idx.add.f32.msk vm1, v0  }
0xa2: {  	[tilespmem:v1+s2+$0x0] =	vst.idx.add.f32.msk vm2, v0  }
0xa3: {  	[tilespmem:v1+s2+$0x0] =	vst.idx.add.f32.msk vm3, v0  }
0xa4: {  	[tilespmem:v1+s2+$0x0] =	vst.idx.add.f32.msk vm4, v0  }
0xa5: {  	[tilespmem:v1+s2+$0x0] =	vst.idx.add.f32.msk vm5, v0  }
0xa6: {  	[tilespmem:v1+s2+$0x0] =	vst.idx.add.f32.msk vm6, v0  }
0xa7: {  	[tilespmem:v1+s2+$0x0] =	vst.idx.add.f32.msk vm7, v0  }
0xa8: {  	[tilespmem:v1+s2+$0x0] =	vst.idx.add.f32.msk vm8, v0  }
0xa9: {  	[tilespmem:v1+s2+$0x0] =	vst.idx.add.f32.msk vm9, v0  }
0xaa: {  	[tilespmem:v1+s2+$0x0] =	vst.idx.add.f32.msk vm10, v0  }
0xab: {  	[tilespmem:v1+s2+$0x0] =	vst.idx.add.f32.msk vm11, v0  }
0xac: {  	[tilespmem:v1+s2+$0x0] =	vst.idx.add.f32.msk vm12, v0  }
0xad: {  	[tilespmem:v1+s2+$0x0] =	vst.idx.add.f32.msk vm13, v0  }
0xae: {  	[tilespmem:v1+s2+$0x0] =	vst.idx.add.f32.msk vm14, v0  }
0xaf: {  	v1 =	vld [tilespmem:$0x2070]  }
0xb0: {  	v2 =	vld [tilespmem:$0x21F0];
	_ =	sdelay $0x4  }
0xb1: {  	v3 =	vand.u32 $0xFFFFFF80, v1;
	v2 =	vshll.u32 v2, $0x7  }
0xb2: {  	v1 =	vand.u32 $0x7F, v1;
	v2 =	vadd.s32 v3, v2  }
0xb3: {  	v1 =	vor.u32 v1, v2;
	_ =	sdelay $0x4  }
0xb4: {  	[tilespmem:v1+s2+$0x0] =	vst.idx.add.f32.msk $0x1, v0  }
0xb5: {  	[tilespmem:v1+s2+$0x0] =	vst.idx.add.f32.msk vm0, v0  }
0xb6: {  	[tilespmem:v1+s2+$0x0] =	vst.idx.add.f32.msk vm1, v0  }
0xb7: {  	[tilespmem:v1+s2+$0x0] =	vst.idx.add.f32.msk vm2, v0  }
0xb8: {  	[tilespmem:v1+s2+$0x0] =	vst.idx.add.f32.msk vm3, v0  }
0xb9: {  	[tilespmem:v1+s2+$0x0] =	vst.idx.add.f32.msk vm4, v0  }
0xba: {  	[tilespmem:v1+s2+$0x0] =	vst.idx.add.f32.msk vm5, v0  }
0xbb: {  	[tilespmem:v1+s2+$0x0] =	vst.idx.add.f32.msk vm6, v0  }
0xbc: {  	[tilespmem:v1+s2+$0x0] =	vst.idx.add.f32.msk vm7, v0  }
0xbd: {  	[tilespmem:v1+s2+$0x0] =	vst.idx.add.f32.msk vm8, v0  }
0xbe: {  	[tilespmem:v1+s2+$0x0] =	vst.idx.add.f32.msk vm9, v0  }
0xbf: {  	[tilespmem:v1+s2+$0x0] =	vst.idx.add.f32.msk vm10, v0  }
0xc0: {  	[tilespmem:v1+s2+$0x0] =	vst.idx.add.f32.msk vm11, v0  }
0xc1: {  	[tilespmem:v1+s2+$0x0] =	vst.idx.add.f32.msk vm12, v0  }
0xc2: {  	[tilespmem:v1+s2+$0x0] =	vst.idx.add.f32.msk vm13, v0  }
0xc3: {  	[tilespmem:v1+s2+$0x0] =	vst.idx.add.f32.msk vm14, v0  }
0xc4: {  	v1 =	vld [tilespmem:$0x2080]  }
0xc5: {  	v2 =	vld [tilespmem:$0x2200];
	_ =	sdelay $0x4  }
0xc6: {  	v3 =	vand.u32 $0xFFFFFF80, v1;
	v2 =	vshll.u32 v2, $0x7  }
0xc7: {  	v1 =	vand.u32 $0x7F, v1;
	v2 =	vadd.s32 v3, v2  }
0xc8: {  	v1 =	vor.u32 v1, v2;
	_ =	sdelay $0x4  }
0xc9: {  	[tilespmem:v1+s2+$0x0] =	vst.idx.add.f32.msk $0x1, v0  }
0xca: {  	[tilespmem:v1+s2+$0x0] =	vst.idx.add.f32.msk vm0, v0  }
0xcb: {  	[tilespmem:v1+s2+$0x0] =	vst.idx.add.f32.msk vm1, v0  }
0xcc: {  	[tilespmem:v1+s2+$0x0] =	vst.idx.add.f32.msk vm2, v0  }
0xcd: {  	[tilespmem:v1+s2+$0x0] =	vst.idx.add.f32.msk vm3, v0  }
0xce: {  	[tilespmem:v1+s2+$0x0] =	vst.idx.add.f32.msk vm4, v0  }
0xcf: {  	[tilespmem:v1+s2+$0x0] =	vst.idx.add.f32.msk vm5, v0  }
0xd0: {  	[tilespmem:v1+s2+$0x0] =	vst.idx.add.f32.msk vm6, v0  }
0xd1: {  	[tilespmem:v1+s2+$0x0] =	vst.idx.add.f32.msk vm7, v0  }
0xd2: {  	[tilespmem:v1+s2+$0x0] =	vst.idx.add.f32.msk vm8, v0  }
0xd3: {  	[tilespmem:v1+s2+$0x0] =	vst.idx.add.f32.msk vm9, v0  }
0xd4: {  	[tilespmem:v1+s2+$0x0] =	vst.idx.add.f32.msk vm10, v0  }
0xd5: {  	[tilespmem:v1+s2+$0x0] =	vst.idx.add.f32.msk vm11, v0  }
0xd6: {  	[tilespmem:v1+s2+$0x0] =	vst.idx.add.f32.msk vm12, v0  }
0xd7: {  	[tilespmem:v1+s2+$0x0] =	vst.idx.add.f32.msk vm13, v0  }
0xd8: {  	[tilespmem:v1+s2+$0x0] =	vst.idx.add.f32.msk vm14, v0  }
0xd9: {  	v1 =	vld [tilespmem:$0x2090]  }
0xda: {  	v2 =	vld [tilespmem:$0x2210];
	_ =	sdelay $0x4  }
0xdb: {  	v3 =	vand.u32 $0xFFFFFF80, v1;
	v2 =	vshll.u32 v2, $0x7  }
0xdc: {  	v1 =	vand.u32 $0x7F, v1;
	v2 =	vadd.s32 v3, v2  }
0xdd: {  	v1 =	vor.u32 v1, v2;
	_ =	sdelay $0x4  }
0xde: {  	[tilespmem:v1+s2+$0x0] =	vst.idx.add.f32.msk $0x1, v0  }
0xdf: {  	[tilespmem:v1+s2+$0x0] =	vst.idx.add.f32.msk vm0, v0  }
0xe0: {  	[tilespmem:v1+s2+$0x0] =	vst.idx.add.f32.msk vm1, v0  }
0xe1: {  	[tilespmem:v1+s2+$0x0] =	vst.idx.add.f32.msk vm2, v0  }
0xe2: {  	[tilespmem:v1+s2+$0x0] =	vst.idx.add.f32.msk vm3, v0  }
0xe3: {  	[tilespmem:v1+s2+$0x0] =	vst.idx.add.f32.msk vm4, v0  }
0xe4: {  	[tilespmem:v1+s2+$0x0] =	vst.idx.add.f32.msk vm5, v0  }
0xe5: {  	[tilespmem:v1+s2+$0x0] =	vst.idx.add.f32.msk vm6, v0  }
0xe6: {  	[tilespmem:v1+s2+$0x0] =	vst.idx.add.f32.msk vm7, v0  }
0xe7: {  	[tilespmem:v1+s2+$0x0] =	vst.idx.add.f32.msk vm8, v0  }
0xe8: {  	[tilespmem:v1+s2+$0x0] =	vst.idx.add.f32.msk vm9, v0  }
0xe9: {  	[tilespmem:v1+s2+$0x0] =	vst.idx.add.f32.msk vm10, v0  }
0xea: {  	[tilespmem:v1+s2+$0x0] =	vst.idx.add.f32.msk vm11, v0  }
0xeb: {  	[tilespmem:v1+s2+$0x0] =	vst.idx.add.f32.msk vm12, v0  }
0xec: {  	[tilespmem:v1+s2+$0x0] =	vst.idx.add.f32.msk vm13, v0  }
0xed: {  	[tilespmem:v1+s2+$0x0] =	vst.idx.add.f32.msk vm14, v0  }
0xee: {  	v1 =	vld [tilespmem:$0x20A0]  }
0xef: {  	v2 =	vld [tilespmem:$0x2220];
	_ =	sdelay $0x4  }
0xf0: {  	v3 =	vand.u32 $0xFFFFFF80, v1;
	v2 =	vshll.u32 v2, $0x7  }
0xf1: {  	v1 =	vand.u32 $0x7F, v1;
	v2 =	vadd.s32 v3, v2  }
0xf2: {  	v1 =	vor.u32 v1, v2;
	_ =	sdelay $0x4  }
0xf3: {  	[tilespmem:v1+s2+$0x0] =	vst.idx.add.f32.msk $0x1, v0  }
0xf4: {  	[tilespmem:v1+s2+$0x0] =	vst.idx.add.f32.msk vm0, v0  }
0xf5: {  	[tilespmem:v1+s2+$0x0] =	vst.idx.add.f32.msk vm1, v0  }
0xf6: {  	[tilespmem:v1+s2+$0x0] =	vst.idx.add.f32.msk vm2, v0  }
0xf7: {  	[tilespmem:v1+s2+$0x0] =	vst.idx.add.f32.msk vm3, v0  }
0xf8: {  	[tilespmem:v1+s2+$0x0] =	vst.idx.add.f32.msk vm4, v0  }
0xf9: {  	[tilespmem:v1+s2+$0x0] =	vst.idx.add.f32.msk vm5, v0  }
0xfa: {  	[tilespmem:v1+s2+$0x0] =	vst.idx.add.f32.msk vm6, v0  }
0xfb: {  	[tilespmem:v1+s2+$0x0] =	vst.idx.add.f32.msk vm7, v0  }
0xfc: {  	[tilespmem:v1+s2+$0x0] =	vst.idx.add.f32.msk vm8, v0  }
0xfd: {  	[tilespmem:v1+s2+$0x0] =	vst.idx.add.f32.msk vm9, v0  }
0xfe: {  	[tilespmem:v1+s2+$0x0] =	vst.idx.add.f32.msk vm10, v0  }
0xff: {  	[tilespmem:v1+s2+$0x0] =	vst.idx.add.f32.msk vm11, v0  }
0x100: {  	[tilespmem:v1+s2+$0x0] =	vst.idx.add.f32.msk vm12, v0  }
0x101: {  	[tilespmem:v1+s2+$0x0] =	vst.idx.add.f32.msk vm13, v0  }
0x102: {  	[tilespmem:v1+s2+$0x0] =	vst.idx.add.f32.msk vm14, v0  }
0x103: {  	v1 =	vld [tilespmem:$0x20B0]  }
0x104: {  	v2 =	vld [tilespmem:$0x2230];
	_ =	sdelay $0x4  }
0x105: {  	v3 =	vand.u32 $0xFFFFFF80, v1;
	v2 =	vshll.u32 v2, $0x7  }
0x106: {  	v1 =	vand.u32 $0x7F, v1;
	v2 =	vadd.s32 v3, v2  }
0x107: {  	v1 =	vor.u32 v1, v2;
	_ =	sdelay $0x4  }
0x108: {  	[tilespmem:v1+s2+$0x0] =	vst.idx.add.f32.msk $0x1, v0  }
0x109: {  	[tilespmem:v1+s2+$0x0] =	vst.idx.add.f32.msk vm0, v0  }
0x10a: {  	[tilespmem:v1+s2+$0x0] =	vst.idx.add.f32.msk vm1, v0  }
0x10b: {  	[tilespmem:v1+s2+$0x0] =	vst.idx.add.f32.msk vm2, v0  }
0x10c: {  	[tilespmem:v1+s2+$0x0] =	vst.idx.add.f32.msk vm3, v0  }
0x10d: {  	[tilespmem:v1+s2+$0x0] =	vst.idx.add.f32.msk vm4, v0  }
0x10e: {  	[tilespmem:v1+s2+$0x0] =	vst.idx.add.f32.msk vm5, v0  }
0x10f: {  	[tilespmem:v1+s2+$0x0] =	vst.idx.add.f32.msk vm6, v0  }
0x110: {  	[tilespmem:v1+s2+$0x0] =	vst.idx.add.f32.msk vm7, v0  }
0x111: {  	[tilespmem:v1+s2+$0x0] =	vst.idx.add.f32.msk vm8, v0  }
0x112: {  	[tilespmem:v1+s2+$0x0] =	vst.idx.add.f32.msk vm9, v0  }
0x113: {  	[tilespmem:v1+s2+$0x0] =	vst.idx.add.f32.msk vm10, v0  }
0x114: {  	[tilespmem:v1+s2+$0x0] =	vst.idx.add.f32.msk vm11, v0  }
0x115: {  	[tilespmem:v1+s2+$0x0] =	vst.idx.add.f32.msk vm12, v0  }
0x116: {  	[tilespmem:v1+s2+$0x0] =	vst.idx.add.f32.msk vm13, v0  }
0x117: {  	[tilespmem:v1+s2+$0x0] =	vst.idx.add.f32.msk vm14, v0  }
0x118: {  	v1 =	vld [tilespmem:$0x20C0]  }
0x119: {  	v2 =	vld [tilespmem:$0x2240];
	_ =	sdelay $0x4  }
0x11a: {  	v3 =	vand.u32 $0xFFFFFF80, v1;
	v2 =	vshll.u32 v2, $0x7  }
0x11b: {  	v1 =	vand.u32 $0x7F, v1;
	v2 =	vadd.s32 v3, v2  }
0x11c: {  	v1 =	vor.u32 v1, v2;
	_ =	sdelay $0x4  }
0x11d: {  	[tilespmem:v1+s2+$0x0] =	vst.idx.add.f32.msk $0x1, v0  }
0x11e: {  	[tilespmem:v1+s2+$0x0] =	vst.idx.add.f32.msk vm0, v0  }
0x11f: {  	[tilespmem:v1+s2+$0x0] =	vst.idx.add.f32.msk vm1, v0  }
0x120: {  	[tilespmem:v1+s2+$0x0] =	vst.idx.add.f32.msk vm2, v0  }
0x121: {  	[tilespmem:v1+s2+$0x0] =	vst.idx.add.f32.msk vm3, v0  }
0x122: {  	[tilespmem:v1+s2+$0x0] =	vst.idx.add.f32.msk vm4, v0  }
0x123: {  	[tilespmem:v1+s2+$0x0] =	vst.idx.add.f32.msk vm5, v0  }
0x124: {  	[tilespmem:v1+s2+$0x0] =	vst.idx.add.f32.msk vm6, v0  }
0x125: {  	[tilespmem:v1+s2+$0x0] =	vst.idx.add.f32.msk vm7, v0  }
0x126: {  	[tilespmem:v1+s2+$0x0] =	vst.idx.add.f32.msk vm8, v0  }
0x127: {  	[tilespmem:v1+s2+$0x0] =	vst.idx.add.f32.msk vm9, v0  }
0x128: {  	[tilespmem:v1+s2+$0x0] =	vst.idx.add.f32.msk vm10, v0  }
0x129: {  	[tilespmem:v1+s2+$0x0] =	vst.idx.add.f32.msk vm11, v0  }
0x12a: {  	[tilespmem:v1+s2+$0x0] =	vst.idx.add.f32.msk vm12, v0  }
0x12b: {  	[tilespmem:v1+s2+$0x0] =	vst.idx.add.f32.msk vm13, v0  }
0x12c: {  	[tilespmem:v1+s2+$0x0] =	vst.idx.add.f32.msk vm14, v0  }
0x12d: {  	v1 =	vld [tilespmem:$0x20D0]  }
0x12e: {  	v2 =	vld [tilespmem:$0x2250];
	_ =	sdelay $0x4  }
0x12f: {  	v3 =	vand.u32 $0xFFFFFF80, v1;
	v2 =	vshll.u32 v2, $0x7  }
0x130: {  	v1 =	vand.u32 $0x7F, v1;
	v2 =	vadd.s32 v3, v2  }
0x131: {  	v1 =	vor.u32 v1, v2;
	_ =	sdelay $0x4  }
0x132: {  	[tilespmem:v1+s2+$0x0] =	vst.idx.add.f32.msk $0x1, v0  }
0x133: {  	[tilespmem:v1+s2+$0x0] =	vst.idx.add.f32.msk vm0, v0  }
0x134: {  	[tilespmem:v1+s2+$0x0] =	vst.idx.add.f32.msk vm1, v0  }
0x135: {  	[tilespmem:v1+s2+$0x0] =	vst.idx.add.f32.msk vm2, v0  }
0x136: {  	[tilespmem:v1+s2+$0x0] =	vst.idx.add.f32.msk vm3, v0  }
0x137: {  	[tilespmem:v1+s2+$0x0] =	vst.idx.add.f32.msk vm4, v0  }
0x138: {  	[tilespmem:v1+s2+$0x0] =	vst.idx.add.f32.msk vm5, v0  }
0x139: {  	[tilespmem:v1+s2+$0x0] =	vst.idx.add.f32.msk vm6, v0  }
0x13a: {  	[tilespmem:v1+s2+$0x0] =	vst.idx.add.f32.msk vm7, v0  }
0x13b: {  	[tilespmem:v1+s2+$0x0] =	vst.idx.add.f32.msk vm8, v0  }
0x13c: {  	[tilespmem:v1+s2+$0x0] =	vst.idx.add.f32.msk vm9, v0  }
0x13d: {  	[tilespmem:v1+s2+$0x0] =	vst.idx.add.f32.msk vm10, v0  }
0x13e: {  	[tilespmem:v1+s2+$0x0] =	vst.idx.add.f32.msk vm11, v0  }
0x13f: {  	[tilespmem:v1+s2+$0x0] =	vst.idx.add.f32.msk vm12, v0  }
0x140: {  	[tilespmem:v1+s2+$0x0] =	vst.idx.add.f32.msk vm13, v0  }
0x141: {  	[tilespmem:v1+s2+$0x0] =	vst.idx.add.f32.msk vm14, v0  }
0x142: {  	v1 =	vld [tilespmem:$0x20E0]  }
0x143: {  	v2 =	vld [tilespmem:$0x2260];
	_ =	sdelay $0x4  }
0x144: {  	v3 =	vand.u32 $0xFFFFFF80, v1;
	v2 =	vshll.u32 v2, $0x7  }
0x145: {  	v1 =	vand.u32 $0x7F, v1;
	v2 =	vadd.s32 v3, v2  }
0x146: {  	v1 =	vor.u32 v1, v2;
	_ =	sdelay $0x4  }
0x147: {  	[tilespmem:v1+s2+$0x0] =	vst.idx.add.f32.msk $0x1, v0  }
0x148: {  	[tilespmem:v1+s2+$0x0] =	vst.idx.add.f32.msk vm0, v0  }
0x149: {  	[tilespmem:v1+s2+$0x0] =	vst.idx.add.f32.msk vm1, v0  }
0x14a: {  	[tilespmem:v1+s2+$0x0] =	vst.idx.add.f32.msk vm2, v0  }
0x14b: {  	[tilespmem:v1+s2+$0x0] =	vst.idx.add.f32.msk vm3, v0  }
0x14c: {  	[tilespmem:v1+s2+$0x0] =	vst.idx.add.f32.msk vm4, v0  }
0x14d: {  	[tilespmem:v1+s2+$0x0] =	vst.idx.add.f32.msk vm5, v0  }
0x14e: {  	[tilespmem:v1+s2+$0x0] =	vst.idx.add.f32.msk vm6, v0  }
0x14f: {  	[tilespmem:v1+s2+$0x0] =	vst.idx.add.f32.msk vm7, v0  }
0x150: {  	[tilespmem:v1+s2+$0x0] =	vst.idx.add.f32.msk vm8, v0  }
0x151: {  	[tilespmem:v1+s2+$0x0] =	vst.idx.add.f32.msk vm9, v0  }
0x152: {  	[tilespmem:v1+s2+$0x0] =	vst.idx.add.f32.msk vm10, v0  }
0x153: {  	[tilespmem:v1+s2+$0x0] =	vst.idx.add.f32.msk vm11, v0  }
0x154: {  	[tilespmem:v1+s2+$0x0] =	vst.idx.add.f32.msk vm12, v0  }
0x155: {  	[tilespmem:v1+s2+$0x0] =	vst.idx.add.f32.msk vm13, v0  }
0x156: {  	[tilespmem:v1+s2+$0x0] =	vst.idx.add.f32.msk vm14, v0  }
0x157: {  	v1 =	vld [tilespmem:$0x20F0]  }
0x158: {  	v2 =	vld [tilespmem:$0x2270];
	_ =	sdelay $0x4  }
0x159: {  	v3 =	vand.u32 $0xFFFFFF80, v1;
	v2 =	vshll.u32 v2, $0x7  }
0x15a: {  	v1 =	vand.u32 $0x7F, v1;
	v2 =	vadd.s32 v3, v2  }
0x15b: {  	v1 =	vor.u32 v1, v2;
	_ =	sdelay $0x4  }
0x15c: {  	[tilespmem:v1+s2+$0x0] =	vst.idx.add.f32.msk $0x1, v0  }
0x15d: {  	[tilespmem:v1+s2+$0x0] =	vst.idx.add.f32.msk vm0, v0  }
0x15e: {  	[tilespmem:v1+s2+$0x0] =	vst.idx.add.f32.msk vm1, v0  }
0x15f: {  	[tilespmem:v1+s2+$0x0] =	vst.idx.add.f32.msk vm2, v0  }
0x160: {  	[tilespmem:v1+s2+$0x0] =	vst.idx.add.f32.msk vm3, v0  }
0x161: {  	[tilespmem:v1+s2+$0x0] =	vst.idx.add.f32.msk vm4, v0  }
0x162: {  	[tilespmem:v1+s2+$0x0] =	vst.idx.add.f32.msk vm5, v0  }
0x163: {  	[tilespmem:v1+s2+$0x0] =	vst.idx.add.f32.msk vm6, v0  }
0x164: {  	[tilespmem:v1+s2+$0x0] =	vst.idx.add.f32.msk vm7, v0  }
0x165: {  	[tilespmem:v1+s2+$0x0] =	vst.idx.add.f32.msk vm8, v0  }
0x166: {  	[tilespmem:v1+s2+$0x0] =	vst.idx.add.f32.msk vm9, v0  }
0x167: {  	[tilespmem:v1+s2+$0x0] =	vst.idx.add.f32.msk vm10, v0  }
0x168: {  	[tilespmem:v1+s2+$0x0] =	vst.idx.add.f32.msk vm11, v0  }
0x169: {  	[tilespmem:v1+s2+$0x0] =	vst.idx.add.f32.msk vm12, v0  }
0x16a: {  	[tilespmem:v1+s2+$0x0] =	vst.idx.add.f32.msk vm13, v0  }
0x16b: {  	[tilespmem:v1+s2+$0x0] =	vst.idx.add.f32.msk vm14, v0  }
0x16c: {  	v1 =	vld [tilespmem:$0x2100]  }
0x16d: {  	v2 =	vld [tilespmem:$0x2280];
	_ =	sdelay $0x4  }
0x16e: {  	v3 =	vand.u32 $0xFFFFFF80, v1;
	v2 =	vshll.u32 v2, $0x7  }
0x16f: {  	v1 =	vand.u32 $0x7F, v1;
	v2 =	vadd.s32 v3, v2  }
0x170: {  	v1 =	vor.u32 v1, v2;
	_ =	sdelay $0x4  }
0x171: {  	[tilespmem:v1+s2+$0x0] =	vst.idx.add.f32.msk $0x1, v0  }
0x172: {  	[tilespmem:v1+s2+$0x0] =	vst.idx.add.f32.msk vm0, v0  }
0x173: {  	[tilespmem:v1+s2+$0x0] =	vst.idx.add.f32.msk vm1, v0  }
0x174: {  	[tilespmem:v1+s2+$0x0] =	vst.idx.add.f32.msk vm2, v0  }
0x175: {  	[tilespmem:v1+s2+$0x0] =	vst.idx.add.f32.msk vm3, v0  }
0x176: {  	[tilespmem:v1+s2+$0x0] =	vst.idx.add.f32.msk vm4, v0  }
0x177: {  	[tilespmem:v1+s2+$0x0] =	vst.idx.add.f32.msk vm5, v0  }
0x178: {  	[tilespmem:v1+s2+$0x0] =	vst.idx.add.f32.msk vm6, v0  }
0x179: {  	[tilespmem:v1+s2+$0x0] =	vst.idx.add.f32.msk vm7, v0  }
0x17a: {  	[tilespmem:v1+s2+$0x0] =	vst.idx.add.f32.msk vm8, v0  }
0x17b: {  	[tilespmem:v1+s2+$0x0] =	vst.idx.add.f32.msk vm9, v0  }
0x17c: {  	[tilespmem:v1+s2+$0x0] =	vst.idx.add.f32.msk vm10, v0  }
0x17d: {  	[tilespmem:v1+s2+$0x0] =	vst.idx.add.f32.msk vm11, v0  }
0x17e: {  	[tilespmem:v1+s2+$0x0] =	vst.idx.add.f32.msk vm12, v0  }
0x17f: {  	[tilespmem:v1+s2+$0x0] =	vst.idx.add.f32.msk vm13, v0  }
0x180: {  	[tilespmem:v1+s2+$0x0] =	vst.idx.add.f32.msk vm14, v0  }
0x181: {  	v1 =	vld [tilespmem:$0x2110]  }
0x182: {  	v2 =	vld [tilespmem:$0x2290];
	_ =	sdelay $0x4  }
0x183: {  	v3 =	vand.u32 $0xFFFFFF80, v1;
	v2 =	vshll.u32 v2, $0x7  }
0x184: {  	v1 =	vand.u32 $0x7F, v1;
	v2 =	vadd.s32 v3, v2  }
0x185: {  	v1 =	vor.u32 v1, v2;
	_ =	sdelay $0x4  }
0x186: {  	[tilespmem:v1+s2+$0x0] =	vst.idx.add.f32.msk $0x1, v0  }
0x187: {  	[tilespmem:v1+s2+$0x0] =	vst.idx.add.f32.msk vm0, v0  }
0x188: {  	[tilespmem:v1+s2+$0x0] =	vst.idx.add.f32.msk vm1, v0  }
0x189: {  	[tilespmem:v1+s2+$0x0] =	vst.idx.add.f32.msk vm2, v0  }
0x18a: {  	[tilespmem:v1+s2+$0x0] =	vst.idx.add.f32.msk vm3, v0  }
0x18b: {  	[tilespmem:v1+s2+$0x0] =	vst.idx.add.f32.msk vm4, v0  }
0x18c: {  	[tilespmem:v1+s2+$0x0] =	vst.idx.add.f32.msk vm5, v0  }
0x18d: {  	[tilespmem:v1+s2+$0x0] =	vst.idx.add.f32.msk vm6, v0  }
0x18e: {  	[tilespmem:v1+s2+$0x0] =	vst.idx.add.f32.msk vm7, v0  }
0x18f: {  	[tilespmem:v1+s2+$0x0] =	vst.idx.add.f32.msk vm8, v0  }
0x190: {  	[tilespmem:v1+s2+$0x0] =	vst.idx.add.f32.msk vm9, v0  }
0x191: {  	[tilespmem:v1+s2+$0x0] =	vst.idx.add.f32.msk vm10, v0  }
0x192: {  	[tilespmem:v1+s2+$0x0] =	vst.idx.add.f32.msk vm11, v0  }
0x193: {  	[tilespmem:v1+s2+$0x0] =	vst.idx.add.f32.msk vm12, v0  }
0x194: {  	p0 =	sne.s32 s6, $0x1;
	[tilespmem:v1+s2+$0x0] =	vst.idx.add.f32.msk vm13, v0  }
.Ltmp1:
0x195: {  	[tilespmem:v1+s2+$0x0] =	vst.idx.add.f32.msk vm14, v0;
	(pc) =	sbr.rel @p0 .LBB2_2-.Ltmp1, $4  }
0x196: {  	[hbm4b:s5+s2] =	stream.linear.scatter [tilespmem:s2], [sflag:$0x1], $0x2000, $0x38;
	[tilespmem:$0x2300] =	vst v63  }
0x197: {  	_ =	swait.ge [sflag:s8], $0x2000  }
0x198: {  	[sflag:s8] =	ssyncset.done $0x0  }
0x199: {  	s6 =	sadd.s32 $0xFFFFFFFF, s6;
	[sflag:s8] =	ssyncadd.s32 $0xFFFFE000  }
.LBB2_3:
0x19a: {  	_ =	sfence.sel $0x180000  }
0x19b: {  	[bflag:$0x0] =	sbarrier.arrive $0xFFFF  }
0x19c: {  	p0 =	sne.s32 s1, $0x0;
	_ =	strace $0x90000047  }
0x19d: {  	s0 =	sadd.s32 @!p0 $0x100000, s0;
	[bflag:$0x2] =	sbarrier.arrive $0xFFFF  }
0x19e: {  	[sflag:s0] =	ssyncadd.tile.s32 @!p0 $0x1;
	_ =	shalt  }
.Lfunc_end2:
_tile_overlayer_lowered:
.L_overlay_start_2:
0x19f: {  	(tag) =	ssettag $0x2  }
0x1a0: {  	s0 =	rddreg [dreg:$0x0];
	s2 =	stileid.u32  }
0x1a1: {  	s1 =	rddreg [dreg:$0x1];
	p0 =	sne.s32 s2, $0x0  }
0x1a2: {  	s3 =	rddreg [dreg:$0x2];
	[bflag:$0x3] =	sbarrier.arrive $0xFFFF;
	s2 =	simm.s32 @!p0 $0x1C01  }
0x1a3: {  	[timem:s3], [sflag:s2] =	dma.local @!p0 [hbm:s0], s1  }
0x1a4: {  	s0 =	simm.s32 @!p0 $0x1  }
0x1a5: {  	_ =	swait.ge @!p0 [sflag:s0], s1  }
0x1a6: {  	s1 =	ssub.s32 @!p0 $0x0, s1;
	[sflag:s0] =	ssyncset.done @!p0 $0x0  }
0x1a7: {  	[sflag:s0] =	ssyncadd.s32 @!p0 s1  }
0x1a8: {  	[bflag:$0x3] =	sbarrier.arrive $0xFFFF  }
0x1a9: {  	_ =	shalt  }

</sc_bundles>
